<compile_context>
chip_gen: v7x
topology: tpu7x:2x2x1
jax: 0.10.2.dev20260603
libtpu: 0.0.44.dev20260713+nightly
codegen_flags: <defaults>
</compile_context>

<pallas_src>
import functools

import jax
import jax.numpy as jnp
import ml_dtypes
import numpy as np
from jax import lax
from jax.experimental import pallas as pl
from jax.experimental.pallas import tpu as pltpu
from jax.experimental.pallas import tpu_sc as plsc

IMG_SIZE = 800
RADIUS = 0.003
ZNEAR = 0.01

B = 4
N = 100000
NPAD = 106496
ROWS = NPAD // 128
RT = B * ROWS
RB = 32
BLOCKS_PER_BATCH = ROWS // RB
NK = 9

PIX = IMG_SIZE * IMG_SIZE
IMG_LOCAL = 2 * PIX
NC, NS = 2, 16

ROWS_PER_TILE = RT // NC // NS
TILE_WORDS = PIX * 2 // NS
ZCH = 3200


def _camera():
    dist = 20.0
    elev = np.deg2rad(10.0)
    azim = 0.0
    cam = np.array([dist * np.cos(elev) * np.sin(azim),
                    dist * np.sin(elev),
                    dist * np.cos(elev) * np.cos(azim)], dtype=np.float64)
    at = np.zeros(3)
    up = np.array([0.0, 1.0, 0.0])
    z = at - cam
    z = z / np.linalg.norm(z)
    x = np.cross(up, z)
    x = x / np.linalg.norm(x)
    y = np.cross(z, x)
    R = np.stack([x, y, z], axis=1)
    T = -(R.T @ cam)
    return np.asarray(R, np.float32), np.asarray(T, np.float32)


_R, _T = _camera()
_RBF = np.asarray(_R, ml_dtypes.bfloat16).astype(np.float32)
_HALF = (IMG_SIZE - 1) / 2.0
_NDC_PER_PIX = 1.0 / _HALF
_R2 = RADIUS * RADIUS


def _project_body(xs_ref, ys_ref, zs_ref, idx_ref, val_ref):
    i = pl.program_id(0)
    x = xs_ref[...].astype(jnp.bfloat16).astype(jnp.float32)
    y = ys_ref[...].astype(jnp.bfloat16).astype(jnp.float32)
    z = zs_ref[...].astype(jnp.bfloat16).astype(jnp.float32)
    xv0 = x * _RBF[0, 0] + y * _RBF[1, 0] + z * _RBF[2, 0] + _T[0]
    xv1 = x * _RBF[0, 1] + y * _RBF[1, 1] + z * _RBF[2, 1] + _T[1]
    xv2 = x * _RBF[0, 2] + y * _RBF[1, 2] + z * _RBF[2, 2] + _T[2]
    px = _HALF * (1.0 - xv0)
    py = _HALF * (1.0 - xv1)
    cx = jnp.round(px).astype(jnp.int32)
    cy = jnp.round(py).astype(jnp.int32)

    b = i // BLOCKS_PER_BATCH
    img_off = (b % 2) * PIX
    row_in_batch = (i % BLOCKS_PER_BATCH) * RB + lax.broadcasted_iota(
        jnp.int32, (RB, 128), 0)
    e = row_in_batch * 128 + lax.broadcasted_iota(jnp.int32, (RB, 128), 1)
    valid = (xv2 > ZNEAR) & (e < N)

    k = 0
    for dy in (-1, 0, 1):
        iy = cy + dy
        pcy = 1.0 - iy.astype(jnp.float32) * _NDC_PER_PIX
        dy2 = (pcy - xv1) ** 2
        oky = (iy >= 0) & (iy < IMG_SIZE)
        row_base = jnp.clip(iy, 0, IMG_SIZE - 1) * IMG_SIZE + img_off
        for dx in (-1, 0, 1):
            ix = cx + dx
            pcx = 1.0 - ix.astype(jnp.float32) * _NDC_PER_PIX
            d2 = (pcx - xv0) ** 2 + dy2
            alpha = jnp.clip(1.0 - d2 / _R2, 0.0, 0.999)
            inb = oky & (ix >= 0) & (ix < IMG_SIZE) & valid & (d2 < _R2)
            contrib = jnp.where(inb, jnp.log1p(-alpha), 0.0)
            pos = row_base + jnp.clip(ix, 0, IMG_SIZE - 1)
            idx_ref[k] = pos
            val_ref[k] = contrib
            k += 1


def _project(xs, ys, zs):
    return pl.pallas_call(
        _project_body,
        grid=(RT // RB,),
        in_specs=[pl.BlockSpec((RB, 128), lambda i: (i, 0))] * 3,
        out_specs=[pl.BlockSpec((NK, RB, 128), lambda i: (0, i, 0))] * 2,
        out_shape=[
            jax.ShapeDtypeStruct((NK, RT, 128), jnp.int32),
            jax.ShapeDtypeStruct((NK, RT, 128), jnp.float32),
        ],
    )(xs, ys, zs)


def _splat_body(idx_hbm, val_hbm, out_hbm, image, idx_a, idx_b, idx_c,
                val_a, val_b, val_c, zbuf, obuf,
                in_sems, scat_sems, io_sems, zsem):
    c = lax.axis_index("c")
    s = lax.axis_index("s")
    row0 = c * (RT // NC) + s * ROWS_PER_TILE
    nsub = 2 * NK
    HR = (56, 48)
    HOFF = (0, 56)
    SUBW56 = 56 * 128
    SUBW48 = 48 * 128
    idx_bufs = (idx_a, idx_b, idx_c)
    val_bufs = (val_a, val_b, val_c)

    def _load(j):
        p = j % 3
        h = j % 2
        off = (j // 2 * RT + row0 + HOFF[h]) * 128
        nw = HR[h] * 128
        return (
            pltpu.async_copy(idx_hbm.at[pl.ds(off, nw)],
                             idx_bufs[p].at[pl.ds(0, nw)], in_sems.at[p]),
            pltpu.async_copy(val_hbm.at[pl.ds(off, nw)],
                             val_bufs[p].at[pl.ds(0, nw)], in_sems.at[p]),
        )

    zi = jnp.zeros((16,), jnp.int32)
    zf = jnp.zeros((16,), jnp.float32)
    for p in range(3):
        def _tail0(i, carry, p=p):
            idx_bufs[p][pl.ds(SUBW48 + i * 16, 16)] = zi
            val_bufs[p][pl.ds(SUBW48 + i * 16, 16)] = zf
            return carry

        lax.fori_loop(0, (SUBW56 - SUBW48) // 16, _tail0, 0)

    loads = {0: _load(0), 1: _load(1)}

    def _zero16(i, carry):
        zbuf[pl.ds(i * 16, 16)] = jnp.zeros((16,), jnp.float32)
        return carry

    lax.fori_loop(0, ZCH // 16, _zero16, 0)
    zdescs = [
        pltpu.async_copy(zbuf, image.at[pl.ds(s * TILE_WORDS + zc * ZCH, ZCH)],
                         zsem)
        for zc in range(TILE_WORDS // ZCH)
    ]
    for d in zdescs:
        d.wait()
    plsc.subcore_barrier()

    def _drain_scat(j):
        pltpu.make_async_copy(
            val_hbm.at[pl.ds(0, SUBW56)],
            val_bufs[j % 3], scat_sems.at[j % 3]).wait()

    for j in range(nsub):
        p = j % 3
        for d in loads[j]:
            d.wait()
        if HR[j % 2] == 48:
            def _tailz(i, carry):
                val_bufs[p][pl.ds(SUBW48 + i * 16, 16)] = zf
                return carry

            lax.fori_loop(0, (SUBW56 - SUBW48) // 16, _tailz, 0)
        pltpu.async_copy(val_bufs[p], image.at[idx_bufs[p]],
                         scat_sems.at[p], add=True)
        if j >= 1:
            _drain_scat(j - 1)
        if j + 2 < nsub:
            loads[j + 2] = _load(j + 2)
    _drain_scat(nsub - 1)
    plsc.subcore_barrier()

    base = c * IMG_LOCAL + s * TILE_WORDS
    nz = TILE_WORDS // ZCH
    wbuf = (zbuf, obuf)

    def _img_in(zc, b):
        return pltpu.async_copy(
            image.at[pl.ds(s * TILE_WORDS + zc * ZCH, ZCH)], wbuf[b],
            io_sems.at[b])

    indescs = {0: _img_in(0, 0)}
    outdescs = {}
    for zc in range(nz):
        b = zc % 2
        indescs[zc].wait()
        if zc + 1 < nz:
            if zc >= 1:
                outdescs[zc - 1].wait()
            indescs[zc + 1] = _img_in(zc + 1, 1 - b)
        w = wbuf[b]

        def _exp16(i, carry):
            v = w[pl.ds(i * 16, 16)]
            w[pl.ds(i * 16, 16)] = 1.0 - jnp.exp(v)
            return carry

        lax.fori_loop(0, ZCH // 16, _exp16, 0)
        outdescs[zc] = pltpu.async_copy(
            w, out_hbm.at[pl.ds(base + zc * ZCH, ZCH)], io_sems.at[b])
    outdescs[nz - 2].wait()
    outdescs[nz - 1].wait()


@functools.cache
def _splat():
    return pl.kernel(
        _splat_body,
        out_type=jax.ShapeDtypeStruct((B * PIX,), jnp.float32),
        mesh=plsc.VectorSubcoreMesh(
            core_axis_name="c", subcore_axis_name="s", num_cores=NC,
            num_subcores=NS),
        scratch_types=[
            pltpu.VMEM_SHARED((IMG_LOCAL,), jnp.float32),
            pltpu.VMEM((56 * 128,), jnp.int32),
            pltpu.VMEM((56 * 128,), jnp.int32),
            pltpu.VMEM((56 * 128,), jnp.int32),
            pltpu.VMEM((56 * 128,), jnp.float32),
            pltpu.VMEM((56 * 128,), jnp.float32),
            pltpu.VMEM((56 * 128,), jnp.float32),
            pltpu.VMEM((ZCH,), jnp.float32),
            pltpu.VMEM((ZCH,), jnp.float32),
            pltpu.SemaphoreType.DMA((3,)),
            pltpu.SemaphoreType.DMA((3,)),
            pltpu.SemaphoreType.DMA((2,)),
            pltpu.SemaphoreType.DMA,
        ],
    )


def kernel(points):
    p = jnp.pad(points, ((0, 0), (0, NPAD - N), (0, 0)))
    xs = p[:, :, 0].reshape(RT, 128)
    ys = p[:, :, 1].reshape(RT, 128)
    zs = p[:, :, 2].reshape(RT, 128)
    idx, val = _project(xs, ys, zs)
    flat = _splat()(idx.reshape(-1), val.reshape(-1))
    a = flat.reshape(B, IMG_SIZE, IMG_SIZE)
    return jnp.broadcast_to(a[..., None], (B, IMG_SIZE, IMG_SIZE, 3))

# --- scband reference (transcript-rebuilt; emitter-appended) ---
"""Pipeline reference for scband-point-cloud-renderer-83889301225670 (READ-ONLY COPY).

The authoritative reference and input builder live on the scoring server;
editing this copy changes nothing except your own understanding.
"""

import jax, jax.numpy as jnp
import numpy as np

IMG_SIZE = 800
RADIUS = 0.003
ZNEAR = 0.01

def _camera():
    # look_at_view_transform(dist=20, elev=10, azim=0), PyTorch3D conventions
    dist = 20.0
    elev = np.deg2rad(10.0)
    azim = 0.0
    cam = np.array([dist * np.cos(elev) * np.sin(azim), dist * np.sin(elev), dist * np.cos(elev) * np.cos(azim)], dtype=np.float64)
    at = np.zeros(3)
    up = np.array([0.0, 1.0, 0.0])
    z = at - cam; z = z / np.linalg.norm(z)
    x = np.cross(up, z); x = x / np.linalg.norm(x)
    y = np.cross(z, x)
    R = np.stack([x, y, z], axis=1)
    T = -(R.T @ cam)
    return jnp.asarray(R, jnp.float32), jnp.asarray(T, jnp.float32)

def _render(points):
    R, T = _camera()
    B, N, _ = points.shape
    xv = points @ R + T  # world -> view (row-vector convention, like pytorch3d)
    x_ndc = xv[..., 0]   # FoVOrthographic with default [-1,1] bounds, scale 1
    y_ndc = xv[..., 1]
    depth = xv[..., 2]
    valid = depth > ZNEAR
    half = (IMG_SIZE - 1) / 2.0
    px = half * (1.0 - x_ndc)
    py = half * (1.0 - y_ndc)
    cx = jnp.round(px).astype(jnp.int32)
    cy = jnp.round(py).astype(jnp.int32)
    r2 = RADIUS * RADIUS
    ndc_per_pix = 1.0 / half
    accum = jnp.zeros((B, IMG_SIZE, IMG_SIZE), jnp.float32)
    bidx = jnp.broadcast_to(jnp.arange(B)[:, None], (B, N))
    for dy in (-1, 0, 1):
        for dx in (-1, 0, 1):
            ix = cx + dx
            iy = cy + dy
            pcx = 1.0 - ix.astype(jnp.float32) * ndc_per_pix
            pcy = 1.0 - iy.astype(jnp.float32) * ndc_per_pix
            d2 = (pcx - x_ndc) ** 2 + (pcy - y_ndc) ** 2
            alpha = jnp.clip(1.0 - d2 / r2, 0.0, 0.999)
            inb = (ix >= 0) & (ix < IMG_SIZE) & (iy >= 0) & (iy < IMG_SIZE) & valid & (d2 < r2)
            contrib = jnp.where(inb, jnp.log1p(-alpha), 0.0)
            ixs = jnp.clip(ix, 0, IMG_SIZE - 1)
            iys = jnp.clip(iy, 0, IMG_SIZE - 1)
            accum = accum.at[bidx, iys, ixs].add(contrib)
    # features are all ones, so over-compositing reduces to 1 - prod(1 - alpha_k),
    # computed order-independently via summed log-transmittance
    a = 1.0 - jnp.exp(accum)
    return jnp.broadcast_to(a[..., None], (B, IMG_SIZE, IMG_SIZE, 3))

def setup_inputs(seed: int = 0):
    key = jax.random.key(seed)
    points = jax.random.normal(key, (4, 100000, 3), dtype=jnp.float32)
    return {"points": points}

def reference(points):
    return _render(points)

if __name__ == "__main__":
    import jax
    _d = setup_inputs()
    print(jax.jit(kernel)(*tuple(_d.values())))

</pallas_src>

<mosaic_0001>
#map = affine_map<(d0, d1) -> (0)>
module attributes {stable_mosaic.version = 14 : i64} {
  func.func @_splat_body(%arg0: i32, %arg1: i32, %arg2: memref<3833856xi32, #tpu.memory_space<hbm>>, %arg3: memref<3833856xf32, #tpu.memory_space<hbm>>, %arg4: memref<2560000xf32, #tpu.memory_space<hbm>>, %arg5: memref<1280000xf32, #tpu.memory_space<vmem_shared>>, %arg6: memref<7168xi32, #tpu.memory_space<vmem>>, %arg7: memref<7168xi32, #tpu.memory_space<vmem>>, %arg8: memref<7168xi32, #tpu.memory_space<vmem>>, %arg9: memref<7168xf32, #tpu.memory_space<vmem>>, %arg10: memref<7168xf32, #tpu.memory_space<vmem>>, %arg11: memref<7168xf32, #tpu.memory_space<vmem>>, %arg12: memref<3200xf32, #tpu.memory_space<vmem>>, %arg13: memref<3200xf32, #tpu.memory_space<vmem>>, %arg14: memref<3x!tpu.dma_semaphore, #tpu.memory_space<semaphore_mem>>, %arg15: memref<3x!tpu.dma_semaphore, #tpu.memory_space<semaphore_mem>>, %arg16: memref<2x!tpu.dma_semaphore, #tpu.memory_space<semaphore_mem>>, %arg17: memref<!tpu.dma_semaphore, #tpu.memory_space<semaphore_mem>>) attributes {dimension_semantics = [#tpu.dimension_semantics<core_parallel>, #tpu.dimension_semantics<subcore_parallel>], iteration_bounds = array<i64: 2, 16>, scalar_prefetch = 0 : i64, scratch_operands = 13 : i64, tpu.core_type = #tpu.core_type<sc_vector_subcore>, window_params = [{transform_indices = #map}, {transform_indices = #map}, {transform_indices = #map}]} {
    %mul3A = arith.constant 1664 : i32
    %mul3A_0 = arith.muli %arg0, %mul3A : i32
    %mul3A_1 = arith.constant 104 : i32
    %mul3A_2 = arith.muli %arg1, %mul3A_1 : i32
    %add3A = arith.addi %mul3A_0, %mul3A_2 : i32
    %broadcast_in_dim3A = arith.constant 0 : i32
    %broadcast_in_dim3A_3 = vector.broadcast %broadcast_in_dim3A : i32 to vector<16xi32>
    %broadcast_in_dim3A_4 = arith.constant 0.000000e+00 : f32
    %broadcast_in_dim3A_5 = vector.broadcast %broadcast_in_dim3A_4 : f32 to vector<16xf32>
    %scan3A = arith.constant 0 : i32
    %scan3A_6 = arith.constant 0 : i32
    %scan3A_7 = arith.constant 64 : i32
    %scan3A_8 = arith.addi %scan3A_6, %scan3A_7 : i32
    %scan3A_9 = arith.constant 1 : i32
    scf.for %scan3A_2059 = %scan3A_6 to %scan3A_8 step %scan3A_9  : i32 {
      %mul3A_2060 = arith.constant 16 : i32
      %mul3A_2061 = arith.muli %scan3A_2059, %mul3A_2060 : i32
      %add3A_2062 = arith.constant 6144 : i32
      %add3A_2063 = arith.addi %add3A_2062, %mul3A_2061 : i32
      %swap3A = arith.index_cast %add3A_2063 : i32 to index
      %swap3A_2064 = tpu.vector_load %arg6[%swap3A] {strides = array<i32>} : memref<7168xi32, #tpu.memory_space<vmem>>, vector<16xi32>,
      %swap3A_2065 = vector.shape_cast %swap3A_2064 : vector<16xi32> to vector<16xi32>
      %swap3A_2066 = vector.shape_cast %broadcast_in_dim3A_3 : vector<16xi32> to vector<16xi32>
      tpu.vector_store %arg6[%swap3A], %swap3A_2066 {strides = array<i32>} : memref<7168xi32, #tpu.memory_space<vmem>>, vector<16xi32>,
      %mul3A_2067 = arith.constant 16 : i32
      %mul3A_2068 = arith.muli %scan3A_2059, %mul3A_2067 : i32
      %add3A_2069 = arith.constant 6144 : i32
      %add3A_2070 = arith.addi %add3A_2069, %mul3A_2068 : i32
      %swap3A_2071 = arith.index_cast %add3A_2070 : i32 to index
      %swap3A_2072 = tpu.vector_load %arg9[%swap3A_2071] {strides = array<i32>} : memref<7168xf32, #tpu.memory_space<vmem>>, vector<16xf32>,
      %swap3A_2073 = vector.shape_cast %swap3A_2072 : vector<16xf32> to vector<16xf32>
      %swap3A_2074 = vector.shape_cast %broadcast_in_dim3A_5 : vector<16xf32> to vector<16xf32>
      tpu.vector_store %arg9[%swap3A_2071], %swap3A_2074 {strides = array<i32>} : memref<7168xf32, #tpu.memory_space<vmem>>, vector<16xf32>,
    }
    %scan3A_10 = arith.constant 64 : i32
    %scan3A_11 = arith.constant 0 : i32
    %scan3A_12 = arith.constant 0 : i32
    %scan3A_13 = arith.constant 64 : i32
    %scan3A_14 = arith.addi %scan3A_12, %scan3A_13 : i32
    %scan3A_15 = arith.constant 1 : i32
    scf.for %scan3A_2059 = %scan3A_12 to %scan3A_14 step %scan3A_15  : i32 {
      %mul3A_2060 = arith.constant 16 : i32
      %mul3A_2061 = arith.muli %scan3A_2059, %mul3A_2060 : i32
      %add3A_2062 = arith.constant 6144 : i32
      %add3A_2063 = arith.addi %add3A_2062, %mul3A_2061 : i32
      %swap3A = arith.index_cast %add3A_2063 : i32 to index
      %swap3A_2064 = tpu.vector_load %arg7[%swap3A] {strides = array<i32>} : memref<7168xi32, #tpu.memory_space<vmem>>, vector<16xi32>,
      %swap3A_2065 = vector.shape_cast %swap3A_2064 : vector<16xi32> to vector<16xi32>
      %swap3A_2066 = vector.shape_cast %broadcast_in_dim3A_3 : vector<16xi32> to vector<16xi32>
      tpu.vector_store %arg7[%swap3A], %swap3A_2066 {strides = array<i32>} : memref<7168xi32, #tpu.memory_space<vmem>>, vector<16xi32>,
      %mul3A_2067 = arith.constant 16 : i32
      %mul3A_2068 = arith.muli %scan3A_2059, %mul3A_2067 : i32
      %add3A_2069 = arith.constant 6144 : i32
      %add3A_2070 = arith.addi %add3A_2069, %mul3A_2068 : i32
      %swap3A_2071 = arith.index_cast %add3A_2070 : i32 to index
      %swap3A_2072 = tpu.vector_load %arg10[%swap3A_2071] {strides = array<i32>} : memref<7168xf32, #tpu.memory_space<vmem>>, vector<16xf32>,
      %swap3A_2073 = vector.shape_cast %swap3A_2072 : vector<16xf32> to vector<16xf32>
      %swap3A_2074 = vector.shape_cast %broadcast_in_dim3A_5 : vector<16xf32> to vector<16xf32>
      tpu.vector_store %arg10[%swap3A_2071], %swap3A_2074 {strides = array<i32>} : memref<7168xf32, #tpu.memory_space<vmem>>, vector<16xf32>,
    }
    %scan3A_16 = arith.constant 64 : i32
    %scan3A_17 = arith.constant 0 : i32
    %scan3A_18 = arith.constant 0 : i32
    %scan3A_19 = arith.constant 64 : i32
    %scan3A_20 = arith.addi %scan3A_18, %scan3A_19 : i32
    %scan3A_21 = arith.constant 1 : i32
    scf.for %scan3A_2059 = %scan3A_18 to %scan3A_20 step %scan3A_21  : i32 {
      %mul3A_2060 = arith.constant 16 : i32
      %mul3A_2061 = arith.muli %scan3A_2059, %mul3A_2060 : i32
      %add3A_2062 = arith.constant 6144 : i32
      %add3A_2063 = arith.addi %add3A_2062, %mul3A_2061 : i32
      %swap3A = arith.index_cast %add3A_2063 : i32 to index
      %swap3A_2064 = tpu.vector_load %arg8[%swap3A] {strides = array<i32>} : memref<7168xi32, #tpu.memory_space<vmem>>, vector<16xi32>,
      %swap3A_2065 = vector.shape_cast %swap3A_2064 : vector<16xi32> to vector<16xi32>
      %swap3A_2066 = vector.shape_cast %broadcast_in_dim3A_3 : vector<16xi32> to vector<16xi32>
      tpu.vector_store %arg8[%swap3A], %swap3A_2066 {strides = array<i32>} : memref<7168xi32, #tpu.memory_space<vmem>>, vector<16xi32>,
      %mul3A_2067 = arith.constant 16 : i32
      %mul3A_2068 = arith.muli %scan3A_2059, %mul3A_2067 : i32
      %add3A_2069 = arith.constant 6144 : i32
      %add3A_2070 = arith.addi %add3A_2069, %mul3A_2068 : i32
      %swap3A_2071 = arith.index_cast %add3A_2070 : i32 to index
      %swap3A_2072 = tpu.vector_load %arg11[%swap3A_2071] {strides = array<i32>} : memref<7168xf32, #tpu.memory_space<vmem>>, vector<16xf32>,
      %swap3A_2073 = vector.shape_cast %swap3A_2072 : vector<16xf32> to vector<16xf32>
      %swap3A_2074 = vector.shape_cast %broadcast_in_dim3A_5 : vector<16xf32> to vector<16xf32>
      tpu.vector_store %arg11[%swap3A_2071], %swap3A_2074 {strides = array<i32>} : memref<7168xf32, #tpu.memory_space<vmem>>, vector<16xf32>,
    }
    %scan3A_22 = arith.constant 64 : i32
    %add3A_23 = arith.constant 0 : i32
    %add3A_24 = arith.addi %add3A_23, %add3A : i32
    %add3A_25 = arith.constant 0 : i32
    %add3A_26 = arith.addi %add3A_24, %add3A_25 : i32
    %mul3A_27 = arith.constant 128 : i32
    %mul3A_28 = arith.muli %add3A_26, %mul3A_27 : i32
    %dma_start3A = arith.constant 0 : i32
    %dma_start3A_29 = arith.constant 0 : i32
    %dma_start3A_30 = tpu.memref_slice %arg6[%dma_start3A_29] : memref<7168xi32, #tpu.memory_space<vmem>> -> memref<7168xi32, #tpu.memory_space<vmem>>
    %dma_start3A_31 = tpu.memref_slice %arg2[%mul3A_28] : memref<3833856xi32, #tpu.memory_space<hbm>> -> memref<7168xi32, #tpu.memory_space<hbm>>
    %dma_start3A_32 = tpu.memref_slice %arg14[%dma_start3A] : memref<3x!tpu.dma_semaphore, #tpu.memory_space<semaphore_mem>> -> memref<1x!tpu.dma_semaphore, #tpu.memory_space<semaphore_mem>>
    %dma_start3A_33 = tpu.memref_squeeze %dma_start3A_32 : memref<1x!tpu.dma_semaphore, #tpu.memory_space<semaphore_mem>> -> memref<!tpu.dma_semaphore, #tpu.memory_space<semaphore_mem>>
    %dma_start3A_34 = arith.constant 0 : i32
    %dma_start3A_35 = tpu.memref_slice %arg6[%dma_start3A_34] : memref<7168xi32, #tpu.memory_space<vmem>> -> memref<7168xi32, #tpu.memory_space<vmem>>
    %dma_start3A_36 = tpu.memref_slice %arg2[%mul3A_28] : memref<3833856xi32, #tpu.memory_space<hbm>> -> memref<7168xi32, #tpu.memory_space<hbm>>
    tpu.enqueue_dma source(%dma_start3A_36 : memref<7168xi32, #tpu.memory_space<hbm>>) target(%dma_start3A_35 : memref<7168xi32, #tpu.memory_space<vmem>>) target_semaphore(%dma_start3A_33 : memref<!tpu.dma_semaphore, #tpu.memory_space<semaphore_mem>>)
    %dma_start3A_37 = arith.constant 0 : i32
    %dma_start3A_38 = arith.constant 0 : i32
    %dma_start3A_39 = tpu.memref_slice %arg9[%dma_start3A_38] : memref<7168xf32, #tpu.memory_space<vmem>> -> memref<7168xf32, #tpu.memory_space<vmem>>
    %dma_start3A_40 = tpu.memref_slice %arg3[%mul3A_28] : memref<3833856xf32, #tpu.memory_space<hbm>> -> memref<7168xf32, #tpu.memory_space<hbm>>
    %dma_start3A_41 = tpu.memref_slice %arg14[%dma_start3A_37] : memref<3x!tpu.dma_semaphore, #tpu.memory_space<semaphore_mem>> -> memref<1x!tpu.dma_semaphore, #tpu.memory_space<semaphore_mem>>
    %dma_start3A_42 = tpu.memref_squeeze %dma_start3A_41 : memref<1x!tpu.dma_semaphore, #tpu.memory_space<semaphore_mem>> -> memref<!tpu.dma_semaphore, #tpu.memory_space<semaphore_mem>>
    %dma_start3A_43 = arith.constant 0 : i32
    %dma_start3A_44 = tpu.memref_slice %arg9[%dma_start3A_43] : memref<7168xf32, #tpu.memory_space<vmem>> -> memref<7168xf32, #tpu.memory_space<vmem>>
    %dma_start3A_45 = tpu.memref_slice %arg3[%mul3A_28] : memref<3833856xf32, #tpu.memory_space<hbm>> -> memref<7168xf32, #tpu.memory_space<hbm>>
    tpu.enqueue_dma source(%dma_start3A_45 : memref<7168xf32, #tpu.memory_space<hbm>>) target(%dma_start3A_44 : memref<7168xf32, #tpu.memory_space<vmem>>) target_semaphore(%dma_start3A_42 : memref<!tpu.dma_semaphore, #tpu.memory_space<semaphore_mem>>)
    %add3A_46 = arith.constant 0 : i32
    %add3A_47 = arith.addi %add3A_46, %add3A : i32
    %add3A_48 = arith.constant 56 : i32
    %add3A_49 = arith.addi %add3A_47, %add3A_48 : i32
    %mul3A_50 = arith.constant 128 : i32
    %mul3A_51 = arith.muli %add3A_49, %mul3A_50 : i32
    %dma_start3A_52 = arith.constant 1 : i32
    %dma_start3A_53 = arith.constant 0 : i32
    %dma_start3A_54 = tpu.memref_slice %arg7[%dma_start3A_53] : memref<7168xi32, #tpu.memory_space<vmem>> -> memref<6144xi32, #tpu.memory_space<vmem>>
    %dma_start3A_55 = tpu.memref_slice %arg2[%mul3A_51] : memref<3833856xi32, #tpu.memory_space<hbm>> -> memref<6144xi32, #tpu.memory_space<hbm>>
    %dma_start3A_56 = tpu.memref_slice %arg14[%dma_start3A_52] : memref<3x!tpu.dma_semaphore, #tpu.memory_space<semaphore_mem>> -> memref<1x!tpu.dma_semaphore, #tpu.memory_space<semaphore_mem>>
    %dma_start3A_57 = tpu.memref_squeeze %dma_start3A_56 : memref<1x!tpu.dma_semaphore, #tpu.memory_space<semaphore_mem>> -> memref<!tpu.dma_semaphore, #tpu.memory_space<semaphore_mem>>
    %dma_start3A_58 = arith.constant 0 : i32
    %dma_start3A_59 = tpu.memref_slice %arg7[%dma_start3A_58] : memref<7168xi32, #tpu.memory_space<vmem>> -> memref<6144xi32, #tpu.memory_space<vmem>>
    %dma_start3A_60 = tpu.memref_slice %arg2[%mul3A_51] : memref<3833856xi32, #tpu.memory_space<hbm>> -> memref<6144xi32, #tpu.memory_space<hbm>>
    tpu.enqueue_dma source(%dma_start3A_60 : memref<6144xi32, #tpu.memory_space<hbm>>) target(%dma_start3A_59 : memref<6144xi32, #tpu.memory_space<vmem>>) target_semaphore(%dma_start3A_57 : memref<!tpu.dma_semaphore, #tpu.memory_space<semaphore_mem>>)
    %dma_start3A_61 = arith.constant 1 : i32
    %dma_start3A_62 = arith.constant 0 : i32
    %dma_start3A_63 = tpu.memref_slice %arg10[%dma_start3A_62] : memref<7168xf32, #tpu.memory_space<vmem>> -> memref<6144xf32, #tpu.memory_space<vmem>>
    %dma_start3A_64 = tpu.memref_slice %arg3[%mul3A_51] : memref<3833856xf32, #tpu.memory_space<hbm>> -> memref<6144xf32, #tpu.memory_space<hbm>>
    %dma_start3A_65 = tpu.memref_slice %arg14[%dma_start3A_61] : memref<3x!tpu.dma_semaphore, #tpu.memory_space<semaphore_mem>> -> memref<1x!tpu.dma_semaphore, #tpu.memory_space<semaphore_mem>>
    %dma_start3A_66 = tpu.memref_squeeze %dma_start3A_65 : memref<1x!tpu.dma_semaphore, #tpu.memory_space<semaphore_mem>> -> memref<!tpu.dma_semaphore, #tpu.memory_space<semaphore_mem>>
    %dma_start3A_67 = arith.constant 0 : i32
    %dma_start3A_68 = tpu.memref_slice %arg10[%dma_start3A_67] : memref<7168xf32, #tpu.memory_space<vmem>> -> memref<6144xf32, #tpu.memory_space<vmem>>
    %dma_start3A_69 = tpu.memref_slice %arg3[%mul3A_51] : memref<3833856xf32, #tpu.memory_space<hbm>> -> memref<6144xf32, #tpu.memory_space<hbm>>
    tpu.enqueue_dma source(%dma_start3A_69 : memref<6144xf32, #tpu.memory_space<hbm>>) target(%dma_start3A_68 : memref<6144xf32, #tpu.memory_space<vmem>>) target_semaphore(%dma_start3A_66 : memref<!tpu.dma_semaphore, #tpu.memory_space<semaphore_mem>>)
    %scan3A_70 = arith.constant 0 : i32
    %scan3A_71 = arith.constant 0 : i32
    %scan3A_72 = arith.constant 200 : i32
    %scan3A_73 = arith.addi %scan3A_71, %scan3A_72 : i32
    %scan3A_74 = arith.constant 1 : i32
    scf.for %scan3A_2059 = %scan3A_71 to %scan3A_73 step %scan3A_74  : i32 {
      %broadcast_in_dim3A_2060 = arith.constant 0.000000e+00 : f32
      %broadcast_in_dim3A_2061 = vector.broadcast %broadcast_in_dim3A_2060 : f32 to vector<16xf32>
      %mul3A_2062 = arith.constant 16 : i32
      %mul3A_2063 = arith.muli %scan3A_2059, %mul3A_2062 : i32
      %swap3A = arith.index_cast %mul3A_2063 : i32 to index
      %swap3A_2064 = tpu.vector_load %arg12[%swap3A] {strides = array<i32>} : memref<3200xf32, #tpu.memory_space<vmem>>, vector<16xf32>,
      %swap3A_2065 = vector.shape_cast %swap3A_2064 : vector<16xf32> to vector<16xf32>
      %swap3A_2066 = vector.shape_cast %broadcast_in_dim3A_2061 : vector<16xf32> to vector<16xf32>
      tpu.vector_store %arg12[%swap3A], %swap3A_2066 {strides = array<i32>} : memref<3200xf32, #tpu.memory_space<vmem>>, vector<16xf32>,
    }
    %scan3A_75 = arith.constant 200 : i32
    %mul3A_76 = arith.constant 80000 : i32
    %mul3A_77 = arith.muli %arg1, %mul3A_76 : i32
    %add3A_78 = arith.constant 0 : i32
    %add3A_79 = arith.addi %mul3A_77, %add3A_78 : i32
    %dma_start3A_80 = tpu.memref_slice %arg5[%add3A_79] : memref<1280000xf32, #tpu.memory_space<vmem_shared>> -> memref<3200xf32, #tpu.memory_space<vmem_shared>>
    %dma_start3A_81 = tpu.memref_slice %arg5[%add3A_79] : memref<1280000xf32, #tpu.memory_space<vmem_shared>> -> memref<3200xf32, #tpu.memory_space<vmem_shared>>
    tpu.enqueue_dma source(%arg12 : memref<3200xf32, #tpu.memory_space<vmem>>) target(%dma_start3A_81 : memref<3200xf32, #tpu.memory_space<vmem_shared>>) target_semaphore(%arg17 : memref<!tpu.dma_semaphore, #tpu.memory_space<semaphore_mem>>)
    %mul3A_82 = arith.constant 80000 : i32
    %mul3A_83 = arith.muli %arg1, %mul3A_82 : i32
    %add3A_84 = arith.constant 3200 : i32
    %add3A_85 = arith.addi %mul3A_83, %add3A_84 : i32
    %dma_start3A_86 = tpu.memref_slice %arg5[%add3A_85] : memref<1280000xf32, #tpu.memory_space<vmem_shared>> -> memref<3200xf32, #tpu.memory_space<vmem_shared>>
    %dma_start3A_87 = tpu.memref_slice %arg5[%add3A_85] : memref<1280000xf32, #tpu.memory_space<vmem_shared>> -> memref<3200xf32, #tpu.memory_space<vmem_shared>>
    tpu.enqueue_dma source(%arg12 : memref<3200xf32, #tpu.memory_space<vmem>>) target(%dma_start3A_87 : memref<3200xf32, #tpu.memory_space<vmem_shared>>) target_semaphore(%arg17 : memref<!tpu.dma_semaphore, #tpu.memory_space<semaphore_mem>>)
    %mul3A_88 = arith.constant 80000 : i32
    %mul3A_89 = arith.muli %arg1, %mul3A_88 : i32
    %add3A_90 = arith.constant 6400 : i32
    %add3A_91 = arith.addi %mul3A_89, %add3A_90 : i32
    %dma_start3A_92 = tpu.memref_slice %arg5[%add3A_91] : memref<1280000xf32, #tpu.memory_space<vmem_shared>> -> memref<3200xf32, #tpu.memory_space<vmem_shared>>
    %dma_start3A_93 = tpu.memref_slice %arg5[%add3A_91] : memref<1280000xf32, #tpu.memory_space<vmem_shared>> -> memref<3200xf32, #tpu.memory_space<vmem_shared>>
    tpu.enqueue_dma source(%arg12 : memref<3200xf32, #tpu.memory_space<vmem>>) target(%dma_start3A_93 : memref<3200xf32, #tpu.memory_space<vmem_shared>>) target_semaphore(%arg17 : memref<!tpu.dma_semaphore, #tpu.memory_space<semaphore_mem>>)
    %mul3A_94 = arith.constant 80000 : i32
    %mul3A_95 = arith.muli %arg1, %mul3A_94 : i32
    %add3A_96 = arith.constant 9600 : i32
    %add3A_97 = arith.addi %mul3A_95, %add3A_96 : i32
    %dma_start3A_98 = tpu.memref_slice %arg5[%add3A_97] : memref<1280000xf32, #tpu.memory_space<vmem_shared>> -> memref<3200xf32, #tpu.memory_space<vmem_shared>>
    %dma_start3A_99 = tpu.memref_slice %arg5[%add3A_97] : memref<1280000xf32, #tpu.memory_space<vmem_shared>> -> memref<3200xf32, #tpu.memory_space<vmem_shared>>
    tpu.enqueue_dma source(%arg12 : memref<3200xf32, #tpu.memory_space<vmem>>) target(%dma_start3A_99 : memref<3200xf32, #tpu.memory_space<vmem_shared>>) target_semaphore(%arg17 : memref<!tpu.dma_semaphore, #tpu.memory_space<semaphore_mem>>)
    %mul3A_100 = arith.constant 80000 : i32
    %mul3A_101 = arith.muli %arg1, %mul3A_100 : i32
    %add3A_102 = arith.constant 12800 : i32
    %add3A_103 = arith.addi %mul3A_101, %add3A_102 : i32
    %dma_start3A_104 = tpu.memref_slice %arg5[%add3A_103] : memref<1280000xf32, #tpu.memory_space<vmem_shared>> -> memref<3200xf32, #tpu.memory_space<vmem_shared>>
    %dma_start3A_105 = tpu.memref_slice %arg5[%add3A_103] : memref<1280000xf32, #tpu.memory_space<vmem_shared>> -> memref<3200xf32, #tpu.memory_space<vmem_shared>>
    tpu.enqueue_dma source(%arg12 : memref<3200xf32, #tpu.memory_space<vmem>>) target(%dma_start3A_105 : memref<3200xf32, #tpu.memory_space<vmem_shared>>) target_semaphore(%arg17 : memref<!tpu.dma_semaphore, #tpu.memory_space<semaphore_mem>>)
    %mul3A_106 = arith.constant 80000 : i32
    %mul3A_107 = arith.muli %arg1, %mul3A_106 : i32
    %add3A_108 = arith.constant 16000 : i32
    %add3A_109 = arith.addi %mul3A_107, %add3A_108 : i32
    %dma_start3A_110 = tpu.memref_slice %arg5[%add3A_109] : memref<1280000xf32, #tpu.memory_space<vmem_shared>> -> memref<3200xf32, #tpu.memory_space<vmem_shared>>
    %dma_start3A_111 = tpu.memref_slice %arg5[%add3A_109] : memref<1280000xf32, #tpu.memory_space<vmem_shared>> -> memref<3200xf32, #tpu.memory_space<vmem_shared>>
    tpu.enqueue_dma source(%arg12 : memref<3200xf32, #tpu.memory_space<vmem>>) target(%dma_start3A_111 : memref<3200xf32, #tpu.memory_space<vmem_shared>>) target_semaphore(%arg17 : memref<!tpu.dma_semaphore, #tpu.memory_space<semaphore_mem>>)
    %mul3A_112 = arith.constant 80000 : i32
    %mul3A_113 = arith.muli %arg1, %mul3A_112 : i32
    %add3A_114 = arith.constant 19200 : i32
    %add3A_115 = arith.addi %mul3A_113, %add3A_114 : i32
    %dma_start3A_116 = tpu.memref_slice %arg5[%add3A_115] : memref<1280000xf32, #tpu.memory_space<vmem_shared>> -> memref<3200xf32, #tpu.memory_space<vmem_shared>>
    %dma_start3A_117 = tpu.memref_slice %arg5[%add3A_115] : memref<1280000xf32, #tpu.memory_space<vmem_shared>> -> memref<3200xf32, #tpu.memory_space<vmem_shared>>
    tpu.enqueue_dma source(%arg12 : memref<3200xf32, #tpu.memory_space<vmem>>) target(%dma_start3A_117 : memref<3200xf32, #tpu.memory_space<vmem_shared>>) target_semaphore(%arg17 : memref<!tpu.dma_semaphore, #tpu.memory_space<semaphore_mem>>)
    %mul3A_118 = arith.constant 80000 : i32
    %mul3A_119 = arith.muli %arg1, %mul3A_118 : i32
    %add3A_120 = arith.constant 22400 : i32
    %add3A_121 = arith.addi %mul3A_119, %add3A_120 : i32
    %dma_start3A_122 = tpu.memref_slice %arg5[%add3A_121] : memref<1280000xf32, #tpu.memory_space<vmem_shared>> -> memref<3200xf32, #tpu.memory_space<vmem_shared>>
    %dma_start3A_123 = tpu.memref_slice %arg5[%add3A_121] : memref<1280000xf32, #tpu.memory_space<vmem_shared>> -> memref<3200xf32, #tpu.memory_space<vmem_shared>>
    tpu.enqueue_dma source(%arg12 : memref<3200xf32, #tpu.memory_space<vmem>>) target(%dma_start3A_123 : memref<3200xf32, #tpu.memory_space<vmem_shared>>) target_semaphore(%arg17 : memref<!tpu.dma_semaphore, #tpu.memory_space<semaphore_mem>>)
    %mul3A_124 = arith.constant 80000 : i32
    %mul3A_125 = arith.muli %arg1, %mul3A_124 : i32
    %add3A_126 = arith.constant 25600 : i32
    %add3A_127 = arith.addi %mul3A_125, %add3A_126 : i32
    %dma_start3A_128 = tpu.memref_slice %arg5[%add3A_127] : memref<1280000xf32, #tpu.memory_space<vmem_shared>> -> memref<3200xf32, #tpu.memory_space<vmem_shared>>
    %dma_start3A_129 = tpu.memref_slice %arg5[%add3A_127] : memref<1280000xf32, #tpu.memory_space<vmem_shared>> -> memref<3200xf32, #tpu.memory_space<vmem_shared>>
    tpu.enqueue_dma source(%arg12 : memref<3200xf32, #tpu.memory_space<vmem>>) target(%dma_start3A_129 : memref<3200xf32, #tpu.memory_space<vmem_shared>>) target_semaphore(%arg17 : memref<!tpu.dma_semaphore, #tpu.memory_space<semaphore_mem>>)
    %mul3A_130 = arith.constant 80000 : i32
    %mul3A_131 = arith.muli %arg1, %mul3A_130 : i32
    %add3A_132 = arith.constant 28800 : i32
    %add3A_133 = arith.addi %mul3A_131, %add3A_132 : i32
    %dma_start3A_134 = tpu.memref_slice %arg5[%add3A_133] : memref<1280000xf32, #tpu.memory_space<vmem_shared>> -> memref<3200xf32, #tpu.memory_space<vmem_shared>>
    %dma_start3A_135 = tpu.memref_slice %arg5[%add3A_133] : memref<1280000xf32, #tpu.memory_space<vmem_shared>> -> memref<3200xf32, #tpu.memory_space<vmem_shared>>
    tpu.enqueue_dma source(%arg12 : memref<3200xf32, #tpu.memory_space<vmem>>) target(%dma_start3A_135 : memref<3200xf32, #tpu.memory_space<vmem_shared>>) target_semaphore(%arg17 : memref<!tpu.dma_semaphore, #tpu.memory_space<semaphore_mem>>)
    %mul3A_136 = arith.constant 80000 : i32
    %mul3A_137 = arith.muli %arg1, %mul3A_136 : i32
    %add3A_138 = arith.constant 32000 : i32
    %add3A_139 = arith.addi %mul3A_137, %add3A_138 : i32
    %dma_start3A_140 = tpu.memref_slice %arg5[%add3A_139] : memref<1280000xf32, #tpu.memory_space<vmem_shared>> -> memref<3200xf32, #tpu.memory_space<vmem_shared>>
    %dma_start3A_141 = tpu.memref_slice %arg5[%add3A_139] : memref<1280000xf32, #tpu.memory_space<vmem_shared>> -> memref<3200xf32, #tpu.memory_space<vmem_shared>>
    tpu.enqueue_dma source(%arg12 : memref<3200xf32, #tpu.memory_space<vmem>>) target(%dma_start3A_141 : memref<3200xf32, #tpu.memory_space<vmem_shared>>) target_semaphore(%arg17 : memref<!tpu.dma_semaphore, #tpu.memory_space<semaphore_mem>>)
    %mul3A_142 = arith.constant 80000 : i32
    %mul3A_143 = arith.muli %arg1, %mul3A_142 : i32
    %add3A_144 = arith.constant 35200 : i32
    %add3A_145 = arith.addi %mul3A_143, %add3A_144 : i32
    %dma_start3A_146 = tpu.memref_slice %arg5[%add3A_145] : memref<1280000xf32, #tpu.memory_space<vmem_shared>> -> memref<3200xf32, #tpu.memory_space<vmem_shared>>
    %dma_start3A_147 = tpu.memref_slice %arg5[%add3A_145] : memref<1280000xf32, #tpu.memory_space<vmem_shared>> -> memref<3200xf32, #tpu.memory_space<vmem_shared>>
    tpu.enqueue_dma source(%arg12 : memref<3200xf32, #tpu.memory_space<vmem>>) target(%dma_start3A_147 : memref<3200xf32, #tpu.memory_space<vmem_shared>>) target_semaphore(%arg17 : memref<!tpu.dma_semaphore, #tpu.memory_space<semaphore_mem>>)
    %mul3A_148 = arith.constant 80000 : i32
    %mul3A_149 = arith.muli %arg1, %mul3A_148 : i32
    %add3A_150 = arith.constant 38400 : i32
    %add3A_151 = arith.addi %mul3A_149, %add3A_150 : i32
    %dma_start3A_152 = tpu.memref_slice %arg5[%add3A_151] : memref<1280000xf32, #tpu.memory_space<vmem_shared>> -> memref<3200xf32, #tpu.memory_space<vmem_shared>>
    %dma_start3A_153 = tpu.memref_slice %arg5[%add3A_151] : memref<1280000xf32, #tpu.memory_space<vmem_shared>> -> memref<3200xf32, #tpu.memory_space<vmem_shared>>
    tpu.enqueue_dma source(%arg12 : memref<3200xf32, #tpu.memory_space<vmem>>) target(%dma_start3A_153 : memref<3200xf32, #tpu.memory_space<vmem_shared>>) target_semaphore(%arg17 : memref<!tpu.dma_semaphore, #tpu.memory_space<semaphore_mem>>)
    %mul3A_154 = arith.constant 80000 : i32
    %mul3A_155 = arith.muli %arg1, %mul3A_154 : i32
    %add3A_156 = arith.constant 41600 : i32
    %add3A_157 = arith.addi %mul3A_155, %add3A_156 : i32
    %dma_start3A_158 = tpu.memref_slice %arg5[%add3A_157] : memref<1280000xf32, #tpu.memory_space<vmem_shared>> -> memref<3200xf32, #tpu.memory_space<vmem_shared>>
    %dma_start3A_159 = tpu.memref_slice %arg5[%add3A_157] : memref<1280000xf32, #tpu.memory_space<vmem_shared>> -> memref<3200xf32, #tpu.memory_space<vmem_shared>>
    tpu.enqueue_dma source(%arg12 : memref<3200xf32, #tpu.memory_space<vmem>>) target(%dma_start3A_159 : memref<3200xf32, #tpu.memory_space<vmem_shared>>) target_semaphore(%arg17 : memref<!tpu.dma_semaphore, #tpu.memory_space<semaphore_mem>>)
    %mul3A_160 = arith.constant 80000 : i32
    %mul3A_161 = arith.muli %arg1, %mul3A_160 : i32
    %add3A_162 = arith.constant 44800 : i32
    %add3A_163 = arith.addi %mul3A_161, %add3A_162 : i32
    %dma_start3A_164 = tpu.memref_slice %arg5[%add3A_163] : memref<1280000xf32, #tpu.memory_space<vmem_shared>> -> memref<3200xf32, #tpu.memory_space<vmem_shared>>
    %dma_start3A_165 = tpu.memref_slice %arg5[%add3A_163] : memref<1280000xf32, #tpu.memory_space<vmem_shared>> -> memref<3200xf32, #tpu.memory_space<vmem_shared>>
    tpu.enqueue_dma source(%arg12 : memref<3200xf32, #tpu.memory_space<vmem>>) target(%dma_start3A_165 : memref<3200xf32, #tpu.memory_space<vmem_shared>>) target_semaphore(%arg17 : memref<!tpu.dma_semaphore, #tpu.memory_space<semaphore_mem>>)
    %mul3A_166 = arith.constant 80000 : i32
    %mul3A_167 = arith.muli %arg1, %mul3A_166 : i32
    %add3A_168 = arith.constant 48000 : i32
    %add3A_169 = arith.addi %mul3A_167, %add3A_168 : i32
    %dma_start3A_170 = tpu.memref_slice %arg5[%add3A_169] : memref<1280000xf32, #tpu.memory_space<vmem_shared>> -> memref<3200xf32, #tpu.memory_space<vmem_shared>>
    %dma_start3A_171 = tpu.memref_slice %arg5[%add3A_169] : memref<1280000xf32, #tpu.memory_space<vmem_shared>> -> memref<3200xf32, #tpu.memory_space<vmem_shared>>
    tpu.enqueue_dma source(%arg12 : memref<3200xf32, #tpu.memory_space<vmem>>) target(%dma_start3A_171 : memref<3200xf32, #tpu.memory_space<vmem_shared>>) target_semaphore(%arg17 : memref<!tpu.dma_semaphore, #tpu.memory_space<semaphore_mem>>)
    %mul3A_172 = arith.constant 80000 : i32
    %mul3A_173 = arith.muli %arg1, %mul3A_172 : i32
    %add3A_174 = arith.constant 51200 : i32
    %add3A_175 = arith.addi %mul3A_173, %add3A_174 : i32
    %dma_start3A_176 = tpu.memref_slice %arg5[%add3A_175] : memref<1280000xf32, #tpu.memory_space<vmem_shared>> -> memref<3200xf32, #tpu.memory_space<vmem_shared>>
    %dma_start3A_177 = tpu.memref_slice %arg5[%add3A_175] : memref<1280000xf32, #tpu.memory_space<vmem_shared>> -> memref<3200xf32, #tpu.memory_space<vmem_shared>>
    tpu.enqueue_dma source(%arg12 : memref<3200xf32, #tpu.memory_space<vmem>>) target(%dma_start3A_177 : memref<3200xf32, #tpu.memory_space<vmem_shared>>) target_semaphore(%arg17 : memref<!tpu.dma_semaphore, #tpu.memory_space<semaphore_mem>>)
    %mul3A_178 = arith.constant 80000 : i32
    %mul3A_179 = arith.muli %arg1, %mul3A_178 : i32
    %add3A_180 = arith.constant 54400 : i32
    %add3A_181 = arith.addi %mul3A_179, %add3A_180 : i32
    %dma_start3A_182 = tpu.memref_slice %arg5[%add3A_181] : memref<1280000xf32, #tpu.memory_space<vmem_shared>> -> memref<3200xf32, #tpu.memory_space<vmem_shared>>
    %dma_start3A_183 = tpu.memref_slice %arg5[%add3A_181] : memref<1280000xf32, #tpu.memory_space<vmem_shared>> -> memref<3200xf32, #tpu.memory_space<vmem_shared>>
    tpu.enqueue_dma source(%arg12 : memref<3200xf32, #tpu.memory_space<vmem>>) target(%dma_start3A_183 : memref<3200xf32, #tpu.memory_space<vmem_shared>>) target_semaphore(%arg17 : memref<!tpu.dma_semaphore, #tpu.memory_space<semaphore_mem>>)
    %mul3A_184 = arith.constant 80000 : i32
    %mul3A_185 = arith.muli %arg1, %mul3A_184 : i32
    %add3A_186 = arith.constant 57600 : i32
    %add3A_187 = arith.addi %mul3A_185, %add3A_186 : i32
    %dma_start3A_188 = tpu.memref_slice %arg5[%add3A_187] : memref<1280000xf32, #tpu.memory_space<vmem_shared>> -> memref<3200xf32, #tpu.memory_space<vmem_shared>>
    %dma_start3A_189 = tpu.memref_slice %arg5[%add3A_187] : memref<1280000xf32, #tpu.memory_space<vmem_shared>> -> memref<3200xf32, #tpu.memory_space<vmem_shared>>
    tpu.enqueue_dma source(%arg12 : memref<3200xf32, #tpu.memory_space<vmem>>) target(%dma_start3A_189 : memref<3200xf32, #tpu.memory_space<vmem_shared>>) target_semaphore(%arg17 : memref<!tpu.dma_semaphore, #tpu.memory_space<semaphore_mem>>)
    %mul3A_190 = arith.constant 80000 : i32
    %mul3A_191 = arith.muli %arg1, %mul3A_190 : i32
    %add3A_192 = arith.constant 60800 : i32
    %add3A_193 = arith.addi %mul3A_191, %add3A_192 : i32
    %dma_start3A_194 = tpu.memref_slice %arg5[%add3A_193] : memref<1280000xf32, #tpu.memory_space<vmem_shared>> -> memref<3200xf32, #tpu.memory_space<vmem_shared>>
    %dma_start3A_195 = tpu.memref_slice %arg5[%add3A_193] : memref<1280000xf32, #tpu.memory_space<vmem_shared>> -> memref<3200xf32, #tpu.memory_space<vmem_shared>>
    tpu.enqueue_dma source(%arg12 : memref<3200xf32, #tpu.memory_space<vmem>>) target(%dma_start3A_195 : memref<3200xf32, #tpu.memory_space<vmem_shared>>) target_semaphore(%arg17 : memref<!tpu.dma_semaphore, #tpu.memory_space<semaphore_mem>>)
    %mul3A_196 = arith.constant 80000 : i32
    %mul3A_197 = arith.muli %arg1, %mul3A_196 : i32
    %add3A_198 = arith.constant 64000 : i32
    %add3A_199 = arith.addi %mul3A_197, %add3A_198 : i32
    %dma_start3A_200 = tpu.memref_slice %arg5[%add3A_199] : memref<1280000xf32, #tpu.memory_space<vmem_shared>> -> memref<3200xf32, #tpu.memory_space<vmem_shared>>
    %dma_start3A_201 = tpu.memref_slice %arg5[%add3A_199] : memref<1280000xf32, #tpu.memory_space<vmem_shared>> -> memref<3200xf32, #tpu.memory_space<vmem_shared>>
    tpu.enqueue_dma source(%arg12 : memref<3200xf32, #tpu.memory_space<vmem>>) target(%dma_start3A_201 : memref<3200xf32, #tpu.memory_space<vmem_shared>>) target_semaphore(%arg17 : memref<!tpu.dma_semaphore, #tpu.memory_space<semaphore_mem>>)
    %mul3A_202 = arith.constant 80000 : i32
    %mul3A_203 = arith.muli %arg1, %mul3A_202 : i32
    %add3A_204 = arith.constant 67200 : i32
    %add3A_205 = arith.addi %mul3A_203, %add3A_204 : i32
    %dma_start3A_206 = tpu.memref_slice %arg5[%add3A_205] : memref<1280000xf32, #tpu.memory_space<vmem_shared>> -> memref<3200xf32, #tpu.memory_space<vmem_shared>>
    %dma_start3A_207 = tpu.memref_slice %arg5[%add3A_205] : memref<1280000xf32, #tpu.memory_space<vmem_shared>> -> memref<3200xf32, #tpu.memory_space<vmem_shared>>
    tpu.enqueue_dma source(%arg12 : memref<3200xf32, #tpu.memory_space<vmem>>) target(%dma_start3A_207 : memref<3200xf32, #tpu.memory_space<vmem_shared>>) target_semaphore(%arg17 : memref<!tpu.dma_semaphore, #tpu.memory_space<semaphore_mem>>)
    %mul3A_208 = arith.constant 80000 : i32
    %mul3A_209 = arith.muli %arg1, %mul3A_208 : i32
    %add3A_210 = arith.constant 70400 : i32
    %add3A_211 = arith.addi %mul3A_209, %add3A_210 : i32
    %dma_start3A_212 = tpu.memref_slice %arg5[%add3A_211] : memref<1280000xf32, #tpu.memory_space<vmem_shared>> -> memref<3200xf32, #tpu.memory_space<vmem_shared>>
    %dma_start3A_213 = tpu.memref_slice %arg5[%add3A_211] : memref<1280000xf32, #tpu.memory_space<vmem_shared>> -> memref<3200xf32, #tpu.memory_space<vmem_shared>>
    tpu.enqueue_dma source(%arg12 : memref<3200xf32, #tpu.memory_space<vmem>>) target(%dma_start3A_213 : memref<3200xf32, #tpu.memory_space<vmem_shared>>) target_semaphore(%arg17 : memref<!tpu.dma_semaphore, #tpu.memory_space<semaphore_mem>>)
    %mul3A_214 = arith.constant 80000 : i32
    %mul3A_215 = arith.muli %arg1, %mul3A_214 : i32
    %add3A_216 = arith.constant 73600 : i32
    %add3A_217 = arith.addi %mul3A_215, %add3A_216 : i32
    %dma_start3A_218 = tpu.memref_slice %arg5[%add3A_217] : memref<1280000xf32, #tpu.memory_space<vmem_shared>> -> memref<3200xf32, #tpu.memory_space<vmem_shared>>
    %dma_start3A_219 = tpu.memref_slice %arg5[%add3A_217] : memref<1280000xf32, #tpu.memory_space<vmem_shared>> -> memref<3200xf32, #tpu.memory_space<vmem_shared>>
    tpu.enqueue_dma source(%arg12 : memref<3200xf32, #tpu.memory_space<vmem>>) target(%dma_start3A_219 : memref<3200xf32, #tpu.memory_space<vmem_shared>>) target_semaphore(%arg17 : memref<!tpu.dma_semaphore, #tpu.memory_space<semaphore_mem>>)
    %mul3A_220 = arith.constant 80000 : i32
    %mul3A_221 = arith.muli %arg1, %mul3A_220 : i32
    %add3A_222 = arith.constant 76800 : i32
    %add3A_223 = arith.addi %mul3A_221, %add3A_222 : i32
    %dma_start3A_224 = tpu.memref_slice %arg5[%add3A_223] : memref<1280000xf32, #tpu.memory_space<vmem_shared>> -> memref<3200xf32, #tpu.memory_space<vmem_shared>>
    %dma_start3A_225 = tpu.memref_slice %arg5[%add3A_223] : memref<1280000xf32, #tpu.memory_space<vmem_shared>> -> memref<3200xf32, #tpu.memory_space<vmem_shared>>
    tpu.enqueue_dma source(%arg12 : memref<3200xf32, #tpu.memory_space<vmem>>) target(%dma_start3A_225 : memref<3200xf32, #tpu.memory_space<vmem_shared>>) target_semaphore(%arg17 : memref<!tpu.dma_semaphore, #tpu.memory_space<semaphore_mem>>)
    %dma_wait3A = tpu.memref_slice %arg5[%add3A_79] : memref<1280000xf32, #tpu.memory_space<vmem_shared>> -> memref<3200xf32, #tpu.memory_space<vmem_shared>>
    %dma_wait3A_226 = tpu.memref_slice %arg5[%add3A_79] : memref<1280000xf32, #tpu.memory_space<vmem_shared>> -> memref<3200xf32, #tpu.memory_space<vmem_shared>>
    tpu.wait_dma2 semaphore(%arg17 : memref<!tpu.dma_semaphore, #tpu.memory_space<semaphore_mem>>) src(%arg12 : memref<3200xf32, #tpu.memory_space<vmem>>) dst(%dma_wait3A_226 : memref<3200xf32, #tpu.memory_space<vmem_shared>>)
    %dma_wait3A_227 = tpu.memref_slice %arg5[%add3A_85] : memref<1280000xf32, #tpu.memory_space<vmem_shared>> -> memref<3200xf32, #tpu.memory_space<vmem_shared>>
    %dma_wait3A_228 = tpu.memref_slice %arg5[%add3A_85] : memref<1280000xf32, #tpu.memory_space<vmem_shared>> -> memref<3200xf32, #tpu.memory_space<vmem_shared>>
    tpu.wait_dma2 semaphore(%arg17 : memref<!tpu.dma_semaphore, #tpu.memory_space<semaphore_mem>>) src(%arg12 : memref<3200xf32, #tpu.memory_space<vmem>>) dst(%dma_wait3A_228 : memref<3200xf32, #tpu.memory_space<vmem_shared>>)
    %dma_wait3A_229 = tpu.memref_slice %arg5[%add3A_91] : memref<1280000xf32, #tpu.memory_space<vmem_shared>> -> memref<3200xf32, #tpu.memory_space<vmem_shared>>
    %dma_wait3A_230 = tpu.memref_slice %arg5[%add3A_91] : memref<1280000xf32, #tpu.memory_space<vmem_shared>> -> memref<3200xf32, #tpu.memory_space<vmem_shared>>
    tpu.wait_dma2 semaphore(%arg17 : memref<!tpu.dma_semaphore, #tpu.memory_space<semaphore_mem>>) src(%arg12 : memref<3200xf32, #tpu.memory_space<vmem>>) dst(%dma_wait3A_230 : memref<3200xf32, #tpu.memory_space<vmem_shared>>)
    %dma_wait3A_231 = tpu.memref_slice %arg5[%add3A_97] : memref<1280000xf32, #tpu.memory_space<vmem_shared>> -> memref<3200xf32, #tpu.memory_space<vmem_shared>>
    %dma_wait3A_232 = tpu.memref_slice %arg5[%add3A_97] : memref<1280000xf32, #tpu.memory_space<vmem_shared>> -> memref<3200xf32, #tpu.memory_space<vmem_shared>>
    tpu.wait_dma2 semaphore(%arg17 : memref<!tpu.dma_semaphore, #tpu.memory_space<semaphore_mem>>) src(%arg12 : memref<3200xf32, #tpu.memory_space<vmem>>) dst(%dma_wait3A_232 : memref<3200xf32, #tpu.memory_space<vmem_shared>>)
    %dma_wait3A_233 = tpu.memref_slice %arg5[%add3A_103] : memref<1280000xf32, #tpu.memory_space<vmem_shared>> -> memref<3200xf32, #tpu.memory_space<vmem_shared>>
    %dma_wait3A_234 = tpu.memref_slice %arg5[%add3A_103] : memref<1280000xf32, #tpu.memory_space<vmem_shared>> -> memref<3200xf32, #tpu.memory_space<vmem_shared>>
    tpu.wait_dma2 semaphore(%arg17 : memref<!tpu.dma_semaphore, #tpu.memory_space<semaphore_mem>>) src(%arg12 : memref<3200xf32, #tpu.memory_space<vmem>>) dst(%dma_wait3A_234 : memref<3200xf32, #tpu.memory_space<vmem_shared>>)
    %dma_wait3A_235 = tpu.memref_slice %arg5[%add3A_109] : memref<1280000xf32, #tpu.memory_space<vmem_shared>> -> memref<3200xf32, #tpu.memory_space<vmem_shared>>
    %dma_wait3A_236 = tpu.memref_slice %arg5[%add3A_109] : memref<1280000xf32, #tpu.memory_space<vmem_shared>> -> memref<3200xf32, #tpu.memory_space<vmem_shared>>
    tpu.wait_dma2 semaphore(%arg17 : memref<!tpu.dma_semaphore, #tpu.memory_space<semaphore_mem>>) src(%arg12 : memref<3200xf32, #tpu.memory_space<vmem>>) dst(%dma_wait3A_236 : memref<3200xf32, #tpu.memory_space<vmem_shared>>)
    %dma_wait3A_237 = tpu.memref_slice %arg5[%add3A_115] : memref<1280000xf32, #tpu.memory_space<vmem_shared>> -> memref<3200xf32, #tpu.memory_space<vmem_shared>>
    %dma_wait3A_238 = tpu.memref_slice %arg5[%add3A_115] : memref<1280000xf32, #tpu.memory_space<vmem_shared>> -> memref<3200xf32, #tpu.memory_space<vmem_shared>>
    tpu.wait_dma2 semaphore(%arg17 : memref<!tpu.dma_semaphore, #tpu.memory_space<semaphore_mem>>) src(%arg12 : memref<3200xf32, #tpu.memory_space<vmem>>) dst(%dma_wait3A_238 : memref<3200xf32, #tpu.memory_space<vmem_shared>>)
    %dma_wait3A_239 = tpu.memref_slice %arg5[%add3A_121] : memref<1280000xf32, #tpu.memory_space<vmem_shared>> -> memref<3200xf32, #tpu.memory_space<vmem_shared>>
    %dma_wait3A_240 = tpu.memref_slice %arg5[%add3A_121] : memref<1280000xf32, #tpu.memory_space<vmem_shared>> -> memref<3200xf32, #tpu.memory_space<vmem_shared>>
    tpu.wait_dma2 semaphore(%arg17 : memref<!tpu.dma_semaphore, #tpu.memory_space<semaphore_mem>>) src(%arg12 : memref<3200xf32, #tpu.memory_space<vmem>>) dst(%dma_wait3A_240 : memref<3200xf32, #tpu.memory_space<vmem_shared>>)
    %dma_wait3A_241 = tpu.memref_slice %arg5[%add3A_127] : memref<1280000xf32, #tpu.memory_space<vmem_shared>> -> memref<3200xf32, #tpu.memory_space<vmem_shared>>
    %dma_wait3A_242 = tpu.memref_slice %arg5[%add3A_127] : memref<1280000xf32, #tpu.memory_space<vmem_shared>> -> memref<3200xf32, #tpu.memory_space<vmem_shared>>
    tpu.wait_dma2 semaphore(%arg17 : memref<!tpu.dma_semaphore, #tpu.memory_space<semaphore_mem>>) src(%arg12 : memref<3200xf32, #tpu.memory_space<vmem>>) dst(%dma_wait3A_242 : memref<3200xf32, #tpu.memory_space<vmem_shared>>)
    %dma_wait3A_243 = tpu.memref_slice %arg5[%add3A_133] : memref<1280000xf32, #tpu.memory_space<vmem_shared>> -> memref<3200xf32, #tpu.memory_space<vmem_shared>>
    %dma_wait3A_244 = tpu.memref_slice %arg5[%add3A_133] : memref<1280000xf32, #tpu.memory_space<vmem_shared>> -> memref<3200xf32, #tpu.memory_space<vmem_shared>>
    tpu.wait_dma2 semaphore(%arg17 : memref<!tpu.dma_semaphore, #tpu.memory_space<semaphore_mem>>) src(%arg12 : memref<3200xf32, #tpu.memory_space<vmem>>) dst(%dma_wait3A_244 : memref<3200xf32, #tpu.memory_space<vmem_shared>>)
    %dma_wait3A_245 = tpu.memref_slice %arg5[%add3A_139] : memref<1280000xf32, #tpu.memory_space<vmem_shared>> -> memref<3200xf32, #tpu.memory_space<vmem_shared>>
    %dma_wait3A_246 = tpu.memref_slice %arg5[%add3A_139] : memref<1280000xf32, #tpu.memory_space<vmem_shared>> -> memref<3200xf32, #tpu.memory_space<vmem_shared>>
    tpu.wait_dma2 semaphore(%arg17 : memref<!tpu.dma_semaphore, #tpu.memory_space<semaphore_mem>>) src(%arg12 : memref<3200xf32, #tpu.memory_space<vmem>>) dst(%dma_wait3A_246 : memref<3200xf32, #tpu.memory_space<vmem_shared>>)
    %dma_wait3A_247 = tpu.memref_slice %arg5[%add3A_145] : memref<1280000xf32, #tpu.memory_space<vmem_shared>> -> memref<3200xf32, #tpu.memory_space<vmem_shared>>
    %dma_wait3A_248 = tpu.memref_slice %arg5[%add3A_145] : memref<1280000xf32, #tpu.memory_space<vmem_shared>> -> memref<3200xf32, #tpu.memory_space<vmem_shared>>
    tpu.wait_dma2 semaphore(%arg17 : memref<!tpu.dma_semaphore, #tpu.memory_space<semaphore_mem>>) src(%arg12 : memref<3200xf32, #tpu.memory_space<vmem>>) dst(%dma_wait3A_248 : memref<3200xf32, #tpu.memory_space<vmem_shared>>)
    %dma_wait3A_249 = tpu.memref_slice %arg5[%add3A_151] : memref<1280000xf32, #tpu.memory_space<vmem_shared>> -> memref<3200xf32, #tpu.memory_space<vmem_shared>>
    %dma_wait3A_250 = tpu.memref_slice %arg5[%add3A_151] : memref<1280000xf32, #tpu.memory_space<vmem_shared>> -> memref<3200xf32, #tpu.memory_space<vmem_shared>>
    tpu.wait_dma2 semaphore(%arg17 : memref<!tpu.dma_semaphore, #tpu.memory_space<semaphore_mem>>) src(%arg12 : memref<3200xf32, #tpu.memory_space<vmem>>) dst(%dma_wait3A_250 : memref<3200xf32, #tpu.memory_space<vmem_shared>>)
    %dma_wait3A_251 = tpu.memref_slice %arg5[%add3A_157] : memref<1280000xf32, #tpu.memory_space<vmem_shared>> -> memref<3200xf32, #tpu.memory_space<vmem_shared>>
    %dma_wait3A_252 = tpu.memref_slice %arg5[%add3A_157] : memref<1280000xf32, #tpu.memory_space<vmem_shared>> -> memref<3200xf32, #tpu.memory_space<vmem_shared>>
    tpu.wait_dma2 semaphore(%arg17 : memref<!tpu.dma_semaphore, #tpu.memory_space<semaphore_mem>>) src(%arg12 : memref<3200xf32, #tpu.memory_space<vmem>>) dst(%dma_wait3A_252 : memref<3200xf32, #tpu.memory_space<vmem_shared>>)
    %dma_wait3A_253 = tpu.memref_slice %arg5[%add3A_163] : memref<1280000xf32, #tpu.memory_space<vmem_shared>> -> memref<3200xf32, #tpu.memory_space<vmem_shared>>
    %dma_wait3A_254 = tpu.memref_slice %arg5[%add3A_163] : memref<1280000xf32, #tpu.memory_space<vmem_shared>> -> memref<3200xf32, #tpu.memory_space<vmem_shared>>
    tpu.wait_dma2 semaphore(%arg17 : memref<!tpu.dma_semaphore, #tpu.memory_space<semaphore_mem>>) src(%arg12 : memref<3200xf32, #tpu.memory_space<vmem>>) dst(%dma_wait3A_254 : memref<3200xf32, #tpu.memory_space<vmem_shared>>)
    %dma_wait3A_255 = tpu.memref_slice %arg5[%add3A_169] : memref<1280000xf32, #tpu.memory_space<vmem_shared>> -> memref<3200xf32, #tpu.memory_space<vmem_shared>>
    %dma_wait3A_256 = tpu.memref_slice %arg5[%add3A_169] : memref<1280000xf32, #tpu.memory_space<vmem_shared>> -> memref<3200xf32, #tpu.memory_space<vmem_shared>>
    tpu.wait_dma2 semaphore(%arg17 : memref<!tpu.dma_semaphore, #tpu.memory_space<semaphore_mem>>) src(%arg12 : memref<3200xf32, #tpu.memory_space<vmem>>) dst(%dma_wait3A_256 : memref<3200xf32, #tpu.memory_space<vmem_shared>>)
    %dma_wait3A_257 = tpu.memref_slice %arg5[%add3A_175] : memref<1280000xf32, #tpu.memory_space<vmem_shared>> -> memref<3200xf32, #tpu.memory_space<vmem_shared>>
    %dma_wait3A_258 = tpu.memref_slice %arg5[%add3A_175] : memref<1280000xf32, #tpu.memory_space<vmem_shared>> -> memref<3200xf32, #tpu.memory_space<vmem_shared>>
    tpu.wait_dma2 semaphore(%arg17 : memref<!tpu.dma_semaphore, #tpu.memory_space<semaphore_mem>>) src(%arg12 : memref<3200xf32, #tpu.memory_space<vmem>>) dst(%dma_wait3A_258 : memref<3200xf32, #tpu.memory_space<vmem_shared>>)
    %dma_wait3A_259 = tpu.memref_slice %arg5[%add3A_181] : memref<1280000xf32, #tpu.memory_space<vmem_shared>> -> memref<3200xf32, #tpu.memory_space<vmem_shared>>
    %dma_wait3A_260 = tpu.memref_slice %arg5[%add3A_181] : memref<1280000xf32, #tpu.memory_space<vmem_shared>> -> memref<3200xf32, #tpu.memory_space<vmem_shared>>
    tpu.wait_dma2 semaphore(%arg17 : memref<!tpu.dma_semaphore, #tpu.memory_space<semaphore_mem>>) src(%arg12 : memref<3200xf32, #tpu.memory_space<vmem>>) dst(%dma_wait3A_260 : memref<3200xf32, #tpu.memory_space<vmem_shared>>)
    %dma_wait3A_261 = tpu.memref_slice %arg5[%add3A_187] : memref<1280000xf32, #tpu.memory_space<vmem_shared>> -> memref<3200xf32, #tpu.memory_space<vmem_shared>>
    %dma_wait3A_262 = tpu.memref_slice %arg5[%add3A_187] : memref<1280000xf32, #tpu.memory_space<vmem_shared>> -> memref<3200xf32, #tpu.memory_space<vmem_shared>>
    tpu.wait_dma2 semaphore(%arg17 : memref<!tpu.dma_semaphore, #tpu.memory_space<semaphore_mem>>) src(%arg12 : memref<3200xf32, #tpu.memory_space<vmem>>) dst(%dma_wait3A_262 : memref<3200xf32, #tpu.memory_space<vmem_shared>>)
    %dma_wait3A_263 = tpu.memref_slice %arg5[%add3A_193] : memref<1280000xf32, #tpu.memory_space<vmem_shared>> -> memref<3200xf32, #tpu.memory_space<vmem_shared>>
    %dma_wait3A_264 = tpu.memref_slice %arg5[%add3A_193] : memref<1280000xf32, #tpu.memory_space<vmem_shared>> -> memref<3200xf32, #tpu.memory_space<vmem_shared>>
    tpu.wait_dma2 semaphore(%arg17 : memref<!tpu.dma_semaphore, #tpu.memory_space<semaphore_mem>>) src(%arg12 : memref<3200xf32, #tpu.memory_space<vmem>>) dst(%dma_wait3A_264 : memref<3200xf32, #tpu.memory_space<vmem_shared>>)
    %dma_wait3A_265 = tpu.memref_slice %arg5[%add3A_199] : memref<1280000xf32, #tpu.memory_space<vmem_shared>> -> memref<3200xf32, #tpu.memory_space<vmem_shared>>
    %dma_wait3A_266 = tpu.memref_slice %arg5[%add3A_199] : memref<1280000xf32, #tpu.memory_space<vmem_shared>> -> memref<3200xf32, #tpu.memory_space<vmem_shared>>
    tpu.wait_dma2 semaphore(%arg17 : memref<!tpu.dma_semaphore, #tpu.memory_space<semaphore_mem>>) src(%arg12 : memref<3200xf32, #tpu.memory_space<vmem>>) dst(%dma_wait3A_266 : memref<3200xf32, #tpu.memory_space<vmem_shared>>)
    %dma_wait3A_267 = tpu.memref_slice %arg5[%add3A_205] : memref<1280000xf32, #tpu.memory_space<vmem_shared>> -> memref<3200xf32, #tpu.memory_space<vmem_shared>>
    %dma_wait3A_268 = tpu.memref_slice %arg5[%add3A_205] : memref<1280000xf32, #tpu.memory_space<vmem_shared>> -> memref<3200xf32, #tpu.memory_space<vmem_shared>>
    tpu.wait_dma2 semaphore(%arg17 : memref<!tpu.dma_semaphore, #tpu.memory_space<semaphore_mem>>) src(%arg12 : memref<3200xf32, #tpu.memory_space<vmem>>) dst(%dma_wait3A_268 : memref<3200xf32, #tpu.memory_space<vmem_shared>>)
    %dma_wait3A_269 = tpu.memref_slice %arg5[%add3A_211] : memref<1280000xf32, #tpu.memory_space<vmem_shared>> -> memref<3200xf32, #tpu.memory_space<vmem_shared>>
    %dma_wait3A_270 = tpu.memref_slice %arg5[%add3A_211] : memref<1280000xf32, #tpu.memory_space<vmem_shared>> -> memref<3200xf32, #tpu.memory_space<vmem_shared>>
    tpu.wait_dma2 semaphore(%arg17 : memref<!tpu.dma_semaphore, #tpu.memory_space<semaphore_mem>>) src(%arg12 : memref<3200xf32, #tpu.memory_space<vmem>>) dst(%dma_wait3A_270 : memref<3200xf32, #tpu.memory_space<vmem_shared>>)
    %dma_wait3A_271 = tpu.memref_slice %arg5[%add3A_217] : memref<1280000xf32, #tpu.memory_space<vmem_shared>> -> memref<3200xf32, #tpu.memory_space<vmem_shared>>
    %dma_wait3A_272 = tpu.memref_slice %arg5[%add3A_217] : memref<1280000xf32, #tpu.memory_space<vmem_shared>> -> memref<3200xf32, #tpu.memory_space<vmem_shared>>
    tpu.wait_dma2 semaphore(%arg17 : memref<!tpu.dma_semaphore, #tpu.memory_space<semaphore_mem>>) src(%arg12 : memref<3200xf32, #tpu.memory_space<vmem>>) dst(%dma_wait3A_272 : memref<3200xf32, #tpu.memory_space<vmem_shared>>)
    %dma_wait3A_273 = tpu.memref_slice %arg5[%add3A_223] : memref<1280000xf32, #tpu.memory_space<vmem_shared>> -> memref<3200xf32, #tpu.memory_space<vmem_shared>>
    %dma_wait3A_274 = tpu.memref_slice %arg5[%add3A_223] : memref<1280000xf32, #tpu.memory_space<vmem_shared>> -> memref<3200xf32, #tpu.memory_space<vmem_shared>>
    tpu.wait_dma2 semaphore(%arg17 : memref<!tpu.dma_semaphore, #tpu.memory_space<semaphore_mem>>) src(%arg12 : memref<3200xf32, #tpu.memory_space<vmem>>) dst(%dma_wait3A_274 : memref<3200xf32, #tpu.memory_space<vmem_shared>>)
    %barrier3A = arith.constant 0 : index
    tpu.barrier barrier_id(%barrier3A)
    %dma_wait3A_275 = arith.constant 0 : i32
    %dma_wait3A_276 = arith.constant 0 : i32
    %dma_wait3A_277 = tpu.memref_slice %arg6[%dma_wait3A_276] : memref<7168xi32, #tpu.memory_space<vmem>> -> memref<7168xi32, #tpu.memory_space<vmem>>
    %dma_wait3A_278 = tpu.memref_slice %arg2[%mul3A_28] : memref<3833856xi32, #tpu.memory_space<hbm>> -> memref<7168xi32, #tpu.memory_space<hbm>>
    %dma_wait3A_279 = tpu.memref_slice %arg14[%dma_wait3A_275] : memref<3x!tpu.dma_semaphore, #tpu.memory_space<semaphore_mem>> -> memref<1x!tpu.dma_semaphore, #tpu.memory_space<semaphore_mem>>
    %dma_wait3A_280 = tpu.memref_squeeze %dma_wait3A_279 : memref<1x!tpu.dma_semaphore, #tpu.memory_space<semaphore_mem>> -> memref<!tpu.dma_semaphore, #tpu.memory_space<semaphore_mem>>
    %dma_wait3A_281 = arith.constant 0 : i32
    %dma_wait3A_282 = tpu.memref_slice %arg6[%dma_wait3A_281] : memref<7168xi32, #tpu.memory_space<vmem>> -> memref<7168xi32, #tpu.memory_space<vmem>>
    %dma_wait3A_283 = tpu.memref_slice %arg2[%mul3A_28] : memref<3833856xi32, #tpu.memory_space<hbm>> -> memref<7168xi32, #tpu.memory_space<hbm>>
    tpu.wait_dma2 semaphore(%dma_wait3A_280 : memref<!tpu.dma_semaphore, #tpu.memory_space<semaphore_mem>>) src(%dma_wait3A_283 : memref<7168xi32, #tpu.memory_space<hbm>>) dst(%dma_wait3A_282 : memref<7168xi32, #tpu.memory_space<vmem>>)
    %dma_wait3A_284 = arith.constant 0 : i32
    %dma_wait3A_285 = arith.constant 0 : i32
    %dma_wait3A_286 = tpu.memref_slice %arg9[%dma_wait3A_285] : memref<7168xf32, #tpu.memory_space<vmem>> -> memref<7168xf32, #tpu.memory_space<vmem>>
    %dma_wait3A_287 = tpu.memref_slice %arg3[%mul3A_28] : memref<3833856xf32, #tpu.memory_space<hbm>> -> memref<7168xf32, #tpu.memory_space<hbm>>
    %dma_wait3A_288 = tpu.memref_slice %arg14[%dma_wait3A_284] : memref<3x!tpu.dma_semaphore, #tpu.memory_space<semaphore_mem>> -> memref<1x!tpu.dma_semaphore, #tpu.memory_space<semaphore_mem>>
    %dma_wait3A_289 = tpu.memref_squeeze %dma_wait3A_288 : memref<1x!tpu.dma_semaphore, #tpu.memory_space<semaphore_mem>> -> memref<!tpu.dma_semaphore, #tpu.memory_space<semaphore_mem>>
    %dma_wait3A_290 = arith.constant 0 : i32
    %dma_wait3A_291 = tpu.memref_slice %arg9[%dma_wait3A_290] : memref<7168xf32, #tpu.memory_space<vmem>> -> memref<7168xf32, #tpu.memory_space<vmem>>
    %dma_wait3A_292 = tpu.memref_slice %arg3[%mul3A_28] : memref<3833856xf32, #tpu.memory_space<hbm>> -> memref<7168xf32, #tpu.memory_space<hbm>>
    tpu.wait_dma2 semaphore(%dma_wait3A_289 : memref<!tpu.dma_semaphore, #tpu.memory_space<semaphore_mem>>) src(%dma_wait3A_292 : memref<7168xf32, #tpu.memory_space<hbm>>) dst(%dma_wait3A_291 : memref<7168xf32, #tpu.memory_space<vmem>>)
    %dma_start3A_293 = arith.constant 0 : i32
    %dma_start3A_294 = arith.constant 0 : i32
    %dma_start3A_295 = tpu.memref_slice %arg5[%dma_start3A_294] : memref<1280000xf32, #tpu.memory_space<vmem_shared>> -> memref<1280000xf32, #tpu.memory_space<vmem_shared>>
    %dma_start3A_296 = tpu.memref_slice %arg15[%dma_start3A_293] : memref<3x!tpu.dma_semaphore, #tpu.memory_space<semaphore_mem>> -> memref<1x!tpu.dma_semaphore, #tpu.memory_space<semaphore_mem>>
    %dma_start3A_297 = tpu.memref_squeeze %dma_start3A_296 : memref<1x!tpu.dma_semaphore, #tpu.memory_space<semaphore_mem>> -> memref<!tpu.dma_semaphore, #tpu.memory_space<semaphore_mem>>
    tpu.enqueue_indirect_dma source(%arg9 : memref<7168xf32, #tpu.memory_space<vmem>>) target(%dma_start3A_295 : memref<1280000xf32, #tpu.memory_space<vmem_shared>>) offsets(%arg6 : memref<7168xi32, #tpu.memory_space<vmem>>) semaphore(%dma_start3A_297 : memref<!tpu.dma_semaphore, #tpu.memory_space<semaphore_mem>>) {add = true}
    %add3A_298 = arith.constant 3328 : i32
    %add3A_299 = arith.addi %add3A_298, %add3A : i32
    %add3A_300 = arith.constant 0 : i32
    %add3A_301 = arith.addi %add3A_299, %add3A_300 : i32
    %mul3A_302 = arith.constant 128 : i32
    %mul3A_303 = arith.muli %add3A_301, %mul3A_302 : i32
    %dma_start3A_304 = arith.constant 2 : i32
    %dma_start3A_305 = arith.constant 0 : i32
    %dma_start3A_306 = tpu.memref_slice %arg8[%dma_start3A_305] : memref<7168xi32, #tpu.memory_space<vmem>> -> memref<7168xi32, #tpu.memory_space<vmem>>
    %dma_start3A_307 = tpu.memref_slice %arg2[%mul3A_303] : memref<3833856xi32, #tpu.memory_space<hbm>> -> memref<7168xi32, #tpu.memory_space<hbm>>
    %dma_start3A_308 = tpu.memref_slice %arg14[%dma_start3A_304] : memref<3x!tpu.dma_semaphore, #tpu.memory_space<semaphore_mem>> -> memref<1x!tpu.dma_semaphore, #tpu.memory_space<semaphore_mem>>
    %dma_start3A_309 = tpu.memref_squeeze %dma_start3A_308 : memref<1x!tpu.dma_semaphore, #tpu.memory_space<semaphore_mem>> -> memref<!tpu.dma_semaphore, #tpu.memory_space<semaphore_mem>>
    %dma_start3A_310 = arith.constant 0 : i32
    %dma_start3A_311 = tpu.memref_slice %arg8[%dma_start3A_310] : memref<7168xi32, #tpu.memory_space<vmem>> -> memref<7168xi32, #tpu.memory_space<vmem>>
    %dma_start3A_312 = tpu.memref_slice %arg2[%mul3A_303] : memref<3833856xi32, #tpu.memory_space<hbm>> -> memref<7168xi32, #tpu.memory_space<hbm>>
    tpu.enqueue_dma source(%dma_start3A_312 : memref<7168xi32, #tpu.memory_space<hbm>>) target(%dma_start3A_311 : memref<7168xi32, #tpu.memory_space<vmem>>) target_semaphore(%dma_start3A_309 : memref<!tpu.dma_semaphore, #tpu.memory_space<semaphore_mem>>)
    %dma_start3A_313 = arith.constant 2 : i32
    %dma_start3A_314 = arith.constant 0 : i32
    %dma_start3A_315 = tpu.memref_slice %arg11[%dma_start3A_314] : memref<7168xf32, #tpu.memory_space<vmem>> -> memref<7168xf32, #tpu.memory_space<vmem>>
    %dma_start3A_316 = tpu.memref_slice %arg3[%mul3A_303] : memref<3833856xf32, #tpu.memory_space<hbm>> -> memref<7168xf32, #tpu.memory_space<hbm>>
    %dma_start3A_317 = tpu.memref_slice %arg14[%dma_start3A_313] : memref<3x!tpu.dma_semaphore, #tpu.memory_space<semaphore_mem>> -> memref<1x!tpu.dma_semaphore, #tpu.memory_space<semaphore_mem>>
    %dma_start3A_318 = tpu.memref_squeeze %dma_start3A_317 : memref<1x!tpu.dma_semaphore, #tpu.memory_space<semaphore_mem>> -> memref<!tpu.dma_semaphore, #tpu.memory_space<semaphore_mem>>
    %dma_start3A_319 = arith.constant 0 : i32
    %dma_start3A_320 = tpu.memref_slice %arg11[%dma_start3A_319] : memref<7168xf32, #tpu.memory_space<vmem>> -> memref<7168xf32, #tpu.memory_space<vmem>>
    %dma_start3A_321 = tpu.memref_slice %arg3[%mul3A_303] : memref<3833856xf32, #tpu.memory_space<hbm>> -> memref<7168xf32, #tpu.memory_space<hbm>>
    tpu.enqueue_dma source(%dma_start3A_321 : memref<7168xf32, #tpu.memory_space<hbm>>) target(%dma_start3A_320 : memref<7168xf32, #tpu.memory_space<vmem>>) target_semaphore(%dma_start3A_318 : memref<!tpu.dma_semaphore, #tpu.memory_space<semaphore_mem>>)
    %dma_wait3A_322 = arith.constant 1 : i32
    %dma_wait3A_323 = arith.constant 0 : i32
    %dma_wait3A_324 = tpu.memref_slice %arg7[%dma_wait3A_323] : memref<7168xi32, #tpu.memory_space<vmem>> -> memref<6144xi32, #tpu.memory_space<vmem>>
    %dma_wait3A_325 = tpu.memref_slice %arg2[%mul3A_51] : memref<3833856xi32, #tpu.memory_space<hbm>> -> memref<6144xi32, #tpu.memory_space<hbm>>
    %dma_wait3A_326 = tpu.memref_slice %arg14[%dma_wait3A_322] : memref<3x!tpu.dma_semaphore, #tpu.memory_space<semaphore_mem>> -> memref<1x!tpu.dma_semaphore, #tpu.memory_space<semaphore_mem>>
    %dma_wait3A_327 = tpu.memref_squeeze %dma_wait3A_326 : memref<1x!tpu.dma_semaphore, #tpu.memory_space<semaphore_mem>> -> memref<!tpu.dma_semaphore, #tpu.memory_space<semaphore_mem>>
    %dma_wait3A_328 = arith.constant 0 : i32
    %dma_wait3A_329 = tpu.memref_slice %arg7[%dma_wait3A_328] : memref<7168xi32, #tpu.memory_space<vmem>> -> memref<6144xi32, #tpu.memory_space<vmem>>
    %dma_wait3A_330 = tpu.memref_slice %arg2[%mul3A_51] : memref<3833856xi32, #tpu.memory_space<hbm>> -> memref<6144xi32, #tpu.memory_space<hbm>>
    tpu.wait_dma2 semaphore(%dma_wait3A_327 : memref<!tpu.dma_semaphore, #tpu.memory_space<semaphore_mem>>) src(%dma_wait3A_330 : memref<6144xi32, #tpu.memory_space<hbm>>) dst(%dma_wait3A_329 : memref<6144xi32, #tpu.memory_space<vmem>>)
    %dma_wait3A_331 = arith.constant 1 : i32
    %dma_wait3A_332 = arith.constant 0 : i32
    %dma_wait3A_333 = tpu.memref_slice %arg10[%dma_wait3A_332] : memref<7168xf32, #tpu.memory_space<vmem>> -> memref<6144xf32, #tpu.memory_space<vmem>>
    %dma_wait3A_334 = tpu.memref_slice %arg3[%mul3A_51] : memref<3833856xf32, #tpu.memory_space<hbm>> -> memref<6144xf32, #tpu.memory_space<hbm>>
    %dma_wait3A_335 = tpu.memref_slice %arg14[%dma_wait3A_331] : memref<3x!tpu.dma_semaphore, #tpu.memory_space<semaphore_mem>> -> memref<1x!tpu.dma_semaphore, #tpu.memory_space<semaphore_mem>>
    %dma_wait3A_336 = tpu.memref_squeeze %dma_wait3A_335 : memref<1x!tpu.dma_semaphore, #tpu.memory_space<semaphore_mem>> -> memref<!tpu.dma_semaphore, #tpu.memory_space<semaphore_mem>>
    %dma_wait3A_337 = arith.constant 0 : i32
    %dma_wait3A_338 = tpu.memref_slice %arg10[%dma_wait3A_337] : memref<7168xf32, #tpu.memory_space<vmem>> -> memref<6144xf32, #tpu.memory_space<vmem>>
    %dma_wait3A_339 = tpu.memref_slice %arg3[%mul3A_51] : memref<3833856xf32, #tpu.memory_space<hbm>> -> memref<6144xf32, #tpu.memory_space<hbm>>
    tpu.wait_dma2 semaphore(%dma_wait3A_336 : memref<!tpu.dma_semaphore, #tpu.memory_space<semaphore_mem>>) src(%dma_wait3A_339 : memref<6144xf32, #tpu.memory_space<hbm>>) dst(%dma_wait3A_338 : memref<6144xf32, #tpu.memory_space<vmem>>)
    %scan3A_340 = arith.constant 0 : i32
    %scan3A_341 = arith.constant 0 : i32
    %scan3A_342 = arith.constant 64 : i32
    %scan3A_343 = arith.addi %scan3A_341, %scan3A_342 : i32
    %scan3A_344 = arith.constant 1 : i32
    scf.for %scan3A_2059 = %scan3A_341 to %scan3A_343 step %scan3A_344  : i32 {
      %mul3A_2060 = arith.constant 16 : i32
      %mul3A_2061 = arith.muli %scan3A_2059, %mul3A_2060 : i32
      %add3A_2062 = arith.constant 6144 : i32
      %add3A_2063 = arith.addi %add3A_2062, %mul3A_2061 : i32
      %swap3A = arith.index_cast %add3A_2063 : i32 to index
      %swap3A_2064 = tpu.vector_load %arg10[%swap3A] {strides = array<i32>} : memref<7168xf32, #tpu.memory_space<vmem>>, vector<16xf32>,
      %swap3A_2065 = vector.shape_cast %swap3A_2064 : vector<16xf32> to vector<16xf32>
      %swap3A_2066 = vector.shape_cast %broadcast_in_dim3A_5 : vector<16xf32> to vector<16xf32>
      tpu.vector_store %arg10[%swap3A], %swap3A_2066 {strides = array<i32>} : memref<7168xf32, #tpu.memory_space<vmem>>, vector<16xf32>,
    }
    %scan3A_345 = arith.constant 64 : i32
    %dma_start3A_346 = arith.constant 1 : i32
    %dma_start3A_347 = arith.constant 0 : i32
    %dma_start3A_348 = tpu.memref_slice %arg5[%dma_start3A_347] : memref<1280000xf32, #tpu.memory_space<vmem_shared>> -> memref<1280000xf32, #tpu.memory_space<vmem_shared>>
    %dma_start3A_349 = tpu.memref_slice %arg15[%dma_start3A_346] : memref<3x!tpu.dma_semaphore, #tpu.memory_space<semaphore_mem>> -> memref<1x!tpu.dma_semaphore, #tpu.memory_space<semaphore_mem>>
    %dma_start3A_350 = tpu.memref_squeeze %dma_start3A_349 : memref<1x!tpu.dma_semaphore, #tpu.memory_space<semaphore_mem>> -> memref<!tpu.dma_semaphore, #tpu.memory_space<semaphore_mem>>
    tpu.enqueue_indirect_dma source(%arg10 : memref<7168xf32, #tpu.memory_space<vmem>>) target(%dma_start3A_348 : memref<1280000xf32, #tpu.memory_space<vmem_shared>>) offsets(%arg7 : memref<7168xi32, #tpu.memory_space<vmem>>) semaphore(%dma_start3A_350 : memref<!tpu.dma_semaphore, #tpu.memory_space<semaphore_mem>>) {add = true}
    %dma_wait3A_351 = arith.constant 0 : i32
    %dma_wait3A_352 = arith.constant 0 : i32
    %dma_wait3A_353 = tpu.memref_slice %arg3[%dma_wait3A_352] : memref<3833856xf32, #tpu.memory_space<hbm>> -> memref<7168xf32, #tpu.memory_space<hbm>>
    %dma_wait3A_354 = tpu.memref_slice %arg15[%dma_wait3A_351] : memref<3x!tpu.dma_semaphore, #tpu.memory_space<semaphore_mem>> -> memref<1x!tpu.dma_semaphore, #tpu.memory_space<semaphore_mem>>
    %dma_wait3A_355 = tpu.memref_squeeze %dma_wait3A_354 : memref<1x!tpu.dma_semaphore, #tpu.memory_space<semaphore_mem>> -> memref<!tpu.dma_semaphore, #tpu.memory_space<semaphore_mem>>
    %dma_wait3A_356 = arith.constant 0 : i32
    %dma_wait3A_357 = tpu.memref_slice %arg3[%dma_wait3A_356] : memref<3833856xf32, #tpu.memory_space<hbm>> -> memref<7168xf32, #tpu.memory_space<hbm>>
    tpu.wait_dma2 semaphore(%dma_wait3A_355 : memref<!tpu.dma_semaphore, #tpu.memory_space<semaphore_mem>>) src(%dma_wait3A_357 : memref<7168xf32, #tpu.memory_space<hbm>>) dst(%arg9 : memref<7168xf32, #tpu.memory_space<vmem>>)
    %add3A_358 = arith.constant 3328 : i32
    %add3A_359 = arith.addi %add3A_358, %add3A : i32
    %add3A_360 = arith.constant 56 : i32
    %add3A_361 = arith.addi %add3A_359, %add3A_360 : i32
    %mul3A_362 = arith.constant 128 : i32
    %mul3A_363 = arith.muli %add3A_361, %mul3A_362 : i32
    %dma_start3A_364 = arith.constant 0 : i32
    %dma_start3A_365 = arith.constant 0 : i32
    %dma_start3A_366 = tpu.memref_slice %arg6[%dma_start3A_365] : memref<7168xi32, #tpu.memory_space<vmem>> -> memref<6144xi32, #tpu.memory_space<vmem>>
    %dma_start3A_367 = tpu.memref_slice %arg2[%mul3A_363] : memref<3833856xi32, #tpu.memory_space<hbm>> -> memref<6144xi32, #tpu.memory_space<hbm>>
    %dma_start3A_368 = tpu.memref_slice %arg14[%dma_start3A_364] : memref<3x!tpu.dma_semaphore, #tpu.memory_space<semaphore_mem>> -> memref<1x!tpu.dma_semaphore, #tpu.memory_space<semaphore_mem>>
    %dma_start3A_369 = tpu.memref_squeeze %dma_start3A_368 : memref<1x!tpu.dma_semaphore, #tpu.memory_space<semaphore_mem>> -> memref<!tpu.dma_semaphore, #tpu.memory_space<semaphore_mem>>
    %dma_start3A_370 = arith.constant 0 : i32
    %dma_start3A_371 = tpu.memref_slice %arg6[%dma_start3A_370] : memref<7168xi32, #tpu.memory_space<vmem>> -> memref<6144xi32, #tpu.memory_space<vmem>>
    %dma_start3A_372 = tpu.memref_slice %arg2[%mul3A_363] : memref<3833856xi32, #tpu.memory_space<hbm>> -> memref<6144xi32, #tpu.memory_space<hbm>>
    tpu.enqueue_dma source(%dma_start3A_372 : memref<6144xi32, #tpu.memory_space<hbm>>) target(%dma_start3A_371 : memref<6144xi32, #tpu.memory_space<vmem>>) target_semaphore(%dma_start3A_369 : memref<!tpu.dma_semaphore, #tpu.memory_space<semaphore_mem>>)
    %dma_start3A_373 = arith.constant 0 : i32
    %dma_start3A_374 = arith.constant 0 : i32
    %dma_start3A_375 = tpu.memref_slice %arg9[%dma_start3A_374] : memref<7168xf32, #tpu.memory_space<vmem>> -> memref<6144xf32, #tpu.memory_space<vmem>>
    %dma_start3A_376 = tpu.memref_slice %arg3[%mul3A_363] : memref<3833856xf32, #tpu.memory_space<hbm>> -> memref<6144xf32, #tpu.memory_space<hbm>>
    %dma_start3A_377 = tpu.memref_slice %arg14[%dma_start3A_373] : memref<3x!tpu.dma_semaphore, #tpu.memory_space<semaphore_mem>> -> memref<1x!tpu.dma_semaphore, #tpu.memory_space<semaphore_mem>>
    %dma_start3A_378 = tpu.memref_squeeze %dma_start3A_377 : memref<1x!tpu.dma_semaphore, #tpu.memory_space<semaphore_mem>> -> memref<!tpu.dma_semaphore, #tpu.memory_space<semaphore_mem>>
    %dma_start3A_379 = arith.constant 0 : i32
    %dma_start3A_380 = tpu.memref_slice %arg9[%dma_start3A_379] : memref<7168xf32, #tpu.memory_space<vmem>> -> memref<6144xf32, #tpu.memory_space<vmem>>
    %dma_start3A_381 = tpu.memref_slice %arg3[%mul3A_363] : memref<3833856xf32, #tpu.memory_space<hbm>> -> memref<6144xf32, #tpu.memory_space<hbm>>
    tpu.enqueue_dma source(%dma_start3A_381 : memref<6144xf32, #tpu.memory_space<hbm>>) target(%dma_start3A_380 : memref<6144xf32, #tpu.memory_space<vmem>>) target_semaphore(%dma_start3A_378 : memref<!tpu.dma_semaphore, #tpu.memory_space<semaphore_mem>>)
    %dma_wait3A_382 = arith.constant 2 : i32
    %dma_wait3A_383 = arith.constant 0 : i32
    %dma_wait3A_384 = tpu.memref_slice %arg8[%dma_wait3A_383] : memref<7168xi32, #tpu.memory_space<vmem>> -> memref<7168xi32, #tpu.memory_space<vmem>>
    %dma_wait3A_385 = tpu.memref_slice %arg2[%mul3A_303] : memref<3833856xi32, #tpu.memory_space<hbm>> -> memref<7168xi32, #tpu.memory_space<hbm>>
    %dma_wait3A_386 = tpu.memref_slice %arg14[%dma_wait3A_382] : memref<3x!tpu.dma_semaphore, #tpu.memory_space<semaphore_mem>> -> memref<1x!tpu.dma_semaphore, #tpu.memory_space<semaphore_mem>>
    %dma_wait3A_387 = tpu.memref_squeeze %dma_wait3A_386 : memref<1x!tpu.dma_semaphore, #tpu.memory_space<semaphore_mem>> -> memref<!tpu.dma_semaphore, #tpu.memory_space<semaphore_mem>>
    %dma_wait3A_388 = arith.constant 0 : i32
    %dma_wait3A_389 = tpu.memref_slice %arg8[%dma_wait3A_388] : memref<7168xi32, #tpu.memory_space<vmem>> -> memref<7168xi32, #tpu.memory_space<vmem>>
    %dma_wait3A_390 = tpu.memref_slice %arg2[%mul3A_303] : memref<3833856xi32, #tpu.memory_space<hbm>> -> memref<7168xi32, #tpu.memory_space<hbm>>
    tpu.wait_dma2 semaphore(%dma_wait3A_387 : memref<!tpu.dma_semaphore, #tpu.memory_space<semaphore_mem>>) src(%dma_wait3A_390 : memref<7168xi32, #tpu.memory_space<hbm>>) dst(%dma_wait3A_389 : memref<7168xi32, #tpu.memory_space<vmem>>)
    %dma_wait3A_391 = arith.constant 2 : i32
    %dma_wait3A_392 = arith.constant 0 : i32
    %dma_wait3A_393 = tpu.memref_slice %arg11[%dma_wait3A_392] : memref<7168xf32, #tpu.memory_space<vmem>> -> memref<7168xf32, #tpu.memory_space<vmem>>
    %dma_wait3A_394 = tpu.memref_slice %arg3[%mul3A_303] : memref<3833856xf32, #tpu.memory_space<hbm>> -> memref<7168xf32, #tpu.memory_space<hbm>>
    %dma_wait3A_395 = tpu.memref_slice %arg14[%dma_wait3A_391] : memref<3x!tpu.dma_semaphore, #tpu.memory_space<semaphore_mem>> -> memref<1x!tpu.dma_semaphore, #tpu.memory_space<semaphore_mem>>
    %dma_wait3A_396 = tpu.memref_squeeze %dma_wait3A_395 : memref<1x!tpu.dma_semaphore, #tpu.memory_space<semaphore_mem>> -> memref<!tpu.dma_semaphore, #tpu.memory_space<semaphore_mem>>
    %dma_wait3A_397 = arith.constant 0 : i32
    %dma_wait3A_398 = tpu.memref_slice %arg11[%dma_wait3A_397] : memref<7168xf32, #tpu.memory_space<vmem>> -> memref<7168xf32, #tpu.memory_space<vmem>>
    %dma_wait3A_399 = tpu.memref_slice %arg3[%mul3A_303] : memref<3833856xf32, #tpu.memory_space<hbm>> -> memref<7168xf32, #tpu.memory_space<hbm>>
    tpu.wait_dma2 semaphore(%dma_wait3A_396 : memref<!tpu.dma_semaphore, #tpu.memory_space<semaphore_mem>>) src(%dma_wait3A_399 : memref<7168xf32, #tpu.memory_space<hbm>>) dst(%dma_wait3A_398 : memref<7168xf32, #tpu.memory_space<vmem>>)
    %dma_start3A_400 = arith.constant 2 : i32
    %dma_start3A_401 = arith.constant 0 : i32
    %dma_start3A_402 = tpu.memref_slice %arg5[%dma_start3A_401] : memref<1280000xf32, #tpu.memory_space<vmem_shared>> -> memref<1280000xf32, #tpu.memory_space<vmem_shared>>
    %dma_start3A_403 = tpu.memref_slice %arg15[%dma_start3A_400] : memref<3x!tpu.dma_semaphore, #tpu.memory_space<semaphore_mem>> -> memref<1x!tpu.dma_semaphore, #tpu.memory_space<semaphore_mem>>
    %dma_start3A_404 = tpu.memref_squeeze %dma_start3A_403 : memref<1x!tpu.dma_semaphore, #tpu.memory_space<semaphore_mem>> -> memref<!tpu.dma_semaphore, #tpu.memory_space<semaphore_mem>>
    tpu.enqueue_indirect_dma source(%arg11 : memref<7168xf32, #tpu.memory_space<vmem>>) target(%dma_start3A_402 : memref<1280000xf32, #tpu.memory_space<vmem_shared>>) offsets(%arg8 : memref<7168xi32, #tpu.memory_space<vmem>>) semaphore(%dma_start3A_404 : memref<!tpu.dma_semaphore, #tpu.memory_space<semaphore_mem>>) {add = true}
    %dma_wait3A_405 = arith.constant 1 : i32
    %dma_wait3A_406 = arith.constant 0 : i32
    %dma_wait3A_407 = tpu.memref_slice %arg3[%dma_wait3A_406] : memref<3833856xf32, #tpu.memory_space<hbm>> -> memref<7168xf32, #tpu.memory_space<hbm>>
    %dma_wait3A_408 = tpu.memref_slice %arg15[%dma_wait3A_405] : memref<3x!tpu.dma_semaphore, #tpu.memory_space<semaphore_mem>> -> memref<1x!tpu.dma_semaphore, #tpu.memory_space<semaphore_mem>>
    %dma_wait3A_409 = tpu.memref_squeeze %dma_wait3A_408 : memref<1x!tpu.dma_semaphore, #tpu.memory_space<semaphore_mem>> -> memref<!tpu.dma_semaphore, #tpu.memory_space<semaphore_mem>>
    %dma_wait3A_410 = arith.constant 0 : i32
    %dma_wait3A_411 = tpu.memref_slice %arg3[%dma_wait3A_410] : memref<3833856xf32, #tpu.memory_space<hbm>> -> memref<7168xf32, #tpu.memory_space<hbm>>
    tpu.wait_dma2 semaphore(%dma_wait3A_409 : memref<!tpu.dma_semaphore, #tpu.memory_space<semaphore_mem>>) src(%dma_wait3A_411 : memref<7168xf32, #tpu.memory_space<hbm>>) dst(%arg10 : memref<7168xf32, #tpu.memory_space<vmem>>)
    %add3A_412 = arith.constant 6656 : i32
    %add3A_413 = arith.addi %add3A_412, %add3A : i32
    %add3A_414 = arith.constant 0 : i32
    %add3A_415 = arith.addi %add3A_413, %add3A_414 : i32
    %mul3A_416 = arith.constant 128 : i32
    %mul3A_417 = arith.muli %add3A_415, %mul3A_416 : i32
    %dma_start3A_418 = arith.constant 1 : i32
    %dma_start3A_419 = arith.constant 0 : i32
    %dma_start3A_420 = tpu.memref_slice %arg7[%dma_start3A_419] : memref<7168xi32, #tpu.memory_space<vmem>> -> memref<7168xi32, #tpu.memory_space<vmem>>
    %dma_start3A_421 = tpu.memref_slice %arg2[%mul3A_417] : memref<3833856xi32, #tpu.memory_space<hbm>> -> memref<7168xi32, #tpu.memory_space<hbm>>
    %dma_start3A_422 = tpu.memref_slice %arg14[%dma_start3A_418] : memref<3x!tpu.dma_semaphore, #tpu.memory_space<semaphore_mem>> -> memref<1x!tpu.dma_semaphore, #tpu.memory_space<semaphore_mem>>
    %dma_start3A_423 = tpu.memref_squeeze %dma_start3A_422 : memref<1x!tpu.dma_semaphore, #tpu.memory_space<semaphore_mem>> -> memref<!tpu.dma_semaphore, #tpu.memory_space<semaphore_mem>>
    %dma_start3A_424 = arith.constant 0 : i32
    %dma_start3A_425 = tpu.memref_slice %arg7[%dma_start3A_424] : memref<7168xi32, #tpu.memory_space<vmem>> -> memref<7168xi32, #tpu.memory_space<vmem>>
    %dma_start3A_426 = tpu.memref_slice %arg2[%mul3A_417] : memref<3833856xi32, #tpu.memory_space<hbm>> -> memref<7168xi32, #tpu.memory_space<hbm>>
    tpu.enqueue_dma source(%dma_start3A_426 : memref<7168xi32, #tpu.memory_space<hbm>>) target(%dma_start3A_425 : memref<7168xi32, #tpu.memory_space<vmem>>) target_semaphore(%dma_start3A_423 : memref<!tpu.dma_semaphore, #tpu.memory_space<semaphore_mem>>)
    %dma_start3A_427 = arith.constant 1 : i32
    %dma_start3A_428 = arith.constant 0 : i32
    %dma_start3A_429 = tpu.memref_slice %arg10[%dma_start3A_428] : memref<7168xf32, #tpu.memory_space<vmem>> -> memref<7168xf32, #tpu.memory_space<vmem>>
    %dma_start3A_430 = tpu.memref_slice %arg3[%mul3A_417] : memref<3833856xf32, #tpu.memory_space<hbm>> -> memref<7168xf32, #tpu.memory_space<hbm>>
    %dma_start3A_431 = tpu.memref_slice %arg14[%dma_start3A_427] : memref<3x!tpu.dma_semaphore, #tpu.memory_space<semaphore_mem>> -> memref<1x!tpu.dma_semaphore, #tpu.memory_space<semaphore_mem>>
    %dma_start3A_432 = tpu.memref_squeeze %dma_start3A_431 : memref<1x!tpu.dma_semaphore, #tpu.memory_space<semaphore_mem>> -> memref<!tpu.dma_semaphore, #tpu.memory_space<semaphore_mem>>
    %dma_start3A_433 = arith.constant 0 : i32
    %dma_start3A_434 = tpu.memref_slice %arg10[%dma_start3A_433] : memref<7168xf32, #tpu.memory_space<vmem>> -> memref<7168xf32, #tpu.memory_space<vmem>>
    %dma_start3A_435 = tpu.memref_slice %arg3[%mul3A_417] : memref<3833856xf32, #tpu.memory_space<hbm>> -> memref<7168xf32, #tpu.memory_space<hbm>>
    tpu.enqueue_dma source(%dma_start3A_435 : memref<7168xf32, #tpu.memory_space<hbm>>) target(%dma_start3A_434 : memref<7168xf32, #tpu.memory_space<vmem>>) target_semaphore(%dma_start3A_432 : memref<!tpu.dma_semaphore, #tpu.memory_space<semaphore_mem>>)
    %dma_wait3A_436 = arith.constant 0 : i32
    %dma_wait3A_437 = arith.constant 0 : i32
    %dma_wait3A_438 = tpu.memref_slice %arg6[%dma_wait3A_437] : memref<7168xi32, #tpu.memory_space<vmem>> -> memref<6144xi32, #tpu.memory_space<vmem>>
    %dma_wait3A_439 = tpu.memref_slice %arg2[%mul3A_363] : memref<3833856xi32, #tpu.memory_space<hbm>> -> memref<6144xi32, #tpu.memory_space<hbm>>
    %dma_wait3A_440 = tpu.memref_slice %arg14[%dma_wait3A_436] : memref<3x!tpu.dma_semaphore, #tpu.memory_space<semaphore_mem>> -> memref<1x!tpu.dma_semaphore, #tpu.memory_space<semaphore_mem>>
    %dma_wait3A_441 = tpu.memref_squeeze %dma_wait3A_440 : memref<1x!tpu.dma_semaphore, #tpu.memory_space<semaphore_mem>> -> memref<!tpu.dma_semaphore, #tpu.memory_space<semaphore_mem>>
    %dma_wait3A_442 = arith.constant 0 : i32
    %dma_wait3A_443 = tpu.memref_slice %arg6[%dma_wait3A_442] : memref<7168xi32, #tpu.memory_space<vmem>> -> memref<6144xi32, #tpu.memory_space<vmem>>
    %dma_wait3A_444 = tpu.memref_slice %arg2[%mul3A_363] : memref<3833856xi32, #tpu.memory_space<hbm>> -> memref<6144xi32, #tpu.memory_space<hbm>>
    tpu.wait_dma2 semaphore(%dma_wait3A_441 : memref<!tpu.dma_semaphore, #tpu.memory_space<semaphore_mem>>) src(%dma_wait3A_444 : memref<6144xi32, #tpu.memory_space<hbm>>) dst(%dma_wait3A_443 : memref<6144xi32, #tpu.memory_space<vmem>>)
    %dma_wait3A_445 = arith.constant 0 : i32
    %dma_wait3A_446 = arith.constant 0 : i32
    %dma_wait3A_447 = tpu.memref_slice %arg9[%dma_wait3A_446] : memref<7168xf32, #tpu.memory_space<vmem>> -> memref<6144xf32, #tpu.memory_space<vmem>>
    %dma_wait3A_448 = tpu.memref_slice %arg3[%mul3A_363] : memref<3833856xf32, #tpu.memory_space<hbm>> -> memref<6144xf32, #tpu.memory_space<hbm>>
    %dma_wait3A_449 = tpu.memref_slice %arg14[%dma_wait3A_445] : memref<3x!tpu.dma_semaphore, #tpu.memory_space<semaphore_mem>> -> memref<1x!tpu.dma_semaphore, #tpu.memory_space<semaphore_mem>>
    %dma_wait3A_450 = tpu.memref_squeeze %dma_wait3A_449 : memref<1x!tpu.dma_semaphore, #tpu.memory_space<semaphore_mem>> -> memref<!tpu.dma_semaphore, #tpu.memory_space<semaphore_mem>>
    %dma_wait3A_451 = arith.constant 0 : i32
    %dma_wait3A_452 = tpu.memref_slice %arg9[%dma_wait3A_451] : memref<7168xf32, #tpu.memory_space<vmem>> -> memref<6144xf32, #tpu.memory_space<vmem>>
    %dma_wait3A_453 = tpu.memref_slice %arg3[%mul3A_363] : memref<3833856xf32, #tpu.memory_space<hbm>> -> memref<6144xf32, #tpu.memory_space<hbm>>
    tpu.wait_dma2 semaphore(%dma_wait3A_450 : memref<!tpu.dma_semaphore, #tpu.memory_space<semaphore_mem>>) src(%dma_wait3A_453 : memref<6144xf32, #tpu.memory_space<hbm>>) dst(%dma_wait3A_452 : memref<6144xf32, #tpu.memory_space<vmem>>)
    %scan3A_454 = arith.constant 0 : i32
    %scan3A_455 = arith.constant 0 : i32
    %scan3A_456 = arith.constant 64 : i32
    %scan3A_457 = arith.addi %scan3A_455, %scan3A_456 : i32
    %scan3A_458 = arith.constant 1 : i32
    scf.for %scan3A_2059 = %scan3A_455 to %scan3A_457 step %scan3A_458  : i32 {
      %mul3A_2060 = arith.constant 16 : i32
      %mul3A_2061 = arith.muli %scan3A_2059, %mul3A_2060 : i32
      %add3A_2062 = arith.constant 6144 : i32
      %add3A_2063 = arith.addi %add3A_2062, %mul3A_2061 : i32
      %swap3A = arith.index_cast %add3A_2063 : i32 to index
      %swap3A_2064 = tpu.vector_load %arg9[%swap3A] {strides = array<i32>} : memref<7168xf32, #tpu.memory_space<vmem>>, vector<16xf32>,
      %swap3A_2065 = vector.shape_cast %swap3A_2064 : vector<16xf32> to vector<16xf32>
      %swap3A_2066 = vector.shape_cast %broadcast_in_dim3A_5 : vector<16xf32> to vector<16xf32>
      tpu.vector_store %arg9[%swap3A], %swap3A_2066 {strides = array<i32>} : memref<7168xf32, #tpu.memory_space<vmem>>, vector<16xf32>,
    }
    %scan3A_459 = arith.constant 64 : i32
    %dma_start3A_460 = arith.constant 0 : i32
    %dma_start3A_461 = arith.constant 0 : i32
    %dma_start3A_462 = tpu.memref_slice %arg5[%dma_start3A_461] : memref<1280000xf32, #tpu.memory_space<vmem_shared>> -> memref<1280000xf32, #tpu.memory_space<vmem_shared>>
    %dma_start3A_463 = tpu.memref_slice %arg15[%dma_start3A_460] : memref<3x!tpu.dma_semaphore, #tpu.memory_space<semaphore_mem>> -> memref<1x!tpu.dma_semaphore, #tpu.memory_space<semaphore_mem>>
    %dma_start3A_464 = tpu.memref_squeeze %dma_start3A_463 : memref<1x!tpu.dma_semaphore, #tpu.memory_space<semaphore_mem>> -> memref<!tpu.dma_semaphore, #tpu.memory_space<semaphore_mem>>
    tpu.enqueue_indirect_dma source(%arg9 : memref<7168xf32, #tpu.memory_space<vmem>>) target(%dma_start3A_462 : memref<1280000xf32, #tpu.memory_space<vmem_shared>>) offsets(%arg6 : memref<7168xi32, #tpu.memory_space<vmem>>) semaphore(%dma_start3A_464 : memref<!tpu.dma_semaphore, #tpu.memory_space<semaphore_mem>>) {add = true}
    %dma_wait3A_465 = arith.constant 2 : i32
    %dma_wait3A_466 = arith.constant 0 : i32
    %dma_wait3A_467 = tpu.memref_slice %arg3[%dma_wait3A_466] : memref<3833856xf32, #tpu.memory_space<hbm>> -> memref<7168xf32, #tpu.memory_space<hbm>>
    %dma_wait3A_468 = tpu.memref_slice %arg15[%dma_wait3A_465] : memref<3x!tpu.dma_semaphore, #tpu.memory_space<semaphore_mem>> -> memref<1x!tpu.dma_semaphore, #tpu.memory_space<semaphore_mem>>
    %dma_wait3A_469 = tpu.memref_squeeze %dma_wait3A_468 : memref<1x!tpu.dma_semaphore, #tpu.memory_space<semaphore_mem>> -> memref<!tpu.dma_semaphore, #tpu.memory_space<semaphore_mem>>
    %dma_wait3A_470 = arith.constant 0 : i32
    %dma_wait3A_471 = tpu.memref_slice %arg3[%dma_wait3A_470] : memref<3833856xf32, #tpu.memory_space<hbm>> -> memref<7168xf32, #tpu.memory_space<hbm>>
    tpu.wait_dma2 semaphore(%dma_wait3A_469 : memref<!tpu.dma_semaphore, #tpu.memory_space<semaphore_mem>>) src(%dma_wait3A_471 : memref<7168xf32, #tpu.memory_space<hbm>>) dst(%arg11 : memref<7168xf32, #tpu.memory_space<vmem>>)
    %add3A_472 = arith.constant 6656 : i32
    %add3A_473 = arith.addi %add3A_472, %add3A : i32
    %add3A_474 = arith.constant 56 : i32
    %add3A_475 = arith.addi %add3A_473, %add3A_474 : i32
    %mul3A_476 = arith.constant 128 : i32
    %mul3A_477 = arith.muli %add3A_475, %mul3A_476 : i32
    %dma_start3A_478 = arith.constant 2 : i32
    %dma_start3A_479 = arith.constant 0 : i32
    %dma_start3A_480 = tpu.memref_slice %arg8[%dma_start3A_479] : memref<7168xi32, #tpu.memory_space<vmem>> -> memref<6144xi32, #tpu.memory_space<vmem>>
    %dma_start3A_481 = tpu.memref_slice %arg2[%mul3A_477] : memref<3833856xi32, #tpu.memory_space<hbm>> -> memref<6144xi32, #tpu.memory_space<hbm>>
    %dma_start3A_482 = tpu.memref_slice %arg14[%dma_start3A_478] : memref<3x!tpu.dma_semaphore, #tpu.memory_space<semaphore_mem>> -> memref<1x!tpu.dma_semaphore, #tpu.memory_space<semaphore_mem>>
    %dma_start3A_483 = tpu.memref_squeeze %dma_start3A_482 : memref<1x!tpu.dma_semaphore, #tpu.memory_space<semaphore_mem>> -> memref<!tpu.dma_semaphore, #tpu.memory_space<semaphore_mem>>
    %dma_start3A_484 = arith.constant 0 : i32
    %dma_start3A_485 = tpu.memref_slice %arg8[%dma_start3A_484] : memref<7168xi32, #tpu.memory_space<vmem>> -> memref<6144xi32, #tpu.memory_space<vmem>>
    %dma_start3A_486 = tpu.memref_slice %arg2[%mul3A_477] : memref<3833856xi32, #tpu.memory_space<hbm>> -> memref<6144xi32, #tpu.memory_space<hbm>>
    tpu.enqueue_dma source(%dma_start3A_486 : memref<6144xi32, #tpu.memory_space<hbm>>) target(%dma_start3A_485 : memref<6144xi32, #tpu.memory_space<vmem>>) target_semaphore(%dma_start3A_483 : memref<!tpu.dma_semaphore, #tpu.memory_space<semaphore_mem>>)
    %dma_start3A_487 = arith.constant 2 : i32
    %dma_start3A_488 = arith.constant 0 : i32
    %dma_start3A_489 = tpu.memref_slice %arg11[%dma_start3A_488] : memref<7168xf32, #tpu.memory_space<vmem>> -> memref<6144xf32, #tpu.memory_space<vmem>>
    %dma_start3A_490 = tpu.memref_slice %arg3[%mul3A_477] : memref<3833856xf32, #tpu.memory_space<hbm>> -> memref<6144xf32, #tpu.memory_space<hbm>>
    %dma_start3A_491 = tpu.memref_slice %arg14[%dma_start3A_487] : memref<3x!tpu.dma_semaphore, #tpu.memory_space<semaphore_mem>> -> memref<1x!tpu.dma_semaphore, #tpu.memory_space<semaphore_mem>>
    %dma_start3A_492 = tpu.memref_squeeze %dma_start3A_491 : memref<1x!tpu.dma_semaphore, #tpu.memory_space<semaphore_mem>> -> memref<!tpu.dma_semaphore, #tpu.memory_space<semaphore_mem>>
    %dma_start3A_493 = arith.constant 0 : i32
    %dma_start3A_494 = tpu.memref_slice %arg11[%dma_start3A_493] : memref<7168xf32, #tpu.memory_space<vmem>> -> memref<6144xf32, #tpu.memory_space<vmem>>
    %dma_start3A_495 = tpu.memref_slice %arg3[%mul3A_477] : memref<3833856xf32, #tpu.memory_space<hbm>> -> memref<6144xf32, #tpu.memory_space<hbm>>
    tpu.enqueue_dma source(%dma_start3A_495 : memref<6144xf32, #tpu.memory_space<hbm>>) target(%dma_start3A_494 : memref<6144xf32, #tpu.memory_space<vmem>>) target_semaphore(%dma_start3A_492 : memref<!tpu.dma_semaphore, #tpu.memory_space<semaphore_mem>>)
    %dma_wait3A_496 = arith.constant 1 : i32
    %dma_wait3A_497 = arith.constant 0 : i32
    %dma_wait3A_498 = tpu.memref_slice %arg7[%dma_wait3A_497] : memref<7168xi32, #tpu.memory_space<vmem>> -> memref<7168xi32, #tpu.memory_space<vmem>>
    %dma_wait3A_499 = tpu.memref_slice %arg2[%mul3A_417] : memref<3833856xi32, #tpu.memory_space<hbm>> -> memref<7168xi32, #tpu.memory_space<hbm>>
    %dma_wait3A_500 = tpu.memref_slice %arg14[%dma_wait3A_496] : memref<3x!tpu.dma_semaphore, #tpu.memory_space<semaphore_mem>> -> memref<1x!tpu.dma_semaphore, #tpu.memory_space<semaphore_mem>>
    %dma_wait3A_501 = tpu.memref_squeeze %dma_wait3A_500 : memref<1x!tpu.dma_semaphore, #tpu.memory_space<semaphore_mem>> -> memref<!tpu.dma_semaphore, #tpu.memory_space<semaphore_mem>>
    %dma_wait3A_502 = arith.constant 0 : i32
    %dma_wait3A_503 = tpu.memref_slice %arg7[%dma_wait3A_502] : memref<7168xi32, #tpu.memory_space<vmem>> -> memref<7168xi32, #tpu.memory_space<vmem>>
    %dma_wait3A_504 = tpu.memref_slice %arg2[%mul3A_417] : memref<3833856xi32, #tpu.memory_space<hbm>> -> memref<7168xi32, #tpu.memory_space<hbm>>
    tpu.wait_dma2 semaphore(%dma_wait3A_501 : memref<!tpu.dma_semaphore, #tpu.memory_space<semaphore_mem>>) src(%dma_wait3A_504 : memref<7168xi32, #tpu.memory_space<hbm>>) dst(%dma_wait3A_503 : memref<7168xi32, #tpu.memory_space<vmem>>)
    %dma_wait3A_505 = arith.constant 1 : i32
    %dma_wait3A_506 = arith.constant 0 : i32
    %dma_wait3A_507 = tpu.memref_slice %arg10[%dma_wait3A_506] : memref<7168xf32, #tpu.memory_space<vmem>> -> memref<7168xf32, #tpu.memory_space<vmem>>
    %dma_wait3A_508 = tpu.memref_slice %arg3[%mul3A_417] : memref<3833856xf32, #tpu.memory_space<hbm>> -> memref<7168xf32, #tpu.memory_space<hbm>>
    %dma_wait3A_509 = tpu.memref_slice %arg14[%dma_wait3A_505] : memref<3x!tpu.dma_semaphore, #tpu.memory_space<semaphore_mem>> -> memref<1x!tpu.dma_semaphore, #tpu.memory_space<semaphore_mem>>
    %dma_wait3A_510 = tpu.memref_squeeze %dma_wait3A_509 : memref<1x!tpu.dma_semaphore, #tpu.memory_space<semaphore_mem>> -> memref<!tpu.dma_semaphore, #tpu.memory_space<semaphore_mem>>
    %dma_wait3A_511 = arith.constant 0 : i32
    %dma_wait3A_512 = tpu.memref_slice %arg10[%dma_wait3A_511] : memref<7168xf32, #tpu.memory_space<vmem>> -> memref<7168xf32, #tpu.memory_space<vmem>>
    %dma_wait3A_513 = tpu.memref_slice %arg3[%mul3A_417] : memref<3833856xf32, #tpu.memory_space<hbm>> -> memref<7168xf32, #tpu.memory_space<hbm>>
    tpu.wait_dma2 semaphore(%dma_wait3A_510 : memref<!tpu.dma_semaphore, #tpu.memory_space<semaphore_mem>>) src(%dma_wait3A_513 : memref<7168xf32, #tpu.memory_space<hbm>>) dst(%dma_wait3A_512 : memref<7168xf32, #tpu.memory_space<vmem>>)
    %dma_start3A_514 = arith.constant 1 : i32
    %dma_start3A_515 = arith.constant 0 : i32
    %dma_start3A_516 = tpu.memref_slice %arg5[%dma_start3A_515] : memref<1280000xf32, #tpu.memory_space<vmem_shared>> -> memref<1280000xf32, #tpu.memory_space<vmem_shared>>
    %dma_start3A_517 = tpu.memref_slice %arg15[%dma_start3A_514] : memref<3x!tpu.dma_semaphore, #tpu.memory_space<semaphore_mem>> -> memref<1x!tpu.dma_semaphore, #tpu.memory_space<semaphore_mem>>
    %dma_start3A_518 = tpu.memref_squeeze %dma_start3A_517 : memref<1x!tpu.dma_semaphore, #tpu.memory_space<semaphore_mem>> -> memref<!tpu.dma_semaphore, #tpu.memory_space<semaphore_mem>>
    tpu.enqueue_indirect_dma source(%arg10 : memref<7168xf32, #tpu.memory_space<vmem>>) target(%dma_start3A_516 : memref<1280000xf32, #tpu.memory_space<vmem_shared>>) offsets(%arg7 : memref<7168xi32, #tpu.memory_space<vmem>>) semaphore(%dma_start3A_518 : memref<!tpu.dma_semaphore, #tpu.memory_space<semaphore_mem>>) {add = true}
    %dma_wait3A_519 = arith.constant 0 : i32
    %dma_wait3A_520 = arith.constant 0 : i32
    %dma_wait3A_521 = tpu.memref_slice %arg3[%dma_wait3A_520] : memref<3833856xf32, #tpu.memory_space<hbm>> -> memref<7168xf32, #tpu.memory_space<hbm>>
    %dma_wait3A_522 = tpu.memref_slice %arg15[%dma_wait3A_519] : memref<3x!tpu.dma_semaphore, #tpu.memory_space<semaphore_mem>> -> memref<1x!tpu.dma_semaphore, #tpu.memory_space<semaphore_mem>>
    %dma_wait3A_523 = tpu.memref_squeeze %dma_wait3A_522 : memref<1x!tpu.dma_semaphore, #tpu.memory_space<semaphore_mem>> -> memref<!tpu.dma_semaphore, #tpu.memory_space<semaphore_mem>>
    %dma_wait3A_524 = arith.constant 0 : i32
    %dma_wait3A_525 = tpu.memref_slice %arg3[%dma_wait3A_524] : memref<3833856xf32, #tpu.memory_space<hbm>> -> memref<7168xf32, #tpu.memory_space<hbm>>
    tpu.wait_dma2 semaphore(%dma_wait3A_523 : memref<!tpu.dma_semaphore, #tpu.memory_space<semaphore_mem>>) src(%dma_wait3A_525 : memref<7168xf32, #tpu.memory_space<hbm>>) dst(%arg9 : memref<7168xf32, #tpu.memory_space<vmem>>)
    %add3A_526 = arith.constant 9984 : i32
    %add3A_527 = arith.addi %add3A_526, %add3A : i32
    %add3A_528 = arith.constant 0 : i32
    %add3A_529 = arith.addi %add3A_527, %add3A_528 : i32
    %mul3A_530 = arith.constant 128 : i32
    %mul3A_531 = arith.muli %add3A_529, %mul3A_530 : i32
    %dma_start3A_532 = arith.constant 0 : i32
    %dma_start3A_533 = arith.constant 0 : i32
    %dma_start3A_534 = tpu.memref_slice %arg6[%dma_start3A_533] : memref<7168xi32, #tpu.memory_space<vmem>> -> memref<7168xi32, #tpu.memory_space<vmem>>
    %dma_start3A_535 = tpu.memref_slice %arg2[%mul3A_531] : memref<3833856xi32, #tpu.memory_space<hbm>> -> memref<7168xi32, #tpu.memory_space<hbm>>
    %dma_start3A_536 = tpu.memref_slice %arg14[%dma_start3A_532] : memref<3x!tpu.dma_semaphore, #tpu.memory_space<semaphore_mem>> -> memref<1x!tpu.dma_semaphore, #tpu.memory_space<semaphore_mem>>
    %dma_start3A_537 = tpu.memref_squeeze %dma_start3A_536 : memref<1x!tpu.dma_semaphore, #tpu.memory_space<semaphore_mem>> -> memref<!tpu.dma_semaphore, #tpu.memory_space<semaphore_mem>>
    %dma_start3A_538 = arith.constant 0 : i32
    %dma_start3A_539 = tpu.memref_slice %arg6[%dma_start3A_538] : memref<7168xi32, #tpu.memory_space<vmem>> -> memref<7168xi32, #tpu.memory_space<vmem>>
    %dma_start3A_540 = tpu.memref_slice %arg2[%mul3A_531] : memref<3833856xi32, #tpu.memory_space<hbm>> -> memref<7168xi32, #tpu.memory_space<hbm>>
    tpu.enqueue_dma source(%dma_start3A_540 : memref<7168xi32, #tpu.memory_space<hbm>>) target(%dma_start3A_539 : memref<7168xi32, #tpu.memory_space<vmem>>) target_semaphore(%dma_start3A_537 : memref<!tpu.dma_semaphore, #tpu.memory_space<semaphore_mem>>)
    %dma_start3A_541 = arith.constant 0 : i32
    %dma_start3A_542 = arith.constant 0 : i32
    %dma_start3A_543 = tpu.memref_slice %arg9[%dma_start3A_542] : memref<7168xf32, #tpu.memory_space<vmem>> -> memref<7168xf32, #tpu.memory_space<vmem>>
    %dma_start3A_544 = tpu.memref_slice %arg3[%mul3A_531] : memref<3833856xf32, #tpu.memory_space<hbm>> -> memref<7168xf32, #tpu.memory_space<hbm>>
    %dma_start3A_545 = tpu.memref_slice %arg14[%dma_start3A_541] : memref<3x!tpu.dma_semaphore, #tpu.memory_space<semaphore_mem>> -> memref<1x!tpu.dma_semaphore, #tpu.memory_space<semaphore_mem>>
    %dma_start3A_546 = tpu.memref_squeeze %dma_start3A_545 : memref<1x!tpu.dma_semaphore, #tpu.memory_space<semaphore_mem>> -> memref<!tpu.dma_semaphore, #tpu.memory_space<semaphore_mem>>
    %dma_start3A_547 = arith.constant 0 : i32
    %dma_start3A_548 = tpu.memref_slice %arg9[%dma_start3A_547] : memref<7168xf32, #tpu.memory_space<vmem>> -> memref<7168xf32, #tpu.memory_space<vmem>>
    %dma_start3A_549 = tpu.memref_slice %arg3[%mul3A_531] : memref<3833856xf32, #tpu.memory_space<hbm>> -> memref<7168xf32, #tpu.memory_space<hbm>>
    tpu.enqueue_dma source(%dma_start3A_549 : memref<7168xf32, #tpu.memory_space<hbm>>) target(%dma_start3A_548 : memref<7168xf32, #tpu.memory_space<vmem>>) target_semaphore(%dma_start3A_546 : memref<!tpu.dma_semaphore, #tpu.memory_space<semaphore_mem>>)
    %dma_wait3A_550 = arith.constant 2 : i32
    %dma_wait3A_551 = arith.constant 0 : i32
    %dma_wait3A_552 = tpu.memref_slice %arg8[%dma_wait3A_551] : memref<7168xi32, #tpu.memory_space<vmem>> -> memref<6144xi32, #tpu.memory_space<vmem>>
    %dma_wait3A_553 = tpu.memref_slice %arg2[%mul3A_477] : memref<3833856xi32, #tpu.memory_space<hbm>> -> memref<6144xi32, #tpu.memory_space<hbm>>
    %dma_wait3A_554 = tpu.memref_slice %arg14[%dma_wait3A_550] : memref<3x!tpu.dma_semaphore, #tpu.memory_space<semaphore_mem>> -> memref<1x!tpu.dma_semaphore, #tpu.memory_space<semaphore_mem>>
    %dma_wait3A_555 = tpu.memref_squeeze %dma_wait3A_554 : memref<1x!tpu.dma_semaphore, #tpu.memory_space<semaphore_mem>> -> memref<!tpu.dma_semaphore, #tpu.memory_space<semaphore_mem>>
    %dma_wait3A_556 = arith.constant 0 : i32
    %dma_wait3A_557 = tpu.memref_slice %arg8[%dma_wait3A_556] : memref<7168xi32, #tpu.memory_space<vmem>> -> memref<6144xi32, #tpu.memory_space<vmem>>
    %dma_wait3A_558 = tpu.memref_slice %arg2[%mul3A_477] : memref<3833856xi32, #tpu.memory_space<hbm>> -> memref<6144xi32, #tpu.memory_space<hbm>>
    tpu.wait_dma2 semaphore(%dma_wait3A_555 : memref<!tpu.dma_semaphore, #tpu.memory_space<semaphore_mem>>) src(%dma_wait3A_558 : memref<6144xi32, #tpu.memory_space<hbm>>) dst(%dma_wait3A_557 : memref<6144xi32, #tpu.memory_space<vmem>>)
    %dma_wait3A_559 = arith.constant 2 : i32
    %dma_wait3A_560 = arith.constant 0 : i32
    %dma_wait3A_561 = tpu.memref_slice %arg11[%dma_wait3A_560] : memref<7168xf32, #tpu.memory_space<vmem>> -> memref<6144xf32, #tpu.memory_space<vmem>>
    %dma_wait3A_562 = tpu.memref_slice %arg3[%mul3A_477] : memref<3833856xf32, #tpu.memory_space<hbm>> -> memref<6144xf32, #tpu.memory_space<hbm>>
    %dma_wait3A_563 = tpu.memref_slice %arg14[%dma_wait3A_559] : memref<3x!tpu.dma_semaphore, #tpu.memory_space<semaphore_mem>> -> memref<1x!tpu.dma_semaphore, #tpu.memory_space<semaphore_mem>>
    %dma_wait3A_564 = tpu.memref_squeeze %dma_wait3A_563 : memref<1x!tpu.dma_semaphore, #tpu.memory_space<semaphore_mem>> -> memref<!tpu.dma_semaphore, #tpu.memory_space<semaphore_mem>>
    %dma_wait3A_565 = arith.constant 0 : i32
    %dma_wait3A_566 = tpu.memref_slice %arg11[%dma_wait3A_565] : memref<7168xf32, #tpu.memory_space<vmem>> -> memref<6144xf32, #tpu.memory_space<vmem>>
    %dma_wait3A_567 = tpu.memref_slice %arg3[%mul3A_477] : memref<3833856xf32, #tpu.memory_space<hbm>> -> memref<6144xf32, #tpu.memory_space<hbm>>
    tpu.wait_dma2 semaphore(%dma_wait3A_564 : memref<!tpu.dma_semaphore, #tpu.memory_space<semaphore_mem>>) src(%dma_wait3A_567 : memref<6144xf32, #tpu.memory_space<hbm>>) dst(%dma_wait3A_566 : memref<6144xf32, #tpu.memory_space<vmem>>)
    %scan3A_568 = arith.constant 0 : i32
    %scan3A_569 = arith.constant 0 : i32
    %scan3A_570 = arith.constant 64 : i32
    %scan3A_571 = arith.addi %scan3A_569, %scan3A_570 : i32
    %scan3A_572 = arith.constant 1 : i32
    scf.for %scan3A_2059 = %scan3A_569 to %scan3A_571 step %scan3A_572  : i32 {
      %mul3A_2060 = arith.constant 16 : i32
      %mul3A_2061 = arith.muli %scan3A_2059, %mul3A_2060 : i32
      %add3A_2062 = arith.constant 6144 : i32
      %add3A_2063 = arith.addi %add3A_2062, %mul3A_2061 : i32
      %swap3A = arith.index_cast %add3A_2063 : i32 to index
      %swap3A_2064 = tpu.vector_load %arg11[%swap3A] {strides = array<i32>} : memref<7168xf32, #tpu.memory_space<vmem>>, vector<16xf32>,
      %swap3A_2065 = vector.shape_cast %swap3A_2064 : vector<16xf32> to vector<16xf32>
      %swap3A_2066 = vector.shape_cast %broadcast_in_dim3A_5 : vector<16xf32> to vector<16xf32>
      tpu.vector_store %arg11[%swap3A], %swap3A_2066 {strides = array<i32>} : memref<7168xf32, #tpu.memory_space<vmem>>, vector<16xf32>,
    }
    %scan3A_573 = arith.constant 64 : i32
    %dma_start3A_574 = arith.constant 2 : i32
    %dma_start3A_575 = arith.constant 0 : i32
    %dma_start3A_576 = tpu.memref_slice %arg5[%dma_start3A_575] : memref<1280000xf32, #tpu.memory_space<vmem_shared>> -> memref<1280000xf32, #tpu.memory_space<vmem_shared>>
    %dma_start3A_577 = tpu.memref_slice %arg15[%dma_start3A_574] : memref<3x!tpu.dma_semaphore, #tpu.memory_space<semaphore_mem>> -> memref<1x!tpu.dma_semaphore, #tpu.memory_space<semaphore_mem>>
    %dma_start3A_578 = tpu.memref_squeeze %dma_start3A_577 : memref<1x!tpu.dma_semaphore, #tpu.memory_space<semaphore_mem>> -> memref<!tpu.dma_semaphore, #tpu.memory_space<semaphore_mem>>
    tpu.enqueue_indirect_dma source(%arg11 : memref<7168xf32, #tpu.memory_space<vmem>>) target(%dma_start3A_576 : memref<1280000xf32, #tpu.memory_space<vmem_shared>>) offsets(%arg8 : memref<7168xi32, #tpu.memory_space<vmem>>) semaphore(%dma_start3A_578 : memref<!tpu.dma_semaphore, #tpu.memory_space<semaphore_mem>>) {add = true}
    %dma_wait3A_579 = arith.constant 1 : i32
    %dma_wait3A_580 = arith.constant 0 : i32
    %dma_wait3A_581 = tpu.memref_slice %arg3[%dma_wait3A_580] : memref<3833856xf32, #tpu.memory_space<hbm>> -> memref<7168xf32, #tpu.memory_space<hbm>>
    %dma_wait3A_582 = tpu.memref_slice %arg15[%dma_wait3A_579] : memref<3x!tpu.dma_semaphore, #tpu.memory_space<semaphore_mem>> -> memref<1x!tpu.dma_semaphore, #tpu.memory_space<semaphore_mem>>
    %dma_wait3A_583 = tpu.memref_squeeze %dma_wait3A_582 : memref<1x!tpu.dma_semaphore, #tpu.memory_space<semaphore_mem>> -> memref<!tpu.dma_semaphore, #tpu.memory_space<semaphore_mem>>
    %dma_wait3A_584 = arith.constant 0 : i32
    %dma_wait3A_585 = tpu.memref_slice %arg3[%dma_wait3A_584] : memref<3833856xf32, #tpu.memory_space<hbm>> -> memref<7168xf32, #tpu.memory_space<hbm>>
    tpu.wait_dma2 semaphore(%dma_wait3A_583 : memref<!tpu.dma_semaphore, #tpu.memory_space<semaphore_mem>>) src(%dma_wait3A_585 : memref<7168xf32, #tpu.memory_space<hbm>>) dst(%arg10 : memref<7168xf32, #tpu.memory_space<vmem>>)
    %add3A_586 = arith.constant 9984 : i32
    %add3A_587 = arith.addi %add3A_586, %add3A : i32
    %add3A_588 = arith.constant 56 : i32
    %add3A_589 = arith.addi %add3A_587, %add3A_588 : i32
    %mul3A_590 = arith.constant 128 : i32
    %mul3A_591 = arith.muli %add3A_589, %mul3A_590 : i32
    %dma_start3A_592 = arith.constant 1 : i32
    %dma_start3A_593 = arith.constant 0 : i32
    %dma_start3A_594 = tpu.memref_slice %arg7[%dma_start3A_593] : memref<7168xi32, #tpu.memory_space<vmem>> -> memref<6144xi32, #tpu.memory_space<vmem>>
    %dma_start3A_595 = tpu.memref_slice %arg2[%mul3A_591] : memref<3833856xi32, #tpu.memory_space<hbm>> -> memref<6144xi32, #tpu.memory_space<hbm>>
    %dma_start3A_596 = tpu.memref_slice %arg14[%dma_start3A_592] : memref<3x!tpu.dma_semaphore, #tpu.memory_space<semaphore_mem>> -> memref<1x!tpu.dma_semaphore, #tpu.memory_space<semaphore_mem>>
    %dma_start3A_597 = tpu.memref_squeeze %dma_start3A_596 : memref<1x!tpu.dma_semaphore, #tpu.memory_space<semaphore_mem>> -> memref<!tpu.dma_semaphore, #tpu.memory_space<semaphore_mem>>
    %dma_start3A_598 = arith.constant 0 : i32
    %dma_start3A_599 = tpu.memref_slice %arg7[%dma_start3A_598] : memref<7168xi32, #tpu.memory_space<vmem>> -> memref<6144xi32, #tpu.memory_space<vmem>>
    %dma_start3A_600 = tpu.memref_slice %arg2[%mul3A_591] : memref<3833856xi32, #tpu.memory_space<hbm>> -> memref<6144xi32, #tpu.memory_space<hbm>>
    tpu.enqueue_dma source(%dma_start3A_600 : memref<6144xi32, #tpu.memory_space<hbm>>) target(%dma_start3A_599 : memref<6144xi32, #tpu.memory_space<vmem>>) target_semaphore(%dma_start3A_597 : memref<!tpu.dma_semaphore, #tpu.memory_space<semaphore_mem>>)
    %dma_start3A_601 = arith.constant 1 : i32
    %dma_start3A_602 = arith.constant 0 : i32
    %dma_start3A_603 = tpu.memref_slice %arg10[%dma_start3A_602] : memref<7168xf32, #tpu.memory_space<vmem>> -> memref<6144xf32, #tpu.memory_space<vmem>>
    %dma_start3A_604 = tpu.memref_slice %arg3[%mul3A_591] : memref<3833856xf32, #tpu.memory_space<hbm>> -> memref<6144xf32, #tpu.memory_space<hbm>>
    %dma_start3A_605 = tpu.memref_slice %arg14[%dma_start3A_601] : memref<3x!tpu.dma_semaphore, #tpu.memory_space<semaphore_mem>> -> memref<1x!tpu.dma_semaphore, #tpu.memory_space<semaphore_mem>>
    %dma_start3A_606 = tpu.memref_squeeze %dma_start3A_605 : memref<1x!tpu.dma_semaphore, #tpu.memory_space<semaphore_mem>> -> memref<!tpu.dma_semaphore, #tpu.memory_space<semaphore_mem>>
    %dma_start3A_607 = arith.constant 0 : i32
    %dma_start3A_608 = tpu.memref_slice %arg10[%dma_start3A_607] : memref<7168xf32, #tpu.memory_space<vmem>> -> memref<6144xf32, #tpu.memory_space<vmem>>
    %dma_start3A_609 = tpu.memref_slice %arg3[%mul3A_591] : memref<3833856xf32, #tpu.memory_space<hbm>> -> memref<6144xf32, #tpu.memory_space<hbm>>
    tpu.enqueue_dma source(%dma_start3A_609 : memref<6144xf32, #tpu.memory_space<hbm>>) target(%dma_start3A_608 : memref<6144xf32, #tpu.memory_space<vmem>>) target_semaphore(%dma_start3A_606 : memref<!tpu.dma_semaphore, #tpu.memory_space<semaphore_mem>>)
    %dma_wait3A_610 = arith.constant 0 : i32
    %dma_wait3A_611 = arith.constant 0 : i32
    %dma_wait3A_612 = tpu.memref_slice %arg6[%dma_wait3A_611] : memref<7168xi32, #tpu.memory_space<vmem>> -> memref<7168xi32, #tpu.memory_space<vmem>>
    %dma_wait3A_613 = tpu.memref_slice %arg2[%mul3A_531] : memref<3833856xi32, #tpu.memory_space<hbm>> -> memref<7168xi32, #tpu.memory_space<hbm>>
    %dma_wait3A_614 = tpu.memref_slice %arg14[%dma_wait3A_610] : memref<3x!tpu.dma_semaphore, #tpu.memory_space<semaphore_mem>> -> memref<1x!tpu.dma_semaphore, #tpu.memory_space<semaphore_mem>>
    %dma_wait3A_615 = tpu.memref_squeeze %dma_wait3A_614 : memref<1x!tpu.dma_semaphore, #tpu.memory_space<semaphore_mem>> -> memref<!tpu.dma_semaphore, #tpu.memory_space<semaphore_mem>>
    %dma_wait3A_616 = arith.constant 0 : i32
    %dma_wait3A_617 = tpu.memref_slice %arg6[%dma_wait3A_616] : memref<7168xi32, #tpu.memory_space<vmem>> -> memref<7168xi32, #tpu.memory_space<vmem>>
    %dma_wait3A_618 = tpu.memref_slice %arg2[%mul3A_531] : memref<3833856xi32, #tpu.memory_space<hbm>> -> memref<7168xi32, #tpu.memory_space<hbm>>
    tpu.wait_dma2 semaphore(%dma_wait3A_615 : memref<!tpu.dma_semaphore, #tpu.memory_space<semaphore_mem>>) src(%dma_wait3A_618 : memref<7168xi32, #tpu.memory_space<hbm>>) dst(%dma_wait3A_617 : memref<7168xi32, #tpu.memory_space<vmem>>)
    %dma_wait3A_619 = arith.constant 0 : i32
    %dma_wait3A_620 = arith.constant 0 : i32
    %dma_wait3A_621 = tpu.memref_slice %arg9[%dma_wait3A_620] : memref<7168xf32, #tpu.memory_space<vmem>> -> memref<7168xf32, #tpu.memory_space<vmem>>
    %dma_wait3A_622 = tpu.memref_slice %arg3[%mul3A_531] : memref<3833856xf32, #tpu.memory_space<hbm>> -> memref<7168xf32, #tpu.memory_space<hbm>>
    %dma_wait3A_623 = tpu.memref_slice %arg14[%dma_wait3A_619] : memref<3x!tpu.dma_semaphore, #tpu.memory_space<semaphore_mem>> -> memref<1x!tpu.dma_semaphore, #tpu.memory_space<semaphore_mem>>
    %dma_wait3A_624 = tpu.memref_squeeze %dma_wait3A_623 : memref<1x!tpu.dma_semaphore, #tpu.memory_space<semaphore_mem>> -> memref<!tpu.dma_semaphore, #tpu.memory_space<semaphore_mem>>
    %dma_wait3A_625 = arith.constant 0 : i32
    %dma_wait3A_626 = tpu.memref_slice %arg9[%dma_wait3A_625] : memref<7168xf32, #tpu.memory_space<vmem>> -> memref<7168xf32, #tpu.memory_space<vmem>>
    %dma_wait3A_627 = tpu.memref_slice %arg3[%mul3A_531] : memref<3833856xf32, #tpu.memory_space<hbm>> -> memref<7168xf32, #tpu.memory_space<hbm>>
    tpu.wait_dma2 semaphore(%dma_wait3A_624 : memref<!tpu.dma_semaphore, #tpu.memory_space<semaphore_mem>>) src(%dma_wait3A_627 : memref<7168xf32, #tpu.memory_space<hbm>>) dst(%dma_wait3A_626 : memref<7168xf32, #tpu.memory_space<vmem>>)
    %dma_start3A_628 = arith.constant 0 : i32
    %dma_start3A_629 = arith.constant 0 : i32
    %dma_start3A_630 = tpu.memref_slice %arg5[%dma_start3A_629] : memref<1280000xf32, #tpu.memory_space<vmem_shared>> -> memref<1280000xf32, #tpu.memory_space<vmem_shared>>
    %dma_start3A_631 = tpu.memref_slice %arg15[%dma_start3A_628] : memref<3x!tpu.dma_semaphore, #tpu.memory_space<semaphore_mem>> -> memref<1x!tpu.dma_semaphore, #tpu.memory_space<semaphore_mem>>
    %dma_start3A_632 = tpu.memref_squeeze %dma_start3A_631 : memref<1x!tpu.dma_semaphore, #tpu.memory_space<semaphore_mem>> -> memref<!tpu.dma_semaphore, #tpu.memory_space<semaphore_mem>>
    tpu.enqueue_indirect_dma source(%arg9 : memref<7168xf32, #tpu.memory_space<vmem>>) target(%dma_start3A_630 : memref<1280000xf32, #tpu.memory_space<vmem_shared>>) offsets(%arg6 : memref<7168xi32, #tpu.memory_space<vmem>>) semaphore(%dma_start3A_632 : memref<!tpu.dma_semaphore, #tpu.memory_space<semaphore_mem>>) {add = true}
    %dma_wait3A_633 = arith.constant 2 : i32
    %dma_wait3A_634 = arith.constant 0 : i32
    %dma_wait3A_635 = tpu.memref_slice %arg3[%dma_wait3A_634] : memref<3833856xf32, #tpu.memory_space<hbm>> -> memref<7168xf32, #tpu.memory_space<hbm>>
    %dma_wait3A_636 = tpu.memref_slice %arg15[%dma_wait3A_633] : memref<3x!tpu.dma_semaphore, #tpu.memory_space<semaphore_mem>> -> memref<1x!tpu.dma_semaphore, #tpu.memory_space<semaphore_mem>>
    %dma_wait3A_637 = tpu.memref_squeeze %dma_wait3A_636 : memref<1x!tpu.dma_semaphore, #tpu.memory_space<semaphore_mem>> -> memref<!tpu.dma_semaphore, #tpu.memory_space<semaphore_mem>>
    %dma_wait3A_638 = arith.constant 0 : i32
    %dma_wait3A_639 = tpu.memref_slice %arg3[%dma_wait3A_638] : memref<3833856xf32, #tpu.memory_space<hbm>> -> memref<7168xf32, #tpu.memory_space<hbm>>
    tpu.wait_dma2 semaphore(%dma_wait3A_637 : memref<!tpu.dma_semaphore, #tpu.memory_space<semaphore_mem>>) src(%dma_wait3A_639 : memref<7168xf32, #tpu.memory_space<hbm>>) dst(%arg11 : memref<7168xf32, #tpu.memory_space<vmem>>)
    %add3A_640 = arith.constant 13312 : i32
    %add3A_641 = arith.addi %add3A_640, %add3A : i32
    %add3A_642 = arith.constant 0 : i32
    %add3A_643 = arith.addi %add3A_641, %add3A_642 : i32
    %mul3A_644 = arith.constant 128 : i32
    %mul3A_645 = arith.muli %add3A_643, %mul3A_644 : i32
    %dma_start3A_646 = arith.constant 2 : i32
    %dma_start3A_647 = arith.constant 0 : i32
    %dma_start3A_648 = tpu.memref_slice %arg8[%dma_start3A_647] : memref<7168xi32, #tpu.memory_space<vmem>> -> memref<7168xi32, #tpu.memory_space<vmem>>
    %dma_start3A_649 = tpu.memref_slice %arg2[%mul3A_645] : memref<3833856xi32, #tpu.memory_space<hbm>> -> memref<7168xi32, #tpu.memory_space<hbm>>
    %dma_start3A_650 = tpu.memref_slice %arg14[%dma_start3A_646] : memref<3x!tpu.dma_semaphore, #tpu.memory_space<semaphore_mem>> -> memref<1x!tpu.dma_semaphore, #tpu.memory_space<semaphore_mem>>
    %dma_start3A_651 = tpu.memref_squeeze %dma_start3A_650 : memref<1x!tpu.dma_semaphore, #tpu.memory_space<semaphore_mem>> -> memref<!tpu.dma_semaphore, #tpu.memory_space<semaphore_mem>>
    %dma_start3A_652 = arith.constant 0 : i32
    %dma_start3A_653 = tpu.memref_slice %arg8[%dma_start3A_652] : memref<7168xi32, #tpu.memory_space<vmem>> -> memref<7168xi32, #tpu.memory_space<vmem>>
    %dma_start3A_654 = tpu.memref_slice %arg2[%mul3A_645] : memref<3833856xi32, #tpu.memory_space<hbm>> -> memref<7168xi32, #tpu.memory_space<hbm>>
    tpu.enqueue_dma source(%dma_start3A_654 : memref<7168xi32, #tpu.memory_space<hbm>>) target(%dma_start3A_653 : memref<7168xi32, #tpu.memory_space<vmem>>) target_semaphore(%dma_start3A_651 : memref<!tpu.dma_semaphore, #tpu.memory_space<semaphore_mem>>)
    %dma_start3A_655 = arith.constant 2 : i32
    %dma_start3A_656 = arith.constant 0 : i32
    %dma_start3A_657 = tpu.memref_slice %arg11[%dma_start3A_656] : memref<7168xf32, #tpu.memory_space<vmem>> -> memref<7168xf32, #tpu.memory_space<vmem>>
    %dma_start3A_658 = tpu.memref_slice %arg3[%mul3A_645] : memref<3833856xf32, #tpu.memory_space<hbm>> -> memref<7168xf32, #tpu.memory_space<hbm>>
    %dma_start3A_659 = tpu.memref_slice %arg14[%dma_start3A_655] : memref<3x!tpu.dma_semaphore, #tpu.memory_space<semaphore_mem>> -> memref<1x!tpu.dma_semaphore, #tpu.memory_space<semaphore_mem>>
    %dma_start3A_660 = tpu.memref_squeeze %dma_start3A_659 : memref<1x!tpu.dma_semaphore, #tpu.memory_space<semaphore_mem>> -> memref<!tpu.dma_semaphore, #tpu.memory_space<semaphore_mem>>
    %dma_start3A_661 = arith.constant 0 : i32
    %dma_start3A_662 = tpu.memref_slice %arg11[%dma_start3A_661] : memref<7168xf32, #tpu.memory_space<vmem>> -> memref<7168xf32, #tpu.memory_space<vmem>>
    %dma_start3A_663 = tpu.memref_slice %arg3[%mul3A_645] : memref<3833856xf32, #tpu.memory_space<hbm>> -> memref<7168xf32, #tpu.memory_space<hbm>>
    tpu.enqueue_dma source(%dma_start3A_663 : memref<7168xf32, #tpu.memory_space<hbm>>) target(%dma_start3A_662 : memref<7168xf32, #tpu.memory_space<vmem>>) target_semaphore(%dma_start3A_660 : memref<!tpu.dma_semaphore, #tpu.memory_space<semaphore_mem>>)
    %dma_wait3A_664 = arith.constant 1 : i32
    %dma_wait3A_665 = arith.constant 0 : i32
    %dma_wait3A_666 = tpu.memref_slice %arg7[%dma_wait3A_665] : memref<7168xi32, #tpu.memory_space<vmem>> -> memref<6144xi32, #tpu.memory_space<vmem>>
    %dma_wait3A_667 = tpu.memref_slice %arg2[%mul3A_591] : memref<3833856xi32, #tpu.memory_space<hbm>> -> memref<6144xi32, #tpu.memory_space<hbm>>
    %dma_wait3A_668 = tpu.memref_slice %arg14[%dma_wait3A_664] : memref<3x!tpu.dma_semaphore, #tpu.memory_space<semaphore_mem>> -> memref<1x!tpu.dma_semaphore, #tpu.memory_space<semaphore_mem>>
    %dma_wait3A_669 = tpu.memref_squeeze %dma_wait3A_668 : memref<1x!tpu.dma_semaphore, #tpu.memory_space<semaphore_mem>> -> memref<!tpu.dma_semaphore, #tpu.memory_space<semaphore_mem>>
    %dma_wait3A_670 = arith.constant 0 : i32
    %dma_wait3A_671 = tpu.memref_slice %arg7[%dma_wait3A_670] : memref<7168xi32, #tpu.memory_space<vmem>> -> memref<6144xi32, #tpu.memory_space<vmem>>
    %dma_wait3A_672 = tpu.memref_slice %arg2[%mul3A_591] : memref<3833856xi32, #tpu.memory_space<hbm>> -> memref<6144xi32, #tpu.memory_space<hbm>>
    tpu.wait_dma2 semaphore(%dma_wait3A_669 : memref<!tpu.dma_semaphore, #tpu.memory_space<semaphore_mem>>) src(%dma_wait3A_672 : memref<6144xi32, #tpu.memory_space<hbm>>) dst(%dma_wait3A_671 : memref<6144xi32, #tpu.memory_space<vmem>>)
    %dma_wait3A_673 = arith.constant 1 : i32
    %dma_wait3A_674 = arith.constant 0 : i32
    %dma_wait3A_675 = tpu.memref_slice %arg10[%dma_wait3A_674] : memref<7168xf32, #tpu.memory_space<vmem>> -> memref<6144xf32, #tpu.memory_space<vmem>>
    %dma_wait3A_676 = tpu.memref_slice %arg3[%mul3A_591] : memref<3833856xf32, #tpu.memory_space<hbm>> -> memref<6144xf32, #tpu.memory_space<hbm>>
    %dma_wait3A_677 = tpu.memref_slice %arg14[%dma_wait3A_673] : memref<3x!tpu.dma_semaphore, #tpu.memory_space<semaphore_mem>> -> memref<1x!tpu.dma_semaphore, #tpu.memory_space<semaphore_mem>>
    %dma_wait3A_678 = tpu.memref_squeeze %dma_wait3A_677 : memref<1x!tpu.dma_semaphore, #tpu.memory_space<semaphore_mem>> -> memref<!tpu.dma_semaphore, #tpu.memory_space<semaphore_mem>>
    %dma_wait3A_679 = arith.constant 0 : i32
    %dma_wait3A_680 = tpu.memref_slice %arg10[%dma_wait3A_679] : memref<7168xf32, #tpu.memory_space<vmem>> -> memref<6144xf32, #tpu.memory_space<vmem>>
    %dma_wait3A_681 = tpu.memref_slice %arg3[%mul3A_591] : memref<3833856xf32, #tpu.memory_space<hbm>> -> memref<6144xf32, #tpu.memory_space<hbm>>
    tpu.wait_dma2 semaphore(%dma_wait3A_678 : memref<!tpu.dma_semaphore, #tpu.memory_space<semaphore_mem>>) src(%dma_wait3A_681 : memref<6144xf32, #tpu.memory_space<hbm>>) dst(%dma_wait3A_680 : memref<6144xf32, #tpu.memory_space<vmem>>)
    %scan3A_682 = arith.constant 0 : i32
    %scan3A_683 = arith.constant 0 : i32
    %scan3A_684 = arith.constant 64 : i32
    %scan3A_685 = arith.addi %scan3A_683, %scan3A_684 : i32
    %scan3A_686 = arith.constant 1 : i32
    scf.for %scan3A_2059 = %scan3A_683 to %scan3A_685 step %scan3A_686  : i32 {
      %mul3A_2060 = arith.constant 16 : i32
      %mul3A_2061 = arith.muli %scan3A_2059, %mul3A_2060 : i32
      %add3A_2062 = arith.constant 6144 : i32
      %add3A_2063 = arith.addi %add3A_2062, %mul3A_2061 : i32
      %swap3A = arith.index_cast %add3A_2063 : i32 to index
      %swap3A_2064 = tpu.vector_load %arg10[%swap3A] {strides = array<i32>} : memref<7168xf32, #tpu.memory_space<vmem>>, vector<16xf32>,
      %swap3A_2065 = vector.shape_cast %swap3A_2064 : vector<16xf32> to vector<16xf32>
      %swap3A_2066 = vector.shape_cast %broadcast_in_dim3A_5 : vector<16xf32> to vector<16xf32>
      tpu.vector_store %arg10[%swap3A], %swap3A_2066 {strides = array<i32>} : memref<7168xf32, #tpu.memory_space<vmem>>, vector<16xf32>,
    }
    %scan3A_687 = arith.constant 64 : i32
    %dma_start3A_688 = arith.constant 1 : i32
    %dma_start3A_689 = arith.constant 0 : i32
    %dma_start3A_690 = tpu.memref_slice %arg5[%dma_start3A_689] : memref<1280000xf32, #tpu.memory_space<vmem_shared>> -> memref<1280000xf32, #tpu.memory_space<vmem_shared>>
    %dma_start3A_691 = tpu.memref_slice %arg15[%dma_start3A_688] : memref<3x!tpu.dma_semaphore, #tpu.memory_space<semaphore_mem>> -> memref<1x!tpu.dma_semaphore, #tpu.memory_space<semaphore_mem>>
    %dma_start3A_692 = tpu.memref_squeeze %dma_start3A_691 : memref<1x!tpu.dma_semaphore, #tpu.memory_space<semaphore_mem>> -> memref<!tpu.dma_semaphore, #tpu.memory_space<semaphore_mem>>
    tpu.enqueue_indirect_dma source(%arg10 : memref<7168xf32, #tpu.memory_space<vmem>>) target(%dma_start3A_690 : memref<1280000xf32, #tpu.memory_space<vmem_shared>>) offsets(%arg7 : memref<7168xi32, #tpu.memory_space<vmem>>) semaphore(%dma_start3A_692 : memref<!tpu.dma_semaphore, #tpu.memory_space<semaphore_mem>>) {add = true}
    %dma_wait3A_693 = arith.constant 0 : i32
    %dma_wait3A_694 = arith.constant 0 : i32
    %dma_wait3A_695 = tpu.memref_slice %arg3[%dma_wait3A_694] : memref<3833856xf32, #tpu.memory_space<hbm>> -> memref<7168xf32, #tpu.memory_space<hbm>>
    %dma_wait3A_696 = tpu.memref_slice %arg15[%dma_wait3A_693] : memref<3x!tpu.dma_semaphore, #tpu.memory_space<semaphore_mem>> -> memref<1x!tpu.dma_semaphore, #tpu.memory_space<semaphore_mem>>
    %dma_wait3A_697 = tpu.memref_squeeze %dma_wait3A_696 : memref<1x!tpu.dma_semaphore, #tpu.memory_space<semaphore_mem>> -> memref<!tpu.dma_semaphore, #tpu.memory_space<semaphore_mem>>
    %dma_wait3A_698 = arith.constant 0 : i32
    %dma_wait3A_699 = tpu.memref_slice %arg3[%dma_wait3A_698] : memref<3833856xf32, #tpu.memory_space<hbm>> -> memref<7168xf32, #tpu.memory_space<hbm>>
    tpu.wait_dma2 semaphore(%dma_wait3A_697 : memref<!tpu.dma_semaphore, #tpu.memory_space<semaphore_mem>>) src(%dma_wait3A_699 : memref<7168xf32, #tpu.memory_space<hbm>>) dst(%arg9 : memref<7168xf32, #tpu.memory_space<vmem>>)
    %add3A_700 = arith.constant 13312 : i32
    %add3A_701 = arith.addi %add3A_700, %add3A : i32
    %add3A_702 = arith.constant 56 : i32
    %add3A_703 = arith.addi %add3A_701, %add3A_702 : i32
    %mul3A_704 = arith.constant 128 : i32
    %mul3A_705 = arith.muli %add3A_703, %mul3A_704 : i32
    %dma_start3A_706 = arith.constant 0 : i32
    %dma_start3A_707 = arith.constant 0 : i32
    %dma_start3A_708 = tpu.memref_slice %arg6[%dma_start3A_707] : memref<7168xi32, #tpu.memory_space<vmem>> -> memref<6144xi32, #tpu.memory_space<vmem>>
    %dma_start3A_709 = tpu.memref_slice %arg2[%mul3A_705] : memref<3833856xi32, #tpu.memory_space<hbm>> -> memref<6144xi32, #tpu.memory_space<hbm>>
    %dma_start3A_710 = tpu.memref_slice %arg14[%dma_start3A_706] : memref<3x!tpu.dma_semaphore, #tpu.memory_space<semaphore_mem>> -> memref<1x!tpu.dma_semaphore, #tpu.memory_space<semaphore_mem>>
    %dma_start3A_711 = tpu.memref_squeeze %dma_start3A_710 : memref<1x!tpu.dma_semaphore, #tpu.memory_space<semaphore_mem>> -> memref<!tpu.dma_semaphore, #tpu.memory_space<semaphore_mem>>
    %dma_start3A_712 = arith.constant 0 : i32
    %dma_start3A_713 = tpu.memref_slice %arg6[%dma_start3A_712] : memref<7168xi32, #tpu.memory_space<vmem>> -> memref<6144xi32, #tpu.memory_space<vmem>>
    %dma_start3A_714 = tpu.memref_slice %arg2[%mul3A_705] : memref<3833856xi32, #tpu.memory_space<hbm>> -> memref<6144xi32, #tpu.memory_space<hbm>>
    tpu.enqueue_dma source(%dma_start3A_714 : memref<6144xi32, #tpu.memory_space<hbm>>) target(%dma_start3A_713 : memref<6144xi32, #tpu.memory_space<vmem>>) target_semaphore(%dma_start3A_711 : memref<!tpu.dma_semaphore, #tpu.memory_space<semaphore_mem>>)
    %dma_start3A_715 = arith.constant 0 : i32
    %dma_start3A_716 = arith.constant 0 : i32
    %dma_start3A_717 = tpu.memref_slice %arg9[%dma_start3A_716] : memref<7168xf32, #tpu.memory_space<vmem>> -> memref<6144xf32, #tpu.memory_space<vmem>>
    %dma_start3A_718 = tpu.memref_slice %arg3[%mul3A_705] : memref<3833856xf32, #tpu.memory_space<hbm>> -> memref<6144xf32, #tpu.memory_space<hbm>>
    %dma_start3A_719 = tpu.memref_slice %arg14[%dma_start3A_715] : memref<3x!tpu.dma_semaphore, #tpu.memory_space<semaphore_mem>> -> memref<1x!tpu.dma_semaphore, #tpu.memory_space<semaphore_mem>>
    %dma_start3A_720 = tpu.memref_squeeze %dma_start3A_719 : memref<1x!tpu.dma_semaphore, #tpu.memory_space<semaphore_mem>> -> memref<!tpu.dma_semaphore, #tpu.memory_space<semaphore_mem>>
    %dma_start3A_721 = arith.constant 0 : i32
    %dma_start3A_722 = tpu.memref_slice %arg9[%dma_start3A_721] : memref<7168xf32, #tpu.memory_space<vmem>> -> memref<6144xf32, #tpu.memory_space<vmem>>
    %dma_start3A_723 = tpu.memref_slice %arg3[%mul3A_705] : memref<3833856xf32, #tpu.memory_space<hbm>> -> memref<6144xf32, #tpu.memory_space<hbm>>
    tpu.enqueue_dma source(%dma_start3A_723 : memref<6144xf32, #tpu.memory_space<hbm>>) target(%dma_start3A_722 : memref<6144xf32, #tpu.memory_space<vmem>>) target_semaphore(%dma_start3A_720 : memref<!tpu.dma_semaphore, #tpu.memory_space<semaphore_mem>>)
    %dma_wait3A_724 = arith.constant 2 : i32
    %dma_wait3A_725 = arith.constant 0 : i32
    %dma_wait3A_726 = tpu.memref_slice %arg8[%dma_wait3A_725] : memref<7168xi32, #tpu.memory_space<vmem>> -> memref<7168xi32, #tpu.memory_space<vmem>>
    %dma_wait3A_727 = tpu.memref_slice %arg2[%mul3A_645] : memref<3833856xi32, #tpu.memory_space<hbm>> -> memref<7168xi32, #tpu.memory_space<hbm>>
    %dma_wait3A_728 = tpu.memref_slice %arg14[%dma_wait3A_724] : memref<3x!tpu.dma_semaphore, #tpu.memory_space<semaphore_mem>> -> memref<1x!tpu.dma_semaphore, #tpu.memory_space<semaphore_mem>>
    %dma_wait3A_729 = tpu.memref_squeeze %dma_wait3A_728 : memref<1x!tpu.dma_semaphore, #tpu.memory_space<semaphore_mem>> -> memref<!tpu.dma_semaphore, #tpu.memory_space<semaphore_mem>>
    %dma_wait3A_730 = arith.constant 0 : i32
    %dma_wait3A_731 = tpu.memref_slice %arg8[%dma_wait3A_730] : memref<7168xi32, #tpu.memory_space<vmem>> -> memref<7168xi32, #tpu.memory_space<vmem>>
    %dma_wait3A_732 = tpu.memref_slice %arg2[%mul3A_645] : memref<3833856xi32, #tpu.memory_space<hbm>> -> memref<7168xi32, #tpu.memory_space<hbm>>
    tpu.wait_dma2 semaphore(%dma_wait3A_729 : memref<!tpu.dma_semaphore, #tpu.memory_space<semaphore_mem>>) src(%dma_wait3A_732 : memref<7168xi32, #tpu.memory_space<hbm>>) dst(%dma_wait3A_731 : memref<7168xi32, #tpu.memory_space<vmem>>)
    %dma_wait3A_733 = arith.constant 2 : i32
    %dma_wait3A_734 = arith.constant 0 : i32
    %dma_wait3A_735 = tpu.memref_slice %arg11[%dma_wait3A_734] : memref<7168xf32, #tpu.memory_space<vmem>> -> memref<7168xf32, #tpu.memory_space<vmem>>
    %dma_wait3A_736 = tpu.memref_slice %arg3[%mul3A_645] : memref<3833856xf32, #tpu.memory_space<hbm>> -> memref<7168xf32, #tpu.memory_space<hbm>>
    %dma_wait3A_737 = tpu.memref_slice %arg14[%dma_wait3A_733] : memref<3x!tpu.dma_semaphore, #tpu.memory_space<semaphore_mem>> -> memref<1x!tpu.dma_semaphore, #tpu.memory_space<semaphore_mem>>
    %dma_wait3A_738 = tpu.memref_squeeze %dma_wait3A_737 : memref<1x!tpu.dma_semaphore, #tpu.memory_space<semaphore_mem>> -> memref<!tpu.dma_semaphore, #tpu.memory_space<semaphore_mem>>
    %dma_wait3A_739 = arith.constant 0 : i32
    %dma_wait3A_740 = tpu.memref_slice %arg11[%dma_wait3A_739] : memref<7168xf32, #tpu.memory_space<vmem>> -> memref<7168xf32, #tpu.memory_space<vmem>>
    %dma_wait3A_741 = tpu.memref_slice %arg3[%mul3A_645] : memref<3833856xf32, #tpu.memory_space<hbm>> -> memref<7168xf32, #tpu.memory_space<hbm>>
    tpu.wait_dma2 semaphore(%dma_wait3A_738 : memref<!tpu.dma_semaphore, #tpu.memory_space<semaphore_mem>>) src(%dma_wait3A_741 : memref<7168xf32, #tpu.memory_space<hbm>>) dst(%dma_wait3A_740 : memref<7168xf32, #tpu.memory_space<vmem>>)
    %dma_start3A_742 = arith.constant 2 : i32
    %dma_start3A_743 = arith.constant 0 : i32
    %dma_start3A_744 = tpu.memref_slice %arg5[%dma_start3A_743] : memref<1280000xf32, #tpu.memory_space<vmem_shared>> -> memref<1280000xf32, #tpu.memory_space<vmem_shared>>
    %dma_start3A_745 = tpu.memref_slice %arg15[%dma_start3A_742] : memref<3x!tpu.dma_semaphore, #tpu.memory_space<semaphore_mem>> -> memref<1x!tpu.dma_semaphore, #tpu.memory_space<semaphore_mem>>
    %dma_start3A_746 = tpu.memref_squeeze %dma_start3A_745 : memref<1x!tpu.dma_semaphore, #tpu.memory_space<semaphore_mem>> -> memref<!tpu.dma_semaphore, #tpu.memory_space<semaphore_mem>>
    tpu.enqueue_indirect_dma source(%arg11 : memref<7168xf32, #tpu.memory_space<vmem>>) target(%dma_start3A_744 : memref<1280000xf32, #tpu.memory_space<vmem_shared>>) offsets(%arg8 : memref<7168xi32, #tpu.memory_space<vmem>>) semaphore(%dma_start3A_746 : memref<!tpu.dma_semaphore, #tpu.memory_space<semaphore_mem>>) {add = true}
    %dma_wait3A_747 = arith.constant 1 : i32
    %dma_wait3A_748 = arith.constant 0 : i32
    %dma_wait3A_749 = tpu.memref_slice %arg3[%dma_wait3A_748] : memref<3833856xf32, #tpu.memory_space<hbm>> -> memref<7168xf32, #tpu.memory_space<hbm>>
    %dma_wait3A_750 = tpu.memref_slice %arg15[%dma_wait3A_747] : memref<3x!tpu.dma_semaphore, #tpu.memory_space<semaphore_mem>> -> memref<1x!tpu.dma_semaphore, #tpu.memory_space<semaphore_mem>>
    %dma_wait3A_751 = tpu.memref_squeeze %dma_wait3A_750 : memref<1x!tpu.dma_semaphore, #tpu.memory_space<semaphore_mem>> -> memref<!tpu.dma_semaphore, #tpu.memory_space<semaphore_mem>>
    %dma_wait3A_752 = arith.constant 0 : i32
    %dma_wait3A_753 = tpu.memref_slice %arg3[%dma_wait3A_752] : memref<3833856xf32, #tpu.memory_space<hbm>> -> memref<7168xf32, #tpu.memory_space<hbm>>
    tpu.wait_dma2 semaphore(%dma_wait3A_751 : memref<!tpu.dma_semaphore, #tpu.memory_space<semaphore_mem>>) src(%dma_wait3A_753 : memref<7168xf32, #tpu.memory_space<hbm>>) dst(%arg10 : memref<7168xf32, #tpu.memory_space<vmem>>)
    %add3A_754 = arith.constant 16640 : i32
    %add3A_755 = arith.addi %add3A_754, %add3A : i32
    %add3A_756 = arith.constant 0 : i32
    %add3A_757 = arith.addi %add3A_755, %add3A_756 : i32
    %mul3A_758 = arith.constant 128 : i32
    %mul3A_759 = arith.muli %add3A_757, %mul3A_758 : i32
    %dma_start3A_760 = arith.constant 1 : i32
    %dma_start3A_761 = arith.constant 0 : i32
    %dma_start3A_762 = tpu.memref_slice %arg7[%dma_start3A_761] : memref<7168xi32, #tpu.memory_space<vmem>> -> memref<7168xi32, #tpu.memory_space<vmem>>
    %dma_start3A_763 = tpu.memref_slice %arg2[%mul3A_759] : memref<3833856xi32, #tpu.memory_space<hbm>> -> memref<7168xi32, #tpu.memory_space<hbm>>
    %dma_start3A_764 = tpu.memref_slice %arg14[%dma_start3A_760] : memref<3x!tpu.dma_semaphore, #tpu.memory_space<semaphore_mem>> -> memref<1x!tpu.dma_semaphore, #tpu.memory_space<semaphore_mem>>
    %dma_start3A_765 = tpu.memref_squeeze %dma_start3A_764 : memref<1x!tpu.dma_semaphore, #tpu.memory_space<semaphore_mem>> -> memref<!tpu.dma_semaphore, #tpu.memory_space<semaphore_mem>>
    %dma_start3A_766 = arith.constant 0 : i32
    %dma_start3A_767 = tpu.memref_slice %arg7[%dma_start3A_766] : memref<7168xi32, #tpu.memory_space<vmem>> -> memref<7168xi32, #tpu.memory_space<vmem>>
    %dma_start3A_768 = tpu.memref_slice %arg2[%mul3A_759] : memref<3833856xi32, #tpu.memory_space<hbm>> -> memref<7168xi32, #tpu.memory_space<hbm>>
    tpu.enqueue_dma source(%dma_start3A_768 : memref<7168xi32, #tpu.memory_space<hbm>>) target(%dma_start3A_767 : memref<7168xi32, #tpu.memory_space<vmem>>) target_semaphore(%dma_start3A_765 : memref<!tpu.dma_semaphore, #tpu.memory_space<semaphore_mem>>)
    %dma_start3A_769 = arith.constant 1 : i32
    %dma_start3A_770 = arith.constant 0 : i32
    %dma_start3A_771 = tpu.memref_slice %arg10[%dma_start3A_770] : memref<7168xf32, #tpu.memory_space<vmem>> -> memref<7168xf32, #tpu.memory_space<vmem>>
    %dma_start3A_772 = tpu.memref_slice %arg3[%mul3A_759] : memref<3833856xf32, #tpu.memory_space<hbm>> -> memref<7168xf32, #tpu.memory_space<hbm>>
    %dma_start3A_773 = tpu.memref_slice %arg14[%dma_start3A_769] : memref<3x!tpu.dma_semaphore, #tpu.memory_space<semaphore_mem>> -> memref<1x!tpu.dma_semaphore, #tpu.memory_space<semaphore_mem>>
    %dma_start3A_774 = tpu.memref_squeeze %dma_start3A_773 : memref<1x!tpu.dma_semaphore, #tpu.memory_space<semaphore_mem>> -> memref<!tpu.dma_semaphore, #tpu.memory_space<semaphore_mem>>
    %dma_start3A_775 = arith.constant 0 : i32
    %dma_start3A_776 = tpu.memref_slice %arg10[%dma_start3A_775] : memref<7168xf32, #tpu.memory_space<vmem>> -> memref<7168xf32, #tpu.memory_space<vmem>>
    %dma_start3A_777 = tpu.memref_slice %arg3[%mul3A_759] : memref<3833856xf32, #tpu.memory_space<hbm>> -> memref<7168xf32, #tpu.memory_space<hbm>>
    tpu.enqueue_dma source(%dma_start3A_777 : memref<7168xf32, #tpu.memory_space<hbm>>) target(%dma_start3A_776 : memref<7168xf32, #tpu.memory_space<vmem>>) target_semaphore(%dma_start3A_774 : memref<!tpu.dma_semaphore, #tpu.memory_space<semaphore_mem>>)
    %dma_wait3A_778 = arith.constant 0 : i32
    %dma_wait3A_779 = arith.constant 0 : i32
    %dma_wait3A_780 = tpu.memref_slice %arg6[%dma_wait3A_779] : memref<7168xi32, #tpu.memory_space<vmem>> -> memref<6144xi32, #tpu.memory_space<vmem>>
    %dma_wait3A_781 = tpu.memref_slice %arg2[%mul3A_705] : memref<3833856xi32, #tpu.memory_space<hbm>> -> memref<6144xi32, #tpu.memory_space<hbm>>
    %dma_wait3A_782 = tpu.memref_slice %arg14[%dma_wait3A_778] : memref<3x!tpu.dma_semaphore, #tpu.memory_space<semaphore_mem>> -> memref<1x!tpu.dma_semaphore, #tpu.memory_space<semaphore_mem>>
    %dma_wait3A_783 = tpu.memref_squeeze %dma_wait3A_782 : memref<1x!tpu.dma_semaphore, #tpu.memory_space<semaphore_mem>> -> memref<!tpu.dma_semaphore, #tpu.memory_space<semaphore_mem>>
    %dma_wait3A_784 = arith.constant 0 : i32
    %dma_wait3A_785 = tpu.memref_slice %arg6[%dma_wait3A_784] : memref<7168xi32, #tpu.memory_space<vmem>> -> memref<6144xi32, #tpu.memory_space<vmem>>
    %dma_wait3A_786 = tpu.memref_slice %arg2[%mul3A_705] : memref<3833856xi32, #tpu.memory_space<hbm>> -> memref<6144xi32, #tpu.memory_space<hbm>>
    tpu.wait_dma2 semaphore(%dma_wait3A_783 : memref<!tpu.dma_semaphore, #tpu.memory_space<semaphore_mem>>) src(%dma_wait3A_786 : memref<6144xi32, #tpu.memory_space<hbm>>) dst(%dma_wait3A_785 : memref<6144xi32, #tpu.memory_space<vmem>>)
    %dma_wait3A_787 = arith.constant 0 : i32
    %dma_wait3A_788 = arith.constant 0 : i32
    %dma_wait3A_789 = tpu.memref_slice %arg9[%dma_wait3A_788] : memref<7168xf32, #tpu.memory_space<vmem>> -> memref<6144xf32, #tpu.memory_space<vmem>>
    %dma_wait3A_790 = tpu.memref_slice %arg3[%mul3A_705] : memref<3833856xf32, #tpu.memory_space<hbm>> -> memref<6144xf32, #tpu.memory_space<hbm>>
    %dma_wait3A_791 = tpu.memref_slice %arg14[%dma_wait3A_787] : memref<3x!tpu.dma_semaphore, #tpu.memory_space<semaphore_mem>> -> memref<1x!tpu.dma_semaphore, #tpu.memory_space<semaphore_mem>>
    %dma_wait3A_792 = tpu.memref_squeeze %dma_wait3A_791 : memref<1x!tpu.dma_semaphore, #tpu.memory_space<semaphore_mem>> -> memref<!tpu.dma_semaphore, #tpu.memory_space<semaphore_mem>>
    %dma_wait3A_793 = arith.constant 0 : i32
    %dma_wait3A_794 = tpu.memref_slice %arg9[%dma_wait3A_793] : memref<7168xf32, #tpu.memory_space<vmem>> -> memref<6144xf32, #tpu.memory_space<vmem>>
    %dma_wait3A_795 = tpu.memref_slice %arg3[%mul3A_705] : memref<3833856xf32, #tpu.memory_space<hbm>> -> memref<6144xf32, #tpu.memory_space<hbm>>
    tpu.wait_dma2 semaphore(%dma_wait3A_792 : memref<!tpu.dma_semaphore, #tpu.memory_space<semaphore_mem>>) src(%dma_wait3A_795 : memref<6144xf32, #tpu.memory_space<hbm>>) dst(%dma_wait3A_794 : memref<6144xf32, #tpu.memory_space<vmem>>)
    %scan3A_796 = arith.constant 0 : i32
    %scan3A_797 = arith.constant 0 : i32
    %scan3A_798 = arith.constant 64 : i32
    %scan3A_799 = arith.addi %scan3A_797, %scan3A_798 : i32
    %scan3A_800 = arith.constant 1 : i32
    scf.for %scan3A_2059 = %scan3A_797 to %scan3A_799 step %scan3A_800  : i32 {
      %mul3A_2060 = arith.constant 16 : i32
      %mul3A_2061 = arith.muli %scan3A_2059, %mul3A_2060 : i32
      %add3A_2062 = arith.constant 6144 : i32
      %add3A_2063 = arith.addi %add3A_2062, %mul3A_2061 : i32
      %swap3A = arith.index_cast %add3A_2063 : i32 to index
      %swap3A_2064 = tpu.vector_load %arg9[%swap3A] {strides = array<i32>} : memref<7168xf32, #tpu.memory_space<vmem>>, vector<16xf32>,
      %swap3A_2065 = vector.shape_cast %swap3A_2064 : vector<16xf32> to vector<16xf32>
      %swap3A_2066 = vector.shape_cast %broadcast_in_dim3A_5 : vector<16xf32> to vector<16xf32>
      tpu.vector_store %arg9[%swap3A], %swap3A_2066 {strides = array<i32>} : memref<7168xf32, #tpu.memory_space<vmem>>, vector<16xf32>,
    }
    %scan3A_801 = arith.constant 64 : i32
    %dma_start3A_802 = arith.constant 0 : i32
    %dma_start3A_803 = arith.constant 0 : i32
    %dma_start3A_804 = tpu.memref_slice %arg5[%dma_start3A_803] : memref<1280000xf32, #tpu.memory_space<vmem_shared>> -> memref<1280000xf32, #tpu.memory_space<vmem_shared>>
    %dma_start3A_805 = tpu.memref_slice %arg15[%dma_start3A_802] : memref<3x!tpu.dma_semaphore, #tpu.memory_space<semaphore_mem>> -> memref<1x!tpu.dma_semaphore, #tpu.memory_space<semaphore_mem>>
    %dma_start3A_806 = tpu.memref_squeeze %dma_start3A_805 : memref<1x!tpu.dma_semaphore, #tpu.memory_space<semaphore_mem>> -> memref<!tpu.dma_semaphore, #tpu.memory_space<semaphore_mem>>
    tpu.enqueue_indirect_dma source(%arg9 : memref<7168xf32, #tpu.memory_space<vmem>>) target(%dma_start3A_804 : memref<1280000xf32, #tpu.memory_space<vmem_shared>>) offsets(%arg6 : memref<7168xi32, #tpu.memory_space<vmem>>) semaphore(%dma_start3A_806 : memref<!tpu.dma_semaphore, #tpu.memory_space<semaphore_mem>>) {add = true}
    %dma_wait3A_807 = arith.constant 2 : i32
    %dma_wait3A_808 = arith.constant 0 : i32
    %dma_wait3A_809 = tpu.memref_slice %arg3[%dma_wait3A_808] : memref<3833856xf32, #tpu.memory_space<hbm>> -> memref<7168xf32, #tpu.memory_space<hbm>>
    %dma_wait3A_810 = tpu.memref_slice %arg15[%dma_wait3A_807] : memref<3x!tpu.dma_semaphore, #tpu.memory_space<semaphore_mem>> -> memref<1x!tpu.dma_semaphore, #tpu.memory_space<semaphore_mem>>
    %dma_wait3A_811 = tpu.memref_squeeze %dma_wait3A_810 : memref<1x!tpu.dma_semaphore, #tpu.memory_space<semaphore_mem>> -> memref<!tpu.dma_semaphore, #tpu.memory_space<semaphore_mem>>
    %dma_wait3A_812 = arith.constant 0 : i32
    %dma_wait3A_813 = tpu.memref_slice %arg3[%dma_wait3A_812] : memref<3833856xf32, #tpu.memory_space<hbm>> -> memref<7168xf32, #tpu.memory_space<hbm>>
    tpu.wait_dma2 semaphore(%dma_wait3A_811 : memref<!tpu.dma_semaphore, #tpu.memory_space<semaphore_mem>>) src(%dma_wait3A_813 : memref<7168xf32, #tpu.memory_space<hbm>>) dst(%arg11 : memref<7168xf32, #tpu.memory_space<vmem>>)
    %add3A_814 = arith.constant 16640 : i32
    %add3A_815 = arith.addi %add3A_814, %add3A : i32
    %add3A_816 = arith.constant 56 : i32
    %add3A_817 = arith.addi %add3A_815, %add3A_816 : i32
    %mul3A_818 = arith.constant 128 : i32
    %mul3A_819 = arith.muli %add3A_817, %mul3A_818 : i32
    %dma_start3A_820 = arith.constant 2 : i32
    %dma_start3A_821 = arith.constant 0 : i32
    %dma_start3A_822 = tpu.memref_slice %arg8[%dma_start3A_821] : memref<7168xi32, #tpu.memory_space<vmem>> -> memref<6144xi32, #tpu.memory_space<vmem>>
    %dma_start3A_823 = tpu.memref_slice %arg2[%mul3A_819] : memref<3833856xi32, #tpu.memory_space<hbm>> -> memref<6144xi32, #tpu.memory_space<hbm>>
    %dma_start3A_824 = tpu.memref_slice %arg14[%dma_start3A_820] : memref<3x!tpu.dma_semaphore, #tpu.memory_space<semaphore_mem>> -> memref<1x!tpu.dma_semaphore, #tpu.memory_space<semaphore_mem>>
    %dma_start3A_825 = tpu.memref_squeeze %dma_start3A_824 : memref<1x!tpu.dma_semaphore, #tpu.memory_space<semaphore_mem>> -> memref<!tpu.dma_semaphore, #tpu.memory_space<semaphore_mem>>
    %dma_start3A_826 = arith.constant 0 : i32
    %dma_start3A_827 = tpu.memref_slice %arg8[%dma_start3A_826] : memref<7168xi32, #tpu.memory_space<vmem>> -> memref<6144xi32, #tpu.memory_space<vmem>>
    %dma_start3A_828 = tpu.memref_slice %arg2[%mul3A_819] : memref<3833856xi32, #tpu.memory_space<hbm>> -> memref<6144xi32, #tpu.memory_space<hbm>>
    tpu.enqueue_dma source(%dma_start3A_828 : memref<6144xi32, #tpu.memory_space<hbm>>) target(%dma_start3A_827 : memref<6144xi32, #tpu.memory_space<vmem>>) target_semaphore(%dma_start3A_825 : memref<!tpu.dma_semaphore, #tpu.memory_space<semaphore_mem>>)
    %dma_start3A_829 = arith.constant 2 : i32
    %dma_start3A_830 = arith.constant 0 : i32
    %dma_start3A_831 = tpu.memref_slice %arg11[%dma_start3A_830] : memref<7168xf32, #tpu.memory_space<vmem>> -> memref<6144xf32, #tpu.memory_space<vmem>>
    %dma_start3A_832 = tpu.memref_slice %arg3[%mul3A_819] : memref<3833856xf32, #tpu.memory_space<hbm>> -> memref<6144xf32, #tpu.memory_space<hbm>>
    %dma_start3A_833 = tpu.memref_slice %arg14[%dma_start3A_829] : memref<3x!tpu.dma_semaphore, #tpu.memory_space<semaphore_mem>> -> memref<1x!tpu.dma_semaphore, #tpu.memory_space<semaphore_mem>>
    %dma_start3A_834 = tpu.memref_squeeze %dma_start3A_833 : memref<1x!tpu.dma_semaphore, #tpu.memory_space<semaphore_mem>> -> memref<!tpu.dma_semaphore, #tpu.memory_space<semaphore_mem>>
    %dma_start3A_835 = arith.constant 0 : i32
    %dma_start3A_836 = tpu.memref_slice %arg11[%dma_start3A_835] : memref<7168xf32, #tpu.memory_space<vmem>> -> memref<6144xf32, #tpu.memory_space<vmem>>
    %dma_start3A_837 = tpu.memref_slice %arg3[%mul3A_819] : memref<3833856xf32, #tpu.memory_space<hbm>> -> memref<6144xf32, #tpu.memory_space<hbm>>
    tpu.enqueue_dma source(%dma_start3A_837 : memref<6144xf32, #tpu.memory_space<hbm>>) target(%dma_start3A_836 : memref<6144xf32, #tpu.memory_space<vmem>>) target_semaphore(%dma_start3A_834 : memref<!tpu.dma_semaphore, #tpu.memory_space<semaphore_mem>>)
    %dma_wait3A_838 = arith.constant 1 : i32
    %dma_wait3A_839 = arith.constant 0 : i32
    %dma_wait3A_840 = tpu.memref_slice %arg7[%dma_wait3A_839] : memref<7168xi32, #tpu.memory_space<vmem>> -> memref<7168xi32, #tpu.memory_space<vmem>>
    %dma_wait3A_841 = tpu.memref_slice %arg2[%mul3A_759] : memref<3833856xi32, #tpu.memory_space<hbm>> -> memref<7168xi32, #tpu.memory_space<hbm>>
    %dma_wait3A_842 = tpu.memref_slice %arg14[%dma_wait3A_838] : memref<3x!tpu.dma_semaphore, #tpu.memory_space<semaphore_mem>> -> memref<1x!tpu.dma_semaphore, #tpu.memory_space<semaphore_mem>>
    %dma_wait3A_843 = tpu.memref_squeeze %dma_wait3A_842 : memref<1x!tpu.dma_semaphore, #tpu.memory_space<semaphore_mem>> -> memref<!tpu.dma_semaphore, #tpu.memory_space<semaphore_mem>>
    %dma_wait3A_844 = arith.constant 0 : i32
    %dma_wait3A_845 = tpu.memref_slice %arg7[%dma_wait3A_844] : memref<7168xi32, #tpu.memory_space<vmem>> -> memref<7168xi32, #tpu.memory_space<vmem>>
    %dma_wait3A_846 = tpu.memref_slice %arg2[%mul3A_759] : memref<3833856xi32, #tpu.memory_space<hbm>> -> memref<7168xi32, #tpu.memory_space<hbm>>
    tpu.wait_dma2 semaphore(%dma_wait3A_843 : memref<!tpu.dma_semaphore, #tpu.memory_space<semaphore_mem>>) src(%dma_wait3A_846 : memref<7168xi32, #tpu.memory_space<hbm>>) dst(%dma_wait3A_845 : memref<7168xi32, #tpu.memory_space<vmem>>)
    %dma_wait3A_847 = arith.constant 1 : i32
    %dma_wait3A_848 = arith.constant 0 : i32
    %dma_wait3A_849 = tpu.memref_slice %arg10[%dma_wait3A_848] : memref<7168xf32, #tpu.memory_space<vmem>> -> memref<7168xf32, #tpu.memory_space<vmem>>
    %dma_wait3A_850 = tpu.memref_slice %arg3[%mul3A_759] : memref<3833856xf32, #tpu.memory_space<hbm>> -> memref<7168xf32, #tpu.memory_space<hbm>>
    %dma_wait3A_851 = tpu.memref_slice %arg14[%dma_wait3A_847] : memref<3x!tpu.dma_semaphore, #tpu.memory_space<semaphore_mem>> -> memref<1x!tpu.dma_semaphore, #tpu.memory_space<semaphore_mem>>
    %dma_wait3A_852 = tpu.memref_squeeze %dma_wait3A_851 : memref<1x!tpu.dma_semaphore, #tpu.memory_space<semaphore_mem>> -> memref<!tpu.dma_semaphore, #tpu.memory_space<semaphore_mem>>
    %dma_wait3A_853 = arith.constant 0 : i32
    %dma_wait3A_854 = tpu.memref_slice %arg10[%dma_wait3A_853] : memref<7168xf32, #tpu.memory_space<vmem>> -> memref<7168xf32, #tpu.memory_space<vmem>>
    %dma_wait3A_855 = tpu.memref_slice %arg3[%mul3A_759] : memref<3833856xf32, #tpu.memory_space<hbm>> -> memref<7168xf32, #tpu.memory_space<hbm>>
    tpu.wait_dma2 semaphore(%dma_wait3A_852 : memref<!tpu.dma_semaphore, #tpu.memory_space<semaphore_mem>>) src(%dma_wait3A_855 : memref<7168xf32, #tpu.memory_space<hbm>>) dst(%dma_wait3A_854 : memref<7168xf32, #tpu.memory_space<vmem>>)
    %dma_start3A_856 = arith.constant 1 : i32
    %dma_start3A_857 = arith.constant 0 : i32
    %dma_start3A_858 = tpu.memref_slice %arg5[%dma_start3A_857] : memref<1280000xf32, #tpu.memory_space<vmem_shared>> -> memref<1280000xf32, #tpu.memory_space<vmem_shared>>
    %dma_start3A_859 = tpu.memref_slice %arg15[%dma_start3A_856] : memref<3x!tpu.dma_semaphore, #tpu.memory_space<semaphore_mem>> -> memref<1x!tpu.dma_semaphore, #tpu.memory_space<semaphore_mem>>
    %dma_start3A_860 = tpu.memref_squeeze %dma_start3A_859 : memref<1x!tpu.dma_semaphore, #tpu.memory_space<semaphore_mem>> -> memref<!tpu.dma_semaphore, #tpu.memory_space<semaphore_mem>>
    tpu.enqueue_indirect_dma source(%arg10 : memref<7168xf32, #tpu.memory_space<vmem>>) target(%dma_start3A_858 : memref<1280000xf32, #tpu.memory_space<vmem_shared>>) offsets(%arg7 : memref<7168xi32, #tpu.memory_space<vmem>>) semaphore(%dma_start3A_860 : memref<!tpu.dma_semaphore, #tpu.memory_space<semaphore_mem>>) {add = true}
    %dma_wait3A_861 = arith.constant 0 : i32
    %dma_wait3A_862 = arith.constant 0 : i32
    %dma_wait3A_863 = tpu.memref_slice %arg3[%dma_wait3A_862] : memref<3833856xf32, #tpu.memory_space<hbm>> -> memref<7168xf32, #tpu.memory_space<hbm>>
    %dma_wait3A_864 = tpu.memref_slice %arg15[%dma_wait3A_861] : memref<3x!tpu.dma_semaphore, #tpu.memory_space<semaphore_mem>> -> memref<1x!tpu.dma_semaphore, #tpu.memory_space<semaphore_mem>>
    %dma_wait3A_865 = tpu.memref_squeeze %dma_wait3A_864 : memref<1x!tpu.dma_semaphore, #tpu.memory_space<semaphore_mem>> -> memref<!tpu.dma_semaphore, #tpu.memory_space<semaphore_mem>>
    %dma_wait3A_866 = arith.constant 0 : i32
    %dma_wait3A_867 = tpu.memref_slice %arg3[%dma_wait3A_866] : memref<3833856xf32, #tpu.memory_space<hbm>> -> memref<7168xf32, #tpu.memory_space<hbm>>
    tpu.wait_dma2 semaphore(%dma_wait3A_865 : memref<!tpu.dma_semaphore, #tpu.memory_space<semaphore_mem>>) src(%dma_wait3A_867 : memref<7168xf32, #tpu.memory_space<hbm>>) dst(%arg9 : memref<7168xf32, #tpu.memory_space<vmem>>)
    %add3A_868 = arith.constant 19968 : i32
    %add3A_869 = arith.addi %add3A_868, %add3A : i32
    %add3A_870 = arith.constant 0 : i32
    %add3A_871 = arith.addi %add3A_869, %add3A_870 : i32
    %mul3A_872 = arith.constant 128 : i32
    %mul3A_873 = arith.muli %add3A_871, %mul3A_872 : i32
    %dma_start3A_874 = arith.constant 0 : i32
    %dma_start3A_875 = arith.constant 0 : i32
    %dma_start3A_876 = tpu.memref_slice %arg6[%dma_start3A_875] : memref<7168xi32, #tpu.memory_space<vmem>> -> memref<7168xi32, #tpu.memory_space<vmem>>
    %dma_start3A_877 = tpu.memref_slice %arg2[%mul3A_873] : memref<3833856xi32, #tpu.memory_space<hbm>> -> memref<7168xi32, #tpu.memory_space<hbm>>
    %dma_start3A_878 = tpu.memref_slice %arg14[%dma_start3A_874] : memref<3x!tpu.dma_semaphore, #tpu.memory_space<semaphore_mem>> -> memref<1x!tpu.dma_semaphore, #tpu.memory_space<semaphore_mem>>
    %dma_start3A_879 = tpu.memref_squeeze %dma_start3A_878 : memref<1x!tpu.dma_semaphore, #tpu.memory_space<semaphore_mem>> -> memref<!tpu.dma_semaphore, #tpu.memory_space<semaphore_mem>>
    %dma_start3A_880 = arith.constant 0 : i32
    %dma_start3A_881 = tpu.memref_slice %arg6[%dma_start3A_880] : memref<7168xi32, #tpu.memory_space<vmem>> -> memref<7168xi32, #tpu.memory_space<vmem>>
    %dma_start3A_882 = tpu.memref_slice %arg2[%mul3A_873] : memref<3833856xi32, #tpu.memory_space<hbm>> -> memref<7168xi32, #tpu.memory_space<hbm>>
    tpu.enqueue_dma source(%dma_start3A_882 : memref<7168xi32, #tpu.memory_space<hbm>>) target(%dma_start3A_881 : memref<7168xi32, #tpu.memory_space<vmem>>) target_semaphore(%dma_start3A_879 : memref<!tpu.dma_semaphore, #tpu.memory_space<semaphore_mem>>)
    %dma_start3A_883 = arith.constant 0 : i32
    %dma_start3A_884 = arith.constant 0 : i32
    %dma_start3A_885 = tpu.memref_slice %arg9[%dma_start3A_884] : memref<7168xf32, #tpu.memory_space<vmem>> -> memref<7168xf32, #tpu.memory_space<vmem>>
    %dma_start3A_886 = tpu.memref_slice %arg3[%mul3A_873] : memref<3833856xf32, #tpu.memory_space<hbm>> -> memref<7168xf32, #tpu.memory_space<hbm>>
    %dma_start3A_887 = tpu.memref_slice %arg14[%dma_start3A_883] : memref<3x!tpu.dma_semaphore, #tpu.memory_space<semaphore_mem>> -> memref<1x!tpu.dma_semaphore, #tpu.memory_space<semaphore_mem>>
    %dma_start3A_888 = tpu.memref_squeeze %dma_start3A_887 : memref<1x!tpu.dma_semaphore, #tpu.memory_space<semaphore_mem>> -> memref<!tpu.dma_semaphore, #tpu.memory_space<semaphore_mem>>
    %dma_start3A_889 = arith.constant 0 : i32
    %dma_start3A_890 = tpu.memref_slice %arg9[%dma_start3A_889] : memref<7168xf32, #tpu.memory_space<vmem>> -> memref<7168xf32, #tpu.memory_space<vmem>>
    %dma_start3A_891 = tpu.memref_slice %arg3[%mul3A_873] : memref<3833856xf32, #tpu.memory_space<hbm>> -> memref<7168xf32, #tpu.memory_space<hbm>>
    tpu.enqueue_dma source(%dma_start3A_891 : memref<7168xf32, #tpu.memory_space<hbm>>) target(%dma_start3A_890 : memref<7168xf32, #tpu.memory_space<vmem>>) target_semaphore(%dma_start3A_888 : memref<!tpu.dma_semaphore, #tpu.memory_space<semaphore_mem>>)
    %dma_wait3A_892 = arith.constant 2 : i32
    %dma_wait3A_893 = arith.constant 0 : i32
    %dma_wait3A_894 = tpu.memref_slice %arg8[%dma_wait3A_893] : memref<7168xi32, #tpu.memory_space<vmem>> -> memref<6144xi32, #tpu.memory_space<vmem>>
    %dma_wait3A_895 = tpu.memref_slice %arg2[%mul3A_819] : memref<3833856xi32, #tpu.memory_space<hbm>> -> memref<6144xi32, #tpu.memory_space<hbm>>
    %dma_wait3A_896 = tpu.memref_slice %arg14[%dma_wait3A_892] : memref<3x!tpu.dma_semaphore, #tpu.memory_space<semaphore_mem>> -> memref<1x!tpu.dma_semaphore, #tpu.memory_space<semaphore_mem>>
    %dma_wait3A_897 = tpu.memref_squeeze %dma_wait3A_896 : memref<1x!tpu.dma_semaphore, #tpu.memory_space<semaphore_mem>> -> memref<!tpu.dma_semaphore, #tpu.memory_space<semaphore_mem>>
    %dma_wait3A_898 = arith.constant 0 : i32
    %dma_wait3A_899 = tpu.memref_slice %arg8[%dma_wait3A_898] : memref<7168xi32, #tpu.memory_space<vmem>> -> memref<6144xi32, #tpu.memory_space<vmem>>
    %dma_wait3A_900 = tpu.memref_slice %arg2[%mul3A_819] : memref<3833856xi32, #tpu.memory_space<hbm>> -> memref<6144xi32, #tpu.memory_space<hbm>>
    tpu.wait_dma2 semaphore(%dma_wait3A_897 : memref<!tpu.dma_semaphore, #tpu.memory_space<semaphore_mem>>) src(%dma_wait3A_900 : memref<6144xi32, #tpu.memory_space<hbm>>) dst(%dma_wait3A_899 : memref<6144xi32, #tpu.memory_space<vmem>>)
    %dma_wait3A_901 = arith.constant 2 : i32
    %dma_wait3A_902 = arith.constant 0 : i32
    %dma_wait3A_903 = tpu.memref_slice %arg11[%dma_wait3A_902] : memref<7168xf32, #tpu.memory_space<vmem>> -> memref<6144xf32, #tpu.memory_space<vmem>>
    %dma_wait3A_904 = tpu.memref_slice %arg3[%mul3A_819] : memref<3833856xf32, #tpu.memory_space<hbm>> -> memref<6144xf32, #tpu.memory_space<hbm>>
    %dma_wait3A_905 = tpu.memref_slice %arg14[%dma_wait3A_901] : memref<3x!tpu.dma_semaphore, #tpu.memory_space<semaphore_mem>> -> memref<1x!tpu.dma_semaphore, #tpu.memory_space<semaphore_mem>>
    %dma_wait3A_906 = tpu.memref_squeeze %dma_wait3A_905 : memref<1x!tpu.dma_semaphore, #tpu.memory_space<semaphore_mem>> -> memref<!tpu.dma_semaphore, #tpu.memory_space<semaphore_mem>>
    %dma_wait3A_907 = arith.constant 0 : i32
    %dma_wait3A_908 = tpu.memref_slice %arg11[%dma_wait3A_907] : memref<7168xf32, #tpu.memory_space<vmem>> -> memref<6144xf32, #tpu.memory_space<vmem>>
    %dma_wait3A_909 = tpu.memref_slice %arg3[%mul3A_819] : memref<3833856xf32, #tpu.memory_space<hbm>> -> memref<6144xf32, #tpu.memory_space<hbm>>
    tpu.wait_dma2 semaphore(%dma_wait3A_906 : memref<!tpu.dma_semaphore, #tpu.memory_space<semaphore_mem>>) src(%dma_wait3A_909 : memref<6144xf32, #tpu.memory_space<hbm>>) dst(%dma_wait3A_908 : memref<6144xf32, #tpu.memory_space<vmem>>)
    %scan3A_910 = arith.constant 0 : i32
    %scan3A_911 = arith.constant 0 : i32
    %scan3A_912 = arith.constant 64 : i32
    %scan3A_913 = arith.addi %scan3A_911, %scan3A_912 : i32
    %scan3A_914 = arith.constant 1 : i32
    scf.for %scan3A_2059 = %scan3A_911 to %scan3A_913 step %scan3A_914  : i32 {
      %mul3A_2060 = arith.constant 16 : i32
      %mul3A_2061 = arith.muli %scan3A_2059, %mul3A_2060 : i32
      %add3A_2062 = arith.constant 6144 : i32
      %add3A_2063 = arith.addi %add3A_2062, %mul3A_2061 : i32
      %swap3A = arith.index_cast %add3A_2063 : i32 to index
      %swap3A_2064 = tpu.vector_load %arg11[%swap3A] {strides = array<i32>} : memref<7168xf32, #tpu.memory_space<vmem>>, vector<16xf32>,
      %swap3A_2065 = vector.shape_cast %swap3A_2064 : vector<16xf32> to vector<16xf32>
      %swap3A_2066 = vector.shape_cast %broadcast_in_dim3A_5 : vector<16xf32> to vector<16xf32>
      tpu.vector_store %arg11[%swap3A], %swap3A_2066 {strides = array<i32>} : memref<7168xf32, #tpu.memory_space<vmem>>, vector<16xf32>,
    }
    %scan3A_915 = arith.constant 64 : i32
    %dma_start3A_916 = arith.constant 2 : i32
    %dma_start3A_917 = arith.constant 0 : i32
    %dma_start3A_918 = tpu.memref_slice %arg5[%dma_start3A_917] : memref<1280000xf32, #tpu.memory_space<vmem_shared>> -> memref<1280000xf32, #tpu.memory_space<vmem_shared>>
    %dma_start3A_919 = tpu.memref_slice %arg15[%dma_start3A_916] : memref<3x!tpu.dma_semaphore, #tpu.memory_space<semaphore_mem>> -> memref<1x!tpu.dma_semaphore, #tpu.memory_space<semaphore_mem>>
    %dma_start3A_920 = tpu.memref_squeeze %dma_start3A_919 : memref<1x!tpu.dma_semaphore, #tpu.memory_space<semaphore_mem>> -> memref<!tpu.dma_semaphore, #tpu.memory_space<semaphore_mem>>
    tpu.enqueue_indirect_dma source(%arg11 : memref<7168xf32, #tpu.memory_space<vmem>>) target(%dma_start3A_918 : memref<1280000xf32, #tpu.memory_space<vmem_shared>>) offsets(%arg8 : memref<7168xi32, #tpu.memory_space<vmem>>) semaphore(%dma_start3A_920 : memref<!tpu.dma_semaphore, #tpu.memory_space<semaphore_mem>>) {add = true}
    %dma_wait3A_921 = arith.constant 1 : i32
    %dma_wait3A_922 = arith.constant 0 : i32
    %dma_wait3A_923 = tpu.memref_slice %arg3[%dma_wait3A_922] : memref<3833856xf32, #tpu.memory_space<hbm>> -> memref<7168xf32, #tpu.memory_space<hbm>>
    %dma_wait3A_924 = tpu.memref_slice %arg15[%dma_wait3A_921] : memref<3x!tpu.dma_semaphore, #tpu.memory_space<semaphore_mem>> -> memref<1x!tpu.dma_semaphore, #tpu.memory_space<semaphore_mem>>
    %dma_wait3A_925 = tpu.memref_squeeze %dma_wait3A_924 : memref<1x!tpu.dma_semaphore, #tpu.memory_space<semaphore_mem>> -> memref<!tpu.dma_semaphore, #tpu.memory_space<semaphore_mem>>
    %dma_wait3A_926 = arith.constant 0 : i32
    %dma_wait3A_927 = tpu.memref_slice %arg3[%dma_wait3A_926] : memref<3833856xf32, #tpu.memory_space<hbm>> -> memref<7168xf32, #tpu.memory_space<hbm>>
    tpu.wait_dma2 semaphore(%dma_wait3A_925 : memref<!tpu.dma_semaphore, #tpu.memory_space<semaphore_mem>>) src(%dma_wait3A_927 : memref<7168xf32, #tpu.memory_space<hbm>>) dst(%arg10 : memref<7168xf32, #tpu.memory_space<vmem>>)
    %add3A_928 = arith.constant 19968 : i32
    %add3A_929 = arith.addi %add3A_928, %add3A : i32
    %add3A_930 = arith.constant 56 : i32
    %add3A_931 = arith.addi %add3A_929, %add3A_930 : i32
    %mul3A_932 = arith.constant 128 : i32
    %mul3A_933 = arith.muli %add3A_931, %mul3A_932 : i32
    %dma_start3A_934 = arith.constant 1 : i32
    %dma_start3A_935 = arith.constant 0 : i32
    %dma_start3A_936 = tpu.memref_slice %arg7[%dma_start3A_935] : memref<7168xi32, #tpu.memory_space<vmem>> -> memref<6144xi32, #tpu.memory_space<vmem>>
    %dma_start3A_937 = tpu.memref_slice %arg2[%mul3A_933] : memref<3833856xi32, #tpu.memory_space<hbm>> -> memref<6144xi32, #tpu.memory_space<hbm>>
    %dma_start3A_938 = tpu.memref_slice %arg14[%dma_start3A_934] : memref<3x!tpu.dma_semaphore, #tpu.memory_space<semaphore_mem>> -> memref<1x!tpu.dma_semaphore, #tpu.memory_space<semaphore_mem>>
    %dma_start3A_939 = tpu.memref_squeeze %dma_start3A_938 : memref<1x!tpu.dma_semaphore, #tpu.memory_space<semaphore_mem>> -> memref<!tpu.dma_semaphore, #tpu.memory_space<semaphore_mem>>
    %dma_start3A_940 = arith.constant 0 : i32
    %dma_start3A_941 = tpu.memref_slice %arg7[%dma_start3A_940] : memref<7168xi32, #tpu.memory_space<vmem>> -> memref<6144xi32, #tpu.memory_space<vmem>>
    %dma_start3A_942 = tpu.memref_slice %arg2[%mul3A_933] : memref<3833856xi32, #tpu.memory_space<hbm>> -> memref<6144xi32, #tpu.memory_space<hbm>>
    tpu.enqueue_dma source(%dma_start3A_942 : memref<6144xi32, #tpu.memory_space<hbm>>) target(%dma_start3A_941 : memref<6144xi32, #tpu.memory_space<vmem>>) target_semaphore(%dma_start3A_939 : memref<!tpu.dma_semaphore, #tpu.memory_space<semaphore_mem>>)
    %dma_start3A_943 = arith.constant 1 : i32
    %dma_start3A_944 = arith.constant 0 : i32
    %dma_start3A_945 = tpu.memref_slice %arg10[%dma_start3A_944] : memref<7168xf32, #tpu.memory_space<vmem>> -> memref<6144xf32, #tpu.memory_space<vmem>>
    %dma_start3A_946 = tpu.memref_slice %arg3[%mul3A_933] : memref<3833856xf32, #tpu.memory_space<hbm>> -> memref<6144xf32, #tpu.memory_space<hbm>>
    %dma_start3A_947 = tpu.memref_slice %arg14[%dma_start3A_943] : memref<3x!tpu.dma_semaphore, #tpu.memory_space<semaphore_mem>> -> memref<1x!tpu.dma_semaphore, #tpu.memory_space<semaphore_mem>>
    %dma_start3A_948 = tpu.memref_squeeze %dma_start3A_947 : memref<1x!tpu.dma_semaphore, #tpu.memory_space<semaphore_mem>> -> memref<!tpu.dma_semaphore, #tpu.memory_space<semaphore_mem>>
    %dma_start3A_949 = arith.constant 0 : i32
    %dma_start3A_950 = tpu.memref_slice %arg10[%dma_start3A_949] : memref<7168xf32, #tpu.memory_space<vmem>> -> memref<6144xf32, #tpu.memory_space<vmem>>
    %dma_start3A_951 = tpu.memref_slice %arg3[%mul3A_933] : memref<3833856xf32, #tpu.memory_space<hbm>> -> memref<6144xf32, #tpu.memory_space<hbm>>
    tpu.enqueue_dma source(%dma_start3A_951 : memref<6144xf32, #tpu.memory_space<hbm>>) target(%dma_start3A_950 : memref<6144xf32, #tpu.memory_space<vmem>>) target_semaphore(%dma_start3A_948 : memref<!tpu.dma_semaphore, #tpu.memory_space<semaphore_mem>>)
    %dma_wait3A_952 = arith.constant 0 : i32
    %dma_wait3A_953 = arith.constant 0 : i32
    %dma_wait3A_954 = tpu.memref_slice %arg6[%dma_wait3A_953] : memref<7168xi32, #tpu.memory_space<vmem>> -> memref<7168xi32, #tpu.memory_space<vmem>>
    %dma_wait3A_955 = tpu.memref_slice %arg2[%mul3A_873] : memref<3833856xi32, #tpu.memory_space<hbm>> -> memref<7168xi32, #tpu.memory_space<hbm>>
    %dma_wait3A_956 = tpu.memref_slice %arg14[%dma_wait3A_952] : memref<3x!tpu.dma_semaphore, #tpu.memory_space<semaphore_mem>> -> memref<1x!tpu.dma_semaphore, #tpu.memory_space<semaphore_mem>>
    %dma_wait3A_957 = tpu.memref_squeeze %dma_wait3A_956 : memref<1x!tpu.dma_semaphore, #tpu.memory_space<semaphore_mem>> -> memref<!tpu.dma_semaphore, #tpu.memory_space<semaphore_mem>>
    %dma_wait3A_958 = arith.constant 0 : i32
    %dma_wait3A_959 = tpu.memref_slice %arg6[%dma_wait3A_958] : memref<7168xi32, #tpu.memory_space<vmem>> -> memref<7168xi32, #tpu.memory_space<vmem>>
    %dma_wait3A_960 = tpu.memref_slice %arg2[%mul3A_873] : memref<3833856xi32, #tpu.memory_space<hbm>> -> memref<7168xi32, #tpu.memory_space<hbm>>
    tpu.wait_dma2 semaphore(%dma_wait3A_957 : memref<!tpu.dma_semaphore, #tpu.memory_space<semaphore_mem>>) src(%dma_wait3A_960 : memref<7168xi32, #tpu.memory_space<hbm>>) dst(%dma_wait3A_959 : memref<7168xi32, #tpu.memory_space<vmem>>)
    %dma_wait3A_961 = arith.constant 0 : i32
    %dma_wait3A_962 = arith.constant 0 : i32
    %dma_wait3A_963 = tpu.memref_slice %arg9[%dma_wait3A_962] : memref<7168xf32, #tpu.memory_space<vmem>> -> memref<7168xf32, #tpu.memory_space<vmem>>
    %dma_wait3A_964 = tpu.memref_slice %arg3[%mul3A_873] : memref<3833856xf32, #tpu.memory_space<hbm>> -> memref<7168xf32, #tpu.memory_space<hbm>>
    %dma_wait3A_965 = tpu.memref_slice %arg14[%dma_wait3A_961] : memref<3x!tpu.dma_semaphore, #tpu.memory_space<semaphore_mem>> -> memref<1x!tpu.dma_semaphore, #tpu.memory_space<semaphore_mem>>
    %dma_wait3A_966 = tpu.memref_squeeze %dma_wait3A_965 : memref<1x!tpu.dma_semaphore, #tpu.memory_space<semaphore_mem>> -> memref<!tpu.dma_semaphore, #tpu.memory_space<semaphore_mem>>
    %dma_wait3A_967 = arith.constant 0 : i32
    %dma_wait3A_968 = tpu.memref_slice %arg9[%dma_wait3A_967] : memref<7168xf32, #tpu.memory_space<vmem>> -> memref<7168xf32, #tpu.memory_space<vmem>>
    %dma_wait3A_969 = tpu.memref_slice %arg3[%mul3A_873] : memref<3833856xf32, #tpu.memory_space<hbm>> -> memref<7168xf32, #tpu.memory_space<hbm>>
    tpu.wait_dma2 semaphore(%dma_wait3A_966 : memref<!tpu.dma_semaphore, #tpu.memory_space<semaphore_mem>>) src(%dma_wait3A_969 : memref<7168xf32, #tpu.memory_space<hbm>>) dst(%dma_wait3A_968 : memref<7168xf32, #tpu.memory_space<vmem>>)
    %dma_start3A_970 = arith.constant 0 : i32
    %dma_start3A_971 = arith.constant 0 : i32
    %dma_start3A_972 = tpu.memref_slice %arg5[%dma_start3A_971] : memref<1280000xf32, #tpu.memory_space<vmem_shared>> -> memref<1280000xf32, #tpu.memory_space<vmem_shared>>
    %dma_start3A_973 = tpu.memref_slice %arg15[%dma_start3A_970] : memref<3x!tpu.dma_semaphore, #tpu.memory_space<semaphore_mem>> -> memref<1x!tpu.dma_semaphore, #tpu.memory_space<semaphore_mem>>
    %dma_start3A_974 = tpu.memref_squeeze %dma_start3A_973 : memref<1x!tpu.dma_semaphore, #tpu.memory_space<semaphore_mem>> -> memref<!tpu.dma_semaphore, #tpu.memory_space<semaphore_mem>>
    tpu.enqueue_indirect_dma source(%arg9 : memref<7168xf32, #tpu.memory_space<vmem>>) target(%dma_start3A_972 : memref<1280000xf32, #tpu.memory_space<vmem_shared>>) offsets(%arg6 : memref<7168xi32, #tpu.memory_space<vmem>>) semaphore(%dma_start3A_974 : memref<!tpu.dma_semaphore, #tpu.memory_space<semaphore_mem>>) {add = true}
    %dma_wait3A_975 = arith.constant 2 : i32
    %dma_wait3A_976 = arith.constant 0 : i32
    %dma_wait3A_977 = tpu.memref_slice %arg3[%dma_wait3A_976] : memref<3833856xf32, #tpu.memory_space<hbm>> -> memref<7168xf32, #tpu.memory_space<hbm>>
    %dma_wait3A_978 = tpu.memref_slice %arg15[%dma_wait3A_975] : memref<3x!tpu.dma_semaphore, #tpu.memory_space<semaphore_mem>> -> memref<1x!tpu.dma_semaphore, #tpu.memory_space<semaphore_mem>>
    %dma_wait3A_979 = tpu.memref_squeeze %dma_wait3A_978 : memref<1x!tpu.dma_semaphore, #tpu.memory_space<semaphore_mem>> -> memref<!tpu.dma_semaphore, #tpu.memory_space<semaphore_mem>>
    %dma_wait3A_980 = arith.constant 0 : i32
    %dma_wait3A_981 = tpu.memref_slice %arg3[%dma_wait3A_980] : memref<3833856xf32, #tpu.memory_space<hbm>> -> memref<7168xf32, #tpu.memory_space<hbm>>
    tpu.wait_dma2 semaphore(%dma_wait3A_979 : memref<!tpu.dma_semaphore, #tpu.memory_space<semaphore_mem>>) src(%dma_wait3A_981 : memref<7168xf32, #tpu.memory_space<hbm>>) dst(%arg11 : memref<7168xf32, #tpu.memory_space<vmem>>)
    %add3A_982 = arith.constant 23296 : i32
    %add3A_983 = arith.addi %add3A_982, %add3A : i32
    %add3A_984 = arith.constant 0 : i32
    %add3A_985 = arith.addi %add3A_983, %add3A_984 : i32
    %mul3A_986 = arith.constant 128 : i32
    %mul3A_987 = arith.muli %add3A_985, %mul3A_986 : i32
    %dma_start3A_988 = arith.constant 2 : i32
    %dma_start3A_989 = arith.constant 0 : i32
    %dma_start3A_990 = tpu.memref_slice %arg8[%dma_start3A_989] : memref<7168xi32, #tpu.memory_space<vmem>> -> memref<7168xi32, #tpu.memory_space<vmem>>
    %dma_start3A_991 = tpu.memref_slice %arg2[%mul3A_987] : memref<3833856xi32, #tpu.memory_space<hbm>> -> memref<7168xi32, #tpu.memory_space<hbm>>
    %dma_start3A_992 = tpu.memref_slice %arg14[%dma_start3A_988] : memref<3x!tpu.dma_semaphore, #tpu.memory_space<semaphore_mem>> -> memref<1x!tpu.dma_semaphore, #tpu.memory_space<semaphore_mem>>
    %dma_start3A_993 = tpu.memref_squeeze %dma_start3A_992 : memref<1x!tpu.dma_semaphore, #tpu.memory_space<semaphore_mem>> -> memref<!tpu.dma_semaphore, #tpu.memory_space<semaphore_mem>>
    %dma_start3A_994 = arith.constant 0 : i32
    %dma_start3A_995 = tpu.memref_slice %arg8[%dma_start3A_994] : memref<7168xi32, #tpu.memory_space<vmem>> -> memref<7168xi32, #tpu.memory_space<vmem>>
    %dma_start3A_996 = tpu.memref_slice %arg2[%mul3A_987] : memref<3833856xi32, #tpu.memory_space<hbm>> -> memref<7168xi32, #tpu.memory_space<hbm>>
    tpu.enqueue_dma source(%dma_start3A_996 : memref<7168xi32, #tpu.memory_space<hbm>>) target(%dma_start3A_995 : memref<7168xi32, #tpu.memory_space<vmem>>) target_semaphore(%dma_start3A_993 : memref<!tpu.dma_semaphore, #tpu.memory_space<semaphore_mem>>)
    %dma_start3A_997 = arith.constant 2 : i32
    %dma_start3A_998 = arith.constant 0 : i32
    %dma_start3A_999 = tpu.memref_slice %arg11[%dma_start3A_998] : memref<7168xf32, #tpu.memory_space<vmem>> -> memref<7168xf32, #tpu.memory_space<vmem>>
    %dma_start3A_1000 = tpu.memref_slice %arg3[%mul3A_987] : memref<3833856xf32, #tpu.memory_space<hbm>> -> memref<7168xf32, #tpu.memory_space<hbm>>
    %dma_start3A_1001 = tpu.memref_slice %arg14[%dma_start3A_997] : memref<3x!tpu.dma_semaphore, #tpu.memory_space<semaphore_mem>> -> memref<1x!tpu.dma_semaphore, #tpu.memory_space<semaphore_mem>>
    %dma_start3A_1002 = tpu.memref_squeeze %dma_start3A_1001 : memref<1x!tpu.dma_semaphore, #tpu.memory_space<semaphore_mem>> -> memref<!tpu.dma_semaphore, #tpu.memory_space<semaphore_mem>>
    %dma_start3A_1003 = arith.constant 0 : i32
    %dma_start3A_1004 = tpu.memref_slice %arg11[%dma_start3A_1003] : memref<7168xf32, #tpu.memory_space<vmem>> -> memref<7168xf32, #tpu.memory_space<vmem>>
    %dma_start3A_1005 = tpu.memref_slice %arg3[%mul3A_987] : memref<3833856xf32, #tpu.memory_space<hbm>> -> memref<7168xf32, #tpu.memory_space<hbm>>
    tpu.enqueue_dma source(%dma_start3A_1005 : memref<7168xf32, #tpu.memory_space<hbm>>) target(%dma_start3A_1004 : memref<7168xf32, #tpu.memory_space<vmem>>) target_semaphore(%dma_start3A_1002 : memref<!tpu.dma_semaphore, #tpu.memory_space<semaphore_mem>>)
    %dma_wait3A_1006 = arith.constant 1 : i32
    %dma_wait3A_1007 = arith.constant 0 : i32
    %dma_wait3A_1008 = tpu.memref_slice %arg7[%dma_wait3A_1007] : memref<7168xi32, #tpu.memory_space<vmem>> -> memref<6144xi32, #tpu.memory_space<vmem>>
    %dma_wait3A_1009 = tpu.memref_slice %arg2[%mul3A_933] : memref<3833856xi32, #tpu.memory_space<hbm>> -> memref<6144xi32, #tpu.memory_space<hbm>>
    %dma_wait3A_1010 = tpu.memref_slice %arg14[%dma_wait3A_1006] : memref<3x!tpu.dma_semaphore, #tpu.memory_space<semaphore_mem>> -> memref<1x!tpu.dma_semaphore, #tpu.memory_space<semaphore_mem>>
    %dma_wait3A_1011 = tpu.memref_squeeze %dma_wait3A_1010 : memref<1x!tpu.dma_semaphore, #tpu.memory_space<semaphore_mem>> -> memref<!tpu.dma_semaphore, #tpu.memory_space<semaphore_mem>>
    %dma_wait3A_1012 = arith.constant 0 : i32
    %dma_wait3A_1013 = tpu.memref_slice %arg7[%dma_wait3A_1012] : memref<7168xi32, #tpu.memory_space<vmem>> -> memref<6144xi32, #tpu.memory_space<vmem>>
    %dma_wait3A_1014 = tpu.memref_slice %arg2[%mul3A_933] : memref<3833856xi32, #tpu.memory_space<hbm>> -> memref<6144xi32, #tpu.memory_space<hbm>>
    tpu.wait_dma2 semaphore(%dma_wait3A_1011 : memref<!tpu.dma_semaphore, #tpu.memory_space<semaphore_mem>>) src(%dma_wait3A_1014 : memref<6144xi32, #tpu.memory_space<hbm>>) dst(%dma_wait3A_1013 : memref<6144xi32, #tpu.memory_space<vmem>>)
    %dma_wait3A_1015 = arith.constant 1 : i32
    %dma_wait3A_1016 = arith.constant 0 : i32
    %dma_wait3A_1017 = tpu.memref_slice %arg10[%dma_wait3A_1016] : memref<7168xf32, #tpu.memory_space<vmem>> -> memref<6144xf32, #tpu.memory_space<vmem>>
    %dma_wait3A_1018 = tpu.memref_slice %arg3[%mul3A_933] : memref<3833856xf32, #tpu.memory_space<hbm>> -> memref<6144xf32, #tpu.memory_space<hbm>>
    %dma_wait3A_1019 = tpu.memref_slice %arg14[%dma_wait3A_1015] : memref<3x!tpu.dma_semaphore, #tpu.memory_space<semaphore_mem>> -> memref<1x!tpu.dma_semaphore, #tpu.memory_space<semaphore_mem>>
    %dma_wait3A_1020 = tpu.memref_squeeze %dma_wait3A_1019 : memref<1x!tpu.dma_semaphore, #tpu.memory_space<semaphore_mem>> -> memref<!tpu.dma_semaphore, #tpu.memory_space<semaphore_mem>>
    %dma_wait3A_1021 = arith.constant 0 : i32
    %dma_wait3A_1022 = tpu.memref_slice %arg10[%dma_wait3A_1021] : memref<7168xf32, #tpu.memory_space<vmem>> -> memref<6144xf32, #tpu.memory_space<vmem>>
    %dma_wait3A_1023 = tpu.memref_slice %arg3[%mul3A_933] : memref<3833856xf32, #tpu.memory_space<hbm>> -> memref<6144xf32, #tpu.memory_space<hbm>>
    tpu.wait_dma2 semaphore(%dma_wait3A_1020 : memref<!tpu.dma_semaphore, #tpu.memory_space<semaphore_mem>>) src(%dma_wait3A_1023 : memref<6144xf32, #tpu.memory_space<hbm>>) dst(%dma_wait3A_1022 : memref<6144xf32, #tpu.memory_space<vmem>>)
    %scan3A_1024 = arith.constant 0 : i32
    %scan3A_1025 = arith.constant 0 : i32
    %scan3A_1026 = arith.constant 64 : i32
    %scan3A_1027 = arith.addi %scan3A_1025, %scan3A_1026 : i32
    %scan3A_1028 = arith.constant 1 : i32
    scf.for %scan3A_2059 = %scan3A_1025 to %scan3A_1027 step %scan3A_1028  : i32 {
      %mul3A_2060 = arith.constant 16 : i32
      %mul3A_2061 = arith.muli %scan3A_2059, %mul3A_2060 : i32
      %add3A_2062 = arith.constant 6144 : i32
      %add3A_2063 = arith.addi %add3A_2062, %mul3A_2061 : i32
      %swap3A = arith.index_cast %add3A_2063 : i32 to index
      %swap3A_2064 = tpu.vector_load %arg10[%swap3A] {strides = array<i32>} : memref<7168xf32, #tpu.memory_space<vmem>>, vector<16xf32>,
      %swap3A_2065 = vector.shape_cast %swap3A_2064 : vector<16xf32> to vector<16xf32>
      %swap3A_2066 = vector.shape_cast %broadcast_in_dim3A_5 : vector<16xf32> to vector<16xf32>
      tpu.vector_store %arg10[%swap3A], %swap3A_2066 {strides = array<i32>} : memref<7168xf32, #tpu.memory_space<vmem>>, vector<16xf32>,
    }
    %scan3A_1029 = arith.constant 64 : i32
    %dma_start3A_1030 = arith.constant 1 : i32
    %dma_start3A_1031 = arith.constant 0 : i32
    %dma_start3A_1032 = tpu.memref_slice %arg5[%dma_start3A_1031] : memref<1280000xf32, #tpu.memory_space<vmem_shared>> -> memref<1280000xf32, #tpu.memory_space<vmem_shared>>
    %dma_start3A_1033 = tpu.memref_slice %arg15[%dma_start3A_1030] : memref<3x!tpu.dma_semaphore, #tpu.memory_space<semaphore_mem>> -> memref<1x!tpu.dma_semaphore, #tpu.memory_space<semaphore_mem>>
    %dma_start3A_1034 = tpu.memref_squeeze %dma_start3A_1033 : memref<1x!tpu.dma_semaphore, #tpu.memory_space<semaphore_mem>> -> memref<!tpu.dma_semaphore, #tpu.memory_space<semaphore_mem>>
    tpu.enqueue_indirect_dma source(%arg10 : memref<7168xf32, #tpu.memory_space<vmem>>) target(%dma_start3A_1032 : memref<1280000xf32, #tpu.memory_space<vmem_shared>>) offsets(%arg7 : memref<7168xi32, #tpu.memory_space<vmem>>) semaphore(%dma_start3A_1034 : memref<!tpu.dma_semaphore, #tpu.memory_space<semaphore_mem>>) {add = true}
    %dma_wait3A_1035 = arith.constant 0 : i32
    %dma_wait3A_1036 = arith.constant 0 : i32
    %dma_wait3A_1037 = tpu.memref_slice %arg3[%dma_wait3A_1036] : memref<3833856xf32, #tpu.memory_space<hbm>> -> memref<7168xf32, #tpu.memory_space<hbm>>
    %dma_wait3A_1038 = tpu.memref_slice %arg15[%dma_wait3A_1035] : memref<3x!tpu.dma_semaphore, #tpu.memory_space<semaphore_mem>> -> memref<1x!tpu.dma_semaphore, #tpu.memory_space<semaphore_mem>>
    %dma_wait3A_1039 = tpu.memref_squeeze %dma_wait3A_1038 : memref<1x!tpu.dma_semaphore, #tpu.memory_space<semaphore_mem>> -> memref<!tpu.dma_semaphore, #tpu.memory_space<semaphore_mem>>
    %dma_wait3A_1040 = arith.constant 0 : i32
    %dma_wait3A_1041 = tpu.memref_slice %arg3[%dma_wait3A_1040] : memref<3833856xf32, #tpu.memory_space<hbm>> -> memref<7168xf32, #tpu.memory_space<hbm>>
    tpu.wait_dma2 semaphore(%dma_wait3A_1039 : memref<!tpu.dma_semaphore, #tpu.memory_space<semaphore_mem>>) src(%dma_wait3A_1041 : memref<7168xf32, #tpu.memory_space<hbm>>) dst(%arg9 : memref<7168xf32, #tpu.memory_space<vmem>>)
    %add3A_1042 = arith.constant 23296 : i32
    %add3A_1043 = arith.addi %add3A_1042, %add3A : i32
    %add3A_1044 = arith.constant 56 : i32
    %add3A_1045 = arith.addi %add3A_1043, %add3A_1044 : i32
    %mul3A_1046 = arith.constant 128 : i32
    %mul3A_1047 = arith.muli %add3A_1045, %mul3A_1046 : i32
    %dma_start3A_1048 = arith.constant 0 : i32
    %dma_start3A_1049 = arith.constant 0 : i32
    %dma_start3A_1050 = tpu.memref_slice %arg6[%dma_start3A_1049] : memref<7168xi32, #tpu.memory_space<vmem>> -> memref<6144xi32, #tpu.memory_space<vmem>>
    %dma_start3A_1051 = tpu.memref_slice %arg2[%mul3A_1047] : memref<3833856xi32, #tpu.memory_space<hbm>> -> memref<6144xi32, #tpu.memory_space<hbm>>
    %dma_start3A_1052 = tpu.memref_slice %arg14[%dma_start3A_1048] : memref<3x!tpu.dma_semaphore, #tpu.memory_space<semaphore_mem>> -> memref<1x!tpu.dma_semaphore, #tpu.memory_space<semaphore_mem>>
    %dma_start3A_1053 = tpu.memref_squeeze %dma_start3A_1052 : memref<1x!tpu.dma_semaphore, #tpu.memory_space<semaphore_mem>> -> memref<!tpu.dma_semaphore, #tpu.memory_space<semaphore_mem>>
    %dma_start3A_1054 = arith.constant 0 : i32
    %dma_start3A_1055 = tpu.memref_slice %arg6[%dma_start3A_1054] : memref<7168xi32, #tpu.memory_space<vmem>> -> memref<6144xi32, #tpu.memory_space<vmem>>
    %dma_start3A_1056 = tpu.memref_slice %arg2[%mul3A_1047] : memref<3833856xi32, #tpu.memory_space<hbm>> -> memref<6144xi32, #tpu.memory_space<hbm>>
    tpu.enqueue_dma source(%dma_start3A_1056 : memref<6144xi32, #tpu.memory_space<hbm>>) target(%dma_start3A_1055 : memref<6144xi32, #tpu.memory_space<vmem>>) target_semaphore(%dma_start3A_1053 : memref<!tpu.dma_semaphore, #tpu.memory_space<semaphore_mem>>)
    %dma_start3A_1057 = arith.constant 0 : i32
    %dma_start3A_1058 = arith.constant 0 : i32
    %dma_start3A_1059 = tpu.memref_slice %arg9[%dma_start3A_1058] : memref<7168xf32, #tpu.memory_space<vmem>> -> memref<6144xf32, #tpu.memory_space<vmem>>
    %dma_start3A_1060 = tpu.memref_slice %arg3[%mul3A_1047] : memref<3833856xf32, #tpu.memory_space<hbm>> -> memref<6144xf32, #tpu.memory_space<hbm>>
    %dma_start3A_1061 = tpu.memref_slice %arg14[%dma_start3A_1057] : memref<3x!tpu.dma_semaphore, #tpu.memory_space<semaphore_mem>> -> memref<1x!tpu.dma_semaphore, #tpu.memory_space<semaphore_mem>>
    %dma_start3A_1062 = tpu.memref_squeeze %dma_start3A_1061 : memref<1x!tpu.dma_semaphore, #tpu.memory_space<semaphore_mem>> -> memref<!tpu.dma_semaphore, #tpu.memory_space<semaphore_mem>>
    %dma_start3A_1063 = arith.constant 0 : i32
    %dma_start3A_1064 = tpu.memref_slice %arg9[%dma_start3A_1063] : memref<7168xf32, #tpu.memory_space<vmem>> -> memref<6144xf32, #tpu.memory_space<vmem>>
    %dma_start3A_1065 = tpu.memref_slice %arg3[%mul3A_1047] : memref<3833856xf32, #tpu.memory_space<hbm>> -> memref<6144xf32, #tpu.memory_space<hbm>>
    tpu.enqueue_dma source(%dma_start3A_1065 : memref<6144xf32, #tpu.memory_space<hbm>>) target(%dma_start3A_1064 : memref<6144xf32, #tpu.memory_space<vmem>>) target_semaphore(%dma_start3A_1062 : memref<!tpu.dma_semaphore, #tpu.memory_space<semaphore_mem>>)
    %dma_wait3A_1066 = arith.constant 2 : i32
    %dma_wait3A_1067 = arith.constant 0 : i32
    %dma_wait3A_1068 = tpu.memref_slice %arg8[%dma_wait3A_1067] : memref<7168xi32, #tpu.memory_space<vmem>> -> memref<7168xi32, #tpu.memory_space<vmem>>
    %dma_wait3A_1069 = tpu.memref_slice %arg2[%mul3A_987] : memref<3833856xi32, #tpu.memory_space<hbm>> -> memref<7168xi32, #tpu.memory_space<hbm>>
    %dma_wait3A_1070 = tpu.memref_slice %arg14[%dma_wait3A_1066] : memref<3x!tpu.dma_semaphore, #tpu.memory_space<semaphore_mem>> -> memref<1x!tpu.dma_semaphore, #tpu.memory_space<semaphore_mem>>
    %dma_wait3A_1071 = tpu.memref_squeeze %dma_wait3A_1070 : memref<1x!tpu.dma_semaphore, #tpu.memory_space<semaphore_mem>> -> memref<!tpu.dma_semaphore, #tpu.memory_space<semaphore_mem>>
    %dma_wait3A_1072 = arith.constant 0 : i32
    %dma_wait3A_1073 = tpu.memref_slice %arg8[%dma_wait3A_1072] : memref<7168xi32, #tpu.memory_space<vmem>> -> memref<7168xi32, #tpu.memory_space<vmem>>
    %dma_wait3A_1074 = tpu.memref_slice %arg2[%mul3A_987] : memref<3833856xi32, #tpu.memory_space<hbm>> -> memref<7168xi32, #tpu.memory_space<hbm>>
    tpu.wait_dma2 semaphore(%dma_wait3A_1071 : memref<!tpu.dma_semaphore, #tpu.memory_space<semaphore_mem>>) src(%dma_wait3A_1074 : memref<7168xi32, #tpu.memory_space<hbm>>) dst(%dma_wait3A_1073 : memref<7168xi32, #tpu.memory_space<vmem>>)
    %dma_wait3A_1075 = arith.constant 2 : i32
    %dma_wait3A_1076 = arith.constant 0 : i32
    %dma_wait3A_1077 = tpu.memref_slice %arg11[%dma_wait3A_1076] : memref<7168xf32, #tpu.memory_space<vmem>> -> memref<7168xf32, #tpu.memory_space<vmem>>
    %dma_wait3A_1078 = tpu.memref_slice %arg3[%mul3A_987] : memref<3833856xf32, #tpu.memory_space<hbm>> -> memref<7168xf32, #tpu.memory_space<hbm>>
    %dma_wait3A_1079 = tpu.memref_slice %arg14[%dma_wait3A_1075] : memref<3x!tpu.dma_semaphore, #tpu.memory_space<semaphore_mem>> -> memref<1x!tpu.dma_semaphore, #tpu.memory_space<semaphore_mem>>
    %dma_wait3A_1080 = tpu.memref_squeeze %dma_wait3A_1079 : memref<1x!tpu.dma_semaphore, #tpu.memory_space<semaphore_mem>> -> memref<!tpu.dma_semaphore, #tpu.memory_space<semaphore_mem>>
    %dma_wait3A_1081 = arith.constant 0 : i32
    %dma_wait3A_1082 = tpu.memref_slice %arg11[%dma_wait3A_1081] : memref<7168xf32, #tpu.memory_space<vmem>> -> memref<7168xf32, #tpu.memory_space<vmem>>
    %dma_wait3A_1083 = tpu.memref_slice %arg3[%mul3A_987] : memref<3833856xf32, #tpu.memory_space<hbm>> -> memref<7168xf32, #tpu.memory_space<hbm>>
    tpu.wait_dma2 semaphore(%dma_wait3A_1080 : memref<!tpu.dma_semaphore, #tpu.memory_space<semaphore_mem>>) src(%dma_wait3A_1083 : memref<7168xf32, #tpu.memory_space<hbm>>) dst(%dma_wait3A_1082 : memref<7168xf32, #tpu.memory_space<vmem>>)
    %dma_start3A_1084 = arith.constant 2 : i32
    %dma_start3A_1085 = arith.constant 0 : i32
    %dma_start3A_1086 = tpu.memref_slice %arg5[%dma_start3A_1085] : memref<1280000xf32, #tpu.memory_space<vmem_shared>> -> memref<1280000xf32, #tpu.memory_space<vmem_shared>>
    %dma_start3A_1087 = tpu.memref_slice %arg15[%dma_start3A_1084] : memref<3x!tpu.dma_semaphore, #tpu.memory_space<semaphore_mem>> -> memref<1x!tpu.dma_semaphore, #tpu.memory_space<semaphore_mem>>
    %dma_start3A_1088 = tpu.memref_squeeze %dma_start3A_1087 : memref<1x!tpu.dma_semaphore, #tpu.memory_space<semaphore_mem>> -> memref<!tpu.dma_semaphore, #tpu.memory_space<semaphore_mem>>
    tpu.enqueue_indirect_dma source(%arg11 : memref<7168xf32, #tpu.memory_space<vmem>>) target(%dma_start3A_1086 : memref<1280000xf32, #tpu.memory_space<vmem_shared>>) offsets(%arg8 : memref<7168xi32, #tpu.memory_space<vmem>>) semaphore(%dma_start3A_1088 : memref<!tpu.dma_semaphore, #tpu.memory_space<semaphore_mem>>) {add = true}
    %dma_wait3A_1089 = arith.constant 1 : i32
    %dma_wait3A_1090 = arith.constant 0 : i32
    %dma_wait3A_1091 = tpu.memref_slice %arg3[%dma_wait3A_1090] : memref<3833856xf32, #tpu.memory_space<hbm>> -> memref<7168xf32, #tpu.memory_space<hbm>>
    %dma_wait3A_1092 = tpu.memref_slice %arg15[%dma_wait3A_1089] : memref<3x!tpu.dma_semaphore, #tpu.memory_space<semaphore_mem>> -> memref<1x!tpu.dma_semaphore, #tpu.memory_space<semaphore_mem>>
    %dma_wait3A_1093 = tpu.memref_squeeze %dma_wait3A_1092 : memref<1x!tpu.dma_semaphore, #tpu.memory_space<semaphore_mem>> -> memref<!tpu.dma_semaphore, #tpu.memory_space<semaphore_mem>>
    %dma_wait3A_1094 = arith.constant 0 : i32
    %dma_wait3A_1095 = tpu.memref_slice %arg3[%dma_wait3A_1094] : memref<3833856xf32, #tpu.memory_space<hbm>> -> memref<7168xf32, #tpu.memory_space<hbm>>
    tpu.wait_dma2 semaphore(%dma_wait3A_1093 : memref<!tpu.dma_semaphore, #tpu.memory_space<semaphore_mem>>) src(%dma_wait3A_1095 : memref<7168xf32, #tpu.memory_space<hbm>>) dst(%arg10 : memref<7168xf32, #tpu.memory_space<vmem>>)
    %add3A_1096 = arith.constant 26624 : i32
    %add3A_1097 = arith.addi %add3A_1096, %add3A : i32
    %add3A_1098 = arith.constant 0 : i32
    %add3A_1099 = arith.addi %add3A_1097, %add3A_1098 : i32
    %mul3A_1100 = arith.constant 128 : i32
    %mul3A_1101 = arith.muli %add3A_1099, %mul3A_1100 : i32
    %dma_start3A_1102 = arith.constant 1 : i32
    %dma_start3A_1103 = arith.constant 0 : i32
    %dma_start3A_1104 = tpu.memref_slice %arg7[%dma_start3A_1103] : memref<7168xi32, #tpu.memory_space<vmem>> -> memref<7168xi32, #tpu.memory_space<vmem>>
    %dma_start3A_1105 = tpu.memref_slice %arg2[%mul3A_1101] : memref<3833856xi32, #tpu.memory_space<hbm>> -> memref<7168xi32, #tpu.memory_space<hbm>>
    %dma_start3A_1106 = tpu.memref_slice %arg14[%dma_start3A_1102] : memref<3x!tpu.dma_semaphore, #tpu.memory_space<semaphore_mem>> -> memref<1x!tpu.dma_semaphore, #tpu.memory_space<semaphore_mem>>
    %dma_start3A_1107 = tpu.memref_squeeze %dma_start3A_1106 : memref<1x!tpu.dma_semaphore, #tpu.memory_space<semaphore_mem>> -> memref<!tpu.dma_semaphore, #tpu.memory_space<semaphore_mem>>
    %dma_start3A_1108 = arith.constant 0 : i32
    %dma_start3A_1109 = tpu.memref_slice %arg7[%dma_start3A_1108] : memref<7168xi32, #tpu.memory_space<vmem>> -> memref<7168xi32, #tpu.memory_space<vmem>>
    %dma_start3A_1110 = tpu.memref_slice %arg2[%mul3A_1101] : memref<3833856xi32, #tpu.memory_space<hbm>> -> memref<7168xi32, #tpu.memory_space<hbm>>
    tpu.enqueue_dma source(%dma_start3A_1110 : memref<7168xi32, #tpu.memory_space<hbm>>) target(%dma_start3A_1109 : memref<7168xi32, #tpu.memory_space<vmem>>) target_semaphore(%dma_start3A_1107 : memref<!tpu.dma_semaphore, #tpu.memory_space<semaphore_mem>>)
    %dma_start3A_1111 = arith.constant 1 : i32
    %dma_start3A_1112 = arith.constant 0 : i32
    %dma_start3A_1113 = tpu.memref_slice %arg10[%dma_start3A_1112] : memref<7168xf32, #tpu.memory_space<vmem>> -> memref<7168xf32, #tpu.memory_space<vmem>>
    %dma_start3A_1114 = tpu.memref_slice %arg3[%mul3A_1101] : memref<3833856xf32, #tpu.memory_space<hbm>> -> memref<7168xf32, #tpu.memory_space<hbm>>
    %dma_start3A_1115 = tpu.memref_slice %arg14[%dma_start3A_1111] : memref<3x!tpu.dma_semaphore, #tpu.memory_space<semaphore_mem>> -> memref<1x!tpu.dma_semaphore, #tpu.memory_space<semaphore_mem>>
    %dma_start3A_1116 = tpu.memref_squeeze %dma_start3A_1115 : memref<1x!tpu.dma_semaphore, #tpu.memory_space<semaphore_mem>> -> memref<!tpu.dma_semaphore, #tpu.memory_space<semaphore_mem>>
    %dma_start3A_1117 = arith.constant 0 : i32
    %dma_start3A_1118 = tpu.memref_slice %arg10[%dma_start3A_1117] : memref<7168xf32, #tpu.memory_space<vmem>> -> memref<7168xf32, #tpu.memory_space<vmem>>
    %dma_start3A_1119 = tpu.memref_slice %arg3[%mul3A_1101] : memref<3833856xf32, #tpu.memory_space<hbm>> -> memref<7168xf32, #tpu.memory_space<hbm>>
    tpu.enqueue_dma source(%dma_start3A_1119 : memref<7168xf32, #tpu.memory_space<hbm>>) target(%dma_start3A_1118 : memref<7168xf32, #tpu.memory_space<vmem>>) target_semaphore(%dma_start3A_1116 : memref<!tpu.dma_semaphore, #tpu.memory_space<semaphore_mem>>)
    %dma_wait3A_1120 = arith.constant 0 : i32
    %dma_wait3A_1121 = arith.constant 0 : i32
    %dma_wait3A_1122 = tpu.memref_slice %arg6[%dma_wait3A_1121] : memref<7168xi32, #tpu.memory_space<vmem>> -> memref<6144xi32, #tpu.memory_space<vmem>>
    %dma_wait3A_1123 = tpu.memref_slice %arg2[%mul3A_1047] : memref<3833856xi32, #tpu.memory_space<hbm>> -> memref<6144xi32, #tpu.memory_space<hbm>>
    %dma_wait3A_1124 = tpu.memref_slice %arg14[%dma_wait3A_1120] : memref<3x!tpu.dma_semaphore, #tpu.memory_space<semaphore_mem>> -> memref<1x!tpu.dma_semaphore, #tpu.memory_space<semaphore_mem>>
    %dma_wait3A_1125 = tpu.memref_squeeze %dma_wait3A_1124 : memref<1x!tpu.dma_semaphore, #tpu.memory_space<semaphore_mem>> -> memref<!tpu.dma_semaphore, #tpu.memory_space<semaphore_mem>>
    %dma_wait3A_1126 = arith.constant 0 : i32
    %dma_wait3A_1127 = tpu.memref_slice %arg6[%dma_wait3A_1126] : memref<7168xi32, #tpu.memory_space<vmem>> -> memref<6144xi32, #tpu.memory_space<vmem>>
    %dma_wait3A_1128 = tpu.memref_slice %arg2[%mul3A_1047] : memref<3833856xi32, #tpu.memory_space<hbm>> -> memref<6144xi32, #tpu.memory_space<hbm>>
    tpu.wait_dma2 semaphore(%dma_wait3A_1125 : memref<!tpu.dma_semaphore, #tpu.memory_space<semaphore_mem>>) src(%dma_wait3A_1128 : memref<6144xi32, #tpu.memory_space<hbm>>) dst(%dma_wait3A_1127 : memref<6144xi32, #tpu.memory_space<vmem>>)
    %dma_wait3A_1129 = arith.constant 0 : i32
    %dma_wait3A_1130 = arith.constant 0 : i32
    %dma_wait3A_1131 = tpu.memref_slice %arg9[%dma_wait3A_1130] : memref<7168xf32, #tpu.memory_space<vmem>> -> memref<6144xf32, #tpu.memory_space<vmem>>
    %dma_wait3A_1132 = tpu.memref_slice %arg3[%mul3A_1047] : memref<3833856xf32, #tpu.memory_space<hbm>> -> memref<6144xf32, #tpu.memory_space<hbm>>
    %dma_wait3A_1133 = tpu.memref_slice %arg14[%dma_wait3A_1129] : memref<3x!tpu.dma_semaphore, #tpu.memory_space<semaphore_mem>> -> memref<1x!tpu.dma_semaphore, #tpu.memory_space<semaphore_mem>>
    %dma_wait3A_1134 = tpu.memref_squeeze %dma_wait3A_1133 : memref<1x!tpu.dma_semaphore, #tpu.memory_space<semaphore_mem>> -> memref<!tpu.dma_semaphore, #tpu.memory_space<semaphore_mem>>
    %dma_wait3A_1135 = arith.constant 0 : i32
    %dma_wait3A_1136 = tpu.memref_slice %arg9[%dma_wait3A_1135] : memref<7168xf32, #tpu.memory_space<vmem>> -> memref<6144xf32, #tpu.memory_space<vmem>>
    %dma_wait3A_1137 = tpu.memref_slice %arg3[%mul3A_1047] : memref<3833856xf32, #tpu.memory_space<hbm>> -> memref<6144xf32, #tpu.memory_space<hbm>>
    tpu.wait_dma2 semaphore(%dma_wait3A_1134 : memref<!tpu.dma_semaphore, #tpu.memory_space<semaphore_mem>>) src(%dma_wait3A_1137 : memref<6144xf32, #tpu.memory_space<hbm>>) dst(%dma_wait3A_1136 : memref<6144xf32, #tpu.memory_space<vmem>>)
    %scan3A_1138 = arith.constant 0 : i32
    %scan3A_1139 = arith.constant 0 : i32
    %scan3A_1140 = arith.constant 64 : i32
    %scan3A_1141 = arith.addi %scan3A_1139, %scan3A_1140 : i32
    %scan3A_1142 = arith.constant 1 : i32
    scf.for %scan3A_2059 = %scan3A_1139 to %scan3A_1141 step %scan3A_1142  : i32 {
      %mul3A_2060 = arith.constant 16 : i32
      %mul3A_2061 = arith.muli %scan3A_2059, %mul3A_2060 : i32
      %add3A_2062 = arith.constant 6144 : i32
      %add3A_2063 = arith.addi %add3A_2062, %mul3A_2061 : i32
      %swap3A = arith.index_cast %add3A_2063 : i32 to index
      %swap3A_2064 = tpu.vector_load %arg9[%swap3A] {strides = array<i32>} : memref<7168xf32, #tpu.memory_space<vmem>>, vector<16xf32>,
      %swap3A_2065 = vector.shape_cast %swap3A_2064 : vector<16xf32> to vector<16xf32>
      %swap3A_2066 = vector.shape_cast %broadcast_in_dim3A_5 : vector<16xf32> to vector<16xf32>
      tpu.vector_store %arg9[%swap3A], %swap3A_2066 {strides = array<i32>} : memref<7168xf32, #tpu.memory_space<vmem>>, vector<16xf32>,
    }
    %scan3A_1143 = arith.constant 64 : i32
    %dma_start3A_1144 = arith.constant 0 : i32
    %dma_start3A_1145 = arith.constant 0 : i32
    %dma_start3A_1146 = tpu.memref_slice %arg5[%dma_start3A_1145] : memref<1280000xf32, #tpu.memory_space<vmem_shared>> -> memref<1280000xf32, #tpu.memory_space<vmem_shared>>
    %dma_start3A_1147 = tpu.memref_slice %arg15[%dma_start3A_1144] : memref<3x!tpu.dma_semaphore, #tpu.memory_space<semaphore_mem>> -> memref<1x!tpu.dma_semaphore, #tpu.memory_space<semaphore_mem>>
    %dma_start3A_1148 = tpu.memref_squeeze %dma_start3A_1147 : memref<1x!tpu.dma_semaphore, #tpu.memory_space<semaphore_mem>> -> memref<!tpu.dma_semaphore, #tpu.memory_space<semaphore_mem>>
    tpu.enqueue_indirect_dma source(%arg9 : memref<7168xf32, #tpu.memory_space<vmem>>) target(%dma_start3A_1146 : memref<1280000xf32, #tpu.memory_space<vmem_shared>>) offsets(%arg6 : memref<7168xi32, #tpu.memory_space<vmem>>) semaphore(%dma_start3A_1148 : memref<!tpu.dma_semaphore, #tpu.memory_space<semaphore_mem>>) {add = true}
    %dma_wait3A_1149 = arith.constant 2 : i32
    %dma_wait3A_1150 = arith.constant 0 : i32
    %dma_wait3A_1151 = tpu.memref_slice %arg3[%dma_wait3A_1150] : memref<3833856xf32, #tpu.memory_space<hbm>> -> memref<7168xf32, #tpu.memory_space<hbm>>
    %dma_wait3A_1152 = tpu.memref_slice %arg15[%dma_wait3A_1149] : memref<3x!tpu.dma_semaphore, #tpu.memory_space<semaphore_mem>> -> memref<1x!tpu.dma_semaphore, #tpu.memory_space<semaphore_mem>>
    %dma_wait3A_1153 = tpu.memref_squeeze %dma_wait3A_1152 : memref<1x!tpu.dma_semaphore, #tpu.memory_space<semaphore_mem>> -> memref<!tpu.dma_semaphore, #tpu.memory_space<semaphore_mem>>
    %dma_wait3A_1154 = arith.constant 0 : i32
    %dma_wait3A_1155 = tpu.memref_slice %arg3[%dma_wait3A_1154] : memref<3833856xf32, #tpu.memory_space<hbm>> -> memref<7168xf32, #tpu.memory_space<hbm>>
    tpu.wait_dma2 semaphore(%dma_wait3A_1153 : memref<!tpu.dma_semaphore, #tpu.memory_space<semaphore_mem>>) src(%dma_wait3A_1155 : memref<7168xf32, #tpu.memory_space<hbm>>) dst(%arg11 : memref<7168xf32, #tpu.memory_space<vmem>>)
    %add3A_1156 = arith.constant 26624 : i32
    %add3A_1157 = arith.addi %add3A_1156, %add3A : i32
    %add3A_1158 = arith.constant 56 : i32
    %add3A_1159 = arith.addi %add3A_1157, %add3A_1158 : i32
    %mul3A_1160 = arith.constant 128 : i32
    %mul3A_1161 = arith.muli %add3A_1159, %mul3A_1160 : i32
    %dma_start3A_1162 = arith.constant 2 : i32
    %dma_start3A_1163 = arith.constant 0 : i32
    %dma_start3A_1164 = tpu.memref_slice %arg8[%dma_start3A_1163] : memref<7168xi32, #tpu.memory_space<vmem>> -> memref<6144xi32, #tpu.memory_space<vmem>>
    %dma_start3A_1165 = tpu.memref_slice %arg2[%mul3A_1161] : memref<3833856xi32, #tpu.memory_space<hbm>> -> memref<6144xi32, #tpu.memory_space<hbm>>
    %dma_start3A_1166 = tpu.memref_slice %arg14[%dma_start3A_1162] : memref<3x!tpu.dma_semaphore, #tpu.memory_space<semaphore_mem>> -> memref<1x!tpu.dma_semaphore, #tpu.memory_space<semaphore_mem>>
    %dma_start3A_1167 = tpu.memref_squeeze %dma_start3A_1166 : memref<1x!tpu.dma_semaphore, #tpu.memory_space<semaphore_mem>> -> memref<!tpu.dma_semaphore, #tpu.memory_space<semaphore_mem>>
    %dma_start3A_1168 = arith.constant 0 : i32
    %dma_start3A_1169 = tpu.memref_slice %arg8[%dma_start3A_1168] : memref<7168xi32, #tpu.memory_space<vmem>> -> memref<6144xi32, #tpu.memory_space<vmem>>
    %dma_start3A_1170 = tpu.memref_slice %arg2[%mul3A_1161] : memref<3833856xi32, #tpu.memory_space<hbm>> -> memref<6144xi32, #tpu.memory_space<hbm>>
    tpu.enqueue_dma source(%dma_start3A_1170 : memref<6144xi32, #tpu.memory_space<hbm>>) target(%dma_start3A_1169 : memref<6144xi32, #tpu.memory_space<vmem>>) target_semaphore(%dma_start3A_1167 : memref<!tpu.dma_semaphore, #tpu.memory_space<semaphore_mem>>)
    %dma_start3A_1171 = arith.constant 2 : i32
    %dma_start3A_1172 = arith.constant 0 : i32
    %dma_start3A_1173 = tpu.memref_slice %arg11[%dma_start3A_1172] : memref<7168xf32, #tpu.memory_space<vmem>> -> memref<6144xf32, #tpu.memory_space<vmem>>
    %dma_start3A_1174 = tpu.memref_slice %arg3[%mul3A_1161] : memref<3833856xf32, #tpu.memory_space<hbm>> -> memref<6144xf32, #tpu.memory_space<hbm>>
    %dma_start3A_1175 = tpu.memref_slice %arg14[%dma_start3A_1171] : memref<3x!tpu.dma_semaphore, #tpu.memory_space<semaphore_mem>> -> memref<1x!tpu.dma_semaphore, #tpu.memory_space<semaphore_mem>>
    %dma_start3A_1176 = tpu.memref_squeeze %dma_start3A_1175 : memref<1x!tpu.dma_semaphore, #tpu.memory_space<semaphore_mem>> -> memref<!tpu.dma_semaphore, #tpu.memory_space<semaphore_mem>>
    %dma_start3A_1177 = arith.constant 0 : i32
    %dma_start3A_1178 = tpu.memref_slice %arg11[%dma_start3A_1177] : memref<7168xf32, #tpu.memory_space<vmem>> -> memref<6144xf32, #tpu.memory_space<vmem>>
    %dma_start3A_1179 = tpu.memref_slice %arg3[%mul3A_1161] : memref<3833856xf32, #tpu.memory_space<hbm>> -> memref<6144xf32, #tpu.memory_space<hbm>>
    tpu.enqueue_dma source(%dma_start3A_1179 : memref<6144xf32, #tpu.memory_space<hbm>>) target(%dma_start3A_1178 : memref<6144xf32, #tpu.memory_space<vmem>>) target_semaphore(%dma_start3A_1176 : memref<!tpu.dma_semaphore, #tpu.memory_space<semaphore_mem>>)
    %dma_wait3A_1180 = arith.constant 1 : i32
    %dma_wait3A_1181 = arith.constant 0 : i32
    %dma_wait3A_1182 = tpu.memref_slice %arg7[%dma_wait3A_1181] : memref<7168xi32, #tpu.memory_space<vmem>> -> memref<7168xi32, #tpu.memory_space<vmem>>
    %dma_wait3A_1183 = tpu.memref_slice %arg2[%mul3A_1101] : memref<3833856xi32, #tpu.memory_space<hbm>> -> memref<7168xi32, #tpu.memory_space<hbm>>
    %dma_wait3A_1184 = tpu.memref_slice %arg14[%dma_wait3A_1180] : memref<3x!tpu.dma_semaphore, #tpu.memory_space<semaphore_mem>> -> memref<1x!tpu.dma_semaphore, #tpu.memory_space<semaphore_mem>>
    %dma_wait3A_1185 = tpu.memref_squeeze %dma_wait3A_1184 : memref<1x!tpu.dma_semaphore, #tpu.memory_space<semaphore_mem>> -> memref<!tpu.dma_semaphore, #tpu.memory_space<semaphore_mem>>
    %dma_wait3A_1186 = arith.constant 0 : i32
    %dma_wait3A_1187 = tpu.memref_slice %arg7[%dma_wait3A_1186] : memref<7168xi32, #tpu.memory_space<vmem>> -> memref<7168xi32, #tpu.memory_space<vmem>>
    %dma_wait3A_1188 = tpu.memref_slice %arg2[%mul3A_1101] : memref<3833856xi32, #tpu.memory_space<hbm>> -> memref<7168xi32, #tpu.memory_space<hbm>>
    tpu.wait_dma2 semaphore(%dma_wait3A_1185 : memref<!tpu.dma_semaphore, #tpu.memory_space<semaphore_mem>>) src(%dma_wait3A_1188 : memref<7168xi32, #tpu.memory_space<hbm>>) dst(%dma_wait3A_1187 : memref<7168xi32, #tpu.memory_space<vmem>>)
    %dma_wait3A_1189 = arith.constant 1 : i32
    %dma_wait3A_1190 = arith.constant 0 : i32
    %dma_wait3A_1191 = tpu.memref_slice %arg10[%dma_wait3A_1190] : memref<7168xf32, #tpu.memory_space<vmem>> -> memref<7168xf32, #tpu.memory_space<vmem>>
    %dma_wait3A_1192 = tpu.memref_slice %arg3[%mul3A_1101] : memref<3833856xf32, #tpu.memory_space<hbm>> -> memref<7168xf32, #tpu.memory_space<hbm>>
    %dma_wait3A_1193 = tpu.memref_slice %arg14[%dma_wait3A_1189] : memref<3x!tpu.dma_semaphore, #tpu.memory_space<semaphore_mem>> -> memref<1x!tpu.dma_semaphore, #tpu.memory_space<semaphore_mem>>
    %dma_wait3A_1194 = tpu.memref_squeeze %dma_wait3A_1193 : memref<1x!tpu.dma_semaphore, #tpu.memory_space<semaphore_mem>> -> memref<!tpu.dma_semaphore, #tpu.memory_space<semaphore_mem>>
    %dma_wait3A_1195 = arith.constant 0 : i32
    %dma_wait3A_1196 = tpu.memref_slice %arg10[%dma_wait3A_1195] : memref<7168xf32, #tpu.memory_space<vmem>> -> memref<7168xf32, #tpu.memory_space<vmem>>
    %dma_wait3A_1197 = tpu.memref_slice %arg3[%mul3A_1101] : memref<3833856xf32, #tpu.memory_space<hbm>> -> memref<7168xf32, #tpu.memory_space<hbm>>
    tpu.wait_dma2 semaphore(%dma_wait3A_1194 : memref<!tpu.dma_semaphore, #tpu.memory_space<semaphore_mem>>) src(%dma_wait3A_1197 : memref<7168xf32, #tpu.memory_space<hbm>>) dst(%dma_wait3A_1196 : memref<7168xf32, #tpu.memory_space<vmem>>)
    %dma_start3A_1198 = arith.constant 1 : i32
    %dma_start3A_1199 = arith.constant 0 : i32
    %dma_start3A_1200 = tpu.memref_slice %arg5[%dma_start3A_1199] : memref<1280000xf32, #tpu.memory_space<vmem_shared>> -> memref<1280000xf32, #tpu.memory_space<vmem_shared>>
    %dma_start3A_1201 = tpu.memref_slice %arg15[%dma_start3A_1198] : memref<3x!tpu.dma_semaphore, #tpu.memory_space<semaphore_mem>> -> memref<1x!tpu.dma_semaphore, #tpu.memory_space<semaphore_mem>>
    %dma_start3A_1202 = tpu.memref_squeeze %dma_start3A_1201 : memref<1x!tpu.dma_semaphore, #tpu.memory_space<semaphore_mem>> -> memref<!tpu.dma_semaphore, #tpu.memory_space<semaphore_mem>>
    tpu.enqueue_indirect_dma source(%arg10 : memref<7168xf32, #tpu.memory_space<vmem>>) target(%dma_start3A_1200 : memref<1280000xf32, #tpu.memory_space<vmem_shared>>) offsets(%arg7 : memref<7168xi32, #tpu.memory_space<vmem>>) semaphore(%dma_start3A_1202 : memref<!tpu.dma_semaphore, #tpu.memory_space<semaphore_mem>>) {add = true}
    %dma_wait3A_1203 = arith.constant 0 : i32
    %dma_wait3A_1204 = arith.constant 0 : i32
    %dma_wait3A_1205 = tpu.memref_slice %arg3[%dma_wait3A_1204] : memref<3833856xf32, #tpu.memory_space<hbm>> -> memref<7168xf32, #tpu.memory_space<hbm>>
    %dma_wait3A_1206 = tpu.memref_slice %arg15[%dma_wait3A_1203] : memref<3x!tpu.dma_semaphore, #tpu.memory_space<semaphore_mem>> -> memref<1x!tpu.dma_semaphore, #tpu.memory_space<semaphore_mem>>
    %dma_wait3A_1207 = tpu.memref_squeeze %dma_wait3A_1206 : memref<1x!tpu.dma_semaphore, #tpu.memory_space<semaphore_mem>> -> memref<!tpu.dma_semaphore, #tpu.memory_space<semaphore_mem>>
    %dma_wait3A_1208 = arith.constant 0 : i32
    %dma_wait3A_1209 = tpu.memref_slice %arg3[%dma_wait3A_1208] : memref<3833856xf32, #tpu.memory_space<hbm>> -> memref<7168xf32, #tpu.memory_space<hbm>>
    tpu.wait_dma2 semaphore(%dma_wait3A_1207 : memref<!tpu.dma_semaphore, #tpu.memory_space<semaphore_mem>>) src(%dma_wait3A_1209 : memref<7168xf32, #tpu.memory_space<hbm>>) dst(%arg9 : memref<7168xf32, #tpu.memory_space<vmem>>)
    %dma_wait3A_1210 = arith.constant 2 : i32
    %dma_wait3A_1211 = arith.constant 0 : i32
    %dma_wait3A_1212 = tpu.memref_slice %arg8[%dma_wait3A_1211] : memref<7168xi32, #tpu.memory_space<vmem>> -> memref<6144xi32, #tpu.memory_space<vmem>>
    %dma_wait3A_1213 = tpu.memref_slice %arg2[%mul3A_1161] : memref<3833856xi32, #tpu.memory_space<hbm>> -> memref<6144xi32, #tpu.memory_space<hbm>>
    %dma_wait3A_1214 = tpu.memref_slice %arg14[%dma_wait3A_1210] : memref<3x!tpu.dma_semaphore, #tpu.memory_space<semaphore_mem>> -> memref<1x!tpu.dma_semaphore, #tpu.memory_space<semaphore_mem>>
    %dma_wait3A_1215 = tpu.memref_squeeze %dma_wait3A_1214 : memref<1x!tpu.dma_semaphore, #tpu.memory_space<semaphore_mem>> -> memref<!tpu.dma_semaphore, #tpu.memory_space<semaphore_mem>>
    %dma_wait3A_1216 = arith.constant 0 : i32
    %dma_wait3A_1217 = tpu.memref_slice %arg8[%dma_wait3A_1216] : memref<7168xi32, #tpu.memory_space<vmem>> -> memref<6144xi32, #tpu.memory_space<vmem>>
    %dma_wait3A_1218 = tpu.memref_slice %arg2[%mul3A_1161] : memref<3833856xi32, #tpu.memory_space<hbm>> -> memref<6144xi32, #tpu.memory_space<hbm>>
    tpu.wait_dma2 semaphore(%dma_wait3A_1215 : memref<!tpu.dma_semaphore, #tpu.memory_space<semaphore_mem>>) src(%dma_wait3A_1218 : memref<6144xi32, #tpu.memory_space<hbm>>) dst(%dma_wait3A_1217 : memref<6144xi32, #tpu.memory_space<vmem>>)
    %dma_wait3A_1219 = arith.constant 2 : i32
    %dma_wait3A_1220 = arith.constant 0 : i32
    %dma_wait3A_1221 = tpu.memref_slice %arg11[%dma_wait3A_1220] : memref<7168xf32, #tpu.memory_space<vmem>> -> memref<6144xf32, #tpu.memory_space<vmem>>
    %dma_wait3A_1222 = tpu.memref_slice %arg3[%mul3A_1161] : memref<3833856xf32, #tpu.memory_space<hbm>> -> memref<6144xf32, #tpu.memory_space<hbm>>
    %dma_wait3A_1223 = tpu.memref_slice %arg14[%dma_wait3A_1219] : memref<3x!tpu.dma_semaphore, #tpu.memory_space<semaphore_mem>> -> memref<1x!tpu.dma_semaphore, #tpu.memory_space<semaphore_mem>>
    %dma_wait3A_1224 = tpu.memref_squeeze %dma_wait3A_1223 : memref<1x!tpu.dma_semaphore, #tpu.memory_space<semaphore_mem>> -> memref<!tpu.dma_semaphore, #tpu.memory_space<semaphore_mem>>
    %dma_wait3A_1225 = arith.constant 0 : i32
    %dma_wait3A_1226 = tpu.memref_slice %arg11[%dma_wait3A_1225] : memref<7168xf32, #tpu.memory_space<vmem>> -> memref<6144xf32, #tpu.memory_space<vmem>>
    %dma_wait3A_1227 = tpu.memref_slice %arg3[%mul3A_1161] : memref<3833856xf32, #tpu.memory_space<hbm>> -> memref<6144xf32, #tpu.memory_space<hbm>>
    tpu.wait_dma2 semaphore(%dma_wait3A_1224 : memref<!tpu.dma_semaphore, #tpu.memory_space<semaphore_mem>>) src(%dma_wait3A_1227 : memref<6144xf32, #tpu.memory_space<hbm>>) dst(%dma_wait3A_1226 : memref<6144xf32, #tpu.memory_space<vmem>>)
    %scan3A_1228 = arith.constant 0 : i32
    %scan3A_1229 = arith.constant 0 : i32
    %scan3A_1230 = arith.constant 64 : i32
    %scan3A_1231 = arith.addi %scan3A_1229, %scan3A_1230 : i32
    %scan3A_1232 = arith.constant 1 : i32
    scf.for %scan3A_2059 = %scan3A_1229 to %scan3A_1231 step %scan3A_1232  : i32 {
      %mul3A_2060 = arith.constant 16 : i32
      %mul3A_2061 = arith.muli %scan3A_2059, %mul3A_2060 : i32
      %add3A_2062 = arith.constant 6144 : i32
      %add3A_2063 = arith.addi %add3A_2062, %mul3A_2061 : i32
      %swap3A = arith.index_cast %add3A_2063 : i32 to index
      %swap3A_2064 = tpu.vector_load %arg11[%swap3A] {strides = array<i32>} : memref<7168xf32, #tpu.memory_space<vmem>>, vector<16xf32>,
      %swap3A_2065 = vector.shape_cast %swap3A_2064 : vector<16xf32> to vector<16xf32>
      %swap3A_2066 = vector.shape_cast %broadcast_in_dim3A_5 : vector<16xf32> to vector<16xf32>
      tpu.vector_store %arg11[%swap3A], %swap3A_2066 {strides = array<i32>} : memref<7168xf32, #tpu.memory_space<vmem>>, vector<16xf32>,
    }
    %scan3A_1233 = arith.constant 64 : i32
    %dma_start3A_1234 = arith.constant 2 : i32
    %dma_start3A_1235 = arith.constant 0 : i32
    %dma_start3A_1236 = tpu.memref_slice %arg5[%dma_start3A_1235] : memref<1280000xf32, #tpu.memory_space<vmem_shared>> -> memref<1280000xf32, #tpu.memory_space<vmem_shared>>
    %dma_start3A_1237 = tpu.memref_slice %arg15[%dma_start3A_1234] : memref<3x!tpu.dma_semaphore, #tpu.memory_space<semaphore_mem>> -> memref<1x!tpu.dma_semaphore, #tpu.memory_space<semaphore_mem>>
    %dma_start3A_1238 = tpu.memref_squeeze %dma_start3A_1237 : memref<1x!tpu.dma_semaphore, #tpu.memory_space<semaphore_mem>> -> memref<!tpu.dma_semaphore, #tpu.memory_space<semaphore_mem>>
    tpu.enqueue_indirect_dma source(%arg11 : memref<7168xf32, #tpu.memory_space<vmem>>) target(%dma_start3A_1236 : memref<1280000xf32, #tpu.memory_space<vmem_shared>>) offsets(%arg8 : memref<7168xi32, #tpu.memory_space<vmem>>) semaphore(%dma_start3A_1238 : memref<!tpu.dma_semaphore, #tpu.memory_space<semaphore_mem>>) {add = true}
    %dma_wait3A_1239 = arith.constant 1 : i32
    %dma_wait3A_1240 = arith.constant 0 : i32
    %dma_wait3A_1241 = tpu.memref_slice %arg3[%dma_wait3A_1240] : memref<3833856xf32, #tpu.memory_space<hbm>> -> memref<7168xf32, #tpu.memory_space<hbm>>
    %dma_wait3A_1242 = tpu.memref_slice %arg15[%dma_wait3A_1239] : memref<3x!tpu.dma_semaphore, #tpu.memory_space<semaphore_mem>> -> memref<1x!tpu.dma_semaphore, #tpu.memory_space<semaphore_mem>>
    %dma_wait3A_1243 = tpu.memref_squeeze %dma_wait3A_1242 : memref<1x!tpu.dma_semaphore, #tpu.memory_space<semaphore_mem>> -> memref<!tpu.dma_semaphore, #tpu.memory_space<semaphore_mem>>
    %dma_wait3A_1244 = arith.constant 0 : i32
    %dma_wait3A_1245 = tpu.memref_slice %arg3[%dma_wait3A_1244] : memref<3833856xf32, #tpu.memory_space<hbm>> -> memref<7168xf32, #tpu.memory_space<hbm>>
    tpu.wait_dma2 semaphore(%dma_wait3A_1243 : memref<!tpu.dma_semaphore, #tpu.memory_space<semaphore_mem>>) src(%dma_wait3A_1245 : memref<7168xf32, #tpu.memory_space<hbm>>) dst(%arg10 : memref<7168xf32, #tpu.memory_space<vmem>>)
    %dma_wait3A_1246 = arith.constant 2 : i32
    %dma_wait3A_1247 = arith.constant 0 : i32
    %dma_wait3A_1248 = tpu.memref_slice %arg3[%dma_wait3A_1247] : memref<3833856xf32, #tpu.memory_space<hbm>> -> memref<7168xf32, #tpu.memory_space<hbm>>
    %dma_wait3A_1249 = tpu.memref_slice %arg15[%dma_wait3A_1246] : memref<3x!tpu.dma_semaphore, #tpu.memory_space<semaphore_mem>> -> memref<1x!tpu.dma_semaphore, #tpu.memory_space<semaphore_mem>>
    %dma_wait3A_1250 = tpu.memref_squeeze %dma_wait3A_1249 : memref<1x!tpu.dma_semaphore, #tpu.memory_space<semaphore_mem>> -> memref<!tpu.dma_semaphore, #tpu.memory_space<semaphore_mem>>
    %dma_wait3A_1251 = arith.constant 0 : i32
    %dma_wait3A_1252 = tpu.memref_slice %arg3[%dma_wait3A_1251] : memref<3833856xf32, #tpu.memory_space<hbm>> -> memref<7168xf32, #tpu.memory_space<hbm>>
    tpu.wait_dma2 semaphore(%dma_wait3A_1250 : memref<!tpu.dma_semaphore, #tpu.memory_space<semaphore_mem>>) src(%dma_wait3A_1252 : memref<7168xf32, #tpu.memory_space<hbm>>) dst(%arg11 : memref<7168xf32, #tpu.memory_space<vmem>>)
    %barrier3A_1253 = arith.constant 0 : index
    tpu.barrier barrier_id(%barrier3A_1253)
    %mul3A_1254 = arith.constant 1280000 : i32
    %mul3A_1255 = arith.muli %arg0, %mul3A_1254 : i32
    %mul3A_1256 = arith.constant 80000 : i32
    %mul3A_1257 = arith.muli %arg1, %mul3A_1256 : i32
    %add3A_1258 = arith.addi %mul3A_1255, %mul3A_1257 : i32
    %mul3A_1259 = arith.constant 80000 : i32
    %mul3A_1260 = arith.muli %arg1, %mul3A_1259 : i32
    %add3A_1261 = arith.constant 0 : i32
    %add3A_1262 = arith.addi %mul3A_1260, %add3A_1261 : i32
    %dma_start3A_1263 = arith.constant 0 : i32
    %dma_start3A_1264 = tpu.memref_slice %arg5[%add3A_1262] : memref<1280000xf32, #tpu.memory_space<vmem_shared>> -> memref<3200xf32, #tpu.memory_space<vmem_shared>>
    %dma_start3A_1265 = tpu.memref_slice %arg16[%dma_start3A_1263] : memref<2x!tpu.dma_semaphore, #tpu.memory_space<semaphore_mem>> -> memref<1x!tpu.dma_semaphore, #tpu.memory_space<semaphore_mem>>
    %dma_start3A_1266 = tpu.memref_squeeze %dma_start3A_1265 : memref<1x!tpu.dma_semaphore, #tpu.memory_space<semaphore_mem>> -> memref<!tpu.dma_semaphore, #tpu.memory_space<semaphore_mem>>
    %dma_start3A_1267 = tpu.memref_slice %arg5[%add3A_1262] : memref<1280000xf32, #tpu.memory_space<vmem_shared>> -> memref<3200xf32, #tpu.memory_space<vmem_shared>>
    tpu.enqueue_dma source(%dma_start3A_1267 : memref<3200xf32, #tpu.memory_space<vmem_shared>>) target(%arg12 : memref<3200xf32, #tpu.memory_space<vmem>>) target_semaphore(%dma_start3A_1266 : memref<!tpu.dma_semaphore, #tpu.memory_space<semaphore_mem>>)
    %dma_wait3A_1268 = arith.constant 0 : i32
    %dma_wait3A_1269 = tpu.memref_slice %arg5[%add3A_1262] : memref<1280000xf32, #tpu.memory_space<vmem_shared>> -> memref<3200xf32, #tpu.memory_space<vmem_shared>>
    %dma_wait3A_1270 = tpu.memref_slice %arg16[%dma_wait3A_1268] : memref<2x!tpu.dma_semaphore, #tpu.memory_space<semaphore_mem>> -> memref<1x!tpu.dma_semaphore, #tpu.memory_space<semaphore_mem>>
    %dma_wait3A_1271 = tpu.memref_squeeze %dma_wait3A_1270 : memref<1x!tpu.dma_semaphore, #tpu.memory_space<semaphore_mem>> -> memref<!tpu.dma_semaphore, #tpu.memory_space<semaphore_mem>>
    %dma_wait3A_1272 = tpu.memref_slice %arg5[%add3A_1262] : memref<1280000xf32, #tpu.memory_space<vmem_shared>> -> memref<3200xf32, #tpu.memory_space<vmem_shared>>
    tpu.wait_dma2 semaphore(%dma_wait3A_1271 : memref<!tpu.dma_semaphore, #tpu.memory_space<semaphore_mem>>) src(%dma_wait3A_1272 : memref<3200xf32, #tpu.memory_space<vmem_shared>>) dst(%arg12 : memref<3200xf32, #tpu.memory_space<vmem>>)
    %mul3A_1273 = arith.constant 80000 : i32
    %mul3A_1274 = arith.muli %arg1, %mul3A_1273 : i32
    %add3A_1275 = arith.constant 3200 : i32
    %add3A_1276 = arith.addi %mul3A_1274, %add3A_1275 : i32
    %dma_start3A_1277 = arith.constant 1 : i32
    %dma_start3A_1278 = tpu.memref_slice %arg5[%add3A_1276] : memref<1280000xf32, #tpu.memory_space<vmem_shared>> -> memref<3200xf32, #tpu.memory_space<vmem_shared>>
    %dma_start3A_1279 = tpu.memref_slice %arg16[%dma_start3A_1277] : memref<2x!tpu.dma_semaphore, #tpu.memory_space<semaphore_mem>> -> memref<1x!tpu.dma_semaphore, #tpu.memory_space<semaphore_mem>>
    %dma_start3A_1280 = tpu.memref_squeeze %dma_start3A_1279 : memref<1x!tpu.dma_semaphore, #tpu.memory_space<semaphore_mem>> -> memref<!tpu.dma_semaphore, #tpu.memory_space<semaphore_mem>>
    %dma_start3A_1281 = tpu.memref_slice %arg5[%add3A_1276] : memref<1280000xf32, #tpu.memory_space<vmem_shared>> -> memref<3200xf32, #tpu.memory_space<vmem_shared>>
    tpu.enqueue_dma source(%dma_start3A_1281 : memref<3200xf32, #tpu.memory_space<vmem_shared>>) target(%arg13 : memref<3200xf32, #tpu.memory_space<vmem>>) target_semaphore(%dma_start3A_1280 : memref<!tpu.dma_semaphore, #tpu.memory_space<semaphore_mem>>)
    %scan3A_1282 = arith.constant 0 : i32
    %scan3A_1283 = arith.constant 0 : i32
    %scan3A_1284 = arith.constant 200 : i32
    %scan3A_1285 = arith.addi %scan3A_1283, %scan3A_1284 : i32
    %scan3A_1286 = arith.constant 1 : i32
    scf.for %scan3A_2059 = %scan3A_1283 to %scan3A_1285 step %scan3A_1286  : i32 {
      %mul3A_2060 = arith.constant 16 : i32
      %mul3A_2061 = arith.muli %scan3A_2059, %mul3A_2060 : i32
      %get3A = arith.index_cast %mul3A_2061 : i32 to index
      %get3A_2062 = tpu.vector_load %arg12[%get3A] {strides = array<i32>} : memref<3200xf32, #tpu.memory_space<vmem>>, vector<16xf32>,
      %get3A_2063 = vector.shape_cast %get3A_2062 : vector<16xf32> to vector<16xf32>
      %exp3A = math.exp %get3A_2063 : vector<16xf32>
      %sub3A = arith.constant 1.000000e+00 : f32
      %sub3A_2064 = vector.broadcast %sub3A : f32 to vector<16xf32>
      %sub3A_2065 = arith.subf %sub3A_2064, %exp3A : vector<16xf32>
      %mul3A_2066 = arith.constant 16 : i32
      %mul3A_2067 = arith.muli %scan3A_2059, %mul3A_2066 : i32
      %swap3A = arith.index_cast %mul3A_2067 : i32 to index
      %swap3A_2068 = tpu.vector_load %arg12[%swap3A] {strides = array<i32>} : memref<3200xf32, #tpu.memory_space<vmem>>, vector<16xf32>,
      %swap3A_2069 = vector.shape_cast %swap3A_2068 : vector<16xf32> to vector<16xf32>
      %swap3A_2070 = vector.shape_cast %sub3A_2065 : vector<16xf32> to vector<16xf32>
      tpu.vector_store %arg12[%swap3A], %swap3A_2070 {strides = array<i32>} : memref<3200xf32, #tpu.memory_space<vmem>>, vector<16xf32>,
    }
    %scan3A_1287 = arith.constant 200 : i32
    %add3A_1288 = arith.constant 0 : i32
    %add3A_1289 = arith.addi %add3A_1258, %add3A_1288 : i32
    %dma_start3A_1290 = arith.constant 0 : i32
    %dma_start3A_1291 = tpu.memref_slice %arg4[%add3A_1289] : memref<2560000xf32, #tpu.memory_space<hbm>> -> memref<3200xf32, #tpu.memory_space<hbm>>
    %dma_start3A_1292 = tpu.memref_slice %arg16[%dma_start3A_1290] : memref<2x!tpu.dma_semaphore, #tpu.memory_space<semaphore_mem>> -> memref<1x!tpu.dma_semaphore, #tpu.memory_space<semaphore_mem>>
    %dma_start3A_1293 = tpu.memref_squeeze %dma_start3A_1292 : memref<1x!tpu.dma_semaphore, #tpu.memory_space<semaphore_mem>> -> memref<!tpu.dma_semaphore, #tpu.memory_space<semaphore_mem>>
    %dma_start3A_1294 = tpu.memref_slice %arg4[%add3A_1289] : memref<2560000xf32, #tpu.memory_space<hbm>> -> memref<3200xf32, #tpu.memory_space<hbm>>
    tpu.enqueue_dma source(%arg12 : memref<3200xf32, #tpu.memory_space<vmem>>) target(%dma_start3A_1294 : memref<3200xf32, #tpu.memory_space<hbm>>) target_semaphore(%dma_start3A_1293 : memref<!tpu.dma_semaphore, #tpu.memory_space<semaphore_mem>>)
    %dma_wait3A_1295 = arith.constant 1 : i32
    %dma_wait3A_1296 = tpu.memref_slice %arg5[%add3A_1276] : memref<1280000xf32, #tpu.memory_space<vmem_shared>> -> memref<3200xf32, #tpu.memory_space<vmem_shared>>
    %dma_wait3A_1297 = tpu.memref_slice %arg16[%dma_wait3A_1295] : memref<2x!tpu.dma_semaphore, #tpu.memory_space<semaphore_mem>> -> memref<1x!tpu.dma_semaphore, #tpu.memory_space<semaphore_mem>>
    %dma_wait3A_1298 = tpu.memref_squeeze %dma_wait3A_1297 : memref<1x!tpu.dma_semaphore, #tpu.memory_space<semaphore_mem>> -> memref<!tpu.dma_semaphore, #tpu.memory_space<semaphore_mem>>
    %dma_wait3A_1299 = tpu.memref_slice %arg5[%add3A_1276] : memref<1280000xf32, #tpu.memory_space<vmem_shared>> -> memref<3200xf32, #tpu.memory_space<vmem_shared>>
    tpu.wait_dma2 semaphore(%dma_wait3A_1298 : memref<!tpu.dma_semaphore, #tpu.memory_space<semaphore_mem>>) src(%dma_wait3A_1299 : memref<3200xf32, #tpu.memory_space<vmem_shared>>) dst(%arg13 : memref<3200xf32, #tpu.memory_space<vmem>>)
    %dma_wait3A_1300 = arith.constant 0 : i32
    %dma_wait3A_1301 = tpu.memref_slice %arg4[%add3A_1289] : memref<2560000xf32, #tpu.memory_space<hbm>> -> memref<3200xf32, #tpu.memory_space<hbm>>
    %dma_wait3A_1302 = tpu.memref_slice %arg16[%dma_wait3A_1300] : memref<2x!tpu.dma_semaphore, #tpu.memory_space<semaphore_mem>> -> memref<1x!tpu.dma_semaphore, #tpu.memory_space<semaphore_mem>>
    %dma_wait3A_1303 = tpu.memref_squeeze %dma_wait3A_1302 : memref<1x!tpu.dma_semaphore, #tpu.memory_space<semaphore_mem>> -> memref<!tpu.dma_semaphore, #tpu.memory_space<semaphore_mem>>
    %dma_wait3A_1304 = tpu.memref_slice %arg4[%add3A_1289] : memref<2560000xf32, #tpu.memory_space<hbm>> -> memref<3200xf32, #tpu.memory_space<hbm>>
    tpu.wait_dma2 semaphore(%dma_wait3A_1303 : memref<!tpu.dma_semaphore, #tpu.memory_space<semaphore_mem>>) src(%arg12 : memref<3200xf32, #tpu.memory_space<vmem>>) dst(%dma_wait3A_1304 : memref<3200xf32, #tpu.memory_space<hbm>>)
    %mul3A_1305 = arith.constant 80000 : i32
    %mul3A_1306 = arith.muli %arg1, %mul3A_1305 : i32
    %add3A_1307 = arith.constant 6400 : i32
    %add3A_1308 = arith.addi %mul3A_1306, %add3A_1307 : i32
    %dma_start3A_1309 = arith.constant 0 : i32
    %dma_start3A_1310 = tpu.memref_slice %arg5[%add3A_1308] : memref<1280000xf32, #tpu.memory_space<vmem_shared>> -> memref<3200xf32, #tpu.memory_space<vmem_shared>>
    %dma_start3A_1311 = tpu.memref_slice %arg16[%dma_start3A_1309] : memref<2x!tpu.dma_semaphore, #tpu.memory_space<semaphore_mem>> -> memref<1x!tpu.dma_semaphore, #tpu.memory_space<semaphore_mem>>
    %dma_start3A_1312 = tpu.memref_squeeze %dma_start3A_1311 : memref<1x!tpu.dma_semaphore, #tpu.memory_space<semaphore_mem>> -> memref<!tpu.dma_semaphore, #tpu.memory_space<semaphore_mem>>
    %dma_start3A_1313 = tpu.memref_slice %arg5[%add3A_1308] : memref<1280000xf32, #tpu.memory_space<vmem_shared>> -> memref<3200xf32, #tpu.memory_space<vmem_shared>>
    tpu.enqueue_dma source(%dma_start3A_1313 : memref<3200xf32, #tpu.memory_space<vmem_shared>>) target(%arg12 : memref<3200xf32, #tpu.memory_space<vmem>>) target_semaphore(%dma_start3A_1312 : memref<!tpu.dma_semaphore, #tpu.memory_space<semaphore_mem>>)
    %scan3A_1314 = arith.constant 0 : i32
    %scan3A_1315 = arith.constant 0 : i32
    %scan3A_1316 = arith.constant 200 : i32
    %scan3A_1317 = arith.addi %scan3A_1315, %scan3A_1316 : i32
    %scan3A_1318 = arith.constant 1 : i32
    scf.for %scan3A_2059 = %scan3A_1315 to %scan3A_1317 step %scan3A_1318  : i32 {
      %mul3A_2060 = arith.constant 16 : i32
      %mul3A_2061 = arith.muli %scan3A_2059, %mul3A_2060 : i32
      %get3A = arith.index_cast %mul3A_2061 : i32 to index
      %get3A_2062 = tpu.vector_load %arg13[%get3A] {strides = array<i32>} : memref<3200xf32, #tpu.memory_space<vmem>>, vector<16xf32>,
      %get3A_2063 = vector.shape_cast %get3A_2062 : vector<16xf32> to vector<16xf32>
      %exp3A = math.exp %get3A_2063 : vector<16xf32>
      %sub3A = arith.constant 1.000000e+00 : f32
      %sub3A_2064 = vector.broadcast %sub3A : f32 to vector<16xf32>
      %sub3A_2065 = arith.subf %sub3A_2064, %exp3A : vector<16xf32>
      %mul3A_2066 = arith.constant 16 : i32
      %mul3A_2067 = arith.muli %scan3A_2059, %mul3A_2066 : i32
      %swap3A = arith.index_cast %mul3A_2067 : i32 to index
      %swap3A_2068 = tpu.vector_load %arg13[%swap3A] {strides = array<i32>} : memref<3200xf32, #tpu.memory_space<vmem>>, vector<16xf32>,
      %swap3A_2069 = vector.shape_cast %swap3A_2068 : vector<16xf32> to vector<16xf32>
      %swap3A_2070 = vector.shape_cast %sub3A_2065 : vector<16xf32> to vector<16xf32>
      tpu.vector_store %arg13[%swap3A], %swap3A_2070 {strides = array<i32>} : memref<3200xf32, #tpu.memory_space<vmem>>, vector<16xf32>,
    }
    %scan3A_1319 = arith.constant 200 : i32
    %add3A_1320 = arith.constant 3200 : i32
    %add3A_1321 = arith.addi %add3A_1258, %add3A_1320 : i32
    %dma_start3A_1322 = arith.constant 1 : i32
    %dma_start3A_1323 = tpu.memref_slice %arg4[%add3A_1321] : memref<2560000xf32, #tpu.memory_space<hbm>> -> memref<3200xf32, #tpu.memory_space<hbm>>
    %dma_start3A_1324 = tpu.memref_slice %arg16[%dma_start3A_1322] : memref<2x!tpu.dma_semaphore, #tpu.memory_space<semaphore_mem>> -> memref<1x!tpu.dma_semaphore, #tpu.memory_space<semaphore_mem>>
    %dma_start3A_1325 = tpu.memref_squeeze %dma_start3A_1324 : memref<1x!tpu.dma_semaphore, #tpu.memory_space<semaphore_mem>> -> memref<!tpu.dma_semaphore, #tpu.memory_space<semaphore_mem>>
    %dma_start3A_1326 = tpu.memref_slice %arg4[%add3A_1321] : memref<2560000xf32, #tpu.memory_space<hbm>> -> memref<3200xf32, #tpu.memory_space<hbm>>
    tpu.enqueue_dma source(%arg13 : memref<3200xf32, #tpu.memory_space<vmem>>) target(%dma_start3A_1326 : memref<3200xf32, #tpu.memory_space<hbm>>) target_semaphore(%dma_start3A_1325 : memref<!tpu.dma_semaphore, #tpu.memory_space<semaphore_mem>>)
    %dma_wait3A_1327 = arith.constant 0 : i32
    %dma_wait3A_1328 = tpu.memref_slice %arg5[%add3A_1308] : memref<1280000xf32, #tpu.memory_space<vmem_shared>> -> memref<3200xf32, #tpu.memory_space<vmem_shared>>
    %dma_wait3A_1329 = tpu.memref_slice %arg16[%dma_wait3A_1327] : memref<2x!tpu.dma_semaphore, #tpu.memory_space<semaphore_mem>> -> memref<1x!tpu.dma_semaphore, #tpu.memory_space<semaphore_mem>>
    %dma_wait3A_1330 = tpu.memref_squeeze %dma_wait3A_1329 : memref<1x!tpu.dma_semaphore, #tpu.memory_space<semaphore_mem>> -> memref<!tpu.dma_semaphore, #tpu.memory_space<semaphore_mem>>
    %dma_wait3A_1331 = tpu.memref_slice %arg5[%add3A_1308] : memref<1280000xf32, #tpu.memory_space<vmem_shared>> -> memref<3200xf32, #tpu.memory_space<vmem_shared>>
    tpu.wait_dma2 semaphore(%dma_wait3A_1330 : memref<!tpu.dma_semaphore, #tpu.memory_space<semaphore_mem>>) src(%dma_wait3A_1331 : memref<3200xf32, #tpu.memory_space<vmem_shared>>) dst(%arg12 : memref<3200xf32, #tpu.memory_space<vmem>>)
    %dma_wait3A_1332 = arith.constant 1 : i32
    %dma_wait3A_1333 = tpu.memref_slice %arg4[%add3A_1321] : memref<2560000xf32, #tpu.memory_space<hbm>> -> memref<3200xf32, #tpu.memory_space<hbm>>
    %dma_wait3A_1334 = tpu.memref_slice %arg16[%dma_wait3A_1332] : memref<2x!tpu.dma_semaphore, #tpu.memory_space<semaphore_mem>> -> memref<1x!tpu.dma_semaphore, #tpu.memory_space<semaphore_mem>>
    %dma_wait3A_1335 = tpu.memref_squeeze %dma_wait3A_1334 : memref<1x!tpu.dma_semaphore, #tpu.memory_space<semaphore_mem>> -> memref<!tpu.dma_semaphore, #tpu.memory_space<semaphore_mem>>
    %dma_wait3A_1336 = tpu.memref_slice %arg4[%add3A_1321] : memref<2560000xf32, #tpu.memory_space<hbm>> -> memref<3200xf32, #tpu.memory_space<hbm>>
    tpu.wait_dma2 semaphore(%dma_wait3A_1335 : memref<!tpu.dma_semaphore, #tpu.memory_space<semaphore_mem>>) src(%arg13 : memref<3200xf32, #tpu.memory_space<vmem>>) dst(%dma_wait3A_1336 : memref<3200xf32, #tpu.memory_space<hbm>>)
    %mul3A_1337 = arith.constant 80000 : i32
    %mul3A_1338 = arith.muli %arg1, %mul3A_1337 : i32
    %add3A_1339 = arith.constant 9600 : i32
    %add3A_1340 = arith.addi %mul3A_1338, %add3A_1339 : i32
    %dma_start3A_1341 = arith.constant 1 : i32
    %dma_start3A_1342 = tpu.memref_slice %arg5[%add3A_1340] : memref<1280000xf32, #tpu.memory_space<vmem_shared>> -> memref<3200xf32, #tpu.memory_space<vmem_shared>>
    %dma_start3A_1343 = tpu.memref_slice %arg16[%dma_start3A_1341] : memref<2x!tpu.dma_semaphore, #tpu.memory_space<semaphore_mem>> -> memref<1x!tpu.dma_semaphore, #tpu.memory_space<semaphore_mem>>
    %dma_start3A_1344 = tpu.memref_squeeze %dma_start3A_1343 : memref<1x!tpu.dma_semaphore, #tpu.memory_space<semaphore_mem>> -> memref<!tpu.dma_semaphore, #tpu.memory_space<semaphore_mem>>
    %dma_start3A_1345 = tpu.memref_slice %arg5[%add3A_1340] : memref<1280000xf32, #tpu.memory_space<vmem_shared>> -> memref<3200xf32, #tpu.memory_space<vmem_shared>>
    tpu.enqueue_dma source(%dma_start3A_1345 : memref<3200xf32, #tpu.memory_space<vmem_shared>>) target(%arg13 : memref<3200xf32, #tpu.memory_space<vmem>>) target_semaphore(%dma_start3A_1344 : memref<!tpu.dma_semaphore, #tpu.memory_space<semaphore_mem>>)
    %scan3A_1346 = arith.constant 0 : i32
    %scan3A_1347 = arith.constant 0 : i32
    %scan3A_1348 = arith.constant 200 : i32
    %scan3A_1349 = arith.addi %scan3A_1347, %scan3A_1348 : i32
    %scan3A_1350 = arith.constant 1 : i32
    scf.for %scan3A_2059 = %scan3A_1347 to %scan3A_1349 step %scan3A_1350  : i32 {
      %mul3A_2060 = arith.constant 16 : i32
      %mul3A_2061 = arith.muli %scan3A_2059, %mul3A_2060 : i32
      %get3A = arith.index_cast %mul3A_2061 : i32 to index
      %get3A_2062 = tpu.vector_load %arg12[%get3A] {strides = array<i32>} : memref<3200xf32, #tpu.memory_space<vmem>>, vector<16xf32>,
      %get3A_2063 = vector.shape_cast %get3A_2062 : vector<16xf32> to vector<16xf32>
      %exp3A = math.exp %get3A_2063 : vector<16xf32>
      %sub3A = arith.constant 1.000000e+00 : f32
      %sub3A_2064 = vector.broadcast %sub3A : f32 to vector<16xf32>
      %sub3A_2065 = arith.subf %sub3A_2064, %exp3A : vector<16xf32>
      %mul3A_2066 = arith.constant 16 : i32
      %mul3A_2067 = arith.muli %scan3A_2059, %mul3A_2066 : i32
      %swap3A = arith.index_cast %mul3A_2067 : i32 to index
      %swap3A_2068 = tpu.vector_load %arg12[%swap3A] {strides = array<i32>} : memref<3200xf32, #tpu.memory_space<vmem>>, vector<16xf32>,
      %swap3A_2069 = vector.shape_cast %swap3A_2068 : vector<16xf32> to vector<16xf32>
      %swap3A_2070 = vector.shape_cast %sub3A_2065 : vector<16xf32> to vector<16xf32>
      tpu.vector_store %arg12[%swap3A], %swap3A_2070 {strides = array<i32>} : memref<3200xf32, #tpu.memory_space<vmem>>, vector<16xf32>,
    }
    %scan3A_1351 = arith.constant 200 : i32
    %add3A_1352 = arith.constant 6400 : i32
    %add3A_1353 = arith.addi %add3A_1258, %add3A_1352 : i32
    %dma_start3A_1354 = arith.constant 0 : i32
    %dma_start3A_1355 = tpu.memref_slice %arg4[%add3A_1353] : memref<2560000xf32, #tpu.memory_space<hbm>> -> memref<3200xf32, #tpu.memory_space<hbm>>
    %dma_start3A_1356 = tpu.memref_slice %arg16[%dma_start3A_1354] : memref<2x!tpu.dma_semaphore, #tpu.memory_space<semaphore_mem>> -> memref<1x!tpu.dma_semaphore, #tpu.memory_space<semaphore_mem>>
    %dma_start3A_1357 = tpu.memref_squeeze %dma_start3A_1356 : memref<1x!tpu.dma_semaphore, #tpu.memory_space<semaphore_mem>> -> memref<!tpu.dma_semaphore, #tpu.memory_space<semaphore_mem>>
    %dma_start3A_1358 = tpu.memref_slice %arg4[%add3A_1353] : memref<2560000xf32, #tpu.memory_space<hbm>> -> memref<3200xf32, #tpu.memory_space<hbm>>
    tpu.enqueue_dma source(%arg12 : memref<3200xf32, #tpu.memory_space<vmem>>) target(%dma_start3A_1358 : memref<3200xf32, #tpu.memory_space<hbm>>) target_semaphore(%dma_start3A_1357 : memref<!tpu.dma_semaphore, #tpu.memory_space<semaphore_mem>>)
    %dma_wait3A_1359 = arith.constant 1 : i32
    %dma_wait3A_1360 = tpu.memref_slice %arg5[%add3A_1340] : memref<1280000xf32, #tpu.memory_space<vmem_shared>> -> memref<3200xf32, #tpu.memory_space<vmem_shared>>
    %dma_wait3A_1361 = tpu.memref_slice %arg16[%dma_wait3A_1359] : memref<2x!tpu.dma_semaphore, #tpu.memory_space<semaphore_mem>> -> memref<1x!tpu.dma_semaphore, #tpu.memory_space<semaphore_mem>>
    %dma_wait3A_1362 = tpu.memref_squeeze %dma_wait3A_1361 : memref<1x!tpu.dma_semaphore, #tpu.memory_space<semaphore_mem>> -> memref<!tpu.dma_semaphore, #tpu.memory_space<semaphore_mem>>
    %dma_wait3A_1363 = tpu.memref_slice %arg5[%add3A_1340] : memref<1280000xf32, #tpu.memory_space<vmem_shared>> -> memref<3200xf32, #tpu.memory_space<vmem_shared>>
    tpu.wait_dma2 semaphore(%dma_wait3A_1362 : memref<!tpu.dma_semaphore, #tpu.memory_space<semaphore_mem>>) src(%dma_wait3A_1363 : memref<3200xf32, #tpu.memory_space<vmem_shared>>) dst(%arg13 : memref<3200xf32, #tpu.memory_space<vmem>>)
    %dma_wait3A_1364 = arith.constant 0 : i32
    %dma_wait3A_1365 = tpu.memref_slice %arg4[%add3A_1353] : memref<2560000xf32, #tpu.memory_space<hbm>> -> memref<3200xf32, #tpu.memory_space<hbm>>
    %dma_wait3A_1366 = tpu.memref_slice %arg16[%dma_wait3A_1364] : memref<2x!tpu.dma_semaphore, #tpu.memory_space<semaphore_mem>> -> memref<1x!tpu.dma_semaphore, #tpu.memory_space<semaphore_mem>>
    %dma_wait3A_1367 = tpu.memref_squeeze %dma_wait3A_1366 : memref<1x!tpu.dma_semaphore, #tpu.memory_space<semaphore_mem>> -> memref<!tpu.dma_semaphore, #tpu.memory_space<semaphore_mem>>
    %dma_wait3A_1368 = tpu.memref_slice %arg4[%add3A_1353] : memref<2560000xf32, #tpu.memory_space<hbm>> -> memref<3200xf32, #tpu.memory_space<hbm>>
    tpu.wait_dma2 semaphore(%dma_wait3A_1367 : memref<!tpu.dma_semaphore, #tpu.memory_space<semaphore_mem>>) src(%arg12 : memref<3200xf32, #tpu.memory_space<vmem>>) dst(%dma_wait3A_1368 : memref<3200xf32, #tpu.memory_space<hbm>>)
    %mul3A_1369 = arith.constant 80000 : i32
    %mul3A_1370 = arith.muli %arg1, %mul3A_1369 : i32
    %add3A_1371 = arith.constant 12800 : i32
    %add3A_1372 = arith.addi %mul3A_1370, %add3A_1371 : i32
    %dma_start3A_1373 = arith.constant 0 : i32
    %dma_start3A_1374 = tpu.memref_slice %arg5[%add3A_1372] : memref<1280000xf32, #tpu.memory_space<vmem_shared>> -> memref<3200xf32, #tpu.memory_space<vmem_shared>>
    %dma_start3A_1375 = tpu.memref_slice %arg16[%dma_start3A_1373] : memref<2x!tpu.dma_semaphore, #tpu.memory_space<semaphore_mem>> -> memref<1x!tpu.dma_semaphore, #tpu.memory_space<semaphore_mem>>
    %dma_start3A_1376 = tpu.memref_squeeze %dma_start3A_1375 : memref<1x!tpu.dma_semaphore, #tpu.memory_space<semaphore_mem>> -> memref<!tpu.dma_semaphore, #tpu.memory_space<semaphore_mem>>
    %dma_start3A_1377 = tpu.memref_slice %arg5[%add3A_1372] : memref<1280000xf32, #tpu.memory_space<vmem_shared>> -> memref<3200xf32, #tpu.memory_space<vmem_shared>>
    tpu.enqueue_dma source(%dma_start3A_1377 : memref<3200xf32, #tpu.memory_space<vmem_shared>>) target(%arg12 : memref<3200xf32, #tpu.memory_space<vmem>>) target_semaphore(%dma_start3A_1376 : memref<!tpu.dma_semaphore, #tpu.memory_space<semaphore_mem>>)
    %scan3A_1378 = arith.constant 0 : i32
    %scan3A_1379 = arith.constant 0 : i32
    %scan3A_1380 = arith.constant 200 : i32
    %scan3A_1381 = arith.addi %scan3A_1379, %scan3A_1380 : i32
    %scan3A_1382 = arith.constant 1 : i32
    scf.for %scan3A_2059 = %scan3A_1379 to %scan3A_1381 step %scan3A_1382  : i32 {
      %mul3A_2060 = arith.constant 16 : i32
      %mul3A_2061 = arith.muli %scan3A_2059, %mul3A_2060 : i32
      %get3A = arith.index_cast %mul3A_2061 : i32 to index
      %get3A_2062 = tpu.vector_load %arg13[%get3A] {strides = array<i32>} : memref<3200xf32, #tpu.memory_space<vmem>>, vector<16xf32>,
      %get3A_2063 = vector.shape_cast %get3A_2062 : vector<16xf32> to vector<16xf32>
      %exp3A = math.exp %get3A_2063 : vector<16xf32>
      %sub3A = arith.constant 1.000000e+00 : f32
      %sub3A_2064 = vector.broadcast %sub3A : f32 to vector<16xf32>
      %sub3A_2065 = arith.subf %sub3A_2064, %exp3A : vector<16xf32>
      %mul3A_2066 = arith.constant 16 : i32
      %mul3A_2067 = arith.muli %scan3A_2059, %mul3A_2066 : i32
      %swap3A = arith.index_cast %mul3A_2067 : i32 to index
      %swap3A_2068 = tpu.vector_load %arg13[%swap3A] {strides = array<i32>} : memref<3200xf32, #tpu.memory_space<vmem>>, vector<16xf32>,
      %swap3A_2069 = vector.shape_cast %swap3A_2068 : vector<16xf32> to vector<16xf32>
      %swap3A_2070 = vector.shape_cast %sub3A_2065 : vector<16xf32> to vector<16xf32>
      tpu.vector_store %arg13[%swap3A], %swap3A_2070 {strides = array<i32>} : memref<3200xf32, #tpu.memory_space<vmem>>, vector<16xf32>,
    }
    %scan3A_1383 = arith.constant 200 : i32
    %add3A_1384 = arith.constant 9600 : i32
    %add3A_1385 = arith.addi %add3A_1258, %add3A_1384 : i32
    %dma_start3A_1386 = arith.constant 1 : i32
    %dma_start3A_1387 = tpu.memref_slice %arg4[%add3A_1385] : memref<2560000xf32, #tpu.memory_space<hbm>> -> memref<3200xf32, #tpu.memory_space<hbm>>
    %dma_start3A_1388 = tpu.memref_slice %arg16[%dma_start3A_1386] : memref<2x!tpu.dma_semaphore, #tpu.memory_space<semaphore_mem>> -> memref<1x!tpu.dma_semaphore, #tpu.memory_space<semaphore_mem>>
    %dma_start3A_1389 = tpu.memref_squeeze %dma_start3A_1388 : memref<1x!tpu.dma_semaphore, #tpu.memory_space<semaphore_mem>> -> memref<!tpu.dma_semaphore, #tpu.memory_space<semaphore_mem>>
    %dma_start3A_1390 = tpu.memref_slice %arg4[%add3A_1385] : memref<2560000xf32, #tpu.memory_space<hbm>> -> memref<3200xf32, #tpu.memory_space<hbm>>
    tpu.enqueue_dma source(%arg13 : memref<3200xf32, #tpu.memory_space<vmem>>) target(%dma_start3A_1390 : memref<3200xf32, #tpu.memory_space<hbm>>) target_semaphore(%dma_start3A_1389 : memref<!tpu.dma_semaphore, #tpu.memory_space<semaphore_mem>>)
    %dma_wait3A_1391 = arith.constant 0 : i32
    %dma_wait3A_1392 = tpu.memref_slice %arg5[%add3A_1372] : memref<1280000xf32, #tpu.memory_space<vmem_shared>> -> memref<3200xf32, #tpu.memory_space<vmem_shared>>
    %dma_wait3A_1393 = tpu.memref_slice %arg16[%dma_wait3A_1391] : memref<2x!tpu.dma_semaphore, #tpu.memory_space<semaphore_mem>> -> memref<1x!tpu.dma_semaphore, #tpu.memory_space<semaphore_mem>>
    %dma_wait3A_1394 = tpu.memref_squeeze %dma_wait3A_1393 : memref<1x!tpu.dma_semaphore, #tpu.memory_space<semaphore_mem>> -> memref<!tpu.dma_semaphore, #tpu.memory_space<semaphore_mem>>
    %dma_wait3A_1395 = tpu.memref_slice %arg5[%add3A_1372] : memref<1280000xf32, #tpu.memory_space<vmem_shared>> -> memref<3200xf32, #tpu.memory_space<vmem_shared>>
    tpu.wait_dma2 semaphore(%dma_wait3A_1394 : memref<!tpu.dma_semaphore, #tpu.memory_space<semaphore_mem>>) src(%dma_wait3A_1395 : memref<3200xf32, #tpu.memory_space<vmem_shared>>) dst(%arg12 : memref<3200xf32, #tpu.memory_space<vmem>>)
    %dma_wait3A_1396 = arith.constant 1 : i32
    %dma_wait3A_1397 = tpu.memref_slice %arg4[%add3A_1385] : memref<2560000xf32, #tpu.memory_space<hbm>> -> memref<3200xf32, #tpu.memory_space<hbm>>
    %dma_wait3A_1398 = tpu.memref_slice %arg16[%dma_wait3A_1396] : memref<2x!tpu.dma_semaphore, #tpu.memory_space<semaphore_mem>> -> memref<1x!tpu.dma_semaphore, #tpu.memory_space<semaphore_mem>>
    %dma_wait3A_1399 = tpu.memref_squeeze %dma_wait3A_1398 : memref<1x!tpu.dma_semaphore, #tpu.memory_space<semaphore_mem>> -> memref<!tpu.dma_semaphore, #tpu.memory_space<semaphore_mem>>
    %dma_wait3A_1400 = tpu.memref_slice %arg4[%add3A_1385] : memref<2560000xf32, #tpu.memory_space<hbm>> -> memref<3200xf32, #tpu.memory_space<hbm>>
    tpu.wait_dma2 semaphore(%dma_wait3A_1399 : memref<!tpu.dma_semaphore, #tpu.memory_space<semaphore_mem>>) src(%arg13 : memref<3200xf32, #tpu.memory_space<vmem>>) dst(%dma_wait3A_1400 : memref<3200xf32, #tpu.memory_space<hbm>>)
    %mul3A_1401 = arith.constant 80000 : i32
    %mul3A_1402 = arith.muli %arg1, %mul3A_1401 : i32
    %add3A_1403 = arith.constant 16000 : i32
    %add3A_1404 = arith.addi %mul3A_1402, %add3A_1403 : i32
    %dma_start3A_1405 = arith.constant 1 : i32
    %dma_start3A_1406 = tpu.memref_slice %arg5[%add3A_1404] : memref<1280000xf32, #tpu.memory_space<vmem_shared>> -> memref<3200xf32, #tpu.memory_space<vmem_shared>>
    %dma_start3A_1407 = tpu.memref_slice %arg16[%dma_start3A_1405] : memref<2x!tpu.dma_semaphore, #tpu.memory_space<semaphore_mem>> -> memref<1x!tpu.dma_semaphore, #tpu.memory_space<semaphore_mem>>
    %dma_start3A_1408 = tpu.memref_squeeze %dma_start3A_1407 : memref<1x!tpu.dma_semaphore, #tpu.memory_space<semaphore_mem>> -> memref<!tpu.dma_semaphore, #tpu.memory_space<semaphore_mem>>
    %dma_start3A_1409 = tpu.memref_slice %arg5[%add3A_1404] : memref<1280000xf32, #tpu.memory_space<vmem_shared>> -> memref<3200xf32, #tpu.memory_space<vmem_shared>>
    tpu.enqueue_dma source(%dma_start3A_1409 : memref<3200xf32, #tpu.memory_space<vmem_shared>>) target(%arg13 : memref<3200xf32, #tpu.memory_space<vmem>>) target_semaphore(%dma_start3A_1408 : memref<!tpu.dma_semaphore, #tpu.memory_space<semaphore_mem>>)
    %scan3A_1410 = arith.constant 0 : i32
    %scan3A_1411 = arith.constant 0 : i32
    %scan3A_1412 = arith.constant 200 : i32
    %scan3A_1413 = arith.addi %scan3A_1411, %scan3A_1412 : i32
    %scan3A_1414 = arith.constant 1 : i32
    scf.for %scan3A_2059 = %scan3A_1411 to %scan3A_1413 step %scan3A_1414  : i32 {
      %mul3A_2060 = arith.constant 16 : i32
      %mul3A_2061 = arith.muli %scan3A_2059, %mul3A_2060 : i32
      %get3A = arith.index_cast %mul3A_2061 : i32 to index
      %get3A_2062 = tpu.vector_load %arg12[%get3A] {strides = array<i32>} : memref<3200xf32, #tpu.memory_space<vmem>>, vector<16xf32>,
      %get3A_2063 = vector.shape_cast %get3A_2062 : vector<16xf32> to vector<16xf32>
      %exp3A = math.exp %get3A_2063 : vector<16xf32>
      %sub3A = arith.constant 1.000000e+00 : f32
      %sub3A_2064 = vector.broadcast %sub3A : f32 to vector<16xf32>
      %sub3A_2065 = arith.subf %sub3A_2064, %exp3A : vector<16xf32>
      %mul3A_2066 = arith.constant 16 : i32
      %mul3A_2067 = arith.muli %scan3A_2059, %mul3A_2066 : i32
      %swap3A = arith.index_cast %mul3A_2067 : i32 to index
      %swap3A_2068 = tpu.vector_load %arg12[%swap3A] {strides = array<i32>} : memref<3200xf32, #tpu.memory_space<vmem>>, vector<16xf32>,
      %swap3A_2069 = vector.shape_cast %swap3A_2068 : vector<16xf32> to vector<16xf32>
      %swap3A_2070 = vector.shape_cast %sub3A_2065 : vector<16xf32> to vector<16xf32>
      tpu.vector_store %arg12[%swap3A], %swap3A_2070 {strides = array<i32>} : memref<3200xf32, #tpu.memory_space<vmem>>, vector<16xf32>,
    }
    %scan3A_1415 = arith.constant 200 : i32
    %add3A_1416 = arith.constant 12800 : i32
    %add3A_1417 = arith.addi %add3A_1258, %add3A_1416 : i32
    %dma_start3A_1418 = arith.constant 0 : i32
    %dma_start3A_1419 = tpu.memref_slice %arg4[%add3A_1417] : memref<2560000xf32, #tpu.memory_space<hbm>> -> memref<3200xf32, #tpu.memory_space<hbm>>
    %dma_start3A_1420 = tpu.memref_slice %arg16[%dma_start3A_1418] : memref<2x!tpu.dma_semaphore, #tpu.memory_space<semaphore_mem>> -> memref<1x!tpu.dma_semaphore, #tpu.memory_space<semaphore_mem>>
    %dma_start3A_1421 = tpu.memref_squeeze %dma_start3A_1420 : memref<1x!tpu.dma_semaphore, #tpu.memory_space<semaphore_mem>> -> memref<!tpu.dma_semaphore, #tpu.memory_space<semaphore_mem>>
    %dma_start3A_1422 = tpu.memref_slice %arg4[%add3A_1417] : memref<2560000xf32, #tpu.memory_space<hbm>> -> memref<3200xf32, #tpu.memory_space<hbm>>
    tpu.enqueue_dma source(%arg12 : memref<3200xf32, #tpu.memory_space<vmem>>) target(%dma_start3A_1422 : memref<3200xf32, #tpu.memory_space<hbm>>) target_semaphore(%dma_start3A_1421 : memref<!tpu.dma_semaphore, #tpu.memory_space<semaphore_mem>>)
    %dma_wait3A_1423 = arith.constant 1 : i32
    %dma_wait3A_1424 = tpu.memref_slice %arg5[%add3A_1404] : memref<1280000xf32, #tpu.memory_space<vmem_shared>> -> memref<3200xf32, #tpu.memory_space<vmem_shared>>
    %dma_wait3A_1425 = tpu.memref_slice %arg16[%dma_wait3A_1423] : memref<2x!tpu.dma_semaphore, #tpu.memory_space<semaphore_mem>> -> memref<1x!tpu.dma_semaphore, #tpu.memory_space<semaphore_mem>>
    %dma_wait3A_1426 = tpu.memref_squeeze %dma_wait3A_1425 : memref<1x!tpu.dma_semaphore, #tpu.memory_space<semaphore_mem>> -> memref<!tpu.dma_semaphore, #tpu.memory_space<semaphore_mem>>
    %dma_wait3A_1427 = tpu.memref_slice %arg5[%add3A_1404] : memref<1280000xf32, #tpu.memory_space<vmem_shared>> -> memref<3200xf32, #tpu.memory_space<vmem_shared>>
    tpu.wait_dma2 semaphore(%dma_wait3A_1426 : memref<!tpu.dma_semaphore, #tpu.memory_space<semaphore_mem>>) src(%dma_wait3A_1427 : memref<3200xf32, #tpu.memory_space<vmem_shared>>) dst(%arg13 : memref<3200xf32, #tpu.memory_space<vmem>>)
    %dma_wait3A_1428 = arith.constant 0 : i32
    %dma_wait3A_1429 = tpu.memref_slice %arg4[%add3A_1417] : memref<2560000xf32, #tpu.memory_space<hbm>> -> memref<3200xf32, #tpu.memory_space<hbm>>
    %dma_wait3A_1430 = tpu.memref_slice %arg16[%dma_wait3A_1428] : memref<2x!tpu.dma_semaphore, #tpu.memory_space<semaphore_mem>> -> memref<1x!tpu.dma_semaphore, #tpu.memory_space<semaphore_mem>>
    %dma_wait3A_1431 = tpu.memref_squeeze %dma_wait3A_1430 : memref<1x!tpu.dma_semaphore, #tpu.memory_space<semaphore_mem>> -> memref<!tpu.dma_semaphore, #tpu.memory_space<semaphore_mem>>
    %dma_wait3A_1432 = tpu.memref_slice %arg4[%add3A_1417] : memref<2560000xf32, #tpu.memory_space<hbm>> -> memref<3200xf32, #tpu.memory_space<hbm>>
    tpu.wait_dma2 semaphore(%dma_wait3A_1431 : memref<!tpu.dma_semaphore, #tpu.memory_space<semaphore_mem>>) src(%arg12 : memref<3200xf32, #tpu.memory_space<vmem>>) dst(%dma_wait3A_1432 : memref<3200xf32, #tpu.memory_space<hbm>>)
    %mul3A_1433 = arith.constant 80000 : i32
    %mul3A_1434 = arith.muli %arg1, %mul3A_1433 : i32
    %add3A_1435 = arith.constant 19200 : i32
    %add3A_1436 = arith.addi %mul3A_1434, %add3A_1435 : i32
    %dma_start3A_1437 = arith.constant 0 : i32
    %dma_start3A_1438 = tpu.memref_slice %arg5[%add3A_1436] : memref<1280000xf32, #tpu.memory_space<vmem_shared>> -> memref<3200xf32, #tpu.memory_space<vmem_shared>>
    %dma_start3A_1439 = tpu.memref_slice %arg16[%dma_start3A_1437] : memref<2x!tpu.dma_semaphore, #tpu.memory_space<semaphore_mem>> -> memref<1x!tpu.dma_semaphore, #tpu.memory_space<semaphore_mem>>
    %dma_start3A_1440 = tpu.memref_squeeze %dma_start3A_1439 : memref<1x!tpu.dma_semaphore, #tpu.memory_space<semaphore_mem>> -> memref<!tpu.dma_semaphore, #tpu.memory_space<semaphore_mem>>
    %dma_start3A_1441 = tpu.memref_slice %arg5[%add3A_1436] : memref<1280000xf32, #tpu.memory_space<vmem_shared>> -> memref<3200xf32, #tpu.memory_space<vmem_shared>>
    tpu.enqueue_dma source(%dma_start3A_1441 : memref<3200xf32, #tpu.memory_space<vmem_shared>>) target(%arg12 : memref<3200xf32, #tpu.memory_space<vmem>>) target_semaphore(%dma_start3A_1440 : memref<!tpu.dma_semaphore, #tpu.memory_space<semaphore_mem>>)
    %scan3A_1442 = arith.constant 0 : i32
    %scan3A_1443 = arith.constant 0 : i32
    %scan3A_1444 = arith.constant 200 : i32
    %scan3A_1445 = arith.addi %scan3A_1443, %scan3A_1444 : i32
    %scan3A_1446 = arith.constant 1 : i32
    scf.for %scan3A_2059 = %scan3A_1443 to %scan3A_1445 step %scan3A_1446  : i32 {
      %mul3A_2060 = arith.constant 16 : i32
      %mul3A_2061 = arith.muli %scan3A_2059, %mul3A_2060 : i32
      %get3A = arith.index_cast %mul3A_2061 : i32 to index
      %get3A_2062 = tpu.vector_load %arg13[%get3A] {strides = array<i32>} : memref<3200xf32, #tpu.memory_space<vmem>>, vector<16xf32>,
      %get3A_2063 = vector.shape_cast %get3A_2062 : vector<16xf32> to vector<16xf32>
      %exp3A = math.exp %get3A_2063 : vector<16xf32>
      %sub3A = arith.constant 1.000000e+00 : f32
      %sub3A_2064 = vector.broadcast %sub3A : f32 to vector<16xf32>
      %sub3A_2065 = arith.subf %sub3A_2064, %exp3A : vector<16xf32>
      %mul3A_2066 = arith.constant 16 : i32
      %mul3A_2067 = arith.muli %scan3A_2059, %mul3A_2066 : i32
      %swap3A = arith.index_cast %mul3A_2067 : i32 to index
      %swap3A_2068 = tpu.vector_load %arg13[%swap3A] {strides = array<i32>} : memref<3200xf32, #tpu.memory_space<vmem>>, vector<16xf32>,
      %swap3A_2069 = vector.shape_cast %swap3A_2068 : vector<16xf32> to vector<16xf32>
      %swap3A_2070 = vector.shape_cast %sub3A_2065 : vector<16xf32> to vector<16xf32>
      tpu.vector_store %arg13[%swap3A], %swap3A_2070 {strides = array<i32>} : memref<3200xf32, #tpu.memory_space<vmem>>, vector<16xf32>,
    }
    %scan3A_1447 = arith.constant 200 : i32
    %add3A_1448 = arith.constant 16000 : i32
    %add3A_1449 = arith.addi %add3A_1258, %add3A_1448 : i32
    %dma_start3A_1450 = arith.constant 1 : i32
    %dma_start3A_1451 = tpu.memref_slice %arg4[%add3A_1449] : memref<2560000xf32, #tpu.memory_space<hbm>> -> memref<3200xf32, #tpu.memory_space<hbm>>
    %dma_start3A_1452 = tpu.memref_slice %arg16[%dma_start3A_1450] : memref<2x!tpu.dma_semaphore, #tpu.memory_space<semaphore_mem>> -> memref<1x!tpu.dma_semaphore, #tpu.memory_space<semaphore_mem>>
    %dma_start3A_1453 = tpu.memref_squeeze %dma_start3A_1452 : memref<1x!tpu.dma_semaphore, #tpu.memory_space<semaphore_mem>> -> memref<!tpu.dma_semaphore, #tpu.memory_space<semaphore_mem>>
    %dma_start3A_1454 = tpu.memref_slice %arg4[%add3A_1449] : memref<2560000xf32, #tpu.memory_space<hbm>> -> memref<3200xf32, #tpu.memory_space<hbm>>
    tpu.enqueue_dma source(%arg13 : memref<3200xf32, #tpu.memory_space<vmem>>) target(%dma_start3A_1454 : memref<3200xf32, #tpu.memory_space<hbm>>) target_semaphore(%dma_start3A_1453 : memref<!tpu.dma_semaphore, #tpu.memory_space<semaphore_mem>>)
    %dma_wait3A_1455 = arith.constant 0 : i32
    %dma_wait3A_1456 = tpu.memref_slice %arg5[%add3A_1436] : memref<1280000xf32, #tpu.memory_space<vmem_shared>> -> memref<3200xf32, #tpu.memory_space<vmem_shared>>
    %dma_wait3A_1457 = tpu.memref_slice %arg16[%dma_wait3A_1455] : memref<2x!tpu.dma_semaphore, #tpu.memory_space<semaphore_mem>> -> memref<1x!tpu.dma_semaphore, #tpu.memory_space<semaphore_mem>>
    %dma_wait3A_1458 = tpu.memref_squeeze %dma_wait3A_1457 : memref<1x!tpu.dma_semaphore, #tpu.memory_space<semaphore_mem>> -> memref<!tpu.dma_semaphore, #tpu.memory_space<semaphore_mem>>
    %dma_wait3A_1459 = tpu.memref_slice %arg5[%add3A_1436] : memref<1280000xf32, #tpu.memory_space<vmem_shared>> -> memref<3200xf32, #tpu.memory_space<vmem_shared>>
    tpu.wait_dma2 semaphore(%dma_wait3A_1458 : memref<!tpu.dma_semaphore, #tpu.memory_space<semaphore_mem>>) src(%dma_wait3A_1459 : memref<3200xf32, #tpu.memory_space<vmem_shared>>) dst(%arg12 : memref<3200xf32, #tpu.memory_space<vmem>>)
    %dma_wait3A_1460 = arith.constant 1 : i32
    %dma_wait3A_1461 = tpu.memref_slice %arg4[%add3A_1449] : memref<2560000xf32, #tpu.memory_space<hbm>> -> memref<3200xf32, #tpu.memory_space<hbm>>
    %dma_wait3A_1462 = tpu.memref_slice %arg16[%dma_wait3A_1460] : memref<2x!tpu.dma_semaphore, #tpu.memory_space<semaphore_mem>> -> memref<1x!tpu.dma_semaphore, #tpu.memory_space<semaphore_mem>>
    %dma_wait3A_1463 = tpu.memref_squeeze %dma_wait3A_1462 : memref<1x!tpu.dma_semaphore, #tpu.memory_space<semaphore_mem>> -> memref<!tpu.dma_semaphore, #tpu.memory_space<semaphore_mem>>
    %dma_wait3A_1464 = tpu.memref_slice %arg4[%add3A_1449] : memref<2560000xf32, #tpu.memory_space<hbm>> -> memref<3200xf32, #tpu.memory_space<hbm>>
    tpu.wait_dma2 semaphore(%dma_wait3A_1463 : memref<!tpu.dma_semaphore, #tpu.memory_space<semaphore_mem>>) src(%arg13 : memref<3200xf32, #tpu.memory_space<vmem>>) dst(%dma_wait3A_1464 : memref<3200xf32, #tpu.memory_space<hbm>>)
    %mul3A_1465 = arith.constant 80000 : i32
    %mul3A_1466 = arith.muli %arg1, %mul3A_1465 : i32
    %add3A_1467 = arith.constant 22400 : i32
    %add3A_1468 = arith.addi %mul3A_1466, %add3A_1467 : i32
    %dma_start3A_1469 = arith.constant 1 : i32
    %dma_start3A_1470 = tpu.memref_slice %arg5[%add3A_1468] : memref<1280000xf32, #tpu.memory_space<vmem_shared>> -> memref<3200xf32, #tpu.memory_space<vmem_shared>>
    %dma_start3A_1471 = tpu.memref_slice %arg16[%dma_start3A_1469] : memref<2x!tpu.dma_semaphore, #tpu.memory_space<semaphore_mem>> -> memref<1x!tpu.dma_semaphore, #tpu.memory_space<semaphore_mem>>
    %dma_start3A_1472 = tpu.memref_squeeze %dma_start3A_1471 : memref<1x!tpu.dma_semaphore, #tpu.memory_space<semaphore_mem>> -> memref<!tpu.dma_semaphore, #tpu.memory_space<semaphore_mem>>
    %dma_start3A_1473 = tpu.memref_slice %arg5[%add3A_1468] : memref<1280000xf32, #tpu.memory_space<vmem_shared>> -> memref<3200xf32, #tpu.memory_space<vmem_shared>>
    tpu.enqueue_dma source(%dma_start3A_1473 : memref<3200xf32, #tpu.memory_space<vmem_shared>>) target(%arg13 : memref<3200xf32, #tpu.memory_space<vmem>>) target_semaphore(%dma_start3A_1472 : memref<!tpu.dma_semaphore, #tpu.memory_space<semaphore_mem>>)
    %scan3A_1474 = arith.constant 0 : i32
    %scan3A_1475 = arith.constant 0 : i32
    %scan3A_1476 = arith.constant 200 : i32
    %scan3A_1477 = arith.addi %scan3A_1475, %scan3A_1476 : i32
    %scan3A_1478 = arith.constant 1 : i32
    scf.for %scan3A_2059 = %scan3A_1475 to %scan3A_1477 step %scan3A_1478  : i32 {
      %mul3A_2060 = arith.constant 16 : i32
      %mul3A_2061 = arith.muli %scan3A_2059, %mul3A_2060 : i32
      %get3A = arith.index_cast %mul3A_2061 : i32 to index
      %get3A_2062 = tpu.vector_load %arg12[%get3A] {strides = array<i32>} : memref<3200xf32, #tpu.memory_space<vmem>>, vector<16xf32>,
      %get3A_2063 = vector.shape_cast %get3A_2062 : vector<16xf32> to vector<16xf32>
      %exp3A = math.exp %get3A_2063 : vector<16xf32>
      %sub3A = arith.constant 1.000000e+00 : f32
      %sub3A_2064 = vector.broadcast %sub3A : f32 to vector<16xf32>
      %sub3A_2065 = arith.subf %sub3A_2064, %exp3A : vector<16xf32>
      %mul3A_2066 = arith.constant 16 : i32
      %mul3A_2067 = arith.muli %scan3A_2059, %mul3A_2066 : i32
      %swap3A = arith.index_cast %mul3A_2067 : i32 to index
      %swap3A_2068 = tpu.vector_load %arg12[%swap3A] {strides = array<i32>} : memref<3200xf32, #tpu.memory_space<vmem>>, vector<16xf32>,
      %swap3A_2069 = vector.shape_cast %swap3A_2068 : vector<16xf32> to vector<16xf32>
      %swap3A_2070 = vector.shape_cast %sub3A_2065 : vector<16xf32> to vector<16xf32>
      tpu.vector_store %arg12[%swap3A], %swap3A_2070 {strides = array<i32>} : memref<3200xf32, #tpu.memory_space<vmem>>, vector<16xf32>,
    }
    %scan3A_1479 = arith.constant 200 : i32
    %add3A_1480 = arith.constant 19200 : i32
    %add3A_1481 = arith.addi %add3A_1258, %add3A_1480 : i32
    %dma_start3A_1482 = arith.constant 0 : i32
    %dma_start3A_1483 = tpu.memref_slice %arg4[%add3A_1481] : memref<2560000xf32, #tpu.memory_space<hbm>> -> memref<3200xf32, #tpu.memory_space<hbm>>
    %dma_start3A_1484 = tpu.memref_slice %arg16[%dma_start3A_1482] : memref<2x!tpu.dma_semaphore, #tpu.memory_space<semaphore_mem>> -> memref<1x!tpu.dma_semaphore, #tpu.memory_space<semaphore_mem>>
    %dma_start3A_1485 = tpu.memref_squeeze %dma_start3A_1484 : memref<1x!tpu.dma_semaphore, #tpu.memory_space<semaphore_mem>> -> memref<!tpu.dma_semaphore, #tpu.memory_space<semaphore_mem>>
    %dma_start3A_1486 = tpu.memref_slice %arg4[%add3A_1481] : memref<2560000xf32, #tpu.memory_space<hbm>> -> memref<3200xf32, #tpu.memory_space<hbm>>
    tpu.enqueue_dma source(%arg12 : memref<3200xf32, #tpu.memory_space<vmem>>) target(%dma_start3A_1486 : memref<3200xf32, #tpu.memory_space<hbm>>) target_semaphore(%dma_start3A_1485 : memref<!tpu.dma_semaphore, #tpu.memory_space<semaphore_mem>>)
    %dma_wait3A_1487 = arith.constant 1 : i32
    %dma_wait3A_1488 = tpu.memref_slice %arg5[%add3A_1468] : memref<1280000xf32, #tpu.memory_space<vmem_shared>> -> memref<3200xf32, #tpu.memory_space<vmem_shared>>
    %dma_wait3A_1489 = tpu.memref_slice %arg16[%dma_wait3A_1487] : memref<2x!tpu.dma_semaphore, #tpu.memory_space<semaphore_mem>> -> memref<1x!tpu.dma_semaphore, #tpu.memory_space<semaphore_mem>>
    %dma_wait3A_1490 = tpu.memref_squeeze %dma_wait3A_1489 : memref<1x!tpu.dma_semaphore, #tpu.memory_space<semaphore_mem>> -> memref<!tpu.dma_semaphore, #tpu.memory_space<semaphore_mem>>
    %dma_wait3A_1491 = tpu.memref_slice %arg5[%add3A_1468] : memref<1280000xf32, #tpu.memory_space<vmem_shared>> -> memref<3200xf32, #tpu.memory_space<vmem_shared>>
    tpu.wait_dma2 semaphore(%dma_wait3A_1490 : memref<!tpu.dma_semaphore, #tpu.memory_space<semaphore_mem>>) src(%dma_wait3A_1491 : memref<3200xf32, #tpu.memory_space<vmem_shared>>) dst(%arg13 : memref<3200xf32, #tpu.memory_space<vmem>>)
    %dma_wait3A_1492 = arith.constant 0 : i32
    %dma_wait3A_1493 = tpu.memref_slice %arg4[%add3A_1481] : memref<2560000xf32, #tpu.memory_space<hbm>> -> memref<3200xf32, #tpu.memory_space<hbm>>
    %dma_wait3A_1494 = tpu.memref_slice %arg16[%dma_wait3A_1492] : memref<2x!tpu.dma_semaphore, #tpu.memory_space<semaphore_mem>> -> memref<1x!tpu.dma_semaphore, #tpu.memory_space<semaphore_mem>>
    %dma_wait3A_1495 = tpu.memref_squeeze %dma_wait3A_1494 : memref<1x!tpu.dma_semaphore, #tpu.memory_space<semaphore_mem>> -> memref<!tpu.dma_semaphore, #tpu.memory_space<semaphore_mem>>
    %dma_wait3A_1496 = tpu.memref_slice %arg4[%add3A_1481] : memref<2560000xf32, #tpu.memory_space<hbm>> -> memref<3200xf32, #tpu.memory_space<hbm>>
    tpu.wait_dma2 semaphore(%dma_wait3A_1495 : memref<!tpu.dma_semaphore, #tpu.memory_space<semaphore_mem>>) src(%arg12 : memref<3200xf32, #tpu.memory_space<vmem>>) dst(%dma_wait3A_1496 : memref<3200xf32, #tpu.memory_space<hbm>>)
    %mul3A_1497 = arith.constant 80000 : i32
    %mul3A_1498 = arith.muli %arg1, %mul3A_1497 : i32
    %add3A_1499 = arith.constant 25600 : i32
    %add3A_1500 = arith.addi %mul3A_1498, %add3A_1499 : i32
    %dma_start3A_1501 = arith.constant 0 : i32
    %dma_start3A_1502 = tpu.memref_slice %arg5[%add3A_1500] : memref<1280000xf32, #tpu.memory_space<vmem_shared>> -> memref<3200xf32, #tpu.memory_space<vmem_shared>>
    %dma_start3A_1503 = tpu.memref_slice %arg16[%dma_start3A_1501] : memref<2x!tpu.dma_semaphore, #tpu.memory_space<semaphore_mem>> -> memref<1x!tpu.dma_semaphore, #tpu.memory_space<semaphore_mem>>
    %dma_start3A_1504 = tpu.memref_squeeze %dma_start3A_1503 : memref<1x!tpu.dma_semaphore, #tpu.memory_space<semaphore_mem>> -> memref<!tpu.dma_semaphore, #tpu.memory_space<semaphore_mem>>
    %dma_start3A_1505 = tpu.memref_slice %arg5[%add3A_1500] : memref<1280000xf32, #tpu.memory_space<vmem_shared>> -> memref<3200xf32, #tpu.memory_space<vmem_shared>>
    tpu.enqueue_dma source(%dma_start3A_1505 : memref<3200xf32, #tpu.memory_space<vmem_shared>>) target(%arg12 : memref<3200xf32, #tpu.memory_space<vmem>>) target_semaphore(%dma_start3A_1504 : memref<!tpu.dma_semaphore, #tpu.memory_space<semaphore_mem>>)
    %scan3A_1506 = arith.constant 0 : i32
    %scan3A_1507 = arith.constant 0 : i32
    %scan3A_1508 = arith.constant 200 : i32
    %scan3A_1509 = arith.addi %scan3A_1507, %scan3A_1508 : i32
    %scan3A_1510 = arith.constant 1 : i32
    scf.for %scan3A_2059 = %scan3A_1507 to %scan3A_1509 step %scan3A_1510  : i32 {
      %mul3A_2060 = arith.constant 16 : i32
      %mul3A_2061 = arith.muli %scan3A_2059, %mul3A_2060 : i32
      %get3A = arith.index_cast %mul3A_2061 : i32 to index
      %get3A_2062 = tpu.vector_load %arg13[%get3A] {strides = array<i32>} : memref<3200xf32, #tpu.memory_space<vmem>>, vector<16xf32>,
      %get3A_2063 = vector.shape_cast %get3A_2062 : vector<16xf32> to vector<16xf32>
      %exp3A = math.exp %get3A_2063 : vector<16xf32>
      %sub3A = arith.constant 1.000000e+00 : f32
      %sub3A_2064 = vector.broadcast %sub3A : f32 to vector<16xf32>
      %sub3A_2065 = arith.subf %sub3A_2064, %exp3A : vector<16xf32>
      %mul3A_2066 = arith.constant 16 : i32
      %mul3A_2067 = arith.muli %scan3A_2059, %mul3A_2066 : i32
      %swap3A = arith.index_cast %mul3A_2067 : i32 to index
      %swap3A_2068 = tpu.vector_load %arg13[%swap3A] {strides = array<i32>} : memref<3200xf32, #tpu.memory_space<vmem>>, vector<16xf32>,
      %swap3A_2069 = vector.shape_cast %swap3A_2068 : vector<16xf32> to vector<16xf32>
      %swap3A_2070 = vector.shape_cast %sub3A_2065 : vector<16xf32> to vector<16xf32>
      tpu.vector_store %arg13[%swap3A], %swap3A_2070 {strides = array<i32>} : memref<3200xf32, #tpu.memory_space<vmem>>, vector<16xf32>,
    }
    %scan3A_1511 = arith.constant 200 : i32
    %add3A_1512 = arith.constant 22400 : i32
    %add3A_1513 = arith.addi %add3A_1258, %add3A_1512 : i32
    %dma_start3A_1514 = arith.constant 1 : i32
    %dma_start3A_1515 = tpu.memref_slice %arg4[%add3A_1513] : memref<2560000xf32, #tpu.memory_space<hbm>> -> memref<3200xf32, #tpu.memory_space<hbm>>
    %dma_start3A_1516 = tpu.memref_slice %arg16[%dma_start3A_1514] : memref<2x!tpu.dma_semaphore, #tpu.memory_space<semaphore_mem>> -> memref<1x!tpu.dma_semaphore, #tpu.memory_space<semaphore_mem>>
    %dma_start3A_1517 = tpu.memref_squeeze %dma_start3A_1516 : memref<1x!tpu.dma_semaphore, #tpu.memory_space<semaphore_mem>> -> memref<!tpu.dma_semaphore, #tpu.memory_space<semaphore_mem>>
    %dma_start3A_1518 = tpu.memref_slice %arg4[%add3A_1513] : memref<2560000xf32, #tpu.memory_space<hbm>> -> memref<3200xf32, #tpu.memory_space<hbm>>
    tpu.enqueue_dma source(%arg13 : memref<3200xf32, #tpu.memory_space<vmem>>) target(%dma_start3A_1518 : memref<3200xf32, #tpu.memory_space<hbm>>) target_semaphore(%dma_start3A_1517 : memref<!tpu.dma_semaphore, #tpu.memory_space<semaphore_mem>>)
    %dma_wait3A_1519 = arith.constant 0 : i32
    %dma_wait3A_1520 = tpu.memref_slice %arg5[%add3A_1500] : memref<1280000xf32, #tpu.memory_space<vmem_shared>> -> memref<3200xf32, #tpu.memory_space<vmem_shared>>
    %dma_wait3A_1521 = tpu.memref_slice %arg16[%dma_wait3A_1519] : memref<2x!tpu.dma_semaphore, #tpu.memory_space<semaphore_mem>> -> memref<1x!tpu.dma_semaphore, #tpu.memory_space<semaphore_mem>>
    %dma_wait3A_1522 = tpu.memref_squeeze %dma_wait3A_1521 : memref<1x!tpu.dma_semaphore, #tpu.memory_space<semaphore_mem>> -> memref<!tpu.dma_semaphore, #tpu.memory_space<semaphore_mem>>
    %dma_wait3A_1523 = tpu.memref_slice %arg5[%add3A_1500] : memref<1280000xf32, #tpu.memory_space<vmem_shared>> -> memref<3200xf32, #tpu.memory_space<vmem_shared>>
    tpu.wait_dma2 semaphore(%dma_wait3A_1522 : memref<!tpu.dma_semaphore, #tpu.memory_space<semaphore_mem>>) src(%dma_wait3A_1523 : memref<3200xf32, #tpu.memory_space<vmem_shared>>) dst(%arg12 : memref<3200xf32, #tpu.memory_space<vmem>>)
    %dma_wait3A_1524 = arith.constant 1 : i32
    %dma_wait3A_1525 = tpu.memref_slice %arg4[%add3A_1513] : memref<2560000xf32, #tpu.memory_space<hbm>> -> memref<3200xf32, #tpu.memory_space<hbm>>
    %dma_wait3A_1526 = tpu.memref_slice %arg16[%dma_wait3A_1524] : memref<2x!tpu.dma_semaphore, #tpu.memory_space<semaphore_mem>> -> memref<1x!tpu.dma_semaphore, #tpu.memory_space<semaphore_mem>>
    %dma_wait3A_1527 = tpu.memref_squeeze %dma_wait3A_1526 : memref<1x!tpu.dma_semaphore, #tpu.memory_space<semaphore_mem>> -> memref<!tpu.dma_semaphore, #tpu.memory_space<semaphore_mem>>
    %dma_wait3A_1528 = tpu.memref_slice %arg4[%add3A_1513] : memref<2560000xf32, #tpu.memory_space<hbm>> -> memref<3200xf32, #tpu.memory_space<hbm>>
    tpu.wait_dma2 semaphore(%dma_wait3A_1527 : memref<!tpu.dma_semaphore, #tpu.memory_space<semaphore_mem>>) src(%arg13 : memref<3200xf32, #tpu.memory_space<vmem>>) dst(%dma_wait3A_1528 : memref<3200xf32, #tpu.memory_space<hbm>>)
    %mul3A_1529 = arith.constant 80000 : i32
    %mul3A_1530 = arith.muli %arg1, %mul3A_1529 : i32
    %add3A_1531 = arith.constant 28800 : i32
    %add3A_1532 = arith.addi %mul3A_1530, %add3A_1531 : i32
    %dma_start3A_1533 = arith.constant 1 : i32
    %dma_start3A_1534 = tpu.memref_slice %arg5[%add3A_1532] : memref<1280000xf32, #tpu.memory_space<vmem_shared>> -> memref<3200xf32, #tpu.memory_space<vmem_shared>>
    %dma_start3A_1535 = tpu.memref_slice %arg16[%dma_start3A_1533] : memref<2x!tpu.dma_semaphore, #tpu.memory_space<semaphore_mem>> -> memref<1x!tpu.dma_semaphore, #tpu.memory_space<semaphore_mem>>
    %dma_start3A_1536 = tpu.memref_squeeze %dma_start3A_1535 : memref<1x!tpu.dma_semaphore, #tpu.memory_space<semaphore_mem>> -> memref<!tpu.dma_semaphore, #tpu.memory_space<semaphore_mem>>
    %dma_start3A_1537 = tpu.memref_slice %arg5[%add3A_1532] : memref<1280000xf32, #tpu.memory_space<vmem_shared>> -> memref<3200xf32, #tpu.memory_space<vmem_shared>>
    tpu.enqueue_dma source(%dma_start3A_1537 : memref<3200xf32, #tpu.memory_space<vmem_shared>>) target(%arg13 : memref<3200xf32, #tpu.memory_space<vmem>>) target_semaphore(%dma_start3A_1536 : memref<!tpu.dma_semaphore, #tpu.memory_space<semaphore_mem>>)
    %scan3A_1538 = arith.constant 0 : i32
    %scan3A_1539 = arith.constant 0 : i32
    %scan3A_1540 = arith.constant 200 : i32
    %scan3A_1541 = arith.addi %scan3A_1539, %scan3A_1540 : i32
    %scan3A_1542 = arith.constant 1 : i32
    scf.for %scan3A_2059 = %scan3A_1539 to %scan3A_1541 step %scan3A_1542  : i32 {
      %mul3A_2060 = arith.constant 16 : i32
      %mul3A_2061 = arith.muli %scan3A_2059, %mul3A_2060 : i32
      %get3A = arith.index_cast %mul3A_2061 : i32 to index
      %get3A_2062 = tpu.vector_load %arg12[%get3A] {strides = array<i32>} : memref<3200xf32, #tpu.memory_space<vmem>>, vector<16xf32>,
      %get3A_2063 = vector.shape_cast %get3A_2062 : vector<16xf32> to vector<16xf32>
      %exp3A = math.exp %get3A_2063 : vector<16xf32>
      %sub3A = arith.constant 1.000000e+00 : f32
      %sub3A_2064 = vector.broadcast %sub3A : f32 to vector<16xf32>
      %sub3A_2065 = arith.subf %sub3A_2064, %exp3A : vector<16xf32>
      %mul3A_2066 = arith.constant 16 : i32
      %mul3A_2067 = arith.muli %scan3A_2059, %mul3A_2066 : i32
      %swap3A = arith.index_cast %mul3A_2067 : i32 to index
      %swap3A_2068 = tpu.vector_load %arg12[%swap3A] {strides = array<i32>} : memref<3200xf32, #tpu.memory_space<vmem>>, vector<16xf32>,
      %swap3A_2069 = vector.shape_cast %swap3A_2068 : vector<16xf32> to vector<16xf32>
      %swap3A_2070 = vector.shape_cast %sub3A_2065 : vector<16xf32> to vector<16xf32>
      tpu.vector_store %arg12[%swap3A], %swap3A_2070 {strides = array<i32>} : memref<3200xf32, #tpu.memory_space<vmem>>, vector<16xf32>,
    }
    %scan3A_1543 = arith.constant 200 : i32
    %add3A_1544 = arith.constant 25600 : i32
    %add3A_1545 = arith.addi %add3A_1258, %add3A_1544 : i32
    %dma_start3A_1546 = arith.constant 0 : i32
    %dma_start3A_1547 = tpu.memref_slice %arg4[%add3A_1545] : memref<2560000xf32, #tpu.memory_space<hbm>> -> memref<3200xf32, #tpu.memory_space<hbm>>
    %dma_start3A_1548 = tpu.memref_slice %arg16[%dma_start3A_1546] : memref<2x!tpu.dma_semaphore, #tpu.memory_space<semaphore_mem>> -> memref<1x!tpu.dma_semaphore, #tpu.memory_space<semaphore_mem>>
    %dma_start3A_1549 = tpu.memref_squeeze %dma_start3A_1548 : memref<1x!tpu.dma_semaphore, #tpu.memory_space<semaphore_mem>> -> memref<!tpu.dma_semaphore, #tpu.memory_space<semaphore_mem>>
    %dma_start3A_1550 = tpu.memref_slice %arg4[%add3A_1545] : memref<2560000xf32, #tpu.memory_space<hbm>> -> memref<3200xf32, #tpu.memory_space<hbm>>
    tpu.enqueue_dma source(%arg12 : memref<3200xf32, #tpu.memory_space<vmem>>) target(%dma_start3A_1550 : memref<3200xf32, #tpu.memory_space<hbm>>) target_semaphore(%dma_start3A_1549 : memref<!tpu.dma_semaphore, #tpu.memory_space<semaphore_mem>>)
    %dma_wait3A_1551 = arith.constant 1 : i32
    %dma_wait3A_1552 = tpu.memref_slice %arg5[%add3A_1532] : memref<1280000xf32, #tpu.memory_space<vmem_shared>> -> memref<3200xf32, #tpu.memory_space<vmem_shared>>
    %dma_wait3A_1553 = tpu.memref_slice %arg16[%dma_wait3A_1551] : memref<2x!tpu.dma_semaphore, #tpu.memory_space<semaphore_mem>> -> memref<1x!tpu.dma_semaphore, #tpu.memory_space<semaphore_mem>>
    %dma_wait3A_1554 = tpu.memref_squeeze %dma_wait3A_1553 : memref<1x!tpu.dma_semaphore, #tpu.memory_space<semaphore_mem>> -> memref<!tpu.dma_semaphore, #tpu.memory_space<semaphore_mem>>
    %dma_wait3A_1555 = tpu.memref_slice %arg5[%add3A_1532] : memref<1280000xf32, #tpu.memory_space<vmem_shared>> -> memref<3200xf32, #tpu.memory_space<vmem_shared>>
    tpu.wait_dma2 semaphore(%dma_wait3A_1554 : memref<!tpu.dma_semaphore, #tpu.memory_space<semaphore_mem>>) src(%dma_wait3A_1555 : memref<3200xf32, #tpu.memory_space<vmem_shared>>) dst(%arg13 : memref<3200xf32, #tpu.memory_space<vmem>>)
    %dma_wait3A_1556 = arith.constant 0 : i32
    %dma_wait3A_1557 = tpu.memref_slice %arg4[%add3A_1545] : memref<2560000xf32, #tpu.memory_space<hbm>> -> memref<3200xf32, #tpu.memory_space<hbm>>
    %dma_wait3A_1558 = tpu.memref_slice %arg16[%dma_wait3A_1556] : memref<2x!tpu.dma_semaphore, #tpu.memory_space<semaphore_mem>> -> memref<1x!tpu.dma_semaphore, #tpu.memory_space<semaphore_mem>>
    %dma_wait3A_1559 = tpu.memref_squeeze %dma_wait3A_1558 : memref<1x!tpu.dma_semaphore, #tpu.memory_space<semaphore_mem>> -> memref<!tpu.dma_semaphore, #tpu.memory_space<semaphore_mem>>
    %dma_wait3A_1560 = tpu.memref_slice %arg4[%add3A_1545] : memref<2560000xf32, #tpu.memory_space<hbm>> -> memref<3200xf32, #tpu.memory_space<hbm>>
    tpu.wait_dma2 semaphore(%dma_wait3A_1559 : memref<!tpu.dma_semaphore, #tpu.memory_space<semaphore_mem>>) src(%arg12 : memref<3200xf32, #tpu.memory_space<vmem>>) dst(%dma_wait3A_1560 : memref<3200xf32, #tpu.memory_space<hbm>>)
    %mul3A_1561 = arith.constant 80000 : i32
    %mul3A_1562 = arith.muli %arg1, %mul3A_1561 : i32
    %add3A_1563 = arith.constant 32000 : i32
    %add3A_1564 = arith.addi %mul3A_1562, %add3A_1563 : i32
    %dma_start3A_1565 = arith.constant 0 : i32
    %dma_start3A_1566 = tpu.memref_slice %arg5[%add3A_1564] : memref<1280000xf32, #tpu.memory_space<vmem_shared>> -> memref<3200xf32, #tpu.memory_space<vmem_shared>>
    %dma_start3A_1567 = tpu.memref_slice %arg16[%dma_start3A_1565] : memref<2x!tpu.dma_semaphore, #tpu.memory_space<semaphore_mem>> -> memref<1x!tpu.dma_semaphore, #tpu.memory_space<semaphore_mem>>
    %dma_start3A_1568 = tpu.memref_squeeze %dma_start3A_1567 : memref<1x!tpu.dma_semaphore, #tpu.memory_space<semaphore_mem>> -> memref<!tpu.dma_semaphore, #tpu.memory_space<semaphore_mem>>
    %dma_start3A_1569 = tpu.memref_slice %arg5[%add3A_1564] : memref<1280000xf32, #tpu.memory_space<vmem_shared>> -> memref<3200xf32, #tpu.memory_space<vmem_shared>>
    tpu.enqueue_dma source(%dma_start3A_1569 : memref<3200xf32, #tpu.memory_space<vmem_shared>>) target(%arg12 : memref<3200xf32, #tpu.memory_space<vmem>>) target_semaphore(%dma_start3A_1568 : memref<!tpu.dma_semaphore, #tpu.memory_space<semaphore_mem>>)
    %scan3A_1570 = arith.constant 0 : i32
    %scan3A_1571 = arith.constant 0 : i32
    %scan3A_1572 = arith.constant 200 : i32
    %scan3A_1573 = arith.addi %scan3A_1571, %scan3A_1572 : i32
    %scan3A_1574 = arith.constant 1 : i32
    scf.for %scan3A_2059 = %scan3A_1571 to %scan3A_1573 step %scan3A_1574  : i32 {
      %mul3A_2060 = arith.constant 16 : i32
      %mul3A_2061 = arith.muli %scan3A_2059, %mul3A_2060 : i32
      %get3A = arith.index_cast %mul3A_2061 : i32 to index
      %get3A_2062 = tpu.vector_load %arg13[%get3A] {strides = array<i32>} : memref<3200xf32, #tpu.memory_space<vmem>>, vector<16xf32>,
      %get3A_2063 = vector.shape_cast %get3A_2062 : vector<16xf32> to vector<16xf32>
      %exp3A = math.exp %get3A_2063 : vector<16xf32>
      %sub3A = arith.constant 1.000000e+00 : f32
      %sub3A_2064 = vector.broadcast %sub3A : f32 to vector<16xf32>
      %sub3A_2065 = arith.subf %sub3A_2064, %exp3A : vector<16xf32>
      %mul3A_2066 = arith.constant 16 : i32
      %mul3A_2067 = arith.muli %scan3A_2059, %mul3A_2066 : i32
      %swap3A = arith.index_cast %mul3A_2067 : i32 to index
      %swap3A_2068 = tpu.vector_load %arg13[%swap3A] {strides = array<i32>} : memref<3200xf32, #tpu.memory_space<vmem>>, vector<16xf32>,
      %swap3A_2069 = vector.shape_cast %swap3A_2068 : vector<16xf32> to vector<16xf32>
      %swap3A_2070 = vector.shape_cast %sub3A_2065 : vector<16xf32> to vector<16xf32>
      tpu.vector_store %arg13[%swap3A], %swap3A_2070 {strides = array<i32>} : memref<3200xf32, #tpu.memory_space<vmem>>, vector<16xf32>,
    }
    %scan3A_1575 = arith.constant 200 : i32
    %add3A_1576 = arith.constant 28800 : i32
    %add3A_1577 = arith.addi %add3A_1258, %add3A_1576 : i32
    %dma_start3A_1578 = arith.constant 1 : i32
    %dma_start3A_1579 = tpu.memref_slice %arg4[%add3A_1577] : memref<2560000xf32, #tpu.memory_space<hbm>> -> memref<3200xf32, #tpu.memory_space<hbm>>
    %dma_start3A_1580 = tpu.memref_slice %arg16[%dma_start3A_1578] : memref<2x!tpu.dma_semaphore, #tpu.memory_space<semaphore_mem>> -> memref<1x!tpu.dma_semaphore, #tpu.memory_space<semaphore_mem>>
    %dma_start3A_1581 = tpu.memref_squeeze %dma_start3A_1580 : memref<1x!tpu.dma_semaphore, #tpu.memory_space<semaphore_mem>> -> memref<!tpu.dma_semaphore, #tpu.memory_space<semaphore_mem>>
    %dma_start3A_1582 = tpu.memref_slice %arg4[%add3A_1577] : memref<2560000xf32, #tpu.memory_space<hbm>> -> memref<3200xf32, #tpu.memory_space<hbm>>
    tpu.enqueue_dma source(%arg13 : memref<3200xf32, #tpu.memory_space<vmem>>) target(%dma_start3A_1582 : memref<3200xf32, #tpu.memory_space<hbm>>) target_semaphore(%dma_start3A_1581 : memref<!tpu.dma_semaphore, #tpu.memory_space<semaphore_mem>>)
    %dma_wait3A_1583 = arith.constant 0 : i32
    %dma_wait3A_1584 = tpu.memref_slice %arg5[%add3A_1564] : memref<1280000xf32, #tpu.memory_space<vmem_shared>> -> memref<3200xf32, #tpu.memory_space<vmem_shared>>
    %dma_wait3A_1585 = tpu.memref_slice %arg16[%dma_wait3A_1583] : memref<2x!tpu.dma_semaphore, #tpu.memory_space<semaphore_mem>> -> memref<1x!tpu.dma_semaphore, #tpu.memory_space<semaphore_mem>>
    %dma_wait3A_1586 = tpu.memref_squeeze %dma_wait3A_1585 : memref<1x!tpu.dma_semaphore, #tpu.memory_space<semaphore_mem>> -> memref<!tpu.dma_semaphore, #tpu.memory_space<semaphore_mem>>
    %dma_wait3A_1587 = tpu.memref_slice %arg5[%add3A_1564] : memref<1280000xf32, #tpu.memory_space<vmem_shared>> -> memref<3200xf32, #tpu.memory_space<vmem_shared>>
    tpu.wait_dma2 semaphore(%dma_wait3A_1586 : memref<!tpu.dma_semaphore, #tpu.memory_space<semaphore_mem>>) src(%dma_wait3A_1587 : memref<3200xf32, #tpu.memory_space<vmem_shared>>) dst(%arg12 : memref<3200xf32, #tpu.memory_space<vmem>>)
    %dma_wait3A_1588 = arith.constant 1 : i32
    %dma_wait3A_1589 = tpu.memref_slice %arg4[%add3A_1577] : memref<2560000xf32, #tpu.memory_space<hbm>> -> memref<3200xf32, #tpu.memory_space<hbm>>
    %dma_wait3A_1590 = tpu.memref_slice %arg16[%dma_wait3A_1588] : memref<2x!tpu.dma_semaphore, #tpu.memory_space<semaphore_mem>> -> memref<1x!tpu.dma_semaphore, #tpu.memory_space<semaphore_mem>>
    %dma_wait3A_1591 = tpu.memref_squeeze %dma_wait3A_1590 : memref<1x!tpu.dma_semaphore, #tpu.memory_space<semaphore_mem>> -> memref<!tpu.dma_semaphore, #tpu.memory_space<semaphore_mem>>
    %dma_wait3A_1592 = tpu.memref_slice %arg4[%add3A_1577] : memref<2560000xf32, #tpu.memory_space<hbm>> -> memref<3200xf32, #tpu.memory_space<hbm>>
    tpu.wait_dma2 semaphore(%dma_wait3A_1591 : memref<!tpu.dma_semaphore, #tpu.memory_space<semaphore_mem>>) src(%arg13 : memref<3200xf32, #tpu.memory_space<vmem>>) dst(%dma_wait3A_1592 : memref<3200xf32, #tpu.memory_space<hbm>>)
    %mul3A_1593 = arith.constant 80000 : i32
    %mul3A_1594 = arith.muli %arg1, %mul3A_1593 : i32
    %add3A_1595 = arith.constant 35200 : i32
    %add3A_1596 = arith.addi %mul3A_1594, %add3A_1595 : i32
    %dma_start3A_1597 = arith.constant 1 : i32
    %dma_start3A_1598 = tpu.memref_slice %arg5[%add3A_1596] : memref<1280000xf32, #tpu.memory_space<vmem_shared>> -> memref<3200xf32, #tpu.memory_space<vmem_shared>>
    %dma_start3A_1599 = tpu.memref_slice %arg16[%dma_start3A_1597] : memref<2x!tpu.dma_semaphore, #tpu.memory_space<semaphore_mem>> -> memref<1x!tpu.dma_semaphore, #tpu.memory_space<semaphore_mem>>
    %dma_start3A_1600 = tpu.memref_squeeze %dma_start3A_1599 : memref<1x!tpu.dma_semaphore, #tpu.memory_space<semaphore_mem>> -> memref<!tpu.dma_semaphore, #tpu.memory_space<semaphore_mem>>
    %dma_start3A_1601 = tpu.memref_slice %arg5[%add3A_1596] : memref<1280000xf32, #tpu.memory_space<vmem_shared>> -> memref<3200xf32, #tpu.memory_space<vmem_shared>>
    tpu.enqueue_dma source(%dma_start3A_1601 : memref<3200xf32, #tpu.memory_space<vmem_shared>>) target(%arg13 : memref<3200xf32, #tpu.memory_space<vmem>>) target_semaphore(%dma_start3A_1600 : memref<!tpu.dma_semaphore, #tpu.memory_space<semaphore_mem>>)
    %scan3A_1602 = arith.constant 0 : i32
    %scan3A_1603 = arith.constant 0 : i32
    %scan3A_1604 = arith.constant 200 : i32
    %scan3A_1605 = arith.addi %scan3A_1603, %scan3A_1604 : i32
    %scan3A_1606 = arith.constant 1 : i32
    scf.for %scan3A_2059 = %scan3A_1603 to %scan3A_1605 step %scan3A_1606  : i32 {
      %mul3A_2060 = arith.constant 16 : i32
      %mul3A_2061 = arith.muli %scan3A_2059, %mul3A_2060 : i32
      %get3A = arith.index_cast %mul3A_2061 : i32 to index
      %get3A_2062 = tpu.vector_load %arg12[%get3A] {strides = array<i32>} : memref<3200xf32, #tpu.memory_space<vmem>>, vector<16xf32>,
      %get3A_2063 = vector.shape_cast %get3A_2062 : vector<16xf32> to vector<16xf32>
      %exp3A = math.exp %get3A_2063 : vector<16xf32>
      %sub3A = arith.constant 1.000000e+00 : f32
      %sub3A_2064 = vector.broadcast %sub3A : f32 to vector<16xf32>
      %sub3A_2065 = arith.subf %sub3A_2064, %exp3A : vector<16xf32>
      %mul3A_2066 = arith.constant 16 : i32
      %mul3A_2067 = arith.muli %scan3A_2059, %mul3A_2066 : i32
      %swap3A = arith.index_cast %mul3A_2067 : i32 to index
      %swap3A_2068 = tpu.vector_load %arg12[%swap3A] {strides = array<i32>} : memref<3200xf32, #tpu.memory_space<vmem>>, vector<16xf32>,
      %swap3A_2069 = vector.shape_cast %swap3A_2068 : vector<16xf32> to vector<16xf32>
      %swap3A_2070 = vector.shape_cast %sub3A_2065 : vector<16xf32> to vector<16xf32>
      tpu.vector_store %arg12[%swap3A], %swap3A_2070 {strides = array<i32>} : memref<3200xf32, #tpu.memory_space<vmem>>, vector<16xf32>,
    }
    %scan3A_1607 = arith.constant 200 : i32
    %add3A_1608 = arith.constant 32000 : i32
    %add3A_1609 = arith.addi %add3A_1258, %add3A_1608 : i32
    %dma_start3A_1610 = arith.constant 0 : i32
    %dma_start3A_1611 = tpu.memref_slice %arg4[%add3A_1609] : memref<2560000xf32, #tpu.memory_space<hbm>> -> memref<3200xf32, #tpu.memory_space<hbm>>
    %dma_start3A_1612 = tpu.memref_slice %arg16[%dma_start3A_1610] : memref<2x!tpu.dma_semaphore, #tpu.memory_space<semaphore_mem>> -> memref<1x!tpu.dma_semaphore, #tpu.memory_space<semaphore_mem>>
    %dma_start3A_1613 = tpu.memref_squeeze %dma_start3A_1612 : memref<1x!tpu.dma_semaphore, #tpu.memory_space<semaphore_mem>> -> memref<!tpu.dma_semaphore, #tpu.memory_space<semaphore_mem>>
    %dma_start3A_1614 = tpu.memref_slice %arg4[%add3A_1609] : memref<2560000xf32, #tpu.memory_space<hbm>> -> memref<3200xf32, #tpu.memory_space<hbm>>
    tpu.enqueue_dma source(%arg12 : memref<3200xf32, #tpu.memory_space<vmem>>) target(%dma_start3A_1614 : memref<3200xf32, #tpu.memory_space<hbm>>) target_semaphore(%dma_start3A_1613 : memref<!tpu.dma_semaphore, #tpu.memory_space<semaphore_mem>>)
    %dma_wait3A_1615 = arith.constant 1 : i32
    %dma_wait3A_1616 = tpu.memref_slice %arg5[%add3A_1596] : memref<1280000xf32, #tpu.memory_space<vmem_shared>> -> memref<3200xf32, #tpu.memory_space<vmem_shared>>
    %dma_wait3A_1617 = tpu.memref_slice %arg16[%dma_wait3A_1615] : memref<2x!tpu.dma_semaphore, #tpu.memory_space<semaphore_mem>> -> memref<1x!tpu.dma_semaphore, #tpu.memory_space<semaphore_mem>>
    %dma_wait3A_1618 = tpu.memref_squeeze %dma_wait3A_1617 : memref<1x!tpu.dma_semaphore, #tpu.memory_space<semaphore_mem>> -> memref<!tpu.dma_semaphore, #tpu.memory_space<semaphore_mem>>
    %dma_wait3A_1619 = tpu.memref_slice %arg5[%add3A_1596] : memref<1280000xf32, #tpu.memory_space<vmem_shared>> -> memref<3200xf32, #tpu.memory_space<vmem_shared>>
    tpu.wait_dma2 semaphore(%dma_wait3A_1618 : memref<!tpu.dma_semaphore, #tpu.memory_space<semaphore_mem>>) src(%dma_wait3A_1619 : memref<3200xf32, #tpu.memory_space<vmem_shared>>) dst(%arg13 : memref<3200xf32, #tpu.memory_space<vmem>>)
    %dma_wait3A_1620 = arith.constant 0 : i32
    %dma_wait3A_1621 = tpu.memref_slice %arg4[%add3A_1609] : memref<2560000xf32, #tpu.memory_space<hbm>> -> memref<3200xf32, #tpu.memory_space<hbm>>
    %dma_wait3A_1622 = tpu.memref_slice %arg16[%dma_wait3A_1620] : memref<2x!tpu.dma_semaphore, #tpu.memory_space<semaphore_mem>> -> memref<1x!tpu.dma_semaphore, #tpu.memory_space<semaphore_mem>>
    %dma_wait3A_1623 = tpu.memref_squeeze %dma_wait3A_1622 : memref<1x!tpu.dma_semaphore, #tpu.memory_space<semaphore_mem>> -> memref<!tpu.dma_semaphore, #tpu.memory_space<semaphore_mem>>
    %dma_wait3A_1624 = tpu.memref_slice %arg4[%add3A_1609] : memref<2560000xf32, #tpu.memory_space<hbm>> -> memref<3200xf32, #tpu.memory_space<hbm>>
    tpu.wait_dma2 semaphore(%dma_wait3A_1623 : memref<!tpu.dma_semaphore, #tpu.memory_space<semaphore_mem>>) src(%arg12 : memref<3200xf32, #tpu.memory_space<vmem>>) dst(%dma_wait3A_1624 : memref<3200xf32, #tpu.memory_space<hbm>>)
    %mul3A_1625 = arith.constant 80000 : i32
    %mul3A_1626 = arith.muli %arg1, %mul3A_1625 : i32
    %add3A_1627 = arith.constant 38400 : i32
    %add3A_1628 = arith.addi %mul3A_1626, %add3A_1627 : i32
    %dma_start3A_1629 = arith.constant 0 : i32
    %dma_start3A_1630 = tpu.memref_slice %arg5[%add3A_1628] : memref<1280000xf32, #tpu.memory_space<vmem_shared>> -> memref<3200xf32, #tpu.memory_space<vmem_shared>>
    %dma_start3A_1631 = tpu.memref_slice %arg16[%dma_start3A_1629] : memref<2x!tpu.dma_semaphore, #tpu.memory_space<semaphore_mem>> -> memref<1x!tpu.dma_semaphore, #tpu.memory_space<semaphore_mem>>
    %dma_start3A_1632 = tpu.memref_squeeze %dma_start3A_1631 : memref<1x!tpu.dma_semaphore, #tpu.memory_space<semaphore_mem>> -> memref<!tpu.dma_semaphore, #tpu.memory_space<semaphore_mem>>
    %dma_start3A_1633 = tpu.memref_slice %arg5[%add3A_1628] : memref<1280000xf32, #tpu.memory_space<vmem_shared>> -> memref<3200xf32, #tpu.memory_space<vmem_shared>>
    tpu.enqueue_dma source(%dma_start3A_1633 : memref<3200xf32, #tpu.memory_space<vmem_shared>>) target(%arg12 : memref<3200xf32, #tpu.memory_space<vmem>>) target_semaphore(%dma_start3A_1632 : memref<!tpu.dma_semaphore, #tpu.memory_space<semaphore_mem>>)
    %scan3A_1634 = arith.constant 0 : i32
    %scan3A_1635 = arith.constant 0 : i32
    %scan3A_1636 = arith.constant 200 : i32
    %scan3A_1637 = arith.addi %scan3A_1635, %scan3A_1636 : i32
    %scan3A_1638 = arith.constant 1 : i32
    scf.for %scan3A_2059 = %scan3A_1635 to %scan3A_1637 step %scan3A_1638  : i32 {
      %mul3A_2060 = arith.constant 16 : i32
      %mul3A_2061 = arith.muli %scan3A_2059, %mul3A_2060 : i32
      %get3A = arith.index_cast %mul3A_2061 : i32 to index
      %get3A_2062 = tpu.vector_load %arg13[%get3A] {strides = array<i32>} : memref<3200xf32, #tpu.memory_space<vmem>>, vector<16xf32>,
      %get3A_2063 = vector.shape_cast %get3A_2062 : vector<16xf32> to vector<16xf32>
      %exp3A = math.exp %get3A_2063 : vector<16xf32>
      %sub3A = arith.constant 1.000000e+00 : f32
      %sub3A_2064 = vector.broadcast %sub3A : f32 to vector<16xf32>
      %sub3A_2065 = arith.subf %sub3A_2064, %exp3A : vector<16xf32>
      %mul3A_2066 = arith.constant 16 : i32
      %mul3A_2067 = arith.muli %scan3A_2059, %mul3A_2066 : i32
      %swap3A = arith.index_cast %mul3A_2067 : i32 to index
      %swap3A_2068 = tpu.vector_load %arg13[%swap3A] {strides = array<i32>} : memref<3200xf32, #tpu.memory_space<vmem>>, vector<16xf32>,
      %swap3A_2069 = vector.shape_cast %swap3A_2068 : vector<16xf32> to vector<16xf32>
      %swap3A_2070 = vector.shape_cast %sub3A_2065 : vector<16xf32> to vector<16xf32>
      tpu.vector_store %arg13[%swap3A], %swap3A_2070 {strides = array<i32>} : memref<3200xf32, #tpu.memory_space<vmem>>, vector<16xf32>,
    }
    %scan3A_1639 = arith.constant 200 : i32
    %add3A_1640 = arith.constant 35200 : i32
    %add3A_1641 = arith.addi %add3A_1258, %add3A_1640 : i32
    %dma_start3A_1642 = arith.constant 1 : i32
    %dma_start3A_1643 = tpu.memref_slice %arg4[%add3A_1641] : memref<2560000xf32, #tpu.memory_space<hbm>> -> memref<3200xf32, #tpu.memory_space<hbm>>
    %dma_start3A_1644 = tpu.memref_slice %arg16[%dma_start3A_1642] : memref<2x!tpu.dma_semaphore, #tpu.memory_space<semaphore_mem>> -> memref<1x!tpu.dma_semaphore, #tpu.memory_space<semaphore_mem>>
    %dma_start3A_1645 = tpu.memref_squeeze %dma_start3A_1644 : memref<1x!tpu.dma_semaphore, #tpu.memory_space<semaphore_mem>> -> memref<!tpu.dma_semaphore, #tpu.memory_space<semaphore_mem>>
    %dma_start3A_1646 = tpu.memref_slice %arg4[%add3A_1641] : memref<2560000xf32, #tpu.memory_space<hbm>> -> memref<3200xf32, #tpu.memory_space<hbm>>
    tpu.enqueue_dma source(%arg13 : memref<3200xf32, #tpu.memory_space<vmem>>) target(%dma_start3A_1646 : memref<3200xf32, #tpu.memory_space<hbm>>) target_semaphore(%dma_start3A_1645 : memref<!tpu.dma_semaphore, #tpu.memory_space<semaphore_mem>>)
    %dma_wait3A_1647 = arith.constant 0 : i32
    %dma_wait3A_1648 = tpu.memref_slice %arg5[%add3A_1628] : memref<1280000xf32, #tpu.memory_space<vmem_shared>> -> memref<3200xf32, #tpu.memory_space<vmem_shared>>
    %dma_wait3A_1649 = tpu.memref_slice %arg16[%dma_wait3A_1647] : memref<2x!tpu.dma_semaphore, #tpu.memory_space<semaphore_mem>> -> memref<1x!tpu.dma_semaphore, #tpu.memory_space<semaphore_mem>>
    %dma_wait3A_1650 = tpu.memref_squeeze %dma_wait3A_1649 : memref<1x!tpu.dma_semaphore, #tpu.memory_space<semaphore_mem>> -> memref<!tpu.dma_semaphore, #tpu.memory_space<semaphore_mem>>
    %dma_wait3A_1651 = tpu.memref_slice %arg5[%add3A_1628] : memref<1280000xf32, #tpu.memory_space<vmem_shared>> -> memref<3200xf32, #tpu.memory_space<vmem_shared>>
    tpu.wait_dma2 semaphore(%dma_wait3A_1650 : memref<!tpu.dma_semaphore, #tpu.memory_space<semaphore_mem>>) src(%dma_wait3A_1651 : memref<3200xf32, #tpu.memory_space<vmem_shared>>) dst(%arg12 : memref<3200xf32, #tpu.memory_space<vmem>>)
    %dma_wait3A_1652 = arith.constant 1 : i32
    %dma_wait3A_1653 = tpu.memref_slice %arg4[%add3A_1641] : memref<2560000xf32, #tpu.memory_space<hbm>> -> memref<3200xf32, #tpu.memory_space<hbm>>
    %dma_wait3A_1654 = tpu.memref_slice %arg16[%dma_wait3A_1652] : memref<2x!tpu.dma_semaphore, #tpu.memory_space<semaphore_mem>> -> memref<1x!tpu.dma_semaphore, #tpu.memory_space<semaphore_mem>>
    %dma_wait3A_1655 = tpu.memref_squeeze %dma_wait3A_1654 : memref<1x!tpu.dma_semaphore, #tpu.memory_space<semaphore_mem>> -> memref<!tpu.dma_semaphore, #tpu.memory_space<semaphore_mem>>
    %dma_wait3A_1656 = tpu.memref_slice %arg4[%add3A_1641] : memref<2560000xf32, #tpu.memory_space<hbm>> -> memref<3200xf32, #tpu.memory_space<hbm>>
    tpu.wait_dma2 semaphore(%dma_wait3A_1655 : memref<!tpu.dma_semaphore, #tpu.memory_space<semaphore_mem>>) src(%arg13 : memref<3200xf32, #tpu.memory_space<vmem>>) dst(%dma_wait3A_1656 : memref<3200xf32, #tpu.memory_space<hbm>>)
    %mul3A_1657 = arith.constant 80000 : i32
    %mul3A_1658 = arith.muli %arg1, %mul3A_1657 : i32
    %add3A_1659 = arith.constant 41600 : i32
    %add3A_1660 = arith.addi %mul3A_1658, %add3A_1659 : i32
    %dma_start3A_1661 = arith.constant 1 : i32
    %dma_start3A_1662 = tpu.memref_slice %arg5[%add3A_1660] : memref<1280000xf32, #tpu.memory_space<vmem_shared>> -> memref<3200xf32, #tpu.memory_space<vmem_shared>>
    %dma_start3A_1663 = tpu.memref_slice %arg16[%dma_start3A_1661] : memref<2x!tpu.dma_semaphore, #tpu.memory_space<semaphore_mem>> -> memref<1x!tpu.dma_semaphore, #tpu.memory_space<semaphore_mem>>
    %dma_start3A_1664 = tpu.memref_squeeze %dma_start3A_1663 : memref<1x!tpu.dma_semaphore, #tpu.memory_space<semaphore_mem>> -> memref<!tpu.dma_semaphore, #tpu.memory_space<semaphore_mem>>
    %dma_start3A_1665 = tpu.memref_slice %arg5[%add3A_1660] : memref<1280000xf32, #tpu.memory_space<vmem_shared>> -> memref<3200xf32, #tpu.memory_space<vmem_shared>>
    tpu.enqueue_dma source(%dma_start3A_1665 : memref<3200xf32, #tpu.memory_space<vmem_shared>>) target(%arg13 : memref<3200xf32, #tpu.memory_space<vmem>>) target_semaphore(%dma_start3A_1664 : memref<!tpu.dma_semaphore, #tpu.memory_space<semaphore_mem>>)
    %scan3A_1666 = arith.constant 0 : i32
    %scan3A_1667 = arith.constant 0 : i32
    %scan3A_1668 = arith.constant 200 : i32
    %scan3A_1669 = arith.addi %scan3A_1667, %scan3A_1668 : i32
    %scan3A_1670 = arith.constant 1 : i32
    scf.for %scan3A_2059 = %scan3A_1667 to %scan3A_1669 step %scan3A_1670  : i32 {
      %mul3A_2060 = arith.constant 16 : i32
      %mul3A_2061 = arith.muli %scan3A_2059, %mul3A_2060 : i32
      %get3A = arith.index_cast %mul3A_2061 : i32 to index
      %get3A_2062 = tpu.vector_load %arg12[%get3A] {strides = array<i32>} : memref<3200xf32, #tpu.memory_space<vmem>>, vector<16xf32>,
      %get3A_2063 = vector.shape_cast %get3A_2062 : vector<16xf32> to vector<16xf32>
      %exp3A = math.exp %get3A_2063 : vector<16xf32>
      %sub3A = arith.constant 1.000000e+00 : f32
      %sub3A_2064 = vector.broadcast %sub3A : f32 to vector<16xf32>
      %sub3A_2065 = arith.subf %sub3A_2064, %exp3A : vector<16xf32>
      %mul3A_2066 = arith.constant 16 : i32
      %mul3A_2067 = arith.muli %scan3A_2059, %mul3A_2066 : i32
      %swap3A = arith.index_cast %mul3A_2067 : i32 to index
      %swap3A_2068 = tpu.vector_load %arg12[%swap3A] {strides = array<i32>} : memref<3200xf32, #tpu.memory_space<vmem>>, vector<16xf32>,
      %swap3A_2069 = vector.shape_cast %swap3A_2068 : vector<16xf32> to vector<16xf32>
      %swap3A_2070 = vector.shape_cast %sub3A_2065 : vector<16xf32> to vector<16xf32>
      tpu.vector_store %arg12[%swap3A], %swap3A_2070 {strides = array<i32>} : memref<3200xf32, #tpu.memory_space<vmem>>, vector<16xf32>,
    }
    %scan3A_1671 = arith.constant 200 : i32
    %add3A_1672 = arith.constant 38400 : i32
    %add3A_1673 = arith.addi %add3A_1258, %add3A_1672 : i32
    %dma_start3A_1674 = arith.constant 0 : i32
    %dma_start3A_1675 = tpu.memref_slice %arg4[%add3A_1673] : memref<2560000xf32, #tpu.memory_space<hbm>> -> memref<3200xf32, #tpu.memory_space<hbm>>
    %dma_start3A_1676 = tpu.memref_slice %arg16[%dma_start3A_1674] : memref<2x!tpu.dma_semaphore, #tpu.memory_space<semaphore_mem>> -> memref<1x!tpu.dma_semaphore, #tpu.memory_space<semaphore_mem>>
    %dma_start3A_1677 = tpu.memref_squeeze %dma_start3A_1676 : memref<1x!tpu.dma_semaphore, #tpu.memory_space<semaphore_mem>> -> memref<!tpu.dma_semaphore, #tpu.memory_space<semaphore_mem>>
    %dma_start3A_1678 = tpu.memref_slice %arg4[%add3A_1673] : memref<2560000xf32, #tpu.memory_space<hbm>> -> memref<3200xf32, #tpu.memory_space<hbm>>
    tpu.enqueue_dma source(%arg12 : memref<3200xf32, #tpu.memory_space<vmem>>) target(%dma_start3A_1678 : memref<3200xf32, #tpu.memory_space<hbm>>) target_semaphore(%dma_start3A_1677 : memref<!tpu.dma_semaphore, #tpu.memory_space<semaphore_mem>>)
    %dma_wait3A_1679 = arith.constant 1 : i32
    %dma_wait3A_1680 = tpu.memref_slice %arg5[%add3A_1660] : memref<1280000xf32, #tpu.memory_space<vmem_shared>> -> memref<3200xf32, #tpu.memory_space<vmem_shared>>
    %dma_wait3A_1681 = tpu.memref_slice %arg16[%dma_wait3A_1679] : memref<2x!tpu.dma_semaphore, #tpu.memory_space<semaphore_mem>> -> memref<1x!tpu.dma_semaphore, #tpu.memory_space<semaphore_mem>>
    %dma_wait3A_1682 = tpu.memref_squeeze %dma_wait3A_1681 : memref<1x!tpu.dma_semaphore, #tpu.memory_space<semaphore_mem>> -> memref<!tpu.dma_semaphore, #tpu.memory_space<semaphore_mem>>
    %dma_wait3A_1683 = tpu.memref_slice %arg5[%add3A_1660] : memref<1280000xf32, #tpu.memory_space<vmem_shared>> -> memref<3200xf32, #tpu.memory_space<vmem_shared>>
    tpu.wait_dma2 semaphore(%dma_wait3A_1682 : memref<!tpu.dma_semaphore, #tpu.memory_space<semaphore_mem>>) src(%dma_wait3A_1683 : memref<3200xf32, #tpu.memory_space<vmem_shared>>) dst(%arg13 : memref<3200xf32, #tpu.memory_space<vmem>>)
    %dma_wait3A_1684 = arith.constant 0 : i32
    %dma_wait3A_1685 = tpu.memref_slice %arg4[%add3A_1673] : memref<2560000xf32, #tpu.memory_space<hbm>> -> memref<3200xf32, #tpu.memory_space<hbm>>
    %dma_wait3A_1686 = tpu.memref_slice %arg16[%dma_wait3A_1684] : memref<2x!tpu.dma_semaphore, #tpu.memory_space<semaphore_mem>> -> memref<1x!tpu.dma_semaphore, #tpu.memory_space<semaphore_mem>>
    %dma_wait3A_1687 = tpu.memref_squeeze %dma_wait3A_1686 : memref<1x!tpu.dma_semaphore, #tpu.memory_space<semaphore_mem>> -> memref<!tpu.dma_semaphore, #tpu.memory_space<semaphore_mem>>
    %dma_wait3A_1688 = tpu.memref_slice %arg4[%add3A_1673] : memref<2560000xf32, #tpu.memory_space<hbm>> -> memref<3200xf32, #tpu.memory_space<hbm>>
    tpu.wait_dma2 semaphore(%dma_wait3A_1687 : memref<!tpu.dma_semaphore, #tpu.memory_space<semaphore_mem>>) src(%arg12 : memref<3200xf32, #tpu.memory_space<vmem>>) dst(%dma_wait3A_1688 : memref<3200xf32, #tpu.memory_space<hbm>>)
    %mul3A_1689 = arith.constant 80000 : i32
    %mul3A_1690 = arith.muli %arg1, %mul3A_1689 : i32
    %add3A_1691 = arith.constant 44800 : i32
    %add3A_1692 = arith.addi %mul3A_1690, %add3A_1691 : i32
    %dma_start3A_1693 = arith.constant 0 : i32
    %dma_start3A_1694 = tpu.memref_slice %arg5[%add3A_1692] : memref<1280000xf32, #tpu.memory_space<vmem_shared>> -> memref<3200xf32, #tpu.memory_space<vmem_shared>>
    %dma_start3A_1695 = tpu.memref_slice %arg16[%dma_start3A_1693] : memref<2x!tpu.dma_semaphore, #tpu.memory_space<semaphore_mem>> -> memref<1x!tpu.dma_semaphore, #tpu.memory_space<semaphore_mem>>
    %dma_start3A_1696 = tpu.memref_squeeze %dma_start3A_1695 : memref<1x!tpu.dma_semaphore, #tpu.memory_space<semaphore_mem>> -> memref<!tpu.dma_semaphore, #tpu.memory_space<semaphore_mem>>
    %dma_start3A_1697 = tpu.memref_slice %arg5[%add3A_1692] : memref<1280000xf32, #tpu.memory_space<vmem_shared>> -> memref<3200xf32, #tpu.memory_space<vmem_shared>>
    tpu.enqueue_dma source(%dma_start3A_1697 : memref<3200xf32, #tpu.memory_space<vmem_shared>>) target(%arg12 : memref<3200xf32, #tpu.memory_space<vmem>>) target_semaphore(%dma_start3A_1696 : memref<!tpu.dma_semaphore, #tpu.memory_space<semaphore_mem>>)
    %scan3A_1698 = arith.constant 0 : i32
    %scan3A_1699 = arith.constant 0 : i32
    %scan3A_1700 = arith.constant 200 : i32
    %scan3A_1701 = arith.addi %scan3A_1699, %scan3A_1700 : i32
    %scan3A_1702 = arith.constant 1 : i32
    scf.for %scan3A_2059 = %scan3A_1699 to %scan3A_1701 step %scan3A_1702  : i32 {
      %mul3A_2060 = arith.constant 16 : i32
      %mul3A_2061 = arith.muli %scan3A_2059, %mul3A_2060 : i32
      %get3A = arith.index_cast %mul3A_2061 : i32 to index
      %get3A_2062 = tpu.vector_load %arg13[%get3A] {strides = array<i32>} : memref<3200xf32, #tpu.memory_space<vmem>>, vector<16xf32>,
      %get3A_2063 = vector.shape_cast %get3A_2062 : vector<16xf32> to vector<16xf32>
      %exp3A = math.exp %get3A_2063 : vector<16xf32>
      %sub3A = arith.constant 1.000000e+00 : f32
      %sub3A_2064 = vector.broadcast %sub3A : f32 to vector<16xf32>
      %sub3A_2065 = arith.subf %sub3A_2064, %exp3A : vector<16xf32>
      %mul3A_2066 = arith.constant 16 : i32
      %mul3A_2067 = arith.muli %scan3A_2059, %mul3A_2066 : i32
      %swap3A = arith.index_cast %mul3A_2067 : i32 to index
      %swap3A_2068 = tpu.vector_load %arg13[%swap3A] {strides = array<i32>} : memref<3200xf32, #tpu.memory_space<vmem>>, vector<16xf32>,
      %swap3A_2069 = vector.shape_cast %swap3A_2068 : vector<16xf32> to vector<16xf32>
      %swap3A_2070 = vector.shape_cast %sub3A_2065 : vector<16xf32> to vector<16xf32>
      tpu.vector_store %arg13[%swap3A], %swap3A_2070 {strides = array<i32>} : memref<3200xf32, #tpu.memory_space<vmem>>, vector<16xf32>,
    }
    %scan3A_1703 = arith.constant 200 : i32
    %add3A_1704 = arith.constant 41600 : i32
    %add3A_1705 = arith.addi %add3A_1258, %add3A_1704 : i32
    %dma_start3A_1706 = arith.constant 1 : i32
    %dma_start3A_1707 = tpu.memref_slice %arg4[%add3A_1705] : memref<2560000xf32, #tpu.memory_space<hbm>> -> memref<3200xf32, #tpu.memory_space<hbm>>
    %dma_start3A_1708 = tpu.memref_slice %arg16[%dma_start3A_1706] : memref<2x!tpu.dma_semaphore, #tpu.memory_space<semaphore_mem>> -> memref<1x!tpu.dma_semaphore, #tpu.memory_space<semaphore_mem>>
    %dma_start3A_1709 = tpu.memref_squeeze %dma_start3A_1708 : memref<1x!tpu.dma_semaphore, #tpu.memory_space<semaphore_mem>> -> memref<!tpu.dma_semaphore, #tpu.memory_space<semaphore_mem>>
    %dma_start3A_1710 = tpu.memref_slice %arg4[%add3A_1705] : memref<2560000xf32, #tpu.memory_space<hbm>> -> memref<3200xf32, #tpu.memory_space<hbm>>
    tpu.enqueue_dma source(%arg13 : memref<3200xf32, #tpu.memory_space<vmem>>) target(%dma_start3A_1710 : memref<3200xf32, #tpu.memory_space<hbm>>) target_semaphore(%dma_start3A_1709 : memref<!tpu.dma_semaphore, #tpu.memory_space<semaphore_mem>>)
    %dma_wait3A_1711 = arith.constant 0 : i32
    %dma_wait3A_1712 = tpu.memref_slice %arg5[%add3A_1692] : memref<1280000xf32, #tpu.memory_space<vmem_shared>> -> memref<3200xf32, #tpu.memory_space<vmem_shared>>
    %dma_wait3A_1713 = tpu.memref_slice %arg16[%dma_wait3A_1711] : memref<2x!tpu.dma_semaphore, #tpu.memory_space<semaphore_mem>> -> memref<1x!tpu.dma_semaphore, #tpu.memory_space<semaphore_mem>>
    %dma_wait3A_1714 = tpu.memref_squeeze %dma_wait3A_1713 : memref<1x!tpu.dma_semaphore, #tpu.memory_space<semaphore_mem>> -> memref<!tpu.dma_semaphore, #tpu.memory_space<semaphore_mem>>
    %dma_wait3A_1715 = tpu.memref_slice %arg5[%add3A_1692] : memref<1280000xf32, #tpu.memory_space<vmem_shared>> -> memref<3200xf32, #tpu.memory_space<vmem_shared>>
    tpu.wait_dma2 semaphore(%dma_wait3A_1714 : memref<!tpu.dma_semaphore, #tpu.memory_space<semaphore_mem>>) src(%dma_wait3A_1715 : memref<3200xf32, #tpu.memory_space<vmem_shared>>) dst(%arg12 : memref<3200xf32, #tpu.memory_space<vmem>>)
    %dma_wait3A_1716 = arith.constant 1 : i32
    %dma_wait3A_1717 = tpu.memref_slice %arg4[%add3A_1705] : memref<2560000xf32, #tpu.memory_space<hbm>> -> memref<3200xf32, #tpu.memory_space<hbm>>
    %dma_wait3A_1718 = tpu.memref_slice %arg16[%dma_wait3A_1716] : memref<2x!tpu.dma_semaphore, #tpu.memory_space<semaphore_mem>> -> memref<1x!tpu.dma_semaphore, #tpu.memory_space<semaphore_mem>>
    %dma_wait3A_1719 = tpu.memref_squeeze %dma_wait3A_1718 : memref<1x!tpu.dma_semaphore, #tpu.memory_space<semaphore_mem>> -> memref<!tpu.dma_semaphore, #tpu.memory_space<semaphore_mem>>
    %dma_wait3A_1720 = tpu.memref_slice %arg4[%add3A_1705] : memref<2560000xf32, #tpu.memory_space<hbm>> -> memref<3200xf32, #tpu.memory_space<hbm>>
    tpu.wait_dma2 semaphore(%dma_wait3A_1719 : memref<!tpu.dma_semaphore, #tpu.memory_space<semaphore_mem>>) src(%arg13 : memref<3200xf32, #tpu.memory_space<vmem>>) dst(%dma_wait3A_1720 : memref<3200xf32, #tpu.memory_space<hbm>>)
    %mul3A_1721 = arith.constant 80000 : i32
    %mul3A_1722 = arith.muli %arg1, %mul3A_1721 : i32
    %add3A_1723 = arith.constant 48000 : i32
    %add3A_1724 = arith.addi %mul3A_1722, %add3A_1723 : i32
    %dma_start3A_1725 = arith.constant 1 : i32
    %dma_start3A_1726 = tpu.memref_slice %arg5[%add3A_1724] : memref<1280000xf32, #tpu.memory_space<vmem_shared>> -> memref<3200xf32, #tpu.memory_space<vmem_shared>>
    %dma_start3A_1727 = tpu.memref_slice %arg16[%dma_start3A_1725] : memref<2x!tpu.dma_semaphore, #tpu.memory_space<semaphore_mem>> -> memref<1x!tpu.dma_semaphore, #tpu.memory_space<semaphore_mem>>
    %dma_start3A_1728 = tpu.memref_squeeze %dma_start3A_1727 : memref<1x!tpu.dma_semaphore, #tpu.memory_space<semaphore_mem>> -> memref<!tpu.dma_semaphore, #tpu.memory_space<semaphore_mem>>
    %dma_start3A_1729 = tpu.memref_slice %arg5[%add3A_1724] : memref<1280000xf32, #tpu.memory_space<vmem_shared>> -> memref<3200xf32, #tpu.memory_space<vmem_shared>>
    tpu.enqueue_dma source(%dma_start3A_1729 : memref<3200xf32, #tpu.memory_space<vmem_shared>>) target(%arg13 : memref<3200xf32, #tpu.memory_space<vmem>>) target_semaphore(%dma_start3A_1728 : memref<!tpu.dma_semaphore, #tpu.memory_space<semaphore_mem>>)
    %scan3A_1730 = arith.constant 0 : i32
    %scan3A_1731 = arith.constant 0 : i32
    %scan3A_1732 = arith.constant 200 : i32
    %scan3A_1733 = arith.addi %scan3A_1731, %scan3A_1732 : i32
    %scan3A_1734 = arith.constant 1 : i32
    scf.for %scan3A_2059 = %scan3A_1731 to %scan3A_1733 step %scan3A_1734  : i32 {
      %mul3A_2060 = arith.constant 16 : i32
      %mul3A_2061 = arith.muli %scan3A_2059, %mul3A_2060 : i32
      %get3A = arith.index_cast %mul3A_2061 : i32 to index
      %get3A_2062 = tpu.vector_load %arg12[%get3A] {strides = array<i32>} : memref<3200xf32, #tpu.memory_space<vmem>>, vector<16xf32>,
      %get3A_2063 = vector.shape_cast %get3A_2062 : vector<16xf32> to vector<16xf32>
      %exp3A = math.exp %get3A_2063 : vector<16xf32>
      %sub3A = arith.constant 1.000000e+00 : f32
      %sub3A_2064 = vector.broadcast %sub3A : f32 to vector<16xf32>
      %sub3A_2065 = arith.subf %sub3A_2064, %exp3A : vector<16xf32>
      %mul3A_2066 = arith.constant 16 : i32
      %mul3A_2067 = arith.muli %scan3A_2059, %mul3A_2066 : i32
      %swap3A = arith.index_cast %mul3A_2067 : i32 to index
      %swap3A_2068 = tpu.vector_load %arg12[%swap3A] {strides = array<i32>} : memref<3200xf32, #tpu.memory_space<vmem>>, vector<16xf32>,
      %swap3A_2069 = vector.shape_cast %swap3A_2068 : vector<16xf32> to vector<16xf32>
      %swap3A_2070 = vector.shape_cast %sub3A_2065 : vector<16xf32> to vector<16xf32>
      tpu.vector_store %arg12[%swap3A], %swap3A_2070 {strides = array<i32>} : memref<3200xf32, #tpu.memory_space<vmem>>, vector<16xf32>,
    }
    %scan3A_1735 = arith.constant 200 : i32
    %add3A_1736 = arith.constant 44800 : i32
    %add3A_1737 = arith.addi %add3A_1258, %add3A_1736 : i32
    %dma_start3A_1738 = arith.constant 0 : i32
    %dma_start3A_1739 = tpu.memref_slice %arg4[%add3A_1737] : memref<2560000xf32, #tpu.memory_space<hbm>> -> memref<3200xf32, #tpu.memory_space<hbm>>
    %dma_start3A_1740 = tpu.memref_slice %arg16[%dma_start3A_1738] : memref<2x!tpu.dma_semaphore, #tpu.memory_space<semaphore_mem>> -> memref<1x!tpu.dma_semaphore, #tpu.memory_space<semaphore_mem>>
    %dma_start3A_1741 = tpu.memref_squeeze %dma_start3A_1740 : memref<1x!tpu.dma_semaphore, #tpu.memory_space<semaphore_mem>> -> memref<!tpu.dma_semaphore, #tpu.memory_space<semaphore_mem>>
    %dma_start3A_1742 = tpu.memref_slice %arg4[%add3A_1737] : memref<2560000xf32, #tpu.memory_space<hbm>> -> memref<3200xf32, #tpu.memory_space<hbm>>
    tpu.enqueue_dma source(%arg12 : memref<3200xf32, #tpu.memory_space<vmem>>) target(%dma_start3A_1742 : memref<3200xf32, #tpu.memory_space<hbm>>) target_semaphore(%dma_start3A_1741 : memref<!tpu.dma_semaphore, #tpu.memory_space<semaphore_mem>>)
    %dma_wait3A_1743 = arith.constant 1 : i32
    %dma_wait3A_1744 = tpu.memref_slice %arg5[%add3A_1724] : memref<1280000xf32, #tpu.memory_space<vmem_shared>> -> memref<3200xf32, #tpu.memory_space<vmem_shared>>
    %dma_wait3A_1745 = tpu.memref_slice %arg16[%dma_wait3A_1743] : memref<2x!tpu.dma_semaphore, #tpu.memory_space<semaphore_mem>> -> memref<1x!tpu.dma_semaphore, #tpu.memory_space<semaphore_mem>>
    %dma_wait3A_1746 = tpu.memref_squeeze %dma_wait3A_1745 : memref<1x!tpu.dma_semaphore, #tpu.memory_space<semaphore_mem>> -> memref<!tpu.dma_semaphore, #tpu.memory_space<semaphore_mem>>
    %dma_wait3A_1747 = tpu.memref_slice %arg5[%add3A_1724] : memref<1280000xf32, #tpu.memory_space<vmem_shared>> -> memref<3200xf32, #tpu.memory_space<vmem_shared>>
    tpu.wait_dma2 semaphore(%dma_wait3A_1746 : memref<!tpu.dma_semaphore, #tpu.memory_space<semaphore_mem>>) src(%dma_wait3A_1747 : memref<3200xf32, #tpu.memory_space<vmem_shared>>) dst(%arg13 : memref<3200xf32, #tpu.memory_space<vmem>>)
    %dma_wait3A_1748 = arith.constant 0 : i32
    %dma_wait3A_1749 = tpu.memref_slice %arg4[%add3A_1737] : memref<2560000xf32, #tpu.memory_space<hbm>> -> memref<3200xf32, #tpu.memory_space<hbm>>
    %dma_wait3A_1750 = tpu.memref_slice %arg16[%dma_wait3A_1748] : memref<2x!tpu.dma_semaphore, #tpu.memory_space<semaphore_mem>> -> memref<1x!tpu.dma_semaphore, #tpu.memory_space<semaphore_mem>>
    %dma_wait3A_1751 = tpu.memref_squeeze %dma_wait3A_1750 : memref<1x!tpu.dma_semaphore, #tpu.memory_space<semaphore_mem>> -> memref<!tpu.dma_semaphore, #tpu.memory_space<semaphore_mem>>
    %dma_wait3A_1752 = tpu.memref_slice %arg4[%add3A_1737] : memref<2560000xf32, #tpu.memory_space<hbm>> -> memref<3200xf32, #tpu.memory_space<hbm>>
    tpu.wait_dma2 semaphore(%dma_wait3A_1751 : memref<!tpu.dma_semaphore, #tpu.memory_space<semaphore_mem>>) src(%arg12 : memref<3200xf32, #tpu.memory_space<vmem>>) dst(%dma_wait3A_1752 : memref<3200xf32, #tpu.memory_space<hbm>>)
    %mul3A_1753 = arith.constant 80000 : i32
    %mul3A_1754 = arith.muli %arg1, %mul3A_1753 : i32
    %add3A_1755 = arith.constant 51200 : i32
    %add3A_1756 = arith.addi %mul3A_1754, %add3A_1755 : i32
    %dma_start3A_1757 = arith.constant 0 : i32
    %dma_start3A_1758 = tpu.memref_slice %arg5[%add3A_1756] : memref<1280000xf32, #tpu.memory_space<vmem_shared>> -> memref<3200xf32, #tpu.memory_space<vmem_shared>>
    %dma_start3A_1759 = tpu.memref_slice %arg16[%dma_start3A_1757] : memref<2x!tpu.dma_semaphore, #tpu.memory_space<semaphore_mem>> -> memref<1x!tpu.dma_semaphore, #tpu.memory_space<semaphore_mem>>
    %dma_start3A_1760 = tpu.memref_squeeze %dma_start3A_1759 : memref<1x!tpu.dma_semaphore, #tpu.memory_space<semaphore_mem>> -> memref<!tpu.dma_semaphore, #tpu.memory_space<semaphore_mem>>
    %dma_start3A_1761 = tpu.memref_slice %arg5[%add3A_1756] : memref<1280000xf32, #tpu.memory_space<vmem_shared>> -> memref<3200xf32, #tpu.memory_space<vmem_shared>>
    tpu.enqueue_dma source(%dma_start3A_1761 : memref<3200xf32, #tpu.memory_space<vmem_shared>>) target(%arg12 : memref<3200xf32, #tpu.memory_space<vmem>>) target_semaphore(%dma_start3A_1760 : memref<!tpu.dma_semaphore, #tpu.memory_space<semaphore_mem>>)
    %scan3A_1762 = arith.constant 0 : i32
    %scan3A_1763 = arith.constant 0 : i32
    %scan3A_1764 = arith.constant 200 : i32
    %scan3A_1765 = arith.addi %scan3A_1763, %scan3A_1764 : i32
    %scan3A_1766 = arith.constant 1 : i32
    scf.for %scan3A_2059 = %scan3A_1763 to %scan3A_1765 step %scan3A_1766  : i32 {
      %mul3A_2060 = arith.constant 16 : i32
      %mul3A_2061 = arith.muli %scan3A_2059, %mul3A_2060 : i32
      %get3A = arith.index_cast %mul3A_2061 : i32 to index
      %get3A_2062 = tpu.vector_load %arg13[%get3A] {strides = array<i32>} : memref<3200xf32, #tpu.memory_space<vmem>>, vector<16xf32>,
      %get3A_2063 = vector.shape_cast %get3A_2062 : vector<16xf32> to vector<16xf32>
      %exp3A = math.exp %get3A_2063 : vector<16xf32>
      %sub3A = arith.constant 1.000000e+00 : f32
      %sub3A_2064 = vector.broadcast %sub3A : f32 to vector<16xf32>
      %sub3A_2065 = arith.subf %sub3A_2064, %exp3A : vector<16xf32>
      %mul3A_2066 = arith.constant 16 : i32
      %mul3A_2067 = arith.muli %scan3A_2059, %mul3A_2066 : i32
      %swap3A = arith.index_cast %mul3A_2067 : i32 to index
      %swap3A_2068 = tpu.vector_load %arg13[%swap3A] {strides = array<i32>} : memref<3200xf32, #tpu.memory_space<vmem>>, vector<16xf32>,
      %swap3A_2069 = vector.shape_cast %swap3A_2068 : vector<16xf32> to vector<16xf32>
      %swap3A_2070 = vector.shape_cast %sub3A_2065 : vector<16xf32> to vector<16xf32>
      tpu.vector_store %arg13[%swap3A], %swap3A_2070 {strides = array<i32>} : memref<3200xf32, #tpu.memory_space<vmem>>, vector<16xf32>,
    }
    %scan3A_1767 = arith.constant 200 : i32
    %add3A_1768 = arith.constant 48000 : i32
    %add3A_1769 = arith.addi %add3A_1258, %add3A_1768 : i32
    %dma_start3A_1770 = arith.constant 1 : i32
    %dma_start3A_1771 = tpu.memref_slice %arg4[%add3A_1769] : memref<2560000xf32, #tpu.memory_space<hbm>> -> memref<3200xf32, #tpu.memory_space<hbm>>
    %dma_start3A_1772 = tpu.memref_slice %arg16[%dma_start3A_1770] : memref<2x!tpu.dma_semaphore, #tpu.memory_space<semaphore_mem>> -> memref<1x!tpu.dma_semaphore, #tpu.memory_space<semaphore_mem>>
    %dma_start3A_1773 = tpu.memref_squeeze %dma_start3A_1772 : memref<1x!tpu.dma_semaphore, #tpu.memory_space<semaphore_mem>> -> memref<!tpu.dma_semaphore, #tpu.memory_space<semaphore_mem>>
    %dma_start3A_1774 = tpu.memref_slice %arg4[%add3A_1769] : memref<2560000xf32, #tpu.memory_space<hbm>> -> memref<3200xf32, #tpu.memory_space<hbm>>
    tpu.enqueue_dma source(%arg13 : memref<3200xf32, #tpu.memory_space<vmem>>) target(%dma_start3A_1774 : memref<3200xf32, #tpu.memory_space<hbm>>) target_semaphore(%dma_start3A_1773 : memref<!tpu.dma_semaphore, #tpu.memory_space<semaphore_mem>>)
    %dma_wait3A_1775 = arith.constant 0 : i32
    %dma_wait3A_1776 = tpu.memref_slice %arg5[%add3A_1756] : memref<1280000xf32, #tpu.memory_space<vmem_shared>> -> memref<3200xf32, #tpu.memory_space<vmem_shared>>
    %dma_wait3A_1777 = tpu.memref_slice %arg16[%dma_wait3A_1775] : memref<2x!tpu.dma_semaphore, #tpu.memory_space<semaphore_mem>> -> memref<1x!tpu.dma_semaphore, #tpu.memory_space<semaphore_mem>>
    %dma_wait3A_1778 = tpu.memref_squeeze %dma_wait3A_1777 : memref<1x!tpu.dma_semaphore, #tpu.memory_space<semaphore_mem>> -> memref<!tpu.dma_semaphore, #tpu.memory_space<semaphore_mem>>
    %dma_wait3A_1779 = tpu.memref_slice %arg5[%add3A_1756] : memref<1280000xf32, #tpu.memory_space<vmem_shared>> -> memref<3200xf32, #tpu.memory_space<vmem_shared>>
    tpu.wait_dma2 semaphore(%dma_wait3A_1778 : memref<!tpu.dma_semaphore, #tpu.memory_space<semaphore_mem>>) src(%dma_wait3A_1779 : memref<3200xf32, #tpu.memory_space<vmem_shared>>) dst(%arg12 : memref<3200xf32, #tpu.memory_space<vmem>>)
    %dma_wait3A_1780 = arith.constant 1 : i32
    %dma_wait3A_1781 = tpu.memref_slice %arg4[%add3A_1769] : memref<2560000xf32, #tpu.memory_space<hbm>> -> memref<3200xf32, #tpu.memory_space<hbm>>
    %dma_wait3A_1782 = tpu.memref_slice %arg16[%dma_wait3A_1780] : memref<2x!tpu.dma_semaphore, #tpu.memory_space<semaphore_mem>> -> memref<1x!tpu.dma_semaphore, #tpu.memory_space<semaphore_mem>>
    %dma_wait3A_1783 = tpu.memref_squeeze %dma_wait3A_1782 : memref<1x!tpu.dma_semaphore, #tpu.memory_space<semaphore_mem>> -> memref<!tpu.dma_semaphore, #tpu.memory_space<semaphore_mem>>
    %dma_wait3A_1784 = tpu.memref_slice %arg4[%add3A_1769] : memref<2560000xf32, #tpu.memory_space<hbm>> -> memref<3200xf32, #tpu.memory_space<hbm>>
    tpu.wait_dma2 semaphore(%dma_wait3A_1783 : memref<!tpu.dma_semaphore, #tpu.memory_space<semaphore_mem>>) src(%arg13 : memref<3200xf32, #tpu.memory_space<vmem>>) dst(%dma_wait3A_1784 : memref<3200xf32, #tpu.memory_space<hbm>>)
    %mul3A_1785 = arith.constant 80000 : i32
    %mul3A_1786 = arith.muli %arg1, %mul3A_1785 : i32
    %add3A_1787 = arith.constant 54400 : i32
    %add3A_1788 = arith.addi %mul3A_1786, %add3A_1787 : i32
    %dma_start3A_1789 = arith.constant 1 : i32
    %dma_start3A_1790 = tpu.memref_slice %arg5[%add3A_1788] : memref<1280000xf32, #tpu.memory_space<vmem_shared>> -> memref<3200xf32, #tpu.memory_space<vmem_shared>>
    %dma_start3A_1791 = tpu.memref_slice %arg16[%dma_start3A_1789] : memref<2x!tpu.dma_semaphore, #tpu.memory_space<semaphore_mem>> -> memref<1x!tpu.dma_semaphore, #tpu.memory_space<semaphore_mem>>
    %dma_start3A_1792 = tpu.memref_squeeze %dma_start3A_1791 : memref<1x!tpu.dma_semaphore, #tpu.memory_space<semaphore_mem>> -> memref<!tpu.dma_semaphore, #tpu.memory_space<semaphore_mem>>
    %dma_start3A_1793 = tpu.memref_slice %arg5[%add3A_1788] : memref<1280000xf32, #tpu.memory_space<vmem_shared>> -> memref<3200xf32, #tpu.memory_space<vmem_shared>>
    tpu.enqueue_dma source(%dma_start3A_1793 : memref<3200xf32, #tpu.memory_space<vmem_shared>>) target(%arg13 : memref<3200xf32, #tpu.memory_space<vmem>>) target_semaphore(%dma_start3A_1792 : memref<!tpu.dma_semaphore, #tpu.memory_space<semaphore_mem>>)
    %scan3A_1794 = arith.constant 0 : i32
    %scan3A_1795 = arith.constant 0 : i32
    %scan3A_1796 = arith.constant 200 : i32
    %scan3A_1797 = arith.addi %scan3A_1795, %scan3A_1796 : i32
    %scan3A_1798 = arith.constant 1 : i32
    scf.for %scan3A_2059 = %scan3A_1795 to %scan3A_1797 step %scan3A_1798  : i32 {
      %mul3A_2060 = arith.constant 16 : i32
      %mul3A_2061 = arith.muli %scan3A_2059, %mul3A_2060 : i32
      %get3A = arith.index_cast %mul3A_2061 : i32 to index
      %get3A_2062 = tpu.vector_load %arg12[%get3A] {strides = array<i32>} : memref<3200xf32, #tpu.memory_space<vmem>>, vector<16xf32>,
      %get3A_2063 = vector.shape_cast %get3A_2062 : vector<16xf32> to vector<16xf32>
      %exp3A = math.exp %get3A_2063 : vector<16xf32>
      %sub3A = arith.constant 1.000000e+00 : f32
      %sub3A_2064 = vector.broadcast %sub3A : f32 to vector<16xf32>
      %sub3A_2065 = arith.subf %sub3A_2064, %exp3A : vector<16xf32>
      %mul3A_2066 = arith.constant 16 : i32
      %mul3A_2067 = arith.muli %scan3A_2059, %mul3A_2066 : i32
      %swap3A = arith.index_cast %mul3A_2067 : i32 to index
      %swap3A_2068 = tpu.vector_load %arg12[%swap3A] {strides = array<i32>} : memref<3200xf32, #tpu.memory_space<vmem>>, vector<16xf32>,
      %swap3A_2069 = vector.shape_cast %swap3A_2068 : vector<16xf32> to vector<16xf32>
      %swap3A_2070 = vector.shape_cast %sub3A_2065 : vector<16xf32> to vector<16xf32>
      tpu.vector_store %arg12[%swap3A], %swap3A_2070 {strides = array<i32>} : memref<3200xf32, #tpu.memory_space<vmem>>, vector<16xf32>,
    }
    %scan3A_1799 = arith.constant 200 : i32
    %add3A_1800 = arith.constant 51200 : i32
    %add3A_1801 = arith.addi %add3A_1258, %add3A_1800 : i32
    %dma_start3A_1802 = arith.constant 0 : i32
    %dma_start3A_1803 = tpu.memref_slice %arg4[%add3A_1801] : memref<2560000xf32, #tpu.memory_space<hbm>> -> memref<3200xf32, #tpu.memory_space<hbm>>
    %dma_start3A_1804 = tpu.memref_slice %arg16[%dma_start3A_1802] : memref<2x!tpu.dma_semaphore, #tpu.memory_space<semaphore_mem>> -> memref<1x!tpu.dma_semaphore, #tpu.memory_space<semaphore_mem>>
    %dma_start3A_1805 = tpu.memref_squeeze %dma_start3A_1804 : memref<1x!tpu.dma_semaphore, #tpu.memory_space<semaphore_mem>> -> memref<!tpu.dma_semaphore, #tpu.memory_space<semaphore_mem>>
    %dma_start3A_1806 = tpu.memref_slice %arg4[%add3A_1801] : memref<2560000xf32, #tpu.memory_space<hbm>> -> memref<3200xf32, #tpu.memory_space<hbm>>
    tpu.enqueue_dma source(%arg12 : memref<3200xf32, #tpu.memory_space<vmem>>) target(%dma_start3A_1806 : memref<3200xf32, #tpu.memory_space<hbm>>) target_semaphore(%dma_start3A_1805 : memref<!tpu.dma_semaphore, #tpu.memory_space<semaphore_mem>>)
    %dma_wait3A_1807 = arith.constant 1 : i32
    %dma_wait3A_1808 = tpu.memref_slice %arg5[%add3A_1788] : memref<1280000xf32, #tpu.memory_space<vmem_shared>> -> memref<3200xf32, #tpu.memory_space<vmem_shared>>
    %dma_wait3A_1809 = tpu.memref_slice %arg16[%dma_wait3A_1807] : memref<2x!tpu.dma_semaphore, #tpu.memory_space<semaphore_mem>> -> memref<1x!tpu.dma_semaphore, #tpu.memory_space<semaphore_mem>>
    %dma_wait3A_1810 = tpu.memref_squeeze %dma_wait3A_1809 : memref<1x!tpu.dma_semaphore, #tpu.memory_space<semaphore_mem>> -> memref<!tpu.dma_semaphore, #tpu.memory_space<semaphore_mem>>
    %dma_wait3A_1811 = tpu.memref_slice %arg5[%add3A_1788] : memref<1280000xf32, #tpu.memory_space<vmem_shared>> -> memref<3200xf32, #tpu.memory_space<vmem_shared>>
    tpu.wait_dma2 semaphore(%dma_wait3A_1810 : memref<!tpu.dma_semaphore, #tpu.memory_space<semaphore_mem>>) src(%dma_wait3A_1811 : memref<3200xf32, #tpu.memory_space<vmem_shared>>) dst(%arg13 : memref<3200xf32, #tpu.memory_space<vmem>>)
    %dma_wait3A_1812 = arith.constant 0 : i32
    %dma_wait3A_1813 = tpu.memref_slice %arg4[%add3A_1801] : memref<2560000xf32, #tpu.memory_space<hbm>> -> memref<3200xf32, #tpu.memory_space<hbm>>
    %dma_wait3A_1814 = tpu.memref_slice %arg16[%dma_wait3A_1812] : memref<2x!tpu.dma_semaphore, #tpu.memory_space<semaphore_mem>> -> memref<1x!tpu.dma_semaphore, #tpu.memory_space<semaphore_mem>>
    %dma_wait3A_1815 = tpu.memref_squeeze %dma_wait3A_1814 : memref<1x!tpu.dma_semaphore, #tpu.memory_space<semaphore_mem>> -> memref<!tpu.dma_semaphore, #tpu.memory_space<semaphore_mem>>
    %dma_wait3A_1816 = tpu.memref_slice %arg4[%add3A_1801] : memref<2560000xf32, #tpu.memory_space<hbm>> -> memref<3200xf32, #tpu.memory_space<hbm>>
    tpu.wait_dma2 semaphore(%dma_wait3A_1815 : memref<!tpu.dma_semaphore, #tpu.memory_space<semaphore_mem>>) src(%arg12 : memref<3200xf32, #tpu.memory_space<vmem>>) dst(%dma_wait3A_1816 : memref<3200xf32, #tpu.memory_space<hbm>>)
    %mul3A_1817 = arith.constant 80000 : i32
    %mul3A_1818 = arith.muli %arg1, %mul3A_1817 : i32
    %add3A_1819 = arith.constant 57600 : i32
    %add3A_1820 = arith.addi %mul3A_1818, %add3A_1819 : i32
    %dma_start3A_1821 = arith.constant 0 : i32
    %dma_start3A_1822 = tpu.memref_slice %arg5[%add3A_1820] : memref<1280000xf32, #tpu.memory_space<vmem_shared>> -> memref<3200xf32, #tpu.memory_space<vmem_shared>>
    %dma_start3A_1823 = tpu.memref_slice %arg16[%dma_start3A_1821] : memref<2x!tpu.dma_semaphore, #tpu.memory_space<semaphore_mem>> -> memref<1x!tpu.dma_semaphore, #tpu.memory_space<semaphore_mem>>
    %dma_start3A_1824 = tpu.memref_squeeze %dma_start3A_1823 : memref<1x!tpu.dma_semaphore, #tpu.memory_space<semaphore_mem>> -> memref<!tpu.dma_semaphore, #tpu.memory_space<semaphore_mem>>
    %dma_start3A_1825 = tpu.memref_slice %arg5[%add3A_1820] : memref<1280000xf32, #tpu.memory_space<vmem_shared>> -> memref<3200xf32, #tpu.memory_space<vmem_shared>>
    tpu.enqueue_dma source(%dma_start3A_1825 : memref<3200xf32, #tpu.memory_space<vmem_shared>>) target(%arg12 : memref<3200xf32, #tpu.memory_space<vmem>>) target_semaphore(%dma_start3A_1824 : memref<!tpu.dma_semaphore, #tpu.memory_space<semaphore_mem>>)
    %scan3A_1826 = arith.constant 0 : i32
    %scan3A_1827 = arith.constant 0 : i32
    %scan3A_1828 = arith.constant 200 : i32
    %scan3A_1829 = arith.addi %scan3A_1827, %scan3A_1828 : i32
    %scan3A_1830 = arith.constant 1 : i32
    scf.for %scan3A_2059 = %scan3A_1827 to %scan3A_1829 step %scan3A_1830  : i32 {
      %mul3A_2060 = arith.constant 16 : i32
      %mul3A_2061 = arith.muli %scan3A_2059, %mul3A_2060 : i32
      %get3A = arith.index_cast %mul3A_2061 : i32 to index
      %get3A_2062 = tpu.vector_load %arg13[%get3A] {strides = array<i32>} : memref<3200xf32, #tpu.memory_space<vmem>>, vector<16xf32>,
      %get3A_2063 = vector.shape_cast %get3A_2062 : vector<16xf32> to vector<16xf32>
      %exp3A = math.exp %get3A_2063 : vector<16xf32>
      %sub3A = arith.constant 1.000000e+00 : f32
      %sub3A_2064 = vector.broadcast %sub3A : f32 to vector<16xf32>
      %sub3A_2065 = arith.subf %sub3A_2064, %exp3A : vector<16xf32>
      %mul3A_2066 = arith.constant 16 : i32
      %mul3A_2067 = arith.muli %scan3A_2059, %mul3A_2066 : i32
      %swap3A = arith.index_cast %mul3A_2067 : i32 to index
      %swap3A_2068 = tpu.vector_load %arg13[%swap3A] {strides = array<i32>} : memref<3200xf32, #tpu.memory_space<vmem>>, vector<16xf32>,
      %swap3A_2069 = vector.shape_cast %swap3A_2068 : vector<16xf32> to vector<16xf32>
      %swap3A_2070 = vector.shape_cast %sub3A_2065 : vector<16xf32> to vector<16xf32>
      tpu.vector_store %arg13[%swap3A], %swap3A_2070 {strides = array<i32>} : memref<3200xf32, #tpu.memory_space<vmem>>, vector<16xf32>,
    }
    %scan3A_1831 = arith.constant 200 : i32
    %add3A_1832 = arith.constant 54400 : i32
    %add3A_1833 = arith.addi %add3A_1258, %add3A_1832 : i32
    %dma_start3A_1834 = arith.constant 1 : i32
    %dma_start3A_1835 = tpu.memref_slice %arg4[%add3A_1833] : memref<2560000xf32, #tpu.memory_space<hbm>> -> memref<3200xf32, #tpu.memory_space<hbm>>
    %dma_start3A_1836 = tpu.memref_slice %arg16[%dma_start3A_1834] : memref<2x!tpu.dma_semaphore, #tpu.memory_space<semaphore_mem>> -> memref<1x!tpu.dma_semaphore, #tpu.memory_space<semaphore_mem>>
    %dma_start3A_1837 = tpu.memref_squeeze %dma_start3A_1836 : memref<1x!tpu.dma_semaphore, #tpu.memory_space<semaphore_mem>> -> memref<!tpu.dma_semaphore, #tpu.memory_space<semaphore_mem>>
    %dma_start3A_1838 = tpu.memref_slice %arg4[%add3A_1833] : memref<2560000xf32, #tpu.memory_space<hbm>> -> memref<3200xf32, #tpu.memory_space<hbm>>
    tpu.enqueue_dma source(%arg13 : memref<3200xf32, #tpu.memory_space<vmem>>) target(%dma_start3A_1838 : memref<3200xf32, #tpu.memory_space<hbm>>) target_semaphore(%dma_start3A_1837 : memref<!tpu.dma_semaphore, #tpu.memory_space<semaphore_mem>>)
    %dma_wait3A_1839 = arith.constant 0 : i32
    %dma_wait3A_1840 = tpu.memref_slice %arg5[%add3A_1820] : memref<1280000xf32, #tpu.memory_space<vmem_shared>> -> memref<3200xf32, #tpu.memory_space<vmem_shared>>
    %dma_wait3A_1841 = tpu.memref_slice %arg16[%dma_wait3A_1839] : memref<2x!tpu.dma_semaphore, #tpu.memory_space<semaphore_mem>> -> memref<1x!tpu.dma_semaphore, #tpu.memory_space<semaphore_mem>>
    %dma_wait3A_1842 = tpu.memref_squeeze %dma_wait3A_1841 : memref<1x!tpu.dma_semaphore, #tpu.memory_space<semaphore_mem>> -> memref<!tpu.dma_semaphore, #tpu.memory_space<semaphore_mem>>
    %dma_wait3A_1843 = tpu.memref_slice %arg5[%add3A_1820] : memref<1280000xf32, #tpu.memory_space<vmem_shared>> -> memref<3200xf32, #tpu.memory_space<vmem_shared>>
    tpu.wait_dma2 semaphore(%dma_wait3A_1842 : memref<!tpu.dma_semaphore, #tpu.memory_space<semaphore_mem>>) src(%dma_wait3A_1843 : memref<3200xf32, #tpu.memory_space<vmem_shared>>) dst(%arg12 : memref<3200xf32, #tpu.memory_space<vmem>>)
    %dma_wait3A_1844 = arith.constant 1 : i32
    %dma_wait3A_1845 = tpu.memref_slice %arg4[%add3A_1833] : memref<2560000xf32, #tpu.memory_space<hbm>> -> memref<3200xf32, #tpu.memory_space<hbm>>
    %dma_wait3A_1846 = tpu.memref_slice %arg16[%dma_wait3A_1844] : memref<2x!tpu.dma_semaphore, #tpu.memory_space<semaphore_mem>> -> memref<1x!tpu.dma_semaphore, #tpu.memory_space<semaphore_mem>>
    %dma_wait3A_1847 = tpu.memref_squeeze %dma_wait3A_1846 : memref<1x!tpu.dma_semaphore, #tpu.memory_space<semaphore_mem>> -> memref<!tpu.dma_semaphore, #tpu.memory_space<semaphore_mem>>
    %dma_wait3A_1848 = tpu.memref_slice %arg4[%add3A_1833] : memref<2560000xf32, #tpu.memory_space<hbm>> -> memref<3200xf32, #tpu.memory_space<hbm>>
    tpu.wait_dma2 semaphore(%dma_wait3A_1847 : memref<!tpu.dma_semaphore, #tpu.memory_space<semaphore_mem>>) src(%arg13 : memref<3200xf32, #tpu.memory_space<vmem>>) dst(%dma_wait3A_1848 : memref<3200xf32, #tpu.memory_space<hbm>>)
    %mul3A_1849 = arith.constant 80000 : i32
    %mul3A_1850 = arith.muli %arg1, %mul3A_1849 : i32
    %add3A_1851 = arith.constant 60800 : i32
    %add3A_1852 = arith.addi %mul3A_1850, %add3A_1851 : i32
    %dma_start3A_1853 = arith.constant 1 : i32
    %dma_start3A_1854 = tpu.memref_slice %arg5[%add3A_1852] : memref<1280000xf32, #tpu.memory_space<vmem_shared>> -> memref<3200xf32, #tpu.memory_space<vmem_shared>>
    %dma_start3A_1855 = tpu.memref_slice %arg16[%dma_start3A_1853] : memref<2x!tpu.dma_semaphore, #tpu.memory_space<semaphore_mem>> -> memref<1x!tpu.dma_semaphore, #tpu.memory_space<semaphore_mem>>
    %dma_start3A_1856 = tpu.memref_squeeze %dma_start3A_1855 : memref<1x!tpu.dma_semaphore, #tpu.memory_space<semaphore_mem>> -> memref<!tpu.dma_semaphore, #tpu.memory_space<semaphore_mem>>
    %dma_start3A_1857 = tpu.memref_slice %arg5[%add3A_1852] : memref<1280000xf32, #tpu.memory_space<vmem_shared>> -> memref<3200xf32, #tpu.memory_space<vmem_shared>>
    tpu.enqueue_dma source(%dma_start3A_1857 : memref<3200xf32, #tpu.memory_space<vmem_shared>>) target(%arg13 : memref<3200xf32, #tpu.memory_space<vmem>>) target_semaphore(%dma_start3A_1856 : memref<!tpu.dma_semaphore, #tpu.memory_space<semaphore_mem>>)
    %scan3A_1858 = arith.constant 0 : i32
    %scan3A_1859 = arith.constant 0 : i32
    %scan3A_1860 = arith.constant 200 : i32
    %scan3A_1861 = arith.addi %scan3A_1859, %scan3A_1860 : i32
    %scan3A_1862 = arith.constant 1 : i32
    scf.for %scan3A_2059 = %scan3A_1859 to %scan3A_1861 step %scan3A_1862  : i32 {
      %mul3A_2060 = arith.constant 16 : i32
      %mul3A_2061 = arith.muli %scan3A_2059, %mul3A_2060 : i32
      %get3A = arith.index_cast %mul3A_2061 : i32 to index
      %get3A_2062 = tpu.vector_load %arg12[%get3A] {strides = array<i32>} : memref<3200xf32, #tpu.memory_space<vmem>>, vector<16xf32>,
      %get3A_2063 = vector.shape_cast %get3A_2062 : vector<16xf32> to vector<16xf32>
      %exp3A = math.exp %get3A_2063 : vector<16xf32>
      %sub3A = arith.constant 1.000000e+00 : f32
      %sub3A_2064 = vector.broadcast %sub3A : f32 to vector<16xf32>
      %sub3A_2065 = arith.subf %sub3A_2064, %exp3A : vector<16xf32>
      %mul3A_2066 = arith.constant 16 : i32
      %mul3A_2067 = arith.muli %scan3A_2059, %mul3A_2066 : i32
      %swap3A = arith.index_cast %mul3A_2067 : i32 to index
      %swap3A_2068 = tpu.vector_load %arg12[%swap3A] {strides = array<i32>} : memref<3200xf32, #tpu.memory_space<vmem>>, vector<16xf32>,
      %swap3A_2069 = vector.shape_cast %swap3A_2068 : vector<16xf32> to vector<16xf32>
      %swap3A_2070 = vector.shape_cast %sub3A_2065 : vector<16xf32> to vector<16xf32>
      tpu.vector_store %arg12[%swap3A], %swap3A_2070 {strides = array<i32>} : memref<3200xf32, #tpu.memory_space<vmem>>, vector<16xf32>,
    }
    %scan3A_1863 = arith.constant 200 : i32
    %add3A_1864 = arith.constant 57600 : i32
    %add3A_1865 = arith.addi %add3A_1258, %add3A_1864 : i32
    %dma_start3A_1866 = arith.constant 0 : i32
    %dma_start3A_1867 = tpu.memref_slice %arg4[%add3A_1865] : memref<2560000xf32, #tpu.memory_space<hbm>> -> memref<3200xf32, #tpu.memory_space<hbm>>
    %dma_start3A_1868 = tpu.memref_slice %arg16[%dma_start3A_1866] : memref<2x!tpu.dma_semaphore, #tpu.memory_space<semaphore_mem>> -> memref<1x!tpu.dma_semaphore, #tpu.memory_space<semaphore_mem>>
    %dma_start3A_1869 = tpu.memref_squeeze %dma_start3A_1868 : memref<1x!tpu.dma_semaphore, #tpu.memory_space<semaphore_mem>> -> memref<!tpu.dma_semaphore, #tpu.memory_space<semaphore_mem>>
    %dma_start3A_1870 = tpu.memref_slice %arg4[%add3A_1865] : memref<2560000xf32, #tpu.memory_space<hbm>> -> memref<3200xf32, #tpu.memory_space<hbm>>
    tpu.enqueue_dma source(%arg12 : memref<3200xf32, #tpu.memory_space<vmem>>) target(%dma_start3A_1870 : memref<3200xf32, #tpu.memory_space<hbm>>) target_semaphore(%dma_start3A_1869 : memref<!tpu.dma_semaphore, #tpu.memory_space<semaphore_mem>>)
    %dma_wait3A_1871 = arith.constant 1 : i32
    %dma_wait3A_1872 = tpu.memref_slice %arg5[%add3A_1852] : memref<1280000xf32, #tpu.memory_space<vmem_shared>> -> memref<3200xf32, #tpu.memory_space<vmem_shared>>
    %dma_wait3A_1873 = tpu.memref_slice %arg16[%dma_wait3A_1871] : memref<2x!tpu.dma_semaphore, #tpu.memory_space<semaphore_mem>> -> memref<1x!tpu.dma_semaphore, #tpu.memory_space<semaphore_mem>>
    %dma_wait3A_1874 = tpu.memref_squeeze %dma_wait3A_1873 : memref<1x!tpu.dma_semaphore, #tpu.memory_space<semaphore_mem>> -> memref<!tpu.dma_semaphore, #tpu.memory_space<semaphore_mem>>
    %dma_wait3A_1875 = tpu.memref_slice %arg5[%add3A_1852] : memref<1280000xf32, #tpu.memory_space<vmem_shared>> -> memref<3200xf32, #tpu.memory_space<vmem_shared>>
    tpu.wait_dma2 semaphore(%dma_wait3A_1874 : memref<!tpu.dma_semaphore, #tpu.memory_space<semaphore_mem>>) src(%dma_wait3A_1875 : memref<3200xf32, #tpu.memory_space<vmem_shared>>) dst(%arg13 : memref<3200xf32, #tpu.memory_space<vmem>>)
    %dma_wait3A_1876 = arith.constant 0 : i32
    %dma_wait3A_1877 = tpu.memref_slice %arg4[%add3A_1865] : memref<2560000xf32, #tpu.memory_space<hbm>> -> memref<3200xf32, #tpu.memory_space<hbm>>
    %dma_wait3A_1878 = tpu.memref_slice %arg16[%dma_wait3A_1876] : memref<2x!tpu.dma_semaphore, #tpu.memory_space<semaphore_mem>> -> memref<1x!tpu.dma_semaphore, #tpu.memory_space<semaphore_mem>>
    %dma_wait3A_1879 = tpu.memref_squeeze %dma_wait3A_1878 : memref<1x!tpu.dma_semaphore, #tpu.memory_space<semaphore_mem>> -> memref<!tpu.dma_semaphore, #tpu.memory_space<semaphore_mem>>
    %dma_wait3A_1880 = tpu.memref_slice %arg4[%add3A_1865] : memref<2560000xf32, #tpu.memory_space<hbm>> -> memref<3200xf32, #tpu.memory_space<hbm>>
    tpu.wait_dma2 semaphore(%dma_wait3A_1879 : memref<!tpu.dma_semaphore, #tpu.memory_space<semaphore_mem>>) src(%arg12 : memref<3200xf32, #tpu.memory_space<vmem>>) dst(%dma_wait3A_1880 : memref<3200xf32, #tpu.memory_space<hbm>>)
    %mul3A_1881 = arith.constant 80000 : i32
    %mul3A_1882 = arith.muli %arg1, %mul3A_1881 : i32
    %add3A_1883 = arith.constant 64000 : i32
    %add3A_1884 = arith.addi %mul3A_1882, %add3A_1883 : i32
    %dma_start3A_1885 = arith.constant 0 : i32
    %dma_start3A_1886 = tpu.memref_slice %arg5[%add3A_1884] : memref<1280000xf32, #tpu.memory_space<vmem_shared>> -> memref<3200xf32, #tpu.memory_space<vmem_shared>>
    %dma_start3A_1887 = tpu.memref_slice %arg16[%dma_start3A_1885] : memref<2x!tpu.dma_semaphore, #tpu.memory_space<semaphore_mem>> -> memref<1x!tpu.dma_semaphore, #tpu.memory_space<semaphore_mem>>
    %dma_start3A_1888 = tpu.memref_squeeze %dma_start3A_1887 : memref<1x!tpu.dma_semaphore, #tpu.memory_space<semaphore_mem>> -> memref<!tpu.dma_semaphore, #tpu.memory_space<semaphore_mem>>
    %dma_start3A_1889 = tpu.memref_slice %arg5[%add3A_1884] : memref<1280000xf32, #tpu.memory_space<vmem_shared>> -> memref<3200xf32, #tpu.memory_space<vmem_shared>>
    tpu.enqueue_dma source(%dma_start3A_1889 : memref<3200xf32, #tpu.memory_space<vmem_shared>>) target(%arg12 : memref<3200xf32, #tpu.memory_space<vmem>>) target_semaphore(%dma_start3A_1888 : memref<!tpu.dma_semaphore, #tpu.memory_space<semaphore_mem>>)
    %scan3A_1890 = arith.constant 0 : i32
    %scan3A_1891 = arith.constant 0 : i32
    %scan3A_1892 = arith.constant 200 : i32
    %scan3A_1893 = arith.addi %scan3A_1891, %scan3A_1892 : i32
    %scan3A_1894 = arith.constant 1 : i32
    scf.for %scan3A_2059 = %scan3A_1891 to %scan3A_1893 step %scan3A_1894  : i32 {
      %mul3A_2060 = arith.constant 16 : i32
      %mul3A_2061 = arith.muli %scan3A_2059, %mul3A_2060 : i32
      %get3A = arith.index_cast %mul3A_2061 : i32 to index
      %get3A_2062 = tpu.vector_load %arg13[%get3A] {strides = array<i32>} : memref<3200xf32, #tpu.memory_space<vmem>>, vector<16xf32>,
      %get3A_2063 = vector.shape_cast %get3A_2062 : vector<16xf32> to vector<16xf32>
      %exp3A = math.exp %get3A_2063 : vector<16xf32>
      %sub3A = arith.constant 1.000000e+00 : f32
      %sub3A_2064 = vector.broadcast %sub3A : f32 to vector<16xf32>
      %sub3A_2065 = arith.subf %sub3A_2064, %exp3A : vector<16xf32>
      %mul3A_2066 = arith.constant 16 : i32
      %mul3A_2067 = arith.muli %scan3A_2059, %mul3A_2066 : i32
      %swap3A = arith.index_cast %mul3A_2067 : i32 to index
      %swap3A_2068 = tpu.vector_load %arg13[%swap3A] {strides = array<i32>} : memref<3200xf32, #tpu.memory_space<vmem>>, vector<16xf32>,
      %swap3A_2069 = vector.shape_cast %swap3A_2068 : vector<16xf32> to vector<16xf32>
      %swap3A_2070 = vector.shape_cast %sub3A_2065 : vector<16xf32> to vector<16xf32>
      tpu.vector_store %arg13[%swap3A], %swap3A_2070 {strides = array<i32>} : memref<3200xf32, #tpu.memory_space<vmem>>, vector<16xf32>,
    }
    %scan3A_1895 = arith.constant 200 : i32
    %add3A_1896 = arith.constant 60800 : i32
    %add3A_1897 = arith.addi %add3A_1258, %add3A_1896 : i32
    %dma_start3A_1898 = arith.constant 1 : i32
    %dma_start3A_1899 = tpu.memref_slice %arg4[%add3A_1897] : memref<2560000xf32, #tpu.memory_space<hbm>> -> memref<3200xf32, #tpu.memory_space<hbm>>
    %dma_start3A_1900 = tpu.memref_slice %arg16[%dma_start3A_1898] : memref<2x!tpu.dma_semaphore, #tpu.memory_space<semaphore_mem>> -> memref<1x!tpu.dma_semaphore, #tpu.memory_space<semaphore_mem>>
    %dma_start3A_1901 = tpu.memref_squeeze %dma_start3A_1900 : memref<1x!tpu.dma_semaphore, #tpu.memory_space<semaphore_mem>> -> memref<!tpu.dma_semaphore, #tpu.memory_space<semaphore_mem>>
    %dma_start3A_1902 = tpu.memref_slice %arg4[%add3A_1897] : memref<2560000xf32, #tpu.memory_space<hbm>> -> memref<3200xf32, #tpu.memory_space<hbm>>
    tpu.enqueue_dma source(%arg13 : memref<3200xf32, #tpu.memory_space<vmem>>) target(%dma_start3A_1902 : memref<3200xf32, #tpu.memory_space<hbm>>) target_semaphore(%dma_start3A_1901 : memref<!tpu.dma_semaphore, #tpu.memory_space<semaphore_mem>>)
    %dma_wait3A_1903 = arith.constant 0 : i32
    %dma_wait3A_1904 = tpu.memref_slice %arg5[%add3A_1884] : memref<1280000xf32, #tpu.memory_space<vmem_shared>> -> memref<3200xf32, #tpu.memory_space<vmem_shared>>
    %dma_wait3A_1905 = tpu.memref_slice %arg16[%dma_wait3A_1903] : memref<2x!tpu.dma_semaphore, #tpu.memory_space<semaphore_mem>> -> memref<1x!tpu.dma_semaphore, #tpu.memory_space<semaphore_mem>>
    %dma_wait3A_1906 = tpu.memref_squeeze %dma_wait3A_1905 : memref<1x!tpu.dma_semaphore, #tpu.memory_space<semaphore_mem>> -> memref<!tpu.dma_semaphore, #tpu.memory_space<semaphore_mem>>
    %dma_wait3A_1907 = tpu.memref_slice %arg5[%add3A_1884] : memref<1280000xf32, #tpu.memory_space<vmem_shared>> -> memref<3200xf32, #tpu.memory_space<vmem_shared>>
    tpu.wait_dma2 semaphore(%dma_wait3A_1906 : memref<!tpu.dma_semaphore, #tpu.memory_space<semaphore_mem>>) src(%dma_wait3A_1907 : memref<3200xf32, #tpu.memory_space<vmem_shared>>) dst(%arg12 : memref<3200xf32, #tpu.memory_space<vmem>>)
    %dma_wait3A_1908 = arith.constant 1 : i32
    %dma_wait3A_1909 = tpu.memref_slice %arg4[%add3A_1897] : memref<2560000xf32, #tpu.memory_space<hbm>> -> memref<3200xf32, #tpu.memory_space<hbm>>
    %dma_wait3A_1910 = tpu.memref_slice %arg16[%dma_wait3A_1908] : memref<2x!tpu.dma_semaphore, #tpu.memory_space<semaphore_mem>> -> memref<1x!tpu.dma_semaphore, #tpu.memory_space<semaphore_mem>>
    %dma_wait3A_1911 = tpu.memref_squeeze %dma_wait3A_1910 : memref<1x!tpu.dma_semaphore, #tpu.memory_space<semaphore_mem>> -> memref<!tpu.dma_semaphore, #tpu.memory_space<semaphore_mem>>
    %dma_wait3A_1912 = tpu.memref_slice %arg4[%add3A_1897] : memref<2560000xf32, #tpu.memory_space<hbm>> -> memref<3200xf32, #tpu.memory_space<hbm>>
    tpu.wait_dma2 semaphore(%dma_wait3A_1911 : memref<!tpu.dma_semaphore, #tpu.memory_space<semaphore_mem>>) src(%arg13 : memref<3200xf32, #tpu.memory_space<vmem>>) dst(%dma_wait3A_1912 : memref<3200xf32, #tpu.memory_space<hbm>>)
    %mul3A_1913 = arith.constant 80000 : i32
    %mul3A_1914 = arith.muli %arg1, %mul3A_1913 : i32
    %add3A_1915 = arith.constant 67200 : i32
    %add3A_1916 = arith.addi %mul3A_1914, %add3A_1915 : i32
    %dma_start3A_1917 = arith.constant 1 : i32
    %dma_start3A_1918 = tpu.memref_slice %arg5[%add3A_1916] : memref<1280000xf32, #tpu.memory_space<vmem_shared>> -> memref<3200xf32, #tpu.memory_space<vmem_shared>>
    %dma_start3A_1919 = tpu.memref_slice %arg16[%dma_start3A_1917] : memref<2x!tpu.dma_semaphore, #tpu.memory_space<semaphore_mem>> -> memref<1x!tpu.dma_semaphore, #tpu.memory_space<semaphore_mem>>
    %dma_start3A_1920 = tpu.memref_squeeze %dma_start3A_1919 : memref<1x!tpu.dma_semaphore, #tpu.memory_space<semaphore_mem>> -> memref<!tpu.dma_semaphore, #tpu.memory_space<semaphore_mem>>
    %dma_start3A_1921 = tpu.memref_slice %arg5[%add3A_1916] : memref<1280000xf32, #tpu.memory_space<vmem_shared>> -> memref<3200xf32, #tpu.memory_space<vmem_shared>>
    tpu.enqueue_dma source(%dma_start3A_1921 : memref<3200xf32, #tpu.memory_space<vmem_shared>>) target(%arg13 : memref<3200xf32, #tpu.memory_space<vmem>>) target_semaphore(%dma_start3A_1920 : memref<!tpu.dma_semaphore, #tpu.memory_space<semaphore_mem>>)
    %scan3A_1922 = arith.constant 0 : i32
    %scan3A_1923 = arith.constant 0 : i32
    %scan3A_1924 = arith.constant 200 : i32
    %scan3A_1925 = arith.addi %scan3A_1923, %scan3A_1924 : i32
    %scan3A_1926 = arith.constant 1 : i32
    scf.for %scan3A_2059 = %scan3A_1923 to %scan3A_1925 step %scan3A_1926  : i32 {
      %mul3A_2060 = arith.constant 16 : i32
      %mul3A_2061 = arith.muli %scan3A_2059, %mul3A_2060 : i32
      %get3A = arith.index_cast %mul3A_2061 : i32 to index
      %get3A_2062 = tpu.vector_load %arg12[%get3A] {strides = array<i32>} : memref<3200xf32, #tpu.memory_space<vmem>>, vector<16xf32>,
      %get3A_2063 = vector.shape_cast %get3A_2062 : vector<16xf32> to vector<16xf32>
      %exp3A = math.exp %get3A_2063 : vector<16xf32>
      %sub3A = arith.constant 1.000000e+00 : f32
      %sub3A_2064 = vector.broadcast %sub3A : f32 to vector<16xf32>
      %sub3A_2065 = arith.subf %sub3A_2064, %exp3A : vector<16xf32>
      %mul3A_2066 = arith.constant 16 : i32
      %mul3A_2067 = arith.muli %scan3A_2059, %mul3A_2066 : i32
      %swap3A = arith.index_cast %mul3A_2067 : i32 to index
      %swap3A_2068 = tpu.vector_load %arg12[%swap3A] {strides = array<i32>} : memref<3200xf32, #tpu.memory_space<vmem>>, vector<16xf32>,
      %swap3A_2069 = vector.shape_cast %swap3A_2068 : vector<16xf32> to vector<16xf32>
      %swap3A_2070 = vector.shape_cast %sub3A_2065 : vector<16xf32> to vector<16xf32>
      tpu.vector_store %arg12[%swap3A], %swap3A_2070 {strides = array<i32>} : memref<3200xf32, #tpu.memory_space<vmem>>, vector<16xf32>,
    }
    %scan3A_1927 = arith.constant 200 : i32
    %add3A_1928 = arith.constant 64000 : i32
    %add3A_1929 = arith.addi %add3A_1258, %add3A_1928 : i32
    %dma_start3A_1930 = arith.constant 0 : i32
    %dma_start3A_1931 = tpu.memref_slice %arg4[%add3A_1929] : memref<2560000xf32, #tpu.memory_space<hbm>> -> memref<3200xf32, #tpu.memory_space<hbm>>
    %dma_start3A_1932 = tpu.memref_slice %arg16[%dma_start3A_1930] : memref<2x!tpu.dma_semaphore, #tpu.memory_space<semaphore_mem>> -> memref<1x!tpu.dma_semaphore, #tpu.memory_space<semaphore_mem>>
    %dma_start3A_1933 = tpu.memref_squeeze %dma_start3A_1932 : memref<1x!tpu.dma_semaphore, #tpu.memory_space<semaphore_mem>> -> memref<!tpu.dma_semaphore, #tpu.memory_space<semaphore_mem>>
    %dma_start3A_1934 = tpu.memref_slice %arg4[%add3A_1929] : memref<2560000xf32, #tpu.memory_space<hbm>> -> memref<3200xf32, #tpu.memory_space<hbm>>
    tpu.enqueue_dma source(%arg12 : memref<3200xf32, #tpu.memory_space<vmem>>) target(%dma_start3A_1934 : memref<3200xf32, #tpu.memory_space<hbm>>) target_semaphore(%dma_start3A_1933 : memref<!tpu.dma_semaphore, #tpu.memory_space<semaphore_mem>>)
    %dma_wait3A_1935 = arith.constant 1 : i32
    %dma_wait3A_1936 = tpu.memref_slice %arg5[%add3A_1916] : memref<1280000xf32, #tpu.memory_space<vmem_shared>> -> memref<3200xf32, #tpu.memory_space<vmem_shared>>
    %dma_wait3A_1937 = tpu.memref_slice %arg16[%dma_wait3A_1935] : memref<2x!tpu.dma_semaphore, #tpu.memory_space<semaphore_mem>> -> memref<1x!tpu.dma_semaphore, #tpu.memory_space<semaphore_mem>>
    %dma_wait3A_1938 = tpu.memref_squeeze %dma_wait3A_1937 : memref<1x!tpu.dma_semaphore, #tpu.memory_space<semaphore_mem>> -> memref<!tpu.dma_semaphore, #tpu.memory_space<semaphore_mem>>
    %dma_wait3A_1939 = tpu.memref_slice %arg5[%add3A_1916] : memref<1280000xf32, #tpu.memory_space<vmem_shared>> -> memref<3200xf32, #tpu.memory_space<vmem_shared>>
    tpu.wait_dma2 semaphore(%dma_wait3A_1938 : memref<!tpu.dma_semaphore, #tpu.memory_space<semaphore_mem>>) src(%dma_wait3A_1939 : memref<3200xf32, #tpu.memory_space<vmem_shared>>) dst(%arg13 : memref<3200xf32, #tpu.memory_space<vmem>>)
    %dma_wait3A_1940 = arith.constant 0 : i32
    %dma_wait3A_1941 = tpu.memref_slice %arg4[%add3A_1929] : memref<2560000xf32, #tpu.memory_space<hbm>> -> memref<3200xf32, #tpu.memory_space<hbm>>
    %dma_wait3A_1942 = tpu.memref_slice %arg16[%dma_wait3A_1940] : memref<2x!tpu.dma_semaphore, #tpu.memory_space<semaphore_mem>> -> memref<1x!tpu.dma_semaphore, #tpu.memory_space<semaphore_mem>>
    %dma_wait3A_1943 = tpu.memref_squeeze %dma_wait3A_1942 : memref<1x!tpu.dma_semaphore, #tpu.memory_space<semaphore_mem>> -> memref<!tpu.dma_semaphore, #tpu.memory_space<semaphore_mem>>
    %dma_wait3A_1944 = tpu.memref_slice %arg4[%add3A_1929] : memref<2560000xf32, #tpu.memory_space<hbm>> -> memref<3200xf32, #tpu.memory_space<hbm>>
    tpu.wait_dma2 semaphore(%dma_wait3A_1943 : memref<!tpu.dma_semaphore, #tpu.memory_space<semaphore_mem>>) src(%arg12 : memref<3200xf32, #tpu.memory_space<vmem>>) dst(%dma_wait3A_1944 : memref<3200xf32, #tpu.memory_space<hbm>>)
    %mul3A_1945 = arith.constant 80000 : i32
    %mul3A_1946 = arith.muli %arg1, %mul3A_1945 : i32
    %add3A_1947 = arith.constant 70400 : i32
    %add3A_1948 = arith.addi %mul3A_1946, %add3A_1947 : i32
    %dma_start3A_1949 = arith.constant 0 : i32
    %dma_start3A_1950 = tpu.memref_slice %arg5[%add3A_1948] : memref<1280000xf32, #tpu.memory_space<vmem_shared>> -> memref<3200xf32, #tpu.memory_space<vmem_shared>>
    %dma_start3A_1951 = tpu.memref_slice %arg16[%dma_start3A_1949] : memref<2x!tpu.dma_semaphore, #tpu.memory_space<semaphore_mem>> -> memref<1x!tpu.dma_semaphore, #tpu.memory_space<semaphore_mem>>
    %dma_start3A_1952 = tpu.memref_squeeze %dma_start3A_1951 : memref<1x!tpu.dma_semaphore, #tpu.memory_space<semaphore_mem>> -> memref<!tpu.dma_semaphore, #tpu.memory_space<semaphore_mem>>
    %dma_start3A_1953 = tpu.memref_slice %arg5[%add3A_1948] : memref<1280000xf32, #tpu.memory_space<vmem_shared>> -> memref<3200xf32, #tpu.memory_space<vmem_shared>>
    tpu.enqueue_dma source(%dma_start3A_1953 : memref<3200xf32, #tpu.memory_space<vmem_shared>>) target(%arg12 : memref<3200xf32, #tpu.memory_space<vmem>>) target_semaphore(%dma_start3A_1952 : memref<!tpu.dma_semaphore, #tpu.memory_space<semaphore_mem>>)
    %scan3A_1954 = arith.constant 0 : i32
    %scan3A_1955 = arith.constant 0 : i32
    %scan3A_1956 = arith.constant 200 : i32
    %scan3A_1957 = arith.addi %scan3A_1955, %scan3A_1956 : i32
    %scan3A_1958 = arith.constant 1 : i32
    scf.for %scan3A_2059 = %scan3A_1955 to %scan3A_1957 step %scan3A_1958  : i32 {
      %mul3A_2060 = arith.constant 16 : i32
      %mul3A_2061 = arith.muli %scan3A_2059, %mul3A_2060 : i32
      %get3A = arith.index_cast %mul3A_2061 : i32 to index
      %get3A_2062 = tpu.vector_load %arg13[%get3A] {strides = array<i32>} : memref<3200xf32, #tpu.memory_space<vmem>>, vector<16xf32>,
      %get3A_2063 = vector.shape_cast %get3A_2062 : vector<16xf32> to vector<16xf32>
      %exp3A = math.exp %get3A_2063 : vector<16xf32>
      %sub3A = arith.constant 1.000000e+00 : f32
      %sub3A_2064 = vector.broadcast %sub3A : f32 to vector<16xf32>
      %sub3A_2065 = arith.subf %sub3A_2064, %exp3A : vector<16xf32>
      %mul3A_2066 = arith.constant 16 : i32
      %mul3A_2067 = arith.muli %scan3A_2059, %mul3A_2066 : i32
      %swap3A = arith.index_cast %mul3A_2067 : i32 to index
      %swap3A_2068 = tpu.vector_load %arg13[%swap3A] {strides = array<i32>} : memref<3200xf32, #tpu.memory_space<vmem>>, vector<16xf32>,
      %swap3A_2069 = vector.shape_cast %swap3A_2068 : vector<16xf32> to vector<16xf32>
      %swap3A_2070 = vector.shape_cast %sub3A_2065 : vector<16xf32> to vector<16xf32>
      tpu.vector_store %arg13[%swap3A], %swap3A_2070 {strides = array<i32>} : memref<3200xf32, #tpu.memory_space<vmem>>, vector<16xf32>,
    }
    %scan3A_1959 = arith.constant 200 : i32
    %add3A_1960 = arith.constant 67200 : i32
    %add3A_1961 = arith.addi %add3A_1258, %add3A_1960 : i32
    %dma_start3A_1962 = arith.constant 1 : i32
    %dma_start3A_1963 = tpu.memref_slice %arg4[%add3A_1961] : memref<2560000xf32, #tpu.memory_space<hbm>> -> memref<3200xf32, #tpu.memory_space<hbm>>
    %dma_start3A_1964 = tpu.memref_slice %arg16[%dma_start3A_1962] : memref<2x!tpu.dma_semaphore, #tpu.memory_space<semaphore_mem>> -> memref<1x!tpu.dma_semaphore, #tpu.memory_space<semaphore_mem>>
    %dma_start3A_1965 = tpu.memref_squeeze %dma_start3A_1964 : memref<1x!tpu.dma_semaphore, #tpu.memory_space<semaphore_mem>> -> memref<!tpu.dma_semaphore, #tpu.memory_space<semaphore_mem>>
    %dma_start3A_1966 = tpu.memref_slice %arg4[%add3A_1961] : memref<2560000xf32, #tpu.memory_space<hbm>> -> memref<3200xf32, #tpu.memory_space<hbm>>
    tpu.enqueue_dma source(%arg13 : memref<3200xf32, #tpu.memory_space<vmem>>) target(%dma_start3A_1966 : memref<3200xf32, #tpu.memory_space<hbm>>) target_semaphore(%dma_start3A_1965 : memref<!tpu.dma_semaphore, #tpu.memory_space<semaphore_mem>>)
    %dma_wait3A_1967 = arith.constant 0 : i32
    %dma_wait3A_1968 = tpu.memref_slice %arg5[%add3A_1948] : memref<1280000xf32, #tpu.memory_space<vmem_shared>> -> memref<3200xf32, #tpu.memory_space<vmem_shared>>
    %dma_wait3A_1969 = tpu.memref_slice %arg16[%dma_wait3A_1967] : memref<2x!tpu.dma_semaphore, #tpu.memory_space<semaphore_mem>> -> memref<1x!tpu.dma_semaphore, #tpu.memory_space<semaphore_mem>>
    %dma_wait3A_1970 = tpu.memref_squeeze %dma_wait3A_1969 : memref<1x!tpu.dma_semaphore, #tpu.memory_space<semaphore_mem>> -> memref<!tpu.dma_semaphore, #tpu.memory_space<semaphore_mem>>
    %dma_wait3A_1971 = tpu.memref_slice %arg5[%add3A_1948] : memref<1280000xf32, #tpu.memory_space<vmem_shared>> -> memref<3200xf32, #tpu.memory_space<vmem_shared>>
    tpu.wait_dma2 semaphore(%dma_wait3A_1970 : memref<!tpu.dma_semaphore, #tpu.memory_space<semaphore_mem>>) src(%dma_wait3A_1971 : memref<3200xf32, #tpu.memory_space<vmem_shared>>) dst(%arg12 : memref<3200xf32, #tpu.memory_space<vmem>>)
    %dma_wait3A_1972 = arith.constant 1 : i32
    %dma_wait3A_1973 = tpu.memref_slice %arg4[%add3A_1961] : memref<2560000xf32, #tpu.memory_space<hbm>> -> memref<3200xf32, #tpu.memory_space<hbm>>
    %dma_wait3A_1974 = tpu.memref_slice %arg16[%dma_wait3A_1972] : memref<2x!tpu.dma_semaphore, #tpu.memory_space<semaphore_mem>> -> memref<1x!tpu.dma_semaphore, #tpu.memory_space<semaphore_mem>>
    %dma_wait3A_1975 = tpu.memref_squeeze %dma_wait3A_1974 : memref<1x!tpu.dma_semaphore, #tpu.memory_space<semaphore_mem>> -> memref<!tpu.dma_semaphore, #tpu.memory_space<semaphore_mem>>
    %dma_wait3A_1976 = tpu.memref_slice %arg4[%add3A_1961] : memref<2560000xf32, #tpu.memory_space<hbm>> -> memref<3200xf32, #tpu.memory_space<hbm>>
    tpu.wait_dma2 semaphore(%dma_wait3A_1975 : memref<!tpu.dma_semaphore, #tpu.memory_space<semaphore_mem>>) src(%arg13 : memref<3200xf32, #tpu.memory_space<vmem>>) dst(%dma_wait3A_1976 : memref<3200xf32, #tpu.memory_space<hbm>>)
    %mul3A_1977 = arith.constant 80000 : i32
    %mul3A_1978 = arith.muli %arg1, %mul3A_1977 : i32
    %add3A_1979 = arith.constant 73600 : i32
    %add3A_1980 = arith.addi %mul3A_1978, %add3A_1979 : i32
    %dma_start3A_1981 = arith.constant 1 : i32
    %dma_start3A_1982 = tpu.memref_slice %arg5[%add3A_1980] : memref<1280000xf32, #tpu.memory_space<vmem_shared>> -> memref<3200xf32, #tpu.memory_space<vmem_shared>>
    %dma_start3A_1983 = tpu.memref_slice %arg16[%dma_start3A_1981] : memref<2x!tpu.dma_semaphore, #tpu.memory_space<semaphore_mem>> -> memref<1x!tpu.dma_semaphore, #tpu.memory_space<semaphore_mem>>
    %dma_start3A_1984 = tpu.memref_squeeze %dma_start3A_1983 : memref<1x!tpu.dma_semaphore, #tpu.memory_space<semaphore_mem>> -> memref<!tpu.dma_semaphore, #tpu.memory_space<semaphore_mem>>
    %dma_start3A_1985 = tpu.memref_slice %arg5[%add3A_1980] : memref<1280000xf32, #tpu.memory_space<vmem_shared>> -> memref<3200xf32, #tpu.memory_space<vmem_shared>>
    tpu.enqueue_dma source(%dma_start3A_1985 : memref<3200xf32, #tpu.memory_space<vmem_shared>>) target(%arg13 : memref<3200xf32, #tpu.memory_space<vmem>>) target_semaphore(%dma_start3A_1984 : memref<!tpu.dma_semaphore, #tpu.memory_space<semaphore_mem>>)
    %scan3A_1986 = arith.constant 0 : i32
    %scan3A_1987 = arith.constant 0 : i32
    %scan3A_1988 = arith.constant 200 : i32
    %scan3A_1989 = arith.addi %scan3A_1987, %scan3A_1988 : i32
    %scan3A_1990 = arith.constant 1 : i32
    scf.for %scan3A_2059 = %scan3A_1987 to %scan3A_1989 step %scan3A_1990  : i32 {
      %mul3A_2060 = arith.constant 16 : i32
      %mul3A_2061 = arith.muli %scan3A_2059, %mul3A_2060 : i32
      %get3A = arith.index_cast %mul3A_2061 : i32 to index
      %get3A_2062 = tpu.vector_load %arg12[%get3A] {strides = array<i32>} : memref<3200xf32, #tpu.memory_space<vmem>>, vector<16xf32>,
      %get3A_2063 = vector.shape_cast %get3A_2062 : vector<16xf32> to vector<16xf32>
      %exp3A = math.exp %get3A_2063 : vector<16xf32>
      %sub3A = arith.constant 1.000000e+00 : f32
      %sub3A_2064 = vector.broadcast %sub3A : f32 to vector<16xf32>
      %sub3A_2065 = arith.subf %sub3A_2064, %exp3A : vector<16xf32>
      %mul3A_2066 = arith.constant 16 : i32
      %mul3A_2067 = arith.muli %scan3A_2059, %mul3A_2066 : i32
      %swap3A = arith.index_cast %mul3A_2067 : i32 to index
      %swap3A_2068 = tpu.vector_load %arg12[%swap3A] {strides = array<i32>} : memref<3200xf32, #tpu.memory_space<vmem>>, vector<16xf32>,
      %swap3A_2069 = vector.shape_cast %swap3A_2068 : vector<16xf32> to vector<16xf32>
      %swap3A_2070 = vector.shape_cast %sub3A_2065 : vector<16xf32> to vector<16xf32>
      tpu.vector_store %arg12[%swap3A], %swap3A_2070 {strides = array<i32>} : memref<3200xf32, #tpu.memory_space<vmem>>, vector<16xf32>,
    }
    %scan3A_1991 = arith.constant 200 : i32
    %add3A_1992 = arith.constant 70400 : i32
    %add3A_1993 = arith.addi %add3A_1258, %add3A_1992 : i32
    %dma_start3A_1994 = arith.constant 0 : i32
    %dma_start3A_1995 = tpu.memref_slice %arg4[%add3A_1993] : memref<2560000xf32, #tpu.memory_space<hbm>> -> memref<3200xf32, #tpu.memory_space<hbm>>
    %dma_start3A_1996 = tpu.memref_slice %arg16[%dma_start3A_1994] : memref<2x!tpu.dma_semaphore, #tpu.memory_space<semaphore_mem>> -> memref<1x!tpu.dma_semaphore, #tpu.memory_space<semaphore_mem>>
    %dma_start3A_1997 = tpu.memref_squeeze %dma_start3A_1996 : memref<1x!tpu.dma_semaphore, #tpu.memory_space<semaphore_mem>> -> memref<!tpu.dma_semaphore, #tpu.memory_space<semaphore_mem>>
    %dma_start3A_1998 = tpu.memref_slice %arg4[%add3A_1993] : memref<2560000xf32, #tpu.memory_space<hbm>> -> memref<3200xf32, #tpu.memory_space<hbm>>
    tpu.enqueue_dma source(%arg12 : memref<3200xf32, #tpu.memory_space<vmem>>) target(%dma_start3A_1998 : memref<3200xf32, #tpu.memory_space<hbm>>) target_semaphore(%dma_start3A_1997 : memref<!tpu.dma_semaphore, #tpu.memory_space<semaphore_mem>>)
    %dma_wait3A_1999 = arith.constant 1 : i32
    %dma_wait3A_2000 = tpu.memref_slice %arg5[%add3A_1980] : memref<1280000xf32, #tpu.memory_space<vmem_shared>> -> memref<3200xf32, #tpu.memory_space<vmem_shared>>
    %dma_wait3A_2001 = tpu.memref_slice %arg16[%dma_wait3A_1999] : memref<2x!tpu.dma_semaphore, #tpu.memory_space<semaphore_mem>> -> memref<1x!tpu.dma_semaphore, #tpu.memory_space<semaphore_mem>>
    %dma_wait3A_2002 = tpu.memref_squeeze %dma_wait3A_2001 : memref<1x!tpu.dma_semaphore, #tpu.memory_space<semaphore_mem>> -> memref<!tpu.dma_semaphore, #tpu.memory_space<semaphore_mem>>
    %dma_wait3A_2003 = tpu.memref_slice %arg5[%add3A_1980] : memref<1280000xf32, #tpu.memory_space<vmem_shared>> -> memref<3200xf32, #tpu.memory_space<vmem_shared>>
    tpu.wait_dma2 semaphore(%dma_wait3A_2002 : memref<!tpu.dma_semaphore, #tpu.memory_space<semaphore_mem>>) src(%dma_wait3A_2003 : memref<3200xf32, #tpu.memory_space<vmem_shared>>) dst(%arg13 : memref<3200xf32, #tpu.memory_space<vmem>>)
    %dma_wait3A_2004 = arith.constant 0 : i32
    %dma_wait3A_2005 = tpu.memref_slice %arg4[%add3A_1993] : memref<2560000xf32, #tpu.memory_space<hbm>> -> memref<3200xf32, #tpu.memory_space<hbm>>
    %dma_wait3A_2006 = tpu.memref_slice %arg16[%dma_wait3A_2004] : memref<2x!tpu.dma_semaphore, #tpu.memory_space<semaphore_mem>> -> memref<1x!tpu.dma_semaphore, #tpu.memory_space<semaphore_mem>>
    %dma_wait3A_2007 = tpu.memref_squeeze %dma_wait3A_2006 : memref<1x!tpu.dma_semaphore, #tpu.memory_space<semaphore_mem>> -> memref<!tpu.dma_semaphore, #tpu.memory_space<semaphore_mem>>
    %dma_wait3A_2008 = tpu.memref_slice %arg4[%add3A_1993] : memref<2560000xf32, #tpu.memory_space<hbm>> -> memref<3200xf32, #tpu.memory_space<hbm>>
    tpu.wait_dma2 semaphore(%dma_wait3A_2007 : memref<!tpu.dma_semaphore, #tpu.memory_space<semaphore_mem>>) src(%arg12 : memref<3200xf32, #tpu.memory_space<vmem>>) dst(%dma_wait3A_2008 : memref<3200xf32, #tpu.memory_space<hbm>>)
    %mul3A_2009 = arith.constant 80000 : i32
    %mul3A_2010 = arith.muli %arg1, %mul3A_2009 : i32
    %add3A_2011 = arith.constant 76800 : i32
    %add3A_2012 = arith.addi %mul3A_2010, %add3A_2011 : i32
    %dma_start3A_2013 = arith.constant 0 : i32
    %dma_start3A_2014 = tpu.memref_slice %arg5[%add3A_2012] : memref<1280000xf32, #tpu.memory_space<vmem_shared>> -> memref<3200xf32, #tpu.memory_space<vmem_shared>>
    %dma_start3A_2015 = tpu.memref_slice %arg16[%dma_start3A_2013] : memref<2x!tpu.dma_semaphore, #tpu.memory_space<semaphore_mem>> -> memref<1x!tpu.dma_semaphore, #tpu.memory_space<semaphore_mem>>
    %dma_start3A_2016 = tpu.memref_squeeze %dma_start3A_2015 : memref<1x!tpu.dma_semaphore, #tpu.memory_space<semaphore_mem>> -> memref<!tpu.dma_semaphore, #tpu.memory_space<semaphore_mem>>
    %dma_start3A_2017 = tpu.memref_slice %arg5[%add3A_2012] : memref<1280000xf32, #tpu.memory_space<vmem_shared>> -> memref<3200xf32, #tpu.memory_space<vmem_shared>>
    tpu.enqueue_dma source(%dma_start3A_2017 : memref<3200xf32, #tpu.memory_space<vmem_shared>>) target(%arg12 : memref<3200xf32, #tpu.memory_space<vmem>>) target_semaphore(%dma_start3A_2016 : memref<!tpu.dma_semaphore, #tpu.memory_space<semaphore_mem>>)
    %scan3A_2018 = arith.constant 0 : i32
    %scan3A_2019 = arith.constant 0 : i32
    %scan3A_2020 = arith.constant 200 : i32
    %scan3A_2021 = arith.addi %scan3A_2019, %scan3A_2020 : i32
    %scan3A_2022 = arith.constant 1 : i32
    scf.for %scan3A_2059 = %scan3A_2019 to %scan3A_2021 step %scan3A_2022  : i32 {
      %mul3A_2060 = arith.constant 16 : i32
      %mul3A_2061 = arith.muli %scan3A_2059, %mul3A_2060 : i32
      %get3A = arith.index_cast %mul3A_2061 : i32 to index
      %get3A_2062 = tpu.vector_load %arg13[%get3A] {strides = array<i32>} : memref<3200xf32, #tpu.memory_space<vmem>>, vector<16xf32>,
      %get3A_2063 = vector.shape_cast %get3A_2062 : vector<16xf32> to vector<16xf32>
      %exp3A = math.exp %get3A_2063 : vector<16xf32>
      %sub3A = arith.constant 1.000000e+00 : f32
      %sub3A_2064 = vector.broadcast %sub3A : f32 to vector<16xf32>
      %sub3A_2065 = arith.subf %sub3A_2064, %exp3A : vector<16xf32>
      %mul3A_2066 = arith.constant 16 : i32
      %mul3A_2067 = arith.muli %scan3A_2059, %mul3A_2066 : i32
      %swap3A = arith.index_cast %mul3A_2067 : i32 to index
      %swap3A_2068 = tpu.vector_load %arg13[%swap3A] {strides = array<i32>} : memref<3200xf32, #tpu.memory_space<vmem>>, vector<16xf32>,
      %swap3A_2069 = vector.shape_cast %swap3A_2068 : vector<16xf32> to vector<16xf32>
      %swap3A_2070 = vector.shape_cast %sub3A_2065 : vector<16xf32> to vector<16xf32>
      tpu.vector_store %arg13[%swap3A], %swap3A_2070 {strides = array<i32>} : memref<3200xf32, #tpu.memory_space<vmem>>, vector<16xf32>,
    }
    %scan3A_2023 = arith.constant 200 : i32
    %add3A_2024 = arith.constant 73600 : i32
    %add3A_2025 = arith.addi %add3A_1258, %add3A_2024 : i32
    %dma_start3A_2026 = arith.constant 1 : i32
    %dma_start3A_2027 = tpu.memref_slice %arg4[%add3A_2025] : memref<2560000xf32, #tpu.memory_space<hbm>> -> memref<3200xf32, #tpu.memory_space<hbm>>
    %dma_start3A_2028 = tpu.memref_slice %arg16[%dma_start3A_2026] : memref<2x!tpu.dma_semaphore, #tpu.memory_space<semaphore_mem>> -> memref<1x!tpu.dma_semaphore, #tpu.memory_space<semaphore_mem>>
    %dma_start3A_2029 = tpu.memref_squeeze %dma_start3A_2028 : memref<1x!tpu.dma_semaphore, #tpu.memory_space<semaphore_mem>> -> memref<!tpu.dma_semaphore, #tpu.memory_space<semaphore_mem>>
    %dma_start3A_2030 = tpu.memref_slice %arg4[%add3A_2025] : memref<2560000xf32, #tpu.memory_space<hbm>> -> memref<3200xf32, #tpu.memory_space<hbm>>
    tpu.enqueue_dma source(%arg13 : memref<3200xf32, #tpu.memory_space<vmem>>) target(%dma_start3A_2030 : memref<3200xf32, #tpu.memory_space<hbm>>) target_semaphore(%dma_start3A_2029 : memref<!tpu.dma_semaphore, #tpu.memory_space<semaphore_mem>>)
    %dma_wait3A_2031 = arith.constant 0 : i32
    %dma_wait3A_2032 = tpu.memref_slice %arg5[%add3A_2012] : memref<1280000xf32, #tpu.memory_space<vmem_shared>> -> memref<3200xf32, #tpu.memory_space<vmem_shared>>
    %dma_wait3A_2033 = tpu.memref_slice %arg16[%dma_wait3A_2031] : memref<2x!tpu.dma_semaphore, #tpu.memory_space<semaphore_mem>> -> memref<1x!tpu.dma_semaphore, #tpu.memory_space<semaphore_mem>>
    %dma_wait3A_2034 = tpu.memref_squeeze %dma_wait3A_2033 : memref<1x!tpu.dma_semaphore, #tpu.memory_space<semaphore_mem>> -> memref<!tpu.dma_semaphore, #tpu.memory_space<semaphore_mem>>
    %dma_wait3A_2035 = tpu.memref_slice %arg5[%add3A_2012] : memref<1280000xf32, #tpu.memory_space<vmem_shared>> -> memref<3200xf32, #tpu.memory_space<vmem_shared>>
    tpu.wait_dma2 semaphore(%dma_wait3A_2034 : memref<!tpu.dma_semaphore, #tpu.memory_space<semaphore_mem>>) src(%dma_wait3A_2035 : memref<3200xf32, #tpu.memory_space<vmem_shared>>) dst(%arg12 : memref<3200xf32, #tpu.memory_space<vmem>>)
    %scan3A_2036 = arith.constant 0 : i32
    %scan3A_2037 = arith.constant 0 : i32
    %scan3A_2038 = arith.constant 200 : i32
    %scan3A_2039 = arith.addi %scan3A_2037, %scan3A_2038 : i32
    %scan3A_2040 = arith.constant 1 : i32
    scf.for %scan3A_2059 = %scan3A_2037 to %scan3A_2039 step %scan3A_2040  : i32 {
      %mul3A_2060 = arith.constant 16 : i32
      %mul3A_2061 = arith.muli %scan3A_2059, %mul3A_2060 : i32
      %get3A = arith.index_cast %mul3A_2061 : i32 to index
      %get3A_2062 = tpu.vector_load %arg12[%get3A] {strides = array<i32>} : memref<3200xf32, #tpu.memory_space<vmem>>, vector<16xf32>,
      %get3A_2063 = vector.shape_cast %get3A_2062 : vector<16xf32> to vector<16xf32>
      %exp3A = math.exp %get3A_2063 : vector<16xf32>
      %sub3A = arith.constant 1.000000e+00 : f32
      %sub3A_2064 = vector.broadcast %sub3A : f32 to vector<16xf32>
      %sub3A_2065 = arith.subf %sub3A_2064, %exp3A : vector<16xf32>
      %mul3A_2066 = arith.constant 16 : i32
      %mul3A_2067 = arith.muli %scan3A_2059, %mul3A_2066 : i32
      %swap3A = arith.index_cast %mul3A_2067 : i32 to index
      %swap3A_2068 = tpu.vector_load %arg12[%swap3A] {strides = array<i32>} : memref<3200xf32, #tpu.memory_space<vmem>>, vector<16xf32>,
      %swap3A_2069 = vector.shape_cast %swap3A_2068 : vector<16xf32> to vector<16xf32>
      %swap3A_2070 = vector.shape_cast %sub3A_2065 : vector<16xf32> to vector<16xf32>
      tpu.vector_store %arg12[%swap3A], %swap3A_2070 {strides = array<i32>} : memref<3200xf32, #tpu.memory_space<vmem>>, vector<16xf32>,
    }
    %scan3A_2041 = arith.constant 200 : i32
    %add3A_2042 = arith.constant 76800 : i32
    %add3A_2043 = arith.addi %add3A_1258, %add3A_2042 : i32
    %dma_start3A_2044 = arith.constant 0 : i32
    %dma_start3A_2045 = tpu.memref_slice %arg4[%add3A_2043] : memref<2560000xf32, #tpu.memory_space<hbm>> -> memref<3200xf32, #tpu.memory_space<hbm>>
    %dma_start3A_2046 = tpu.memref_slice %arg16[%dma_start3A_2044] : memref<2x!tpu.dma_semaphore, #tpu.memory_space<semaphore_mem>> -> memref<1x!tpu.dma_semaphore, #tpu.memory_space<semaphore_mem>>
    %dma_start3A_2047 = tpu.memref_squeeze %dma_start3A_2046 : memref<1x!tpu.dma_semaphore, #tpu.memory_space<semaphore_mem>> -> memref<!tpu.dma_semaphore, #tpu.memory_space<semaphore_mem>>
    %dma_start3A_2048 = tpu.memref_slice %arg4[%add3A_2043] : memref<2560000xf32, #tpu.memory_space<hbm>> -> memref<3200xf32, #tpu.memory_space<hbm>>
    tpu.enqueue_dma source(%arg12 : memref<3200xf32, #tpu.memory_space<vmem>>) target(%dma_start3A_2048 : memref<3200xf32, #tpu.memory_space<hbm>>) target_semaphore(%dma_start3A_2047 : memref<!tpu.dma_semaphore, #tpu.memory_space<semaphore_mem>>)
    %dma_wait3A_2049 = arith.constant 1 : i32
    %dma_wait3A_2050 = tpu.memref_slice %arg4[%add3A_2025] : memref<2560000xf32, #tpu.memory_space<hbm>> -> memref<3200xf32, #tpu.memory_space<hbm>>
    %dma_wait3A_2051 = tpu.memref_slice %arg16[%dma_wait3A_2049] : memref<2x!tpu.dma_semaphore, #tpu.memory_space<semaphore_mem>> -> memref<1x!tpu.dma_semaphore, #tpu.memory_space<semaphore_mem>>
    %dma_wait3A_2052 = tpu.memref_squeeze %dma_wait3A_2051 : memref<1x!tpu.dma_semaphore, #tpu.memory_space<semaphore_mem>> -> memref<!tpu.dma_semaphore, #tpu.memory_space<semaphore_mem>>
    %dma_wait3A_2053 = tpu.memref_slice %arg4[%add3A_2025] : memref<2560000xf32, #tpu.memory_space<hbm>> -> memref<3200xf32, #tpu.memory_space<hbm>>
    tpu.wait_dma2 semaphore(%dma_wait3A_2052 : memref<!tpu.dma_semaphore, #tpu.memory_space<semaphore_mem>>) src(%arg13 : memref<3200xf32, #tpu.memory_space<vmem>>) dst(%dma_wait3A_2053 : memref<3200xf32, #tpu.memory_space<hbm>>)
    %dma_wait3A_2054 = arith.constant 0 : i32
    %dma_wait3A_2055 = tpu.memref_slice %arg4[%add3A_2043] : memref<2560000xf32, #tpu.memory_space<hbm>> -> memref<3200xf32, #tpu.memory_space<hbm>>
    %dma_wait3A_2056 = tpu.memref_slice %arg16[%dma_wait3A_2054] : memref<2x!tpu.dma_semaphore, #tpu.memory_space<semaphore_mem>> -> memref<1x!tpu.dma_semaphore, #tpu.memory_space<semaphore_mem>>
    %dma_wait3A_2057 = tpu.memref_squeeze %dma_wait3A_2056 : memref<1x!tpu.dma_semaphore, #tpu.memory_space<semaphore_mem>> -> memref<!tpu.dma_semaphore, #tpu.memory_space<semaphore_mem>>
    %dma_wait3A_2058 = tpu.memref_slice %arg4[%add3A_2043] : memref<2560000xf32, #tpu.memory_space<hbm>> -> memref<3200xf32, #tpu.memory_space<hbm>>
    tpu.wait_dma2 semaphore(%dma_wait3A_2057 : memref<!tpu.dma_semaphore, #tpu.memory_space<semaphore_mem>>) src(%arg12 : memref<3200xf32, #tpu.memory_space<vmem>>) dst(%dma_wait3A_2058 : memref<3200xf32, #tpu.memory_space<hbm>>)
    return
  }
}

module attributes {stable_mosaic.version = 14 : i64} {
  func.func @_project_body(%arg0: i32, %arg1: memref<32x128xf32, #tpu.memory_space<vmem>>, %arg2: memref<32x128xf32, #tpu.memory_space<vmem>>, %arg3: memref<32x128xf32, #tpu.memory_space<vmem>>, %arg4: memref<9x32x128xi32, #tpu.memory_space<vmem>>, %arg5: memref<9x32x128xf32, #tpu.memory_space<vmem>>) attributes {dimension_semantics = [#tpu.dimension_semantics<arbitrary>], iteration_bounds = array<i64: 104>, scalar_prefetch = 0 : i64, scratch_operands = 0 : i64, tpu.core_type = #tpu.core_type<tc>, window_params = [{transform_indices = @transform_0, window_bounds = array<i64: 32, 128>}, {transform_indices = @transform_1, window_bounds = array<i64: 32, 128>}, {transform_indices = @transform_2, window_bounds = array<i64: 32, 128>}, {transform_indices = @transform_3, window_bounds = array<i64: 9, 32, 128>}, {transform_indices = @transform_4, window_bounds = array<i64: 9, 32, 128>}]} {
    %get3A = arith.constant 0 : index
    %get3A_0 = arith.constant 0 : index
    %get3A_1 = vector.load %arg1[%get3A, %get3A_0] : memref<32x128xf32, #tpu.memory_space<vmem>>, vector<32x128xf32>
    %convert_element_type3A = arith.truncf %get3A_1 : vector<32x128xf32> to vector<32x128xbf16>
    %convert_element_type3A_2 = arith.extf %convert_element_type3A : vector<32x128xbf16> to vector<32x128xf32>
    %get3A_3 = arith.constant 0 : index
    %get3A_4 = arith.constant 0 : index
    %get3A_5 = vector.load %arg2[%get3A_3, %get3A_4] : memref<32x128xf32, #tpu.memory_space<vmem>>, vector<32x128xf32>
    %convert_element_type3A_6 = arith.truncf %get3A_5 : vector<32x128xf32> to vector<32x128xbf16>
    %convert_element_type3A_7 = arith.extf %convert_element_type3A_6 : vector<32x128xbf16> to vector<32x128xf32>
    %get3A_8 = arith.constant 0 : index
    %get3A_9 = arith.constant 0 : index
    %get3A_10 = vector.load %arg3[%get3A_8, %get3A_9] : memref<32x128xf32, #tpu.memory_space<vmem>>, vector<32x128xf32>
    %convert_element_type3A_11 = arith.truncf %get3A_10 : vector<32x128xf32> to vector<32x128xbf16>
    %convert_element_type3A_12 = arith.extf %convert_element_type3A_11 : vector<32x128xbf16> to vector<32x128xf32>
    %mul3A = arith.constant -1.000000e+00 : f32
    %mul3A_13 = vector.broadcast %mul3A : f32 to vector<32x128xf32>
    %mul3A_14 = arith.mulf %convert_element_type3A_2, %mul3A_13 : vector<32x128xf32>
    %mul3A_15 = arith.constant 0.000000e+00 : f32
    %mul3A_16 = vector.broadcast %mul3A_15 : f32 to vector<32x128xf32>
    %mul3A_17 = arith.mulf %convert_element_type3A_7, %mul3A_16 : vector<32x128xf32>
    %add3A = arith.addf %mul3A_14, %mul3A_17 : vector<32x128xf32>
    %mul3A_18 = arith.constant -0.000000e+00 : f32
    %mul3A_19 = vector.broadcast %mul3A_18 : f32 to vector<32x128xf32>
    %mul3A_20 = arith.mulf %convert_element_type3A_12, %mul3A_19 : vector<32x128xf32>
    %add3A_21 = arith.addf %add3A, %mul3A_20 : vector<32x128xf32>
    %add3A_22 = arith.constant -0.000000e+00 : f32
    %add3A_23 = vector.broadcast %add3A_22 : f32 to vector<32x128xf32>
    %add3A_24 = arith.addf %add3A_21, %add3A_23 : vector<32x128xf32>
    %mul3A_25 = arith.constant 0.000000e+00 : f32
    %mul3A_26 = vector.broadcast %mul3A_25 : f32 to vector<32x128xf32>
    %mul3A_27 = arith.mulf %convert_element_type3A_2, %mul3A_26 : vector<32x128xf32>
    %mul3A_28 = arith.constant 9.843750e-01 : f32
    %mul3A_29 = vector.broadcast %mul3A_28 : f32 to vector<32x128xf32>
    %mul3A_30 = arith.mulf %convert_element_type3A_7, %mul3A_29 : vector<32x128xf32>
    %add3A_31 = arith.addf %mul3A_27, %mul3A_30 : vector<32x128xf32>
    %mul3A_32 = arith.constant -0.173828125 : f32
    %mul3A_33 = vector.broadcast %mul3A_32 : f32 to vector<32x128xf32>
    %mul3A_34 = arith.mulf %convert_element_type3A_12, %mul3A_33 : vector<32x128xf32>
    %add3A_35 = arith.addf %add3A_31, %mul3A_34 : vector<32x128xf32>
    %add3A_36 = arith.constant 1.4415753E-16 : f32
    %add3A_37 = vector.broadcast %add3A_36 : f32 to vector<32x128xf32>
    %add3A_38 = arith.addf %add3A_35, %add3A_37 : vector<32x128xf32>
    %mul3A_39 = arith.constant 0.000000e+00 : f32
    %mul3A_40 = vector.broadcast %mul3A_39 : f32 to vector<32x128xf32>
    %mul3A_41 = arith.mulf %convert_element_type3A_2, %mul3A_40 : vector<32x128xf32>
    %mul3A_42 = arith.constant -0.173828125 : f32
    %mul3A_43 = vector.broadcast %mul3A_42 : f32 to vector<32x128xf32>
    %mul3A_44 = arith.mulf %convert_element_type3A_7, %mul3A_43 : vector<32x128xf32>
    %add3A_45 = arith.addf %mul3A_41, %mul3A_44 : vector<32x128xf32>
    %mul3A_46 = arith.constant -9.843750e-01 : f32
    %mul3A_47 = vector.broadcast %mul3A_46 : f32 to vector<32x128xf32>
    %mul3A_48 = arith.mulf %convert_element_type3A_12, %mul3A_47 : vector<32x128xf32>
    %add3A_49 = arith.addf %add3A_45, %mul3A_48 : vector<32x128xf32>
    %add3A_50 = arith.constant 2.000000e+01 : f32
    %add3A_51 = vector.broadcast %add3A_50 : f32 to vector<32x128xf32>
    %add3A_52 = arith.addf %add3A_49, %add3A_51 : vector<32x128xf32>
    %sub3A = arith.constant 1.000000e+00 : f32
    %sub3A_53 = vector.broadcast %sub3A : f32 to vector<32x128xf32>
    %sub3A_54 = arith.subf %sub3A_53, %add3A_24 : vector<32x128xf32>
    %mul3A_55 = arith.constant 3.995000e+02 : f32
    %mul3A_56 = vector.broadcast %mul3A_55 : f32 to vector<32x128xf32>
    %mul3A_57 = arith.mulf %mul3A_56, %sub3A_54 : vector<32x128xf32>
    %sub3A_58 = arith.constant 1.000000e+00 : f32
    %sub3A_59 = vector.broadcast %sub3A_58 : f32 to vector<32x128xf32>
    %sub3A_60 = arith.subf %sub3A_59, %add3A_38 : vector<32x128xf32>
    %mul3A_61 = arith.constant 3.995000e+02 : f32
    %mul3A_62 = vector.broadcast %mul3A_61 : f32 to vector<32x128xf32>
    %mul3A_63 = arith.mulf %mul3A_62, %sub3A_60 : vector<32x128xf32>
    %round3A = math.roundeven %mul3A_57 : vector<32x128xf32>
    %convert_element_type3A_64 = arith.fptosi %round3A : vector<32x128xf32> to vector<32x128xi32>
    %round3A_65 = math.roundeven %mul3A_63 : vector<32x128xf32>
    %convert_element_type3A_66 = arith.fptosi %round3A_65 : vector<32x128xf32> to vector<32x128xi32>
    %jit3A = arith.constant 26 : i32
    %div3A = arith.divsi %arg0, %jit3A : i32
    %sign3A = arith.constant 0 : i32
    %sign3A_67 = arith.cmpi sgt, %arg0, %sign3A : i32
    %sign3A_68 = arith.extui %sign3A_67 : i1 to i32
    %sign3A_69 = arith.constant 0 : i32
    %sign3A_70 = arith.cmpi slt, %arg0, %sign3A_69 : i32
    %sign3A_71 = arith.extui %sign3A_70 : i1 to i32
    %sign3A_72 = arith.subi %sign3A_68, %sign3A_71 : i32
    %sign3A_73 = arith.constant 0 : i32
    %sign3A_74 = arith.cmpi sgt, %jit3A, %sign3A_73 : i32
    %sign3A_75 = arith.extui %sign3A_74 : i1 to i32
    %sign3A_76 = arith.constant 0 : i32
    %sign3A_77 = arith.cmpi slt, %jit3A, %sign3A_76 : i32
    %sign3A_78 = arith.extui %sign3A_77 : i1 to i32
    %sign3A_79 = arith.subi %sign3A_75, %sign3A_78 : i32
    %ne3A = arith.cmpi ne, %sign3A_72, %sign3A_79 : i32
    %rem3A = arith.remsi %arg0, %jit3A : i32
    %ne3A_80 = arith.constant 0 : i32
    %ne3A_81 = arith.cmpi ne, %rem3A, %ne3A_80 : i32
    %and3A = arith.andi %ne3A, %ne3A_81 : i1
    %sub3A_82 = arith.constant 1 : i32
    %sub3A_83 = arith.subi %div3A, %sub3A_82 : i32
    %select_n3A = arith.select %and3A, %sub3A_83, %div3A : i32
    %jit3A_84 = arith.constant 2 : i32
    %eq3A = arith.constant 0 : i32
    %eq3A_85 = arith.cmpi eq, %jit3A_84, %eq3A : i32
    %jit3A_86 = arith.constant 1 : i32
    %select_n3A_87 = arith.select %eq3A_85, %jit3A_86, %jit3A_84 : i32
    %rem3A_88 = arith.remsi %select_n3A, %select_n3A_87 : i32
    %ne3A_89 = arith.constant 0 : i32
    %ne3A_90 = arith.cmpi ne, %rem3A_88, %ne3A_89 : i32
    %lt3A = arith.constant 0 : i32
    %lt3A_91 = arith.cmpi slt, %rem3A_88, %lt3A : i32
    %lt3A_92 = arith.constant 0 : i32
    %lt3A_93 = arith.cmpi slt, %select_n3A_87, %lt3A_92 : i32
    %ne3A_94 = arith.xori %lt3A_91, %lt3A_93 : i1
    %and3A_95 = arith.andi %ne3A_94, %ne3A_90 : i1
    %add3A_96 = arith.addi %rem3A_88, %select_n3A_87 : i32
    %select_n3A_97 = arith.select %and3A_95, %add3A_96, %rem3A_88 : i32
    %mul3A_98 = arith.constant 640000 : i32
    %mul3A_99 = arith.muli %select_n3A_97, %mul3A_98 : i32
    %jit3A_100 = arith.constant 26 : i32
    %eq3A_101 = arith.constant 0 : i32
    %eq3A_102 = arith.cmpi eq, %jit3A_100, %eq3A_101 : i32
    %jit3A_103 = arith.constant 1 : i32
    %select_n3A_104 = arith.select %eq3A_102, %jit3A_103, %jit3A_100 : i32
    %rem3A_105 = arith.remsi %arg0, %select_n3A_104 : i32
    %ne3A_106 = arith.constant 0 : i32
    %ne3A_107 = arith.cmpi ne, %rem3A_105, %ne3A_106 : i32
    %lt3A_108 = arith.constant 0 : i32
    %lt3A_109 = arith.cmpi slt, %rem3A_105, %lt3A_108 : i32
    %lt3A_110 = arith.constant 0 : i32
    %lt3A_111 = arith.cmpi slt, %select_n3A_104, %lt3A_110 : i32
    %ne3A_112 = arith.xori %lt3A_109, %lt3A_111 : i1
    %and3A_113 = arith.andi %ne3A_112, %ne3A_107 : i1
    %add3A_114 = arith.addi %rem3A_105, %select_n3A_104 : i32
    %select_n3A_115 = arith.select %and3A_113, %add3A_114, %rem3A_105 : i32
    %mul3A_116 = arith.constant 32 : i32
    %mul3A_117 = arith.muli %select_n3A_115, %mul3A_116 : i32
    %iota3A = tpu.iota {dimensions = array<i32: 0>} : vector<32x128xi32>
    %add3A_118 = vector.broadcast %mul3A_117 : i32 to vector<32x128xi32>
    %add3A_119 = arith.addi %add3A_118, %iota3A : vector<32x128xi32>
    %mul3A_120 = arith.constant 128 : i32
    %mul3A_121 = vector.broadcast %mul3A_120 : i32 to vector<32x128xi32>
    %mul3A_122 = arith.muli %add3A_119, %mul3A_121 : vector<32x128xi32>
    %iota3A_123 = tpu.iota {dimensions = array<i32: 1>} : vector<32x128xi32>
    %add3A_124 = arith.addi %mul3A_122, %iota3A_123 : vector<32x128xi32>
    %gt3A = arith.constant 0.00999999977 : f32
    %gt3A_125 = vector.broadcast %gt3A : f32 to vector<32x128xf32>
    %gt3A_126 = arith.cmpf ogt, %add3A_52, %gt3A_125 : vector<32x128xf32>
    %lt3A_127 = arith.constant 100000 : i32
    %lt3A_128 = vector.broadcast %lt3A_127 : i32 to vector<32x128xi32>
    %lt3A_129 = arith.cmpi slt, %add3A_124, %lt3A_128 : vector<32x128xi32>
    %and3A_130 = arith.andi %gt3A_126, %lt3A_129 : vector<32x128xi1>
    %add3A_131 = arith.constant -1 : i32
    %add3A_132 = vector.broadcast %add3A_131 : i32 to vector<32x128xi32>
    %add3A_133 = arith.addi %convert_element_type3A_66, %add3A_132 : vector<32x128xi32>
    %convert_element_type3A_134 = arith.sitofp %add3A_133 : vector<32x128xi32> to vector<32x128xf32>
    %mul3A_135 = arith.constant 0.00250312896 : f32
    %mul3A_136 = vector.broadcast %mul3A_135 : f32 to vector<32x128xf32>
    %mul3A_137 = arith.mulf %convert_element_type3A_134, %mul3A_136 : vector<32x128xf32>
    %sub3A_138 = arith.constant 1.000000e+00 : f32
    %sub3A_139 = vector.broadcast %sub3A_138 : f32 to vector<32x128xf32>
    %sub3A_140 = arith.subf %sub3A_139, %mul3A_137 : vector<32x128xf32>
    %sub3A_141 = arith.subf %sub3A_140, %add3A_38 : vector<32x128xf32>
    %integer_pow3A = arith.mulf %sub3A_141, %sub3A_141 : vector<32x128xf32>
    %ge3A = arith.constant 0 : i32
    %ge3A_142 = vector.broadcast %ge3A : i32 to vector<32x128xi32>
    %ge3A_143 = arith.cmpi sge, %add3A_133, %ge3A_142 : vector<32x128xi32>
    %lt3A_144 = arith.constant 800 : i32
    %lt3A_145 = vector.broadcast %lt3A_144 : i32 to vector<32x128xi32>
    %lt3A_146 = arith.cmpi slt, %add3A_133, %lt3A_145 : vector<32x128xi32>
    %and3A_147 = arith.andi %ge3A_143, %lt3A_146 : vector<32x128xi1>
    %jit3A_148 = arith.constant 0 : i32
    %jit3A_149 = arith.constant 799 : i32
    %max3A = vector.broadcast %jit3A_148 : i32 to vector<32x128xi32>
    %max3A_150 = arith.maxsi %max3A, %add3A_133 : vector<32x128xi32>
    %min3A = vector.broadcast %jit3A_149 : i32 to vector<32x128xi32>
    %min3A_151 = arith.minsi %min3A, %max3A_150 : vector<32x128xi32>
    %mul3A_152 = arith.constant 800 : i32
    %mul3A_153 = vector.broadcast %mul3A_152 : i32 to vector<32x128xi32>
    %mul3A_154 = arith.muli %min3A_151, %mul3A_153 : vector<32x128xi32>
    %add3A_155 = vector.broadcast %mul3A_99 : i32 to vector<32x128xi32>
    %add3A_156 = arith.addi %mul3A_154, %add3A_155 : vector<32x128xi32>
    %add3A_157 = arith.constant -1 : i32
    %add3A_158 = vector.broadcast %add3A_157 : i32 to vector<32x128xi32>
    %add3A_159 = arith.addi %convert_element_type3A_64, %add3A_158 : vector<32x128xi32>
    %convert_element_type3A_160 = arith.sitofp %add3A_159 : vector<32x128xi32> to vector<32x128xf32>
    %mul3A_161 = arith.constant 0.00250312896 : f32
    %mul3A_162 = vector.broadcast %mul3A_161 : f32 to vector<32x128xf32>
    %mul3A_163 = arith.mulf %convert_element_type3A_160, %mul3A_162 : vector<32x128xf32>
    %sub3A_164 = arith.constant 1.000000e+00 : f32
    %sub3A_165 = vector.broadcast %sub3A_164 : f32 to vector<32x128xf32>
    %sub3A_166 = arith.subf %sub3A_165, %mul3A_163 : vector<32x128xf32>
    %sub3A_167 = arith.subf %sub3A_166, %add3A_24 : vector<32x128xf32>
    %integer_pow3A_168 = arith.mulf %sub3A_167, %sub3A_167 : vector<32x128xf32>
    %add3A_169 = arith.addf %integer_pow3A_168, %integer_pow3A : vector<32x128xf32>
    %div3A_170 = arith.constant 9.000000e-06 : f32
    %div3A_171 = vector.broadcast %div3A_170 : f32 to vector<32x128xf32>
    %div3A_172 = arith.divf %add3A_169, %div3A_171 : vector<32x128xf32>
    %sub3A_173 = arith.constant 1.000000e+00 : f32
    %sub3A_174 = vector.broadcast %sub3A_173 : f32 to vector<32x128xf32>
    %sub3A_175 = arith.subf %sub3A_174, %div3A_172 : vector<32x128xf32>
    %jit3A_176 = arith.constant 0.000000e+00 : f32
    %jit3A_177 = arith.constant 9.990000e-01 : f32
    %max3A_178 = vector.broadcast %jit3A_176 : f32 to vector<32x128xf32>
    %max3A_179 = arith.maximumf %max3A_178, %sub3A_175 : vector<32x128xf32>
    %min3A_180 = vector.broadcast %jit3A_177 : f32 to vector<32x128xf32>
    %min3A_181 = arith.minimumf %min3A_180, %max3A_179 : vector<32x128xf32>
    %ge3A_182 = arith.constant 0 : i32
    %ge3A_183 = vector.broadcast %ge3A_182 : i32 to vector<32x128xi32>
    %ge3A_184 = arith.cmpi sge, %add3A_159, %ge3A_183 : vector<32x128xi32>
    %and3A_185 = arith.andi %and3A_147, %ge3A_184 : vector<32x128xi1>
    %lt3A_186 = arith.constant 800 : i32
    %lt3A_187 = vector.broadcast %lt3A_186 : i32 to vector<32x128xi32>
    %lt3A_188 = arith.cmpi slt, %add3A_159, %lt3A_187 : vector<32x128xi32>
    %and3A_189 = arith.andi %and3A_185, %lt3A_188 : vector<32x128xi1>
    %and3A_190 = arith.andi %and3A_189, %and3A_130 : vector<32x128xi1>
    %lt3A_191 = arith.constant 9.000000e-06 : f32
    %lt3A_192 = vector.broadcast %lt3A_191 : f32 to vector<32x128xf32>
    %lt3A_193 = arith.cmpf olt, %add3A_169, %lt3A_192 : vector<32x128xf32>
    %and3A_194 = arith.andi %and3A_190, %lt3A_193 : vector<32x128xi1>
    %neg3A = arith.constant 0.000000e+00 : f32
    %neg3A_195 = vector.broadcast %neg3A : f32 to vector<32x128xf32>
    %neg3A_196 = arith.subf %neg3A_195, %min3A_181 : vector<32x128xf32>
    %log1p3A = math.log1p %neg3A_196 : vector<32x128xf32>
    %jit3A_197 = arith.constant 0.000000e+00 : f32
    %broadcast_in_dim3A = vector.broadcast %jit3A_197 : f32 to vector<32x128xf32>
    %select_n3A_198 = arith.select %and3A_194, %log1p3A, %broadcast_in_dim3A : vector<32x128xi1>, vector<32x128xf32>
    %jit3A_199 = arith.constant 0 : i32
    %jit3A_200 = arith.constant 799 : i32
    %max3A_201 = vector.broadcast %jit3A_199 : i32 to vector<32x128xi32>
    %max3A_202 = arith.maxsi %max3A_201, %add3A_159 : vector<32x128xi32>
    %min3A_203 = vector.broadcast %jit3A_200 : i32 to vector<32x128xi32>
    %min3A_204 = arith.minsi %min3A_203, %max3A_202 : vector<32x128xi32>
    %add3A_205 = arith.addi %add3A_156, %min3A_204 : vector<32x128xi32>
    %swap3A = arith.constant 0 : index
    %swap3A_206 = arith.constant 0 : index
    %swap3A_207 = arith.constant 0 : index
    %swap3A_208 = vector.load %arg4[%swap3A, %swap3A_206, %swap3A_207] : memref<9x32x128xi32, #tpu.memory_space<vmem>>, vector<1x32x128xi32>
    %swap3A_209 = vector.shape_cast %swap3A_208 : vector<1x32x128xi32> to vector<32x128xi32>
    %swap3A_210 = vector.shape_cast %add3A_205 : vector<32x128xi32> to vector<1x32x128xi32>
    tpu.vector_store %arg4[%swap3A, %swap3A_206, %swap3A_207], %swap3A_210 {strides = array<i32>} : memref<9x32x128xi32, #tpu.memory_space<vmem>>, vector<1x32x128xi32>,
    %swap3A_211 = arith.constant 0 : index
    %swap3A_212 = arith.constant 0 : index
    %swap3A_213 = arith.constant 0 : index
    %swap3A_214 = vector.load %arg5[%swap3A_211, %swap3A_212, %swap3A_213] : memref<9x32x128xf32, #tpu.memory_space<vmem>>, vector<1x32x128xf32>
    %swap3A_215 = vector.shape_cast %swap3A_214 : vector<1x32x128xf32> to vector<32x128xf32>
    %swap3A_216 = vector.shape_cast %select_n3A_198 : vector<32x128xf32> to vector<1x32x128xf32>
    tpu.vector_store %arg5[%swap3A_211, %swap3A_212, %swap3A_213], %swap3A_216 {strides = array<i32>} : memref<9x32x128xf32, #tpu.memory_space<vmem>>, vector<1x32x128xf32>,
    %add3A_217 = arith.constant 0 : i32
    %add3A_218 = vector.broadcast %add3A_217 : i32 to vector<32x128xi32>
    %add3A_219 = arith.addi %convert_element_type3A_64, %add3A_218 : vector<32x128xi32>
    %convert_element_type3A_220 = arith.sitofp %add3A_219 : vector<32x128xi32> to vector<32x128xf32>
    %mul3A_221 = arith.constant 0.00250312896 : f32
    %mul3A_222 = vector.broadcast %mul3A_221 : f32 to vector<32x128xf32>
    %mul3A_223 = arith.mulf %convert_element_type3A_220, %mul3A_222 : vector<32x128xf32>
    %sub3A_224 = arith.constant 1.000000e+00 : f32
    %sub3A_225 = vector.broadcast %sub3A_224 : f32 to vector<32x128xf32>
    %sub3A_226 = arith.subf %sub3A_225, %mul3A_223 : vector<32x128xf32>
    %sub3A_227 = arith.subf %sub3A_226, %add3A_24 : vector<32x128xf32>
    %integer_pow3A_228 = arith.mulf %sub3A_227, %sub3A_227 : vector<32x128xf32>
    %add3A_229 = arith.addf %integer_pow3A_228, %integer_pow3A : vector<32x128xf32>
    %div3A_230 = arith.constant 9.000000e-06 : f32
    %div3A_231 = vector.broadcast %div3A_230 : f32 to vector<32x128xf32>
    %div3A_232 = arith.divf %add3A_229, %div3A_231 : vector<32x128xf32>
    %sub3A_233 = arith.constant 1.000000e+00 : f32
    %sub3A_234 = vector.broadcast %sub3A_233 : f32 to vector<32x128xf32>
    %sub3A_235 = arith.subf %sub3A_234, %div3A_232 : vector<32x128xf32>
    %jit3A_236 = arith.constant 0.000000e+00 : f32
    %jit3A_237 = arith.constant 9.990000e-01 : f32
    %max3A_238 = vector.broadcast %jit3A_236 : f32 to vector<32x128xf32>
    %max3A_239 = arith.maximumf %max3A_238, %sub3A_235 : vector<32x128xf32>
    %min3A_240 = vector.broadcast %jit3A_237 : f32 to vector<32x128xf32>
    %min3A_241 = arith.minimumf %min3A_240, %max3A_239 : vector<32x128xf32>
    %ge3A_242 = arith.constant 0 : i32
    %ge3A_243 = vector.broadcast %ge3A_242 : i32 to vector<32x128xi32>
    %ge3A_244 = arith.cmpi sge, %add3A_219, %ge3A_243 : vector<32x128xi32>
    %and3A_245 = arith.andi %and3A_147, %ge3A_244 : vector<32x128xi1>
    %lt3A_246 = arith.constant 800 : i32
    %lt3A_247 = vector.broadcast %lt3A_246 : i32 to vector<32x128xi32>
    %lt3A_248 = arith.cmpi slt, %add3A_219, %lt3A_247 : vector<32x128xi32>
    %and3A_249 = arith.andi %and3A_245, %lt3A_248 : vector<32x128xi1>
    %and3A_250 = arith.andi %and3A_249, %and3A_130 : vector<32x128xi1>
    %lt3A_251 = arith.constant 9.000000e-06 : f32
    %lt3A_252 = vector.broadcast %lt3A_251 : f32 to vector<32x128xf32>
    %lt3A_253 = arith.cmpf olt, %add3A_229, %lt3A_252 : vector<32x128xf32>
    %and3A_254 = arith.andi %and3A_250, %lt3A_253 : vector<32x128xi1>
    %neg3A_255 = arith.constant 0.000000e+00 : f32
    %neg3A_256 = vector.broadcast %neg3A_255 : f32 to vector<32x128xf32>
    %neg3A_257 = arith.subf %neg3A_256, %min3A_241 : vector<32x128xf32>
    %log1p3A_258 = math.log1p %neg3A_257 : vector<32x128xf32>
    %jit3A_259 = arith.constant 0.000000e+00 : f32
    %broadcast_in_dim3A_260 = vector.broadcast %jit3A_259 : f32 to vector<32x128xf32>
    %select_n3A_261 = arith.select %and3A_254, %log1p3A_258, %broadcast_in_dim3A_260 : vector<32x128xi1>, vector<32x128xf32>
    %jit3A_262 = arith.constant 0 : i32
    %jit3A_263 = arith.constant 799 : i32
    %max3A_264 = vector.broadcast %jit3A_262 : i32 to vector<32x128xi32>
    %max3A_265 = arith.maxsi %max3A_264, %add3A_219 : vector<32x128xi32>
    %min3A_266 = vector.broadcast %jit3A_263 : i32 to vector<32x128xi32>
    %min3A_267 = arith.minsi %min3A_266, %max3A_265 : vector<32x128xi32>
    %add3A_268 = arith.addi %add3A_156, %min3A_267 : vector<32x128xi32>
    %swap3A_269 = arith.constant 1 : index
    %swap3A_270 = arith.constant 0 : index
    %swap3A_271 = arith.constant 0 : index
    %swap3A_272 = vector.load %arg4[%swap3A_269, %swap3A_270, %swap3A_271] : memref<9x32x128xi32, #tpu.memory_space<vmem>>, vector<1x32x128xi32>
    %swap3A_273 = vector.shape_cast %swap3A_272 : vector<1x32x128xi32> to vector<32x128xi32>
    %swap3A_274 = vector.shape_cast %add3A_268 : vector<32x128xi32> to vector<1x32x128xi32>
    tpu.vector_store %arg4[%swap3A_269, %swap3A_270, %swap3A_271], %swap3A_274 {strides = array<i32>} : memref<9x32x128xi32, #tpu.memory_space<vmem>>, vector<1x32x128xi32>,
    %swap3A_275 = arith.constant 1 : index
    %swap3A_276 = arith.constant 0 : index
    %swap3A_277 = arith.constant 0 : index
    %swap3A_278 = vector.load %arg5[%swap3A_275, %swap3A_276, %swap3A_277] : memref<9x32x128xf32, #tpu.memory_space<vmem>>, vector<1x32x128xf32>
    %swap3A_279 = vector.shape_cast %swap3A_278 : vector<1x32x128xf32> to vector<32x128xf32>
    %swap3A_280 = vector.shape_cast %select_n3A_261 : vector<32x128xf32> to vector<1x32x128xf32>
    tpu.vector_store %arg5[%swap3A_275, %swap3A_276, %swap3A_277], %swap3A_280 {strides = array<i32>} : memref<9x32x128xf32, #tpu.memory_space<vmem>>, vector<1x32x128xf32>,
    %add3A_281 = arith.constant 1 : i32
    %add3A_282 = vector.broadcast %add3A_281 : i32 to vector<32x128xi32>
    %add3A_283 = arith.addi %convert_element_type3A_64, %add3A_282 : vector<32x128xi32>
    %convert_element_type3A_284 = arith.sitofp %add3A_283 : vector<32x128xi32> to vector<32x128xf32>
    %mul3A_285 = arith.constant 0.00250312896 : f32
    %mul3A_286 = vector.broadcast %mul3A_285 : f32 to vector<32x128xf32>
    %mul3A_287 = arith.mulf %convert_element_type3A_284, %mul3A_286 : vector<32x128xf32>
    %sub3A_288 = arith.constant 1.000000e+00 : f32
    %sub3A_289 = vector.broadcast %sub3A_288 : f32 to vector<32x128xf32>
    %sub3A_290 = arith.subf %sub3A_289, %mul3A_287 : vector<32x128xf32>
    %sub3A_291 = arith.subf %sub3A_290, %add3A_24 : vector<32x128xf32>
    %integer_pow3A_292 = arith.mulf %sub3A_291, %sub3A_291 : vector<32x128xf32>
    %add3A_293 = arith.addf %integer_pow3A_292, %integer_pow3A : vector<32x128xf32>
    %div3A_294 = arith.constant 9.000000e-06 : f32
    %div3A_295 = vector.broadcast %div3A_294 : f32 to vector<32x128xf32>
    %div3A_296 = arith.divf %add3A_293, %div3A_295 : vector<32x128xf32>
    %sub3A_297 = arith.constant 1.000000e+00 : f32
    %sub3A_298 = vector.broadcast %sub3A_297 : f32 to vector<32x128xf32>
    %sub3A_299 = arith.subf %sub3A_298, %div3A_296 : vector<32x128xf32>
    %jit3A_300 = arith.constant 0.000000e+00 : f32
    %jit3A_301 = arith.constant 9.990000e-01 : f32
    %max3A_302 = vector.broadcast %jit3A_300 : f32 to vector<32x128xf32>
    %max3A_303 = arith.maximumf %max3A_302, %sub3A_299 : vector<32x128xf32>
    %min3A_304 = vector.broadcast %jit3A_301 : f32 to vector<32x128xf32>
    %min3A_305 = arith.minimumf %min3A_304, %max3A_303 : vector<32x128xf32>
    %ge3A_306 = arith.constant 0 : i32
    %ge3A_307 = vector.broadcast %ge3A_306 : i32 to vector<32x128xi32>
    %ge3A_308 = arith.cmpi sge, %add3A_283, %ge3A_307 : vector<32x128xi32>
    %and3A_309 = arith.andi %and3A_147, %ge3A_308 : vector<32x128xi1>
    %lt3A_310 = arith.constant 800 : i32
    %lt3A_311 = vector.broadcast %lt3A_310 : i32 to vector<32x128xi32>
    %lt3A_312 = arith.cmpi slt, %add3A_283, %lt3A_311 : vector<32x128xi32>
    %and3A_313 = arith.andi %and3A_309, %lt3A_312 : vector<32x128xi1>
    %and3A_314 = arith.andi %and3A_313, %and3A_130 : vector<32x128xi1>
    %lt3A_315 = arith.constant 9.000000e-06 : f32
    %lt3A_316 = vector.broadcast %lt3A_315 : f32 to vector<32x128xf32>
    %lt3A_317 = arith.cmpf olt, %add3A_293, %lt3A_316 : vector<32x128xf32>
    %and3A_318 = arith.andi %and3A_314, %lt3A_317 : vector<32x128xi1>
    %neg3A_319 = arith.constant 0.000000e+00 : f32
    %neg3A_320 = vector.broadcast %neg3A_319 : f32 to vector<32x128xf32>
    %neg3A_321 = arith.subf %neg3A_320, %min3A_305 : vector<32x128xf32>
    %log1p3A_322 = math.log1p %neg3A_321 : vector<32x128xf32>
    %jit3A_323 = arith.constant 0.000000e+00 : f32
    %broadcast_in_dim3A_324 = vector.broadcast %jit3A_323 : f32 to vector<32x128xf32>
    %select_n3A_325 = arith.select %and3A_318, %log1p3A_322, %broadcast_in_dim3A_324 : vector<32x128xi1>, vector<32x128xf32>
    %jit3A_326 = arith.constant 0 : i32
    %jit3A_327 = arith.constant 799 : i32
    %max3A_328 = vector.broadcast %jit3A_326 : i32 to vector<32x128xi32>
    %max3A_329 = arith.maxsi %max3A_328, %add3A_283 : vector<32x128xi32>
    %min3A_330 = vector.broadcast %jit3A_327 : i32 to vector<32x128xi32>
    %min3A_331 = arith.minsi %min3A_330, %max3A_329 : vector<32x128xi32>
    %add3A_332 = arith.addi %add3A_156, %min3A_331 : vector<32x128xi32>
    %swap3A_333 = arith.constant 2 : index
    %swap3A_334 = arith.constant 0 : index
    %swap3A_335 = arith.constant 0 : index
    %swap3A_336 = vector.load %arg4[%swap3A_333, %swap3A_334, %swap3A_335] : memref<9x32x128xi32, #tpu.memory_space<vmem>>, vector<1x32x128xi32>
    %swap3A_337 = vector.shape_cast %swap3A_336 : vector<1x32x128xi32> to vector<32x128xi32>
    %swap3A_338 = vector.shape_cast %add3A_332 : vector<32x128xi32> to vector<1x32x128xi32>
    tpu.vector_store %arg4[%swap3A_333, %swap3A_334, %swap3A_335], %swap3A_338 {strides = array<i32>} : memref<9x32x128xi32, #tpu.memory_space<vmem>>, vector<1x32x128xi32>,
    %swap3A_339 = arith.constant 2 : index
    %swap3A_340 = arith.constant 0 : index
    %swap3A_341 = arith.constant 0 : index
    %swap3A_342 = vector.load %arg5[%swap3A_339, %swap3A_340, %swap3A_341] : memref<9x32x128xf32, #tpu.memory_space<vmem>>, vector<1x32x128xf32>
    %swap3A_343 = vector.shape_cast %swap3A_342 : vector<1x32x128xf32> to vector<32x128xf32>
    %swap3A_344 = vector.shape_cast %select_n3A_325 : vector<32x128xf32> to vector<1x32x128xf32>
    tpu.vector_store %arg5[%swap3A_339, %swap3A_340, %swap3A_341], %swap3A_344 {strides = array<i32>} : memref<9x32x128xf32, #tpu.memory_space<vmem>>, vector<1x32x128xf32>,
    %add3A_345 = arith.constant 0 : i32
    %add3A_346 = vector.broadcast %add3A_345 : i32 to vector<32x128xi32>
    %add3A_347 = arith.addi %convert_element_type3A_66, %add3A_346 : vector<32x128xi32>
    %convert_element_type3A_348 = arith.sitofp %add3A_347 : vector<32x128xi32> to vector<32x128xf32>
    %mul3A_349 = arith.constant 0.00250312896 : f32
    %mul3A_350 = vector.broadcast %mul3A_349 : f32 to vector<32x128xf32>
    %mul3A_351 = arith.mulf %convert_element_type3A_348, %mul3A_350 : vector<32x128xf32>
    %sub3A_352 = arith.constant 1.000000e+00 : f32
    %sub3A_353 = vector.broadcast %sub3A_352 : f32 to vector<32x128xf32>
    %sub3A_354 = arith.subf %sub3A_353, %mul3A_351 : vector<32x128xf32>
    %sub3A_355 = arith.subf %sub3A_354, %add3A_38 : vector<32x128xf32>
    %integer_pow3A_356 = arith.mulf %sub3A_355, %sub3A_355 : vector<32x128xf32>
    %ge3A_357 = arith.constant 0 : i32
    %ge3A_358 = vector.broadcast %ge3A_357 : i32 to vector<32x128xi32>
    %ge3A_359 = arith.cmpi sge, %add3A_347, %ge3A_358 : vector<32x128xi32>
    %lt3A_360 = arith.constant 800 : i32
    %lt3A_361 = vector.broadcast %lt3A_360 : i32 to vector<32x128xi32>
    %lt3A_362 = arith.cmpi slt, %add3A_347, %lt3A_361 : vector<32x128xi32>
    %and3A_363 = arith.andi %ge3A_359, %lt3A_362 : vector<32x128xi1>
    %jit3A_364 = arith.constant 0 : i32
    %jit3A_365 = arith.constant 799 : i32
    %max3A_366 = vector.broadcast %jit3A_364 : i32 to vector<32x128xi32>
    %max3A_367 = arith.maxsi %max3A_366, %add3A_347 : vector<32x128xi32>
    %min3A_368 = vector.broadcast %jit3A_365 : i32 to vector<32x128xi32>
    %min3A_369 = arith.minsi %min3A_368, %max3A_367 : vector<32x128xi32>
    %mul3A_370 = arith.constant 800 : i32
    %mul3A_371 = vector.broadcast %mul3A_370 : i32 to vector<32x128xi32>
    %mul3A_372 = arith.muli %min3A_369, %mul3A_371 : vector<32x128xi32>
    %add3A_373 = vector.broadcast %mul3A_99 : i32 to vector<32x128xi32>
    %add3A_374 = arith.addi %mul3A_372, %add3A_373 : vector<32x128xi32>
    %add3A_375 = arith.constant -1 : i32
    %add3A_376 = vector.broadcast %add3A_375 : i32 to vector<32x128xi32>
    %add3A_377 = arith.addi %convert_element_type3A_64, %add3A_376 : vector<32x128xi32>
    %convert_element_type3A_378 = arith.sitofp %add3A_377 : vector<32x128xi32> to vector<32x128xf32>
    %mul3A_379 = arith.constant 0.00250312896 : f32
    %mul3A_380 = vector.broadcast %mul3A_379 : f32 to vector<32x128xf32>
    %mul3A_381 = arith.mulf %convert_element_type3A_378, %mul3A_380 : vector<32x128xf32>
    %sub3A_382 = arith.constant 1.000000e+00 : f32
    %sub3A_383 = vector.broadcast %sub3A_382 : f32 to vector<32x128xf32>
    %sub3A_384 = arith.subf %sub3A_383, %mul3A_381 : vector<32x128xf32>
    %sub3A_385 = arith.subf %sub3A_384, %add3A_24 : vector<32x128xf32>
    %integer_pow3A_386 = arith.mulf %sub3A_385, %sub3A_385 : vector<32x128xf32>
    %add3A_387 = arith.addf %integer_pow3A_386, %integer_pow3A_356 : vector<32x128xf32>
    %div3A_388 = arith.constant 9.000000e-06 : f32
    %div3A_389 = vector.broadcast %div3A_388 : f32 to vector<32x128xf32>
    %div3A_390 = arith.divf %add3A_387, %div3A_389 : vector<32x128xf32>
    %sub3A_391 = arith.constant 1.000000e+00 : f32
    %sub3A_392 = vector.broadcast %sub3A_391 : f32 to vector<32x128xf32>
    %sub3A_393 = arith.subf %sub3A_392, %div3A_390 : vector<32x128xf32>
    %jit3A_394 = arith.constant 0.000000e+00 : f32
    %jit3A_395 = arith.constant 9.990000e-01 : f32
    %max3A_396 = vector.broadcast %jit3A_394 : f32 to vector<32x128xf32>
    %max3A_397 = arith.maximumf %max3A_396, %sub3A_393 : vector<32x128xf32>
    %min3A_398 = vector.broadcast %jit3A_395 : f32 to vector<32x128xf32>
    %min3A_399 = arith.minimumf %min3A_398, %max3A_397 : vector<32x128xf32>
    %ge3A_400 = arith.constant 0 : i32
    %ge3A_401 = vector.broadcast %ge3A_400 : i32 to vector<32x128xi32>
    %ge3A_402 = arith.cmpi sge, %add3A_377, %ge3A_401 : vector<32x128xi32>
    %and3A_403 = arith.andi %and3A_363, %ge3A_402 : vector<32x128xi1>
    %lt3A_404 = arith.constant 800 : i32
    %lt3A_405 = vector.broadcast %lt3A_404 : i32 to vector<32x128xi32>
    %lt3A_406 = arith.cmpi slt, %add3A_377, %lt3A_405 : vector<32x128xi32>
    %and3A_407 = arith.andi %and3A_403, %lt3A_406 : vector<32x128xi1>
    %and3A_408 = arith.andi %and3A_407, %and3A_130 : vector<32x128xi1>
    %lt3A_409 = arith.constant 9.000000e-06 : f32
    %lt3A_410 = vector.broadcast %lt3A_409 : f32 to vector<32x128xf32>
    %lt3A_411 = arith.cmpf olt, %add3A_387, %lt3A_410 : vector<32x128xf32>
    %and3A_412 = arith.andi %and3A_408, %lt3A_411 : vector<32x128xi1>
    %neg3A_413 = arith.constant 0.000000e+00 : f32
    %neg3A_414 = vector.broadcast %neg3A_413 : f32 to vector<32x128xf32>
    %neg3A_415 = arith.subf %neg3A_414, %min3A_399 : vector<32x128xf32>
    %log1p3A_416 = math.log1p %neg3A_415 : vector<32x128xf32>
    %jit3A_417 = arith.constant 0.000000e+00 : f32
    %broadcast_in_dim3A_418 = vector.broadcast %jit3A_417 : f32 to vector<32x128xf32>
    %select_n3A_419 = arith.select %and3A_412, %log1p3A_416, %broadcast_in_dim3A_418 : vector<32x128xi1>, vector<32x128xf32>
    %jit3A_420 = arith.constant 0 : i32
    %jit3A_421 = arith.constant 799 : i32
    %max3A_422 = vector.broadcast %jit3A_420 : i32 to vector<32x128xi32>
    %max3A_423 = arith.maxsi %max3A_422, %add3A_377 : vector<32x128xi32>
    %min3A_424 = vector.broadcast %jit3A_421 : i32 to vector<32x128xi32>
    %min3A_425 = arith.minsi %min3A_424, %max3A_423 : vector<32x128xi32>
    %add3A_426 = arith.addi %add3A_374, %min3A_425 : vector<32x128xi32>
    %swap3A_427 = arith.constant 3 : index
    %swap3A_428 = arith.constant 0 : index
    %swap3A_429 = arith.constant 0 : index
    %swap3A_430 = vector.load %arg4[%swap3A_427, %swap3A_428, %swap3A_429] : memref<9x32x128xi32, #tpu.memory_space<vmem>>, vector<1x32x128xi32>
    %swap3A_431 = vector.shape_cast %swap3A_430 : vector<1x32x128xi32> to vector<32x128xi32>
    %swap3A_432 = vector.shape_cast %add3A_426 : vector<32x128xi32> to vector<1x32x128xi32>
    tpu.vector_store %arg4[%swap3A_427, %swap3A_428, %swap3A_429], %swap3A_432 {strides = array<i32>} : memref<9x32x128xi32, #tpu.memory_space<vmem>>, vector<1x32x128xi32>,
    %swap3A_433 = arith.constant 3 : index
    %swap3A_434 = arith.constant 0 : index
    %swap3A_435 = arith.constant 0 : index
    %swap3A_436 = vector.load %arg5[%swap3A_433, %swap3A_434, %swap3A_435] : memref<9x32x128xf32, #tpu.memory_space<vmem>>, vector<1x32x128xf32>
    %swap3A_437 = vector.shape_cast %swap3A_436 : vector<1x32x128xf32> to vector<32x128xf32>
    %swap3A_438 = vector.shape_cast %select_n3A_419 : vector<32x128xf32> to vector<1x32x128xf32>
    tpu.vector_store %arg5[%swap3A_433, %swap3A_434, %swap3A_435], %swap3A_438 {strides = array<i32>} : memref<9x32x128xf32, #tpu.memory_space<vmem>>, vector<1x32x128xf32>,
    %add3A_439 = arith.constant 0 : i32
    %add3A_440 = vector.broadcast %add3A_439 : i32 to vector<32x128xi32>
    %add3A_441 = arith.addi %convert_element_type3A_64, %add3A_440 : vector<32x128xi32>
    %convert_element_type3A_442 = arith.sitofp %add3A_441 : vector<32x128xi32> to vector<32x128xf32>
    %mul3A_443 = arith.constant 0.00250312896 : f32
    %mul3A_444 = vector.broadcast %mul3A_443 : f32 to vector<32x128xf32>
    %mul3A_445 = arith.mulf %convert_element_type3A_442, %mul3A_444 : vector<32x128xf32>
    %sub3A_446 = arith.constant 1.000000e+00 : f32
    %sub3A_447 = vector.broadcast %sub3A_446 : f32 to vector<32x128xf32>
    %sub3A_448 = arith.subf %sub3A_447, %mul3A_445 : vector<32x128xf32>
    %sub3A_449 = arith.subf %sub3A_448, %add3A_24 : vector<32x128xf32>
    %integer_pow3A_450 = arith.mulf %sub3A_449, %sub3A_449 : vector<32x128xf32>
    %add3A_451 = arith.addf %integer_pow3A_450, %integer_pow3A_356 : vector<32x128xf32>
    %div3A_452 = arith.constant 9.000000e-06 : f32
    %div3A_453 = vector.broadcast %div3A_452 : f32 to vector<32x128xf32>
    %div3A_454 = arith.divf %add3A_451, %div3A_453 : vector<32x128xf32>
    %sub3A_455 = arith.constant 1.000000e+00 : f32
    %sub3A_456 = vector.broadcast %sub3A_455 : f32 to vector<32x128xf32>
    %sub3A_457 = arith.subf %sub3A_456, %div3A_454 : vector<32x128xf32>
    %jit3A_458 = arith.constant 0.000000e+00 : f32
    %jit3A_459 = arith.constant 9.990000e-01 : f32
    %max3A_460 = vector.broadcast %jit3A_458 : f32 to vector<32x128xf32>
    %max3A_461 = arith.maximumf %max3A_460, %sub3A_457 : vector<32x128xf32>
    %min3A_462 = vector.broadcast %jit3A_459 : f32 to vector<32x128xf32>
    %min3A_463 = arith.minimumf %min3A_462, %max3A_461 : vector<32x128xf32>
    %ge3A_464 = arith.constant 0 : i32
    %ge3A_465 = vector.broadcast %ge3A_464 : i32 to vector<32x128xi32>
    %ge3A_466 = arith.cmpi sge, %add3A_441, %ge3A_465 : vector<32x128xi32>
    %and3A_467 = arith.andi %and3A_363, %ge3A_466 : vector<32x128xi1>
    %lt3A_468 = arith.constant 800 : i32
    %lt3A_469 = vector.broadcast %lt3A_468 : i32 to vector<32x128xi32>
    %lt3A_470 = arith.cmpi slt, %add3A_441, %lt3A_469 : vector<32x128xi32>
    %and3A_471 = arith.andi %and3A_467, %lt3A_470 : vector<32x128xi1>
    %and3A_472 = arith.andi %and3A_471, %and3A_130 : vector<32x128xi1>
    %lt3A_473 = arith.constant 9.000000e-06 : f32
    %lt3A_474 = vector.broadcast %lt3A_473 : f32 to vector<32x128xf32>
    %lt3A_475 = arith.cmpf olt, %add3A_451, %lt3A_474 : vector<32x128xf32>
    %and3A_476 = arith.andi %and3A_472, %lt3A_475 : vector<32x128xi1>
    %neg3A_477 = arith.constant 0.000000e+00 : f32
    %neg3A_478 = vector.broadcast %neg3A_477 : f32 to vector<32x128xf32>
    %neg3A_479 = arith.subf %neg3A_478, %min3A_463 : vector<32x128xf32>
    %log1p3A_480 = math.log1p %neg3A_479 : vector<32x128xf32>
    %jit3A_481 = arith.constant 0.000000e+00 : f32
    %broadcast_in_dim3A_482 = vector.broadcast %jit3A_481 : f32 to vector<32x128xf32>
    %select_n3A_483 = arith.select %and3A_476, %log1p3A_480, %broadcast_in_dim3A_482 : vector<32x128xi1>, vector<32x128xf32>
    %jit3A_484 = arith.constant 0 : i32
    %jit3A_485 = arith.constant 799 : i32
    %max3A_486 = vector.broadcast %jit3A_484 : i32 to vector<32x128xi32>
    %max3A_487 = arith.maxsi %max3A_486, %add3A_441 : vector<32x128xi32>
    %min3A_488 = vector.broadcast %jit3A_485 : i32 to vector<32x128xi32>
    %min3A_489 = arith.minsi %min3A_488, %max3A_487 : vector<32x128xi32>
    %add3A_490 = arith.addi %add3A_374, %min3A_489 : vector<32x128xi32>
    %swap3A_491 = arith.constant 4 : index
    %swap3A_492 = arith.constant 0 : index
    %swap3A_493 = arith.constant 0 : index
    %swap3A_494 = vector.load %arg4[%swap3A_491, %swap3A_492, %swap3A_493] : memref<9x32x128xi32, #tpu.memory_space<vmem>>, vector<1x32x128xi32>
    %swap3A_495 = vector.shape_cast %swap3A_494 : vector<1x32x128xi32> to vector<32x128xi32>
    %swap3A_496 = vector.shape_cast %add3A_490 : vector<32x128xi32> to vector<1x32x128xi32>
    tpu.vector_store %arg4[%swap3A_491, %swap3A_492, %swap3A_493], %swap3A_496 {strides = array<i32>} : memref<9x32x128xi32, #tpu.memory_space<vmem>>, vector<1x32x128xi32>,
    %swap3A_497 = arith.constant 4 : index
    %swap3A_498 = arith.constant 0 : index
    %swap3A_499 = arith.constant 0 : index
    %swap3A_500 = vector.load %arg5[%swap3A_497, %swap3A_498, %swap3A_499] : memref<9x32x128xf32, #tpu.memory_space<vmem>>, vector<1x32x128xf32>
    %swap3A_501 = vector.shape_cast %swap3A_500 : vector<1x32x128xf32> to vector<32x128xf32>
    %swap3A_502 = vector.shape_cast %select_n3A_483 : vector<32x128xf32> to vector<1x32x128xf32>
    tpu.vector_store %arg5[%swap3A_497, %swap3A_498, %swap3A_499], %swap3A_502 {strides = array<i32>} : memref<9x32x128xf32, #tpu.memory_space<vmem>>, vector<1x32x128xf32>,
    %add3A_503 = arith.constant 1 : i32
    %add3A_504 = vector.broadcast %add3A_503 : i32 to vector<32x128xi32>
    %add3A_505 = arith.addi %convert_element_type3A_64, %add3A_504 : vector<32x128xi32>
    %convert_element_type3A_506 = arith.sitofp %add3A_505 : vector<32x128xi32> to vector<32x128xf32>
    %mul3A_507 = arith.constant 0.00250312896 : f32
    %mul3A_508 = vector.broadcast %mul3A_507 : f32 to vector<32x128xf32>
    %mul3A_509 = arith.mulf %convert_element_type3A_506, %mul3A_508 : vector<32x128xf32>
    %sub3A_510 = arith.constant 1.000000e+00 : f32
    %sub3A_511 = vector.broadcast %sub3A_510 : f32 to vector<32x128xf32>
    %sub3A_512 = arith.subf %sub3A_511, %mul3A_509 : vector<32x128xf32>
    %sub3A_513 = arith.subf %sub3A_512, %add3A_24 : vector<32x128xf32>
    %integer_pow3A_514 = arith.mulf %sub3A_513, %sub3A_513 : vector<32x128xf32>
    %add3A_515 = arith.addf %integer_pow3A_514, %integer_pow3A_356 : vector<32x128xf32>
    %div3A_516 = arith.constant 9.000000e-06 : f32
    %div3A_517 = vector.broadcast %div3A_516 : f32 to vector<32x128xf32>
    %div3A_518 = arith.divf %add3A_515, %div3A_517 : vector<32x128xf32>
    %sub3A_519 = arith.constant 1.000000e+00 : f32
    %sub3A_520 = vector.broadcast %sub3A_519 : f32 to vector<32x128xf32>
    %sub3A_521 = arith.subf %sub3A_520, %div3A_518 : vector<32x128xf32>
    %jit3A_522 = arith.constant 0.000000e+00 : f32
    %jit3A_523 = arith.constant 9.990000e-01 : f32
    %max3A_524 = vector.broadcast %jit3A_522 : f32 to vector<32x128xf32>
    %max3A_525 = arith.maximumf %max3A_524, %sub3A_521 : vector<32x128xf32>
    %min3A_526 = vector.broadcast %jit3A_523 : f32 to vector<32x128xf32>
    %min3A_527 = arith.minimumf %min3A_526, %max3A_525 : vector<32x128xf32>
    %ge3A_528 = arith.constant 0 : i32
    %ge3A_529 = vector.broadcast %ge3A_528 : i32 to vector<32x128xi32>
    %ge3A_530 = arith.cmpi sge, %add3A_505, %ge3A_529 : vector<32x128xi32>
    %and3A_531 = arith.andi %and3A_363, %ge3A_530 : vector<32x128xi1>
    %lt3A_532 = arith.constant 800 : i32
    %lt3A_533 = vector.broadcast %lt3A_532 : i32 to vector<32x128xi32>
    %lt3A_534 = arith.cmpi slt, %add3A_505, %lt3A_533 : vector<32x128xi32>
    %and3A_535 = arith.andi %and3A_531, %lt3A_534 : vector<32x128xi1>
    %and3A_536 = arith.andi %and3A_535, %and3A_130 : vector<32x128xi1>
    %lt3A_537 = arith.constant 9.000000e-06 : f32
    %lt3A_538 = vector.broadcast %lt3A_537 : f32 to vector<32x128xf32>
    %lt3A_539 = arith.cmpf olt, %add3A_515, %lt3A_538 : vector<32x128xf32>
    %and3A_540 = arith.andi %and3A_536, %lt3A_539 : vector<32x128xi1>
    %neg3A_541 = arith.constant 0.000000e+00 : f32
    %neg3A_542 = vector.broadcast %neg3A_541 : f32 to vector<32x128xf32>
    %neg3A_543 = arith.subf %neg3A_542, %min3A_527 : vector<32x128xf32>
    %log1p3A_544 = math.log1p %neg3A_543 : vector<32x128xf32>
    %jit3A_545 = arith.constant 0.000000e+00 : f32
    %broadcast_in_dim3A_546 = vector.broadcast %jit3A_545 : f32 to vector<32x128xf32>
    %select_n3A_547 = arith.select %and3A_540, %log1p3A_544, %broadcast_in_dim3A_546 : vector<32x128xi1>, vector<32x128xf32>
    %jit3A_548 = arith.constant 0 : i32
    %jit3A_549 = arith.constant 799 : i32
    %max3A_550 = vector.broadcast %jit3A_548 : i32 to vector<32x128xi32>
    %max3A_551 = arith.maxsi %max3A_550, %add3A_505 : vector<32x128xi32>
    %min3A_552 = vector.broadcast %jit3A_549 : i32 to vector<32x128xi32>
    %min3A_553 = arith.minsi %min3A_552, %max3A_551 : vector<32x128xi32>
    %add3A_554 = arith.addi %add3A_374, %min3A_553 : vector<32x128xi32>
    %swap3A_555 = arith.constant 5 : index
    %swap3A_556 = arith.constant 0 : index
    %swap3A_557 = arith.constant 0 : index
    %swap3A_558 = vector.load %arg4[%swap3A_555, %swap3A_556, %swap3A_557] : memref<9x32x128xi32, #tpu.memory_space<vmem>>, vector<1x32x128xi32>
    %swap3A_559 = vector.shape_cast %swap3A_558 : vector<1x32x128xi32> to vector<32x128xi32>
    %swap3A_560 = vector.shape_cast %add3A_554 : vector<32x128xi32> to vector<1x32x128xi32>
    tpu.vector_store %arg4[%swap3A_555, %swap3A_556, %swap3A_557], %swap3A_560 {strides = array<i32>} : memref<9x32x128xi32, #tpu.memory_space<vmem>>, vector<1x32x128xi32>,
    %swap3A_561 = arith.constant 5 : index
    %swap3A_562 = arith.constant 0 : index
    %swap3A_563 = arith.constant 0 : index
    %swap3A_564 = vector.load %arg5[%swap3A_561, %swap3A_562, %swap3A_563] : memref<9x32x128xf32, #tpu.memory_space<vmem>>, vector<1x32x128xf32>
    %swap3A_565 = vector.shape_cast %swap3A_564 : vector<1x32x128xf32> to vector<32x128xf32>
    %swap3A_566 = vector.shape_cast %select_n3A_547 : vector<32x128xf32> to vector<1x32x128xf32>
    tpu.vector_store %arg5[%swap3A_561, %swap3A_562, %swap3A_563], %swap3A_566 {strides = array<i32>} : memref<9x32x128xf32, #tpu.memory_space<vmem>>, vector<1x32x128xf32>,
    %add3A_567 = arith.constant 1 : i32
    %add3A_568 = vector.broadcast %add3A_567 : i32 to vector<32x128xi32>
    %add3A_569 = arith.addi %convert_element_type3A_66, %add3A_568 : vector<32x128xi32>
    %convert_element_type3A_570 = arith.sitofp %add3A_569 : vector<32x128xi32> to vector<32x128xf32>
    %mul3A_571 = arith.constant 0.00250312896 : f32
    %mul3A_572 = vector.broadcast %mul3A_571 : f32 to vector<32x128xf32>
    %mul3A_573 = arith.mulf %convert_element_type3A_570, %mul3A_572 : vector<32x128xf32>
    %sub3A_574 = arith.constant 1.000000e+00 : f32
    %sub3A_575 = vector.broadcast %sub3A_574 : f32 to vector<32x128xf32>
    %sub3A_576 = arith.subf %sub3A_575, %mul3A_573 : vector<32x128xf32>
    %sub3A_577 = arith.subf %sub3A_576, %add3A_38 : vector<32x128xf32>
    %integer_pow3A_578 = arith.mulf %sub3A_577, %sub3A_577 : vector<32x128xf32>
    %ge3A_579 = arith.constant 0 : i32
    %ge3A_580 = vector.broadcast %ge3A_579 : i32 to vector<32x128xi32>
    %ge3A_581 = arith.cmpi sge, %add3A_569, %ge3A_580 : vector<32x128xi32>
    %lt3A_582 = arith.constant 800 : i32
    %lt3A_583 = vector.broadcast %lt3A_582 : i32 to vector<32x128xi32>
    %lt3A_584 = arith.cmpi slt, %add3A_569, %lt3A_583 : vector<32x128xi32>
    %and3A_585 = arith.andi %ge3A_581, %lt3A_584 : vector<32x128xi1>
    %jit3A_586 = arith.constant 0 : i32
    %jit3A_587 = arith.constant 799 : i32
    %max3A_588 = vector.broadcast %jit3A_586 : i32 to vector<32x128xi32>
    %max3A_589 = arith.maxsi %max3A_588, %add3A_569 : vector<32x128xi32>
    %min3A_590 = vector.broadcast %jit3A_587 : i32 to vector<32x128xi32>
    %min3A_591 = arith.minsi %min3A_590, %max3A_589 : vector<32x128xi32>
    %mul3A_592 = arith.constant 800 : i32
    %mul3A_593 = vector.broadcast %mul3A_592 : i32 to vector<32x128xi32>
    %mul3A_594 = arith.muli %min3A_591, %mul3A_593 : vector<32x128xi32>
    %add3A_595 = vector.broadcast %mul3A_99 : i32 to vector<32x128xi32>
    %add3A_596 = arith.addi %mul3A_594, %add3A_595 : vector<32x128xi32>
    %add3A_597 = arith.constant -1 : i32
    %add3A_598 = vector.broadcast %add3A_597 : i32 to vector<32x128xi32>
    %add3A_599 = arith.addi %convert_element_type3A_64, %add3A_598 : vector<32x128xi32>
    %convert_element_type3A_600 = arith.sitofp %add3A_599 : vector<32x128xi32> to vector<32x128xf32>
    %mul3A_601 = arith.constant 0.00250312896 : f32
    %mul3A_602 = vector.broadcast %mul3A_601 : f32 to vector<32x128xf32>
    %mul3A_603 = arith.mulf %convert_element_type3A_600, %mul3A_602 : vector<32x128xf32>
    %sub3A_604 = arith.constant 1.000000e+00 : f32
    %sub3A_605 = vector.broadcast %sub3A_604 : f32 to vector<32x128xf32>
    %sub3A_606 = arith.subf %sub3A_605, %mul3A_603 : vector<32x128xf32>
    %sub3A_607 = arith.subf %sub3A_606, %add3A_24 : vector<32x128xf32>
    %integer_pow3A_608 = arith.mulf %sub3A_607, %sub3A_607 : vector<32x128xf32>
    %add3A_609 = arith.addf %integer_pow3A_608, %integer_pow3A_578 : vector<32x128xf32>
    %div3A_610 = arith.constant 9.000000e-06 : f32
    %div3A_611 = vector.broadcast %div3A_610 : f32 to vector<32x128xf32>
    %div3A_612 = arith.divf %add3A_609, %div3A_611 : vector<32x128xf32>
    %sub3A_613 = arith.constant 1.000000e+00 : f32
    %sub3A_614 = vector.broadcast %sub3A_613 : f32 to vector<32x128xf32>
    %sub3A_615 = arith.subf %sub3A_614, %div3A_612 : vector<32x128xf32>
    %jit3A_616 = arith.constant 0.000000e+00 : f32
    %jit3A_617 = arith.constant 9.990000e-01 : f32
    %max3A_618 = vector.broadcast %jit3A_616 : f32 to vector<32x128xf32>
    %max3A_619 = arith.maximumf %max3A_618, %sub3A_615 : vector<32x128xf32>
    %min3A_620 = vector.broadcast %jit3A_617 : f32 to vector<32x128xf32>
    %min3A_621 = arith.minimumf %min3A_620, %max3A_619 : vector<32x128xf32>
    %ge3A_622 = arith.constant 0 : i32
    %ge3A_623 = vector.broadcast %ge3A_622 : i32 to vector<32x128xi32>
    %ge3A_624 = arith.cmpi sge, %add3A_599, %ge3A_623 : vector<32x128xi32>
    %and3A_625 = arith.andi %and3A_585, %ge3A_624 : vector<32x128xi1>
    %lt3A_626 = arith.constant 800 : i32
    %lt3A_627 = vector.broadcast %lt3A_626 : i32 to vector<32x128xi32>
    %lt3A_628 = arith.cmpi slt, %add3A_599, %lt3A_627 : vector<32x128xi32>
    %and3A_629 = arith.andi %and3A_625, %lt3A_628 : vector<32x128xi1>
    %and3A_630 = arith.andi %and3A_629, %and3A_130 : vector<32x128xi1>
    %lt3A_631 = arith.constant 9.000000e-06 : f32
    %lt3A_632 = vector.broadcast %lt3A_631 : f32 to vector<32x128xf32>
    %lt3A_633 = arith.cmpf olt, %add3A_609, %lt3A_632 : vector<32x128xf32>
    %and3A_634 = arith.andi %and3A_630, %lt3A_633 : vector<32x128xi1>
    %neg3A_635 = arith.constant 0.000000e+00 : f32
    %neg3A_636 = vector.broadcast %neg3A_635 : f32 to vector<32x128xf32>
    %neg3A_637 = arith.subf %neg3A_636, %min3A_621 : vector<32x128xf32>
    %log1p3A_638 = math.log1p %neg3A_637 : vector<32x128xf32>
    %jit3A_639 = arith.constant 0.000000e+00 : f32
    %broadcast_in_dim3A_640 = vector.broadcast %jit3A_639 : f32 to vector<32x128xf32>
    %select_n3A_641 = arith.select %and3A_634, %log1p3A_638, %broadcast_in_dim3A_640 : vector<32x128xi1>, vector<32x128xf32>
    %jit3A_642 = arith.constant 0 : i32
    %jit3A_643 = arith.constant 799 : i32
    %max3A_644 = vector.broadcast %jit3A_642 : i32 to vector<32x128xi32>
    %max3A_645 = arith.maxsi %max3A_644, %add3A_599 : vector<32x128xi32>
    %min3A_646 = vector.broadcast %jit3A_643 : i32 to vector<32x128xi32>
    %min3A_647 = arith.minsi %min3A_646, %max3A_645 : vector<32x128xi32>
    %add3A_648 = arith.addi %add3A_596, %min3A_647 : vector<32x128xi32>
    %swap3A_649 = arith.constant 6 : index
    %swap3A_650 = arith.constant 0 : index
    %swap3A_651 = arith.constant 0 : index
    %swap3A_652 = vector.load %arg4[%swap3A_649, %swap3A_650, %swap3A_651] : memref<9x32x128xi32, #tpu.memory_space<vmem>>, vector<1x32x128xi32>
    %swap3A_653 = vector.shape_cast %swap3A_652 : vector<1x32x128xi32> to vector<32x128xi32>
    %swap3A_654 = vector.shape_cast %add3A_648 : vector<32x128xi32> to vector<1x32x128xi32>
    tpu.vector_store %arg4[%swap3A_649, %swap3A_650, %swap3A_651], %swap3A_654 {strides = array<i32>} : memref<9x32x128xi32, #tpu.memory_space<vmem>>, vector<1x32x128xi32>,
    %swap3A_655 = arith.constant 6 : index
    %swap3A_656 = arith.constant 0 : index
    %swap3A_657 = arith.constant 0 : index
    %swap3A_658 = vector.load %arg5[%swap3A_655, %swap3A_656, %swap3A_657] : memref<9x32x128xf32, #tpu.memory_space<vmem>>, vector<1x32x128xf32>
    %swap3A_659 = vector.shape_cast %swap3A_658 : vector<1x32x128xf32> to vector<32x128xf32>
    %swap3A_660 = vector.shape_cast %select_n3A_641 : vector<32x128xf32> to vector<1x32x128xf32>
    tpu.vector_store %arg5[%swap3A_655, %swap3A_656, %swap3A_657], %swap3A_660 {strides = array<i32>} : memref<9x32x128xf32, #tpu.memory_space<vmem>>, vector<1x32x128xf32>,
    %add3A_661 = arith.constant 0 : i32
    %add3A_662 = vector.broadcast %add3A_661 : i32 to vector<32x128xi32>
    %add3A_663 = arith.addi %convert_element_type3A_64, %add3A_662 : vector<32x128xi32>
    %convert_element_type3A_664 = arith.sitofp %add3A_663 : vector<32x128xi32> to vector<32x128xf32>
    %mul3A_665 = arith.constant 0.00250312896 : f32
    %mul3A_666 = vector.broadcast %mul3A_665 : f32 to vector<32x128xf32>
    %mul3A_667 = arith.mulf %convert_element_type3A_664, %mul3A_666 : vector<32x128xf32>
    %sub3A_668 = arith.constant 1.000000e+00 : f32
    %sub3A_669 = vector.broadcast %sub3A_668 : f32 to vector<32x128xf32>
    %sub3A_670 = arith.subf %sub3A_669, %mul3A_667 : vector<32x128xf32>
    %sub3A_671 = arith.subf %sub3A_670, %add3A_24 : vector<32x128xf32>
    %integer_pow3A_672 = arith.mulf %sub3A_671, %sub3A_671 : vector<32x128xf32>
    %add3A_673 = arith.addf %integer_pow3A_672, %integer_pow3A_578 : vector<32x128xf32>
    %div3A_674 = arith.constant 9.000000e-06 : f32
    %div3A_675 = vector.broadcast %div3A_674 : f32 to vector<32x128xf32>
    %div3A_676 = arith.divf %add3A_673, %div3A_675 : vector<32x128xf32>
    %sub3A_677 = arith.constant 1.000000e+00 : f32
    %sub3A_678 = vector.broadcast %sub3A_677 : f32 to vector<32x128xf32>
    %sub3A_679 = arith.subf %sub3A_678, %div3A_676 : vector<32x128xf32>
    %jit3A_680 = arith.constant 0.000000e+00 : f32
    %jit3A_681 = arith.constant 9.990000e-01 : f32
    %max3A_682 = vector.broadcast %jit3A_680 : f32 to vector<32x128xf32>
    %max3A_683 = arith.maximumf %max3A_682, %sub3A_679 : vector<32x128xf32>
    %min3A_684 = vector.broadcast %jit3A_681 : f32 to vector<32x128xf32>
    %min3A_685 = arith.minimumf %min3A_684, %max3A_683 : vector<32x128xf32>
    %ge3A_686 = arith.constant 0 : i32
    %ge3A_687 = vector.broadcast %ge3A_686 : i32 to vector<32x128xi32>
    %ge3A_688 = arith.cmpi sge, %add3A_663, %ge3A_687 : vector<32x128xi32>
    %and3A_689 = arith.andi %and3A_585, %ge3A_688 : vector<32x128xi1>
    %lt3A_690 = arith.constant 800 : i32
    %lt3A_691 = vector.broadcast %lt3A_690 : i32 to vector<32x128xi32>
    %lt3A_692 = arith.cmpi slt, %add3A_663, %lt3A_691 : vector<32x128xi32>
    %and3A_693 = arith.andi %and3A_689, %lt3A_692 : vector<32x128xi1>
    %and3A_694 = arith.andi %and3A_693, %and3A_130 : vector<32x128xi1>
    %lt3A_695 = arith.constant 9.000000e-06 : f32
    %lt3A_696 = vector.broadcast %lt3A_695 : f32 to vector<32x128xf32>
    %lt3A_697 = arith.cmpf olt, %add3A_673, %lt3A_696 : vector<32x128xf32>
    %and3A_698 = arith.andi %and3A_694, %lt3A_697 : vector<32x128xi1>
    %neg3A_699 = arith.constant 0.000000e+00 : f32
    %neg3A_700 = vector.broadcast %neg3A_699 : f32 to vector<32x128xf32>
    %neg3A_701 = arith.subf %neg3A_700, %min3A_685 : vector<32x128xf32>
    %log1p3A_702 = math.log1p %neg3A_701 : vector<32x128xf32>
    %jit3A_703 = arith.constant 0.000000e+00 : f32
    %broadcast_in_dim3A_704 = vector.broadcast %jit3A_703 : f32 to vector<32x128xf32>
    %select_n3A_705 = arith.select %and3A_698, %log1p3A_702, %broadcast_in_dim3A_704 : vector<32x128xi1>, vector<32x128xf32>
    %jit3A_706 = arith.constant 0 : i32
    %jit3A_707 = arith.constant 799 : i32
    %max3A_708 = vector.broadcast %jit3A_706 : i32 to vector<32x128xi32>
    %max3A_709 = arith.maxsi %max3A_708, %add3A_663 : vector<32x128xi32>
    %min3A_710 = vector.broadcast %jit3A_707 : i32 to vector<32x128xi32>
    %min3A_711 = arith.minsi %min3A_710, %max3A_709 : vector<32x128xi32>
    %add3A_712 = arith.addi %add3A_596, %min3A_711 : vector<32x128xi32>
    %swap3A_713 = arith.constant 7 : index
    %swap3A_714 = arith.constant 0 : index
    %swap3A_715 = arith.constant 0 : index
    %swap3A_716 = vector.load %arg4[%swap3A_713, %swap3A_714, %swap3A_715] : memref<9x32x128xi32, #tpu.memory_space<vmem>>, vector<1x32x128xi32>
    %swap3A_717 = vector.shape_cast %swap3A_716 : vector<1x32x128xi32> to vector<32x128xi32>
    %swap3A_718 = vector.shape_cast %add3A_712 : vector<32x128xi32> to vector<1x32x128xi32>
    tpu.vector_store %arg4[%swap3A_713, %swap3A_714, %swap3A_715], %swap3A_718 {strides = array<i32>} : memref<9x32x128xi32, #tpu.memory_space<vmem>>, vector<1x32x128xi32>,
    %swap3A_719 = arith.constant 7 : index
    %swap3A_720 = arith.constant 0 : index
    %swap3A_721 = arith.constant 0 : index
    %swap3A_722 = vector.load %arg5[%swap3A_719, %swap3A_720, %swap3A_721] : memref<9x32x128xf32, #tpu.memory_space<vmem>>, vector<1x32x128xf32>
    %swap3A_723 = vector.shape_cast %swap3A_722 : vector<1x32x128xf32> to vector<32x128xf32>
    %swap3A_724 = vector.shape_cast %select_n3A_705 : vector<32x128xf32> to vector<1x32x128xf32>
    tpu.vector_store %arg5[%swap3A_719, %swap3A_720, %swap3A_721], %swap3A_724 {strides = array<i32>} : memref<9x32x128xf32, #tpu.memory_space<vmem>>, vector<1x32x128xf32>,
    %add3A_725 = arith.constant 1 : i32
    %add3A_726 = vector.broadcast %add3A_725 : i32 to vector<32x128xi32>
    %add3A_727 = arith.addi %convert_element_type3A_64, %add3A_726 : vector<32x128xi32>
    %convert_element_type3A_728 = arith.sitofp %add3A_727 : vector<32x128xi32> to vector<32x128xf32>
    %mul3A_729 = arith.constant 0.00250312896 : f32
    %mul3A_730 = vector.broadcast %mul3A_729 : f32 to vector<32x128xf32>
    %mul3A_731 = arith.mulf %convert_element_type3A_728, %mul3A_730 : vector<32x128xf32>
    %sub3A_732 = arith.constant 1.000000e+00 : f32
    %sub3A_733 = vector.broadcast %sub3A_732 : f32 to vector<32x128xf32>
    %sub3A_734 = arith.subf %sub3A_733, %mul3A_731 : vector<32x128xf32>
    %sub3A_735 = arith.subf %sub3A_734, %add3A_24 : vector<32x128xf32>
    %integer_pow3A_736 = arith.mulf %sub3A_735, %sub3A_735 : vector<32x128xf32>
    %add3A_737 = arith.addf %integer_pow3A_736, %integer_pow3A_578 : vector<32x128xf32>
    %div3A_738 = arith.constant 9.000000e-06 : f32
    %div3A_739 = vector.broadcast %div3A_738 : f32 to vector<32x128xf32>
    %div3A_740 = arith.divf %add3A_737, %div3A_739 : vector<32x128xf32>
    %sub3A_741 = arith.constant 1.000000e+00 : f32
    %sub3A_742 = vector.broadcast %sub3A_741 : f32 to vector<32x128xf32>
    %sub3A_743 = arith.subf %sub3A_742, %div3A_740 : vector<32x128xf32>
    %jit3A_744 = arith.constant 0.000000e+00 : f32
    %jit3A_745 = arith.constant 9.990000e-01 : f32
    %max3A_746 = vector.broadcast %jit3A_744 : f32 to vector<32x128xf32>
    %max3A_747 = arith.maximumf %max3A_746, %sub3A_743 : vector<32x128xf32>
    %min3A_748 = vector.broadcast %jit3A_745 : f32 to vector<32x128xf32>
    %min3A_749 = arith.minimumf %min3A_748, %max3A_747 : vector<32x128xf32>
    %ge3A_750 = arith.constant 0 : i32
    %ge3A_751 = vector.broadcast %ge3A_750 : i32 to vector<32x128xi32>
    %ge3A_752 = arith.cmpi sge, %add3A_727, %ge3A_751 : vector<32x128xi32>
    %and3A_753 = arith.andi %and3A_585, %ge3A_752 : vector<32x128xi1>
    %lt3A_754 = arith.constant 800 : i32
    %lt3A_755 = vector.broadcast %lt3A_754 : i32 to vector<32x128xi32>
    %lt3A_756 = arith.cmpi slt, %add3A_727, %lt3A_755 : vector<32x128xi32>
    %and3A_757 = arith.andi %and3A_753, %lt3A_756 : vector<32x128xi1>
    %and3A_758 = arith.andi %and3A_757, %and3A_130 : vector<32x128xi1>
    %lt3A_759 = arith.constant 9.000000e-06 : f32
    %lt3A_760 = vector.broadcast %lt3A_759 : f32 to vector<32x128xf32>
    %lt3A_761 = arith.cmpf olt, %add3A_737, %lt3A_760 : vector<32x128xf32>
    %and3A_762 = arith.andi %and3A_758, %lt3A_761 : vector<32x128xi1>
    %neg3A_763 = arith.constant 0.000000e+00 : f32
    %neg3A_764 = vector.broadcast %neg3A_763 : f32 to vector<32x128xf32>
    %neg3A_765 = arith.subf %neg3A_764, %min3A_749 : vector<32x128xf32>
    %log1p3A_766 = math.log1p %neg3A_765 : vector<32x128xf32>
    %jit3A_767 = arith.constant 0.000000e+00 : f32
    %broadcast_in_dim3A_768 = vector.broadcast %jit3A_767 : f32 to vector<32x128xf32>
    %select_n3A_769 = arith.select %and3A_762, %log1p3A_766, %broadcast_in_dim3A_768 : vector<32x128xi1>, vector<32x128xf32>
    %jit3A_770 = arith.constant 0 : i32
    %jit3A_771 = arith.constant 799 : i32
    %max3A_772 = vector.broadcast %jit3A_770 : i32 to vector<32x128xi32>
    %max3A_773 = arith.maxsi %max3A_772, %add3A_727 : vector<32x128xi32>
    %min3A_774 = vector.broadcast %jit3A_771 : i32 to vector<32x128xi32>
    %min3A_775 = arith.minsi %min3A_774, %max3A_773 : vector<32x128xi32>
    %add3A_776 = arith.addi %add3A_596, %min3A_775 : vector<32x128xi32>
    %swap3A_777 = arith.constant 8 : index
    %swap3A_778 = arith.constant 0 : index
    %swap3A_779 = arith.constant 0 : index
    %swap3A_780 = vector.load %arg4[%swap3A_777, %swap3A_778, %swap3A_779] : memref<9x32x128xi32, #tpu.memory_space<vmem>>, vector<1x32x128xi32>
    %swap3A_781 = vector.shape_cast %swap3A_780 : vector<1x32x128xi32> to vector<32x128xi32>
    %swap3A_782 = vector.shape_cast %add3A_776 : vector<32x128xi32> to vector<1x32x128xi32>
    tpu.vector_store %arg4[%swap3A_777, %swap3A_778, %swap3A_779], %swap3A_782 {strides = array<i32>} : memref<9x32x128xi32, #tpu.memory_space<vmem>>, vector<1x32x128xi32>,
    %swap3A_783 = arith.constant 8 : index
    %swap3A_784 = arith.constant 0 : index
    %swap3A_785 = arith.constant 0 : index
    %swap3A_786 = vector.load %arg5[%swap3A_783, %swap3A_784, %swap3A_785] : memref<9x32x128xf32, #tpu.memory_space<vmem>>, vector<1x32x128xf32>
    %swap3A_787 = vector.shape_cast %swap3A_786 : vector<1x32x128xf32> to vector<32x128xf32>
    %swap3A_788 = vector.shape_cast %select_n3A_769 : vector<32x128xf32> to vector<1x32x128xf32>
    tpu.vector_store %arg5[%swap3A_783, %swap3A_784, %swap3A_785], %swap3A_788 {strides = array<i32>} : memref<9x32x128xf32, #tpu.memory_space<vmem>>, vector<1x32x128xf32>,
    return
  }
  func.func @transform_0(%arg0: i32) -> (i32, i32) {
    %c0_i32 = arith.constant 0 : i32
    %c0_i32_0 = arith.constant 0 : i32
    return %arg0, %c0_i32 : i32, i32
  }
  func.func @transform_1(%arg0: i32) -> (i32, i32) {
    %c0_i32 = arith.constant 0 : i32
    %c0_i32_0 = arith.constant 0 : i32
    return %arg0, %c0_i32 : i32, i32
  }
  func.func @transform_2(%arg0: i32) -> (i32, i32) {
    %c0_i32 = arith.constant 0 : i32
    %c0_i32_0 = arith.constant 0 : i32
    return %arg0, %c0_i32 : i32, i32
  }
  func.func @transform_3(%arg0: i32) -> (i32, i32, i32) {
    %c0_i32 = arith.constant 0 : i32
    %c0_i32_0 = arith.constant 0 : i32
    %c0_i32_1 = arith.constant 0 : i32
    return %c0_i32, %arg0, %c0_i32_0 : i32, i32, i32
  }
  func.func @transform_4(%arg0: i32) -> (i32, i32, i32) {
    %c0_i32 = arith.constant 0 : i32
    %c0_i32_0 = arith.constant 0 : i32
    %c0_i32_1 = arith.constant 0 : i32
    return %c0_i32, %arg0, %c0_i32_0 : i32, i32, i32
  }
}

</mosaic_0001>

<sc_bundles>
// kernel: kernel.4.cloned.1.call-start
scs
__scs_entry_jumppad:
0x0: {  	(pc) =	sbr.rel $0x88, $3  }
0x1: {  	(tag) =	ssettag $0x0;
	lr =	simm.s32 $0x1  }
0x2: {  	[smem:$0x3FA0] =	sst lr;
	_ =	strace $0xD0000000  }
0x3: {  	_ = 	snop  }
0x4: {  	_ = 	snop  }
0x5: {  	_ = 	snop  }
0x6: {  	_ = 	snop  }
0x7: {  	_ = 	snop  }
__scs_overlays_trampoline_lowered:
0x8: {  	[smem:$0x3FAF] =	sst s0  }
0x9: {  	[smem:$0x3FB0] =	sst s1  }
0xa: {  	[smem:$0x3FB1] =	sst s2  }
0xb: {  	[smem:$0x3FB2] =	sst s3  }
0xc: {  	[smem:$0x3FB3] =	sst s4  }
0xd: {  	[smem:$0x3FB4] =	sst s5  }
0xe: {  	[smem:$0x3FB5] =	sst s6  }
0xf: {  	[smem:$0x3FB6] =	sst s7  }
0x10: {  	[smem:$0x3FB7] =	sst s8  }
0x11: {  	[smem:$0x3FB8] =	sst s9;
	s0 =	simm.s32 @!p0 $0x0  }
0x12: {  	s1 =	sld [smem:$0x3F9E];
	s0 =	simm.s32 @p0 $0x1  }
0x13: {  	[smem:$0x3FB9] =	sst s0;
	s0 =	simm.s32 @!p1 $0x0  }
0x14: {  	s2 =	sld [smem:$0x3F9D];
	s0 =	simm.s32 @p1 $0x1  }
0x15: {  	[smem:$0x3FBA] =	sst s0;
	s0 =	simm.s32 @!p2 $0x0  }
0x16: {  	s3 =	sld [smem:$0x3FDB];
	s0 =	simm.s32 @p2 $0x1  }
0x17: {  	s4 =	simm.s32 $0x1BF5;
	[smem:$0x3FBC] =	sst s0  }
0x18: {  	s0 =	sld [smem:$0x3F9F];
	_ =	swait.ge [sflag:s4], $0x0  }
0x19: {  	s7 =	sld [smem:$0x3FA0]  }
0x1a: {  	s8 =	sadd.s32 $0xFFFFE003, lr  }
0x1b: {  	s9 =	sadd.s32 $0xFFFFFEF7, lr;
	s5 =	simm.s32 $0xFFFFFFFF;
	p2 =	slt.u32 s8, $0xFFFFF086  }
0x1c: {  	p1 =	slt.u32 s9, $0xF7A;
	s5 =	simm.s32 @!p2 $0x0  }
0x1d: {  	s5 =	simm.s32 @p1 $0x1;
	p0 =	seq.s32 s7, s2  }
0x1e: {  	s7 =	smul.u32 @!p0 $0xF7A, s2;
	p2 =	seq.s32 @!p0 s5, $0x0  }
0x1f: {  	s9 =	smul.u32 $0xF7A, s1;
	s8 =	simm.s32 @!p0 $0x1BF5;
	p2 =	por !p2, p0  }
0x20: {  	[sflag:s8] =	ssyncset.s32 @!p0 $0xFFFFF086;
	s6 =	sadd.s32 @!p0 s3, s7;
	s7 =	simm.s32 @!p0 $0x108  }
0x21: {  	s3 =	sadd.s32 s3, s9;
	s6 =	sadd.s32 @!p0 $0x88, s6;
	s7 =	simm.s32 @p2 $0x1082  }
0x22: {  	[simem:s7], [sflag:s8] =	dma.local @!p0 [hbm:s6], $0xF7A  }
0x23: {  	s9 =	sor.u32 $0xD0000000, s2;
	s6 =	simm.s32 $0x108;
	_ =	swait.ge @!p0 [sflag:s8], $0x0  }
0x24: {  	s3 =	sadd.s32 $0x88, s3;
	s6 =	simm.s32 @!p1 $0x1082;
	[sflag:s4] =	ssyncset.s32 $0xFFFFF086  }
0x25: {  	[simem:s6], [sflag:s4] =	dma.local [hbm:s3], $0xF7A  }
0x26: {  	[smem:$0x3FA0] =	sst s1;
	(tag) =	ssettag s2;
	_ =	strace s9  }
0x27: {  	s1 =	sld [smem:$0x3FB0]  }
0x28: {  	s2 =	sld [smem:$0x3FB1]  }
0x29: {  	s4 =	sld [smem:$0x3FB3]  }
0x2a: {  	p0 =	seq.s32 s5, $0x0;
	s5 =	sld [smem:$0x3FB4]  }
0x2b: {  	s6 =	sld [smem:$0x3FB5]  }
0x2c: {  	s7 =	sld [smem:$0x3FB6]  }
0x2d: {  	s3 =	simm.s32 $0x108;
	s8 =	sld [smem:$0x3FB7]  }
0x2e: {  	s3 =	simm.s32 @!p0 $0x1082;
	s9 =	sld [smem:$0x3FB8]  }
0x2f: {  	lr =	sadd.s32 s0, s3;
	s0 =	sld [smem:$0x3FAF]  }
0x30: {  	s3 =	sld [smem:$0x3FB2]  }
0x31: {  	[smem:$0x3FBB] =	sst s10  }
0x32: {  	s10 =	sld [smem:$0x3FB9];
	_ =	sdelay $0x3  }
0x33: {  	p0 =	seq.s32 s10, $0x1;
	s10 =	sld [smem:$0x3FBB];
	_ =	sdelay $0x3  }
0x34: {  	[smem:$0x3FBB] =	sst s10  }
0x35: {  	s10 =	sld [smem:$0x3FBA];
	_ =	sdelay $0x3  }
0x36: {  	p1 =	seq.s32 s10, $0x1;
	s10 =	sld [smem:$0x3FBB];
	_ =	sdelay $0x3  }
0x37: {  	[smem:$0x3FBB] =	sst s10  }
0x38: {  	s10 =	sld [smem:$0x3FBC]  }
0x39: {  	_ = 	snop;
	(pc) =	sbr.ind lr, $3  }
0x3a: {  	_ = 	snop  }
0x3b: {  	_ = 	snop  }
0x3c: {  	p2 =	seq.s32 s10, $0x1;
	s10 =	sld [smem:$0x3FBB]  }
0x3d: {  	_ =	shalt  }
0x3e: {  	_ =	shalt  }
0x3f: {  	_ =	shalt  }
0x40: {  	_ =	shalt  }
0x41: {  	_ =	shalt  }
0x42: {  	_ =	shalt  }
0x43: {  	_ =	shalt  }
0x44: {  	_ =	shalt  }
0x45: {  	_ =	shalt  }
0x46: {  	_ =	shalt  }
0x47: {  	_ =	shalt  }
0x48: {  	_ =	shalt  }
0x49: {  	_ =	shalt  }
0x4a: {  	_ =	shalt  }
0x4b: {  	_ =	shalt  }
0x4c: {  	_ =	shalt  }
0x4d: {  	_ =	shalt  }
0x4e: {  	_ =	shalt  }
0x4f: {  	_ =	shalt  }
0x50: {  	_ =	shalt  }
0x51: {  	_ =	shalt  }
0x52: {  	_ =	shalt  }
0x53: {  	_ =	shalt  }
0x54: {  	_ =	shalt  }
0x55: {  	_ =	shalt  }
0x56: {  	_ =	shalt  }
0x57: {  	_ =	shalt  }
0x58: {  	_ =	shalt  }
0x59: {  	_ =	shalt  }
0x5a: {  	_ =	shalt  }
0x5b: {  	_ =	shalt  }
0x5c: {  	_ =	shalt  }
0x5d: {  	_ =	shalt  }
0x5e: {  	_ =	shalt  }
0x5f: {  	_ =	shalt  }
0x60: {  	_ =	shalt  }
0x61: {  	_ =	shalt  }
0x62: {  	_ =	shalt  }
0x63: {  	_ =	shalt  }
0x64: {  	_ =	shalt  }
0x65: {  	_ =	shalt  }
0x66: {  	_ =	shalt  }
0x67: {  	_ =	shalt  }
0x68: {  	_ =	shalt  }
0x69: {  	_ =	shalt  }
0x6a: {  	_ =	shalt  }
0x6b: {  	_ =	shalt  }
0x6c: {  	_ =	shalt  }
0x6d: {  	_ =	shalt  }
0x6e: {  	_ =	shalt  }
0x6f: {  	_ =	shalt  }
0x70: {  	_ =	shalt  }
0x71: {  	_ =	shalt  }
0x72: {  	_ =	shalt  }
0x73: {  	_ =	shalt  }
0x74: {  	_ =	shalt  }
0x75: {  	_ =	shalt  }
0x76: {  	_ =	shalt  }
0x77: {  	_ =	shalt  }
0x78: {  	_ =	shalt  }
0x79: {  	_ =	shalt  }
0x7a: {  	_ =	shalt  }
0x7b: {  	_ =	shalt  }
0x7c: {  	_ =	shalt  }
0x7d: {  	_ =	shalt  }
0x7e: {  	_ =	shalt  }
0x7f: {  	_ =	shalt  }
0x80: {  	_ =	shalt  }
0x81: {  	_ =	shalt  }
0x82: {  	_ =	shalt  }
0x83: {  	_ =	shalt  }
0x84: {  	_ =	shalt  }
0x85: {  	_ =	shalt  }
0x86: {  	_ =	shalt  }
0x87: {  	_ =	shalt  }
.Lfunc_end0:
.L_simem_size_0:
called_computation_lowered:
.L_overlay_start_0:
0x88: {  	s2 =	sld [smem:$0x3FD9]  }
0x89: {  	s3 =	sld [smem:$0x3FFE];
	_ =	sdelay $0x1  }
0x8a: {  	s1 =	srdreg.scid  }
0x8b: {  	s0 =	sand.u32 $0x1, s1  }
0x8c: {  	s17 =	sshll.u32 s0, $0xA;
	s2 =	sadd.s32 s3, s2  }
0x8d: {  	s2 =	sadd.s32 s2, s17  }
0x8e: {  	[smem:$0x3FC7] =	sst s2  }
0x8f: {  	_ = 	snop  }
0x90: {  	s2 =	sld [smem:$0x3FD0];
	(tm) =	ssettm $0x1  }
0x91: {  	s18 =	sld [smem:$0x3FFB];
	_ =	sdelay $0x3  }
0x92: {  	_ =	strace s18  }
0x93: {  	s3 =	sld [smem:$0x3FFC];
	_ =	sdelay $0x3  }
0x94: {  	_ =	strace s3  }
0x95: {  	s3 =	sld [smem:$0x3FFD];
	_ =	sdelay $0x3  }
0x96: {  	_ =	strace s3  }
0x97: {  	_ =	strace $0x8FFFFFFF  }
0x98: {  	s19 =	sld [smem:$0x3FDB];
	_ =	sdelay $0x1  }
0x99: {  	s4 =	simm.s32 $_scs_section_size  }
0x9a: {  	s5 =	simm.s32 $_size__tile_overlayer_lowered;
	s6 =	simm.s32 $_tile_overlayer_lowered  }
0x9b: {  	s22 =	simm.s32 $0x1BFF;
	s21 =	sshll.u32 s6, $0x1;
	s3 =	sadd.s32 s4, s19  }
0x9c: {  	s7 =	simm.s32 $0x0;
	s20 =	sshll.u32 s5, $0x1;
	s5 =	sadd.s32 s21, s3  }
0x9d: {  	[timem:s7], [sflag:s22] =	dma.local [hbm:s5], s20  }
0x9e: {  	_ =	swait.ge [sflag:s22], s20  }
0x9f: {  	s4 =	ssub.s32 $0x0, s20;
	[sflag:s22] =	ssyncset.done $0x0  }
0xa0: {  	[sflag:s22] =	ssyncadd.s32 s4;
	_ =	sdelay $0x1  }
0xa1: {  	s23 =	simm.s32 $0x1B8B  }
0xa2: {  	_ =	swait.ge [sflag:s23], $0x1  }
0xa3: {  	[sflag:s23] =	ssyncset.done $0x0  }
0xa4: {  	s25 =	simm.s32 $0x1B8E;
	s24 =	sld [smem:$0x3FFE];
	[sflag:s23] =	ssyncadd.s32 $0xFFFFFFFF  }
0xa5: {  	s26 =	simm.s32 $execute0_lowered;
	[smem:$0x3FD2] =	sst s25  }
0xa6: {  	s5 =	sshll.u32 s26, $0x1;
	_ =	strace $0x80000046;
	[dreg:$0x1] =	wrdreg $0xFFFFFFFF  }
0xa7: {  	s28 =	simm.s32 $_size_execute0_lowered;
	s3 =	sadd.s32 s3, s5;
	[dreg:$0x0] =	wrdreg $0x0  }
0xa8: {  	s5 =	sshll.u32 s28, $0x1;
	[dreg:$0x2] =	wrdreg s3  }
0xa9: {  	[dreg:$0x3] =	wrdreg s5  }
0xaa: {  	[dreg:$0x4] =	wrdreg $0xC0  }
0xab: {  	_ =	task [dreg:s7], $0x5FFFF  }
0xac: {  	[dreg:$0x1] =	wrdreg $0xFFFFFFFF  }
0xad: {  	[dreg:$0x0] =	wrdreg $0x60  }
0xae: {  	[dreg:$0x2] =	wrdreg s24  }
0xaf: {  	[dreg:$0x3] =	wrdreg s2  }
0xb0: {  	[dreg:$0x4] =	wrdreg $0x0  }
0xb1: {  	[dreg:$0x5] =	wrdreg $0x9  }
0xb2: {  	_ =	task.clear_ibuf [dreg:s7], $0x6FFFF;
	_ =	strace $0x90000046  }
0xb3: {  	s29 =	simm.s32 $0x9;
	_ =	strace $0x80000048  }
0xb4: {  	_ =	swait.ge [sflag:s29], $0x1  }
0xb5: {  	[sflag:s29] =	ssyncadd.s32 $0xFFFFFFFF  }
0xb6: {  	_ =	strace $0x90000048  }
0xb7: {  	_ =	sfence  }
0xb8: {  	s30 =	sld [smem:$0x0];
	_ =	sdelay $0x2  }
0xb9: {  	s31 =	sshll.u32 s1, $0xD;
	s1 =	sshrl.u32 s1, $0x2  }
0xba: {  	s3 =	sand.u32 $0x4000, s31;
	s1 =	sadd.s32 s1, s30  }
0xbb: {  	s0 =	sor.u32 s3, s0;
	s1 =	sshll.u32 s1, $0x11  }
0xbc: {  	s0 =	sor.u32 s1, s0  }
0xbd: {  	s0 =	sadd.s32 $0x8F2B, s0  }
0xbe: {  	[sflag:s0] =	ssyncadd.remote.s32 $0x1  }
0xbf: {  	_ =	sfence.sel $0xFFFF  }
0xc0: {  	[dreg:$0x0] =	wrdreg $0xFFFFFFFF;
	(pc) =	sbr.abs _section_cstart, $3  }
0xc1: {  	[dreg:$0x1] =	wrdreg $0xFFFFFFFF  }
0xc2: {  	_ =	task.clear_ibuf [dreg:s7], $0x2FFFF;
	_ =	strace $0x9FFFFFFF  }
0xc3: {  	(tm) =	ssettm $0x7FFFFFFF  }
tec
execute0_lowered:
.L_overlay_start_1:
0x0: {  	(tag) =	ssettag $0x1  }
0x1: {  	s6 =	stileid.u32  }
0x2: {  	s0 =	srdreg.scid;
	s2 =	smul.u32 $0x13880, s6  }
0x3: {  	s0 =	sand.u32 $0x1, s0;
	s6 =	smul.u32 $0x68, s6  }
0x4: {  	s3 =	rddreg [dreg:$0x0];
	s5 =	smul.u32 $0x680, s0  }
0x5: {  	s4 =	rddreg [dreg:$0x1];
	s7 =	simm.s32 $0x0;
	s1 =	smul.u32 $0x138800, s0  }
0x6: {  	[smem:$0x7FF] =	sst s7;
	s5 =	sadd.s32 s6, s5  }
0x7: {  	s7 =	sadd.s32 $0xA00, s3;
	s1 =	sadd.s32 s2, s1;
	s5 =	sshll.u32 s5, $0x4  }
0x8: {  	s8 =	ssub.s32 $0x2, s0;
	s1 =	sshrl.u32 s1, $0x3;
	s10 =	sadd.s32 $0x380, s5  }
0x9: {  	s9 =	sshrl.u32 s8, $0x1;
	s0 =	sadd.s32 s1, s3;
	s11 =	sadd.s32 s7, s10  }
0xa: {  	s12 =	sadd.s32 $0xD000, s5;
	s3 =	sadd.s32 s4, s10;
	[dreg:$0x4] =	wrdreg s11  }
0xb: {  	s1 =	ssub.s32 s8, s9;
	s13 =	sadd.s32 s7, s12;
	[dreg:$0x5] =	wrdreg s3  }
0xc: {  	s14 =	sadd.s32 $0xD380, s5;
	s6 =	sadd.s32 s4, s12;
	[dreg:$0x6] =	wrdreg s13  }
0xd: {  	s16 =	sadd.s32 $0x1A000, s5;
	s15 =	sadd.s32 s7, s14;
	[dreg:$0x7] =	wrdreg s6  }
0xe: {  	s18 =	sadd.s32 $0x1A380, s5;
	s17 =	sadd.s32 s7, s16;
	[dreg:$0x8] =	wrdreg s15  }
0xf: {  	s20 =	sadd.s32 $0x27000, s5;
	s19 =	sadd.s32 s7, s18;
	[dreg:$0xa] =	wrdreg s17  }
0x10: {  	s22 =	sadd.s32 $0x27380, s5;
	s21 =	sadd.s32 s7, s20;
	[dreg:$0xc] =	wrdreg s19  }
0x11: {  	s24 =	sadd.s32 $0x34000, s5;
	s23 =	sadd.s32 s7, s22;
	[dreg:$0xe] =	wrdreg s21  }
0x12: {  	s26 =	sadd.s32 $0x34380, s5;
	s25 =	sadd.s32 s7, s24;
	[dreg:$0x10] =	wrdreg s23  }
0x13: {  	s9 =	sadd.s32 $0x41000, s5;
	s8 =	sadd.s32 s7, s26;
	[dreg:$0x12] =	wrdreg s25  }
0x14: {  	s10 =	sadd.s32 s7, s9;
	[dreg:$0x14] =	wrdreg s8  }
0x15: {  	s3 =	sadd.s32 s4, s14;
	[dreg:$0x16] =	wrdreg s10  }
0x16: {  	s6 =	sadd.s32 s4, s16;
	[dreg:$0x9] =	wrdreg s3  }
0x17: {  	s21 =	sadd.s32 s7, s5;
	[dreg:$0xb] =	wrdreg s6  }
0x18: {  	s3 =	sadd.s32 s4, s18;
	[smem:$0x7CD] =	sst s21  }
0x19: {  	s11 =	sadd.s32 $0x41380, s5;
	s6 =	sadd.s32 s4, s20;
	[dreg:$0xd] =	wrdreg s3  }
0x1a: {  	s13 =	sadd.s32 $0x4E000, s5;
	s12 =	sadd.s32 s7, s11;
	[dreg:$0xf] =	wrdreg s6  }
0x1b: {  	s15 =	sadd.s32 $0x4E380, s5;
	s14 =	sadd.s32 s7, s13;
	[dreg:$0x18] =	wrdreg s12  }
0x1c: {  	s17 =	sadd.s32 $0x5B000, s5;
	s16 =	sadd.s32 s7, s15;
	[dreg:$0x1a] =	wrdreg s14  }
0x1d: {  	s19 =	sadd.s32 $0x5B380, s5;
	s18 =	sadd.s32 s7, s17;
	[dreg:$0x1c] =	wrdreg s16  }
0x1e: {  	s23 =	sadd.s32 $0x68000, s5;
	s20 =	sadd.s32 s7, s19;
	[dreg:$0x1e] =	wrdreg s18  }
0x1f: {  	s8 =	sadd.s32 s7, s23;
	[smem:$0x7CB] =	sst s20  }
0x20: {  	s3 =	sadd.s32 s4, s22;
	[smem:$0x7CF] =	sst s8  }
0x21: {  	s6 =	sadd.s32 s4, s24;
	[dreg:$0x11] =	wrdreg s3  }
0x22: {  	s22 =	sadd.s32 s4, s5;
	[dreg:$0x13] =	wrdreg s6  }
0x23: {  	s3 =	sadd.s32 s4, s26;
	[smem:$0x7CE] =	sst s22  }
0x24: {  	s5 =	sadd.s32 $0x68380, s5;
	s6 =	sadd.s32 s4, s9;
	[dreg:$0x15] =	wrdreg s3  }
0x25: {  	s24 =	sadd.s32 s7, s5;
	[dreg:$0x17] =	wrdreg s6  }
0x26: {  	s3 =	sadd.s32 s4, s11;
	[smem:$0x7D1] =	sst s24  }
0x27: {  	s6 =	sadd.s32 s4, s13;
	[dreg:$0x19] =	wrdreg s3  }
0x28: {  	[dreg:$0x1b] =	wrdreg s6;
	s3 =	sadd.s32 s4, s15  }
0x29: {  	s6 =	sadd.s32 s4, s17;
	[dreg:$0x1d] =	wrdreg s3  }
0x2a: {  	[dreg:$0x1f] =	wrdreg s6;
	s3 =	sadd.s32 s4, s19  }
0x2b: {  	[smem:$0x7CC] =	sst s3  }
0x2c: {  	s6 =	sadd.s32 s4, s23;
	s3 =	rddreg [dreg:$0x2]  }
0x2d: {  	s4 =	sadd.s32 s4, s5;
	[smem:$0x7D0] =	sst s6  }
0x2e: {  	s25 =	sadd.s32 $0x75A00, s0;
	[smem:$0x7D2] =	sst s4  }
0x2f: {  	s26 =	sadd.s32 $0x75B90, s0;
	_ =	strace $0x80000047;
	[smem:$0x7D3] =	sst s25  }
0x30: {  	s5 =	sadd.s32 $0x75D20, s0;
	[smem:$0x7D4] =	sst s26  }
0x31: {  	s6 =	sadd.s32 $0x75EB0, s0;
	[smem:$0x7D5] =	sst s5  }
0x32: {  	s7 =	sadd.s32 $0x76040, s0;
	[smem:$0x7D6] =	sst s6  }
0x33: {  	s8 =	sadd.s32 $0x761D0, s0;
	[smem:$0x7D7] =	sst s7  }
0x34: {  	s9 =	sadd.s32 $0x76360, s0;
	[smem:$0x7D8] =	sst s8  }
0x35: {  	s10 =	sadd.s32 $0x764F0, s0;
	[smem:$0x7D9] =	sst s9  }
0x36: {  	s11 =	sadd.s32 $0x76680, s0;
	[smem:$0x7DA] =	sst s10  }
0x37: {  	s12 =	sadd.s32 $0x76810, s0;
	[smem:$0x7DB] =	sst s11  }
0x38: {  	s13 =	sadd.s32 $0x769A0, s0;
	[smem:$0x7DC] =	sst s12  }
0x39: {  	s14 =	sadd.s32 $0x76B30, s0;
	[smem:$0x7DD] =	sst s13  }
0x3a: {  	s15 =	sadd.s32 $0x76CC0, s0;
	[smem:$0x7DE] =	sst s14  }
0x3b: {  	s16 =	sadd.s32 $0x76E50, s0;
	[smem:$0x7DF] =	sst s15  }
0x3c: {  	s17 =	sadd.s32 $0x76FE0, s0;
	[smem:$0x7E0] =	sst s16  }
0x3d: {  	s18 =	sadd.s32 $0x77170, s0;
	[smem:$0x7E1] =	sst s17  }
0x3e: {  	s19 =	sadd.s32 $0x77300, s0;
	[smem:$0x7E2] =	sst s18  }
0x3f: {  	s20 =	sadd.s32 $0x77490, s0;
	[smem:$0x7E3] =	sst s19  }
0x40: {  	s21 =	sadd.s32 $0x77620, s0;
	[smem:$0x7E4] =	sst s20  }
0x41: {  	s22 =	sadd.s32 $0x777B0, s0;
	[smem:$0x7E5] =	sst s21  }
0x42: {  	s23 =	sadd.s32 $0x77940, s0;
	[smem:$0x7E6] =	sst s22  }
0x43: {  	s24 =	sadd.s32 $0x77AD0, s0;
	[smem:$0x7E7] =	sst s23  }
0x44: {  	[smem:$0x7E8] =	sst s24;
	s25 =	sadd.s32 $0x77C60, s0  }
0x45: {  	s26 =	sadd.s32 $0x77DF0, s0;
	[smem:$0x7E9] =	sst s25  }
0x46: {  	s0 =	sadd.s32 $0x77F80, s0;
	[smem:$0x7EA] =	sst s26  }
0x47: {  	s5 =	smax.u32 s1, $0x1;
	[smem:$0x7EB] =	sst s0  }
0x48: {  	s4 =	sadd.s32 s2, s3;
	[smem:$0x7EC] =	sst s5  }
0x49: {  	s6 =	sadd.s32 $0x7080, s4;
	[smem:$0x7FC] =	sst s4  }
0x4a: {  	s7 =	sadd.s32 $0x7D00, s4;
	[smem:$0x7ED] =	sst s6  }
0x4b: {  	s8 =	sadd.s32 $0x8980, s4;
	[smem:$0x7EE] =	sst s7  }
0x4c: {  	s31 =	simm.s32 $0x13880;
	s9 =	sadd.s32 $0x9600, s4;
	[smem:$0x7EF] =	sst s8  }
0x4d: {  	s1 =	simm.s32 $0x15480;
	s10 =	sadd.s32 $0xA280, s4;
	[smem:$0x7F0] =	sst s9  }
0x4e: {  	s2 =	simm.s32 $0x1A880;
	s11 =	sadd.s32 $0xAF00, s4;
	[smem:$0x7F1] =	sst s10  }
0x4f: {  	s22 =	sadd.s32 $0xC80, s4;
	s12 =	sadd.s32 $0xBB80, s4;
	[smem:$0x7F2] =	sst s11  }
0x50: {  	s23 =	sadd.s32 $0x1900, s4;
	s13 =	sadd.s32 $0xC800, s4;
	[smem:$0x7F3] =	sst s12  }
0x51: {  	s24 =	sadd.s32 $0x2580, s4;
	s14 =	sadd.s32 $0xD480, s4;
	[smem:$0x7F4] =	sst s13  }
0x52: {  	s25 =	sadd.s32 $0x3200, s4;
	s15 =	sadd.s32 $0xE100, s4;
	[smem:$0x7F5] =	sst s14  }
0x53: {  	s26 =	sadd.s32 $0x3E80, s4;
	s16 =	sadd.s32 $0xED80, s4;
	[smem:$0x7F6] =	sst s15  }
0x54: {  	s28 =	sadd.s32 $0x4B00, s4;
	s17 =	sadd.s32 $0xFA00, s4;
	[smem:$0x7F7] =	sst s16  }
0x55: {  	s29 =	sadd.s32 $0x5780, s4;
	s18 =	sadd.s32 $0x10680, s4;
	[smem:$0x7F8] =	sst s17  }
0x56: {  	s30 =	sadd.s32 $0x6400, s4;
	s19 =	sadd.s32 $0x11300, s4;
	[smem:$0x7F9] =	sst s18  }
0x57: {  	s20 =	sadd.s32 $0x11F80, s4;
	s21 =	sadd.s32 $0x12C00, s4;
	[smem:$0x7FA] =	sst s19  }
0x58: {  	s0 =	simm.s32 $0x18C80;
	s4 =	simm.s32 $0x1E080;
	[smem:$0x7FB] =	sst s20  }
0x59: {  	s5 =	simm.s32 $0x9;
	[smem:$0x7FD] =	sst s21;
	s6 =	simm.s32 $0x1  }
0x5a: {  	s7 =	simm.s32 $0x1C00;
	s9 =	simm.s32 $0x17080;
	s10 =	simm.s32 $0x1C480  }
0x5b: {  	s11 =	simm.s32 $0x2;
	s12 =	simm.s32 $0x4;
	s13 =	simm.s32 $0x3  }
0x5c: {  	s14 =	simm.s32 $0x5;
	s15 =	simm.s32 $0x6;
	s16 =	simm.s32 $0x7  }
0x5d: {  	v0 =	vimm.s32 $0x0;
	v1 =	vimm.f32 $0.0e+00;
	s17 =	simm.s32 $0x1ED00;
	s18 =	simm.s32 $0x8;
	s19 =	simm.s32 $0x0  }
.LBB2_1:
0x5e: {  	s8 =	smov.u32 s30  }
0x5f: {  	s30 =	smov.u32 s29;
	s29 =	smov.u32 s28;
	s28 =	smov.u32 s26  }
0x60: {  	s26 =	smov.u32 s25;
	s25 =	smov.u32 s24;
	s24 =	smov.u32 s23  }
0x61: {  	s23 =	smov.u32 s22;
	s20 =	simm.s32 $0x40;
	s21 =	simm.s32 $0x0  }
.LBB2_2:
0x62: {  	p0 =	sne.s32 s20, $0xFC0;
	[tilespmem:s21+$0x15080] =	vst v0;
	s22 =	smov.u32 s20;
	s20 =	sadd.s32 $0x40, s20  }
.Ltmp0:
0x63: {  	[tilespmem:s21+$0x1A480] =	vst v1;
	(pc) =	sbr.rel @p0 .LBB2_2-.Ltmp0, $2  }
0x64: {  	_ =	sdelay $0x2  }
0x65: {  	s21 =	sshra.s32 s22, $0x2  }
0x66: {  	[tilespmem:s21+$0x15080] =	vst v0  }
0x67: {  	[tilespmem:s21+$0x1A480] =	vst v1;
	s20 =	simm.s32 $0x40;
	s21 =	simm.s32 $0x0  }
.LBB2_4:
0x68: {  	p0 =	sne.s32 s20, $0xFC0;
	[tilespmem:s21+$0x16C80] =	vst v0;
	s22 =	smov.u32 s20;
	s20 =	sadd.s32 $0x40, s20  }
.Ltmp1:
0x69: {  	[tilespmem:s21+$0x1C080] =	vst v1;
	(pc) =	sbr.rel @p0 .LBB2_4-.Ltmp1, $2  }
0x6a: {  	_ =	sdelay $0x2  }
0x6b: {  	s21 =	sshra.s32 s22, $0x2  }
0x6c: {  	[tilespmem:s21+$0x16C80] =	vst v0  }
0x6d: {  	[tilespmem:s21+$0x1C080] =	vst v1;
	s20 =	simm.s32 $0x40;
	s21 =	simm.s32 $0x0  }
.LBB2_6:
0x6e: {  	p0 =	sne.s32 s20, $0xFC0;
	[tilespmem:s21+$0x18880] =	vst v0;
	s22 =	smov.u32 s20;
	s20 =	sadd.s32 $0x40, s20  }
.Ltmp2:
0x6f: {  	[tilespmem:s21+$0x1DC80] =	vst v1;
	(pc) =	sbr.rel @p0 .LBB2_6-.Ltmp2, $2  }
0x70: {  	_ =	sdelay $0x2  }
0x71: {  	s21 =	sshra.s32 s22, $0x2  }
0x72: {  	s22 =	sld [smem:$0x7CD]  }
0x73: {  	[tilespmem:s21+$0x18880] =	vst v0  }
0x74: {  	[tilespmem:s21+$0x1DC80] =	vst v1;
	s20 =	simm.s32 $0x0  }
0x75: {  	[tilespmem:s31], [sflag:$0x1] =	stream.linear.gather [hbm4b:s22+s20], $0x1C00, $0x38;
	[tilespmem:$0x1F980] =	vst v63  }
0x76: {  	s22 =	sld [smem:$0x7CE];
	_ =	sdelay $0x2  }
0x77: {  	[tilespmem:s0], [sflag:$0x1] =	stream.linear.gather [hbm4b:s22+s20], $0x1C00, $0x38;
	[tilespmem:$0x1F980] =	vst v63  }
0x78: {  	s22 =	rddreg [dreg:$0x4]  }
0x79: {  	[tilespmem:s1], [sflag:$0x2] =	stream.linear.gather [hbm4b:s22+s20], $0x1800, $0x38;
	[tilespmem:$0x1F980] =	vst v63  }
0x7a: {  	s22 =	rddreg [dreg:$0x5]  }
0x7b: {  	[tilespmem:s2], [sflag:$0x2] =	stream.linear.gather [hbm4b:s22+s20], $0x1800, $0x38;
	[tilespmem:$0x1F980] =	vst v63  }
0x7c: {  	s21 =	simm.s32 $0x0;
	s20 =	simm.s32 $0x40  }
.LBB2_8:
0x7d: {  	p0 =	sne.s32 s20, $0x31C0;
	[tilespmem:s21+$0x1E080] =	vst v1;
	s21 =	smov.u32 s20;
	s20 =	sadd.s32 $0x40, s20  }
.Ltmp3:
0x7e: {  	(pc) =	sbr.rel @p0 .LBB2_8-.Ltmp3, $2  }
0x7f: {  	_ =	sdelay $0x2  }
0x80: {  	s21 =	sshra.s32 s21, $0x2  }
0x81: {  	s20 =	sld [smem:$0x7FC];
	_ =	sdelay $0x1  }
0x82: {  	[tilespmem:s21+$0x1E080] =	vst v1  }
0x83: {  	[spmem:s20] =	stream.linear.scatter [tilespmem:s4], [sflag:$0x9], $0xC80, $0x38;
	[tilespmem:$0x1F980] =	vst v63  }
0x84: {  	_ = 	snop  }
0x85: {  	[spmem:s23] =	stream.linear.scatter [tilespmem:s4], [sflag:$0x9], $0xC80, $0x38;
	[tilespmem:$0x1F980] =	vst v63  }
0x86: {  	_ = 	snop  }
0x87: {  	[spmem:s24] =	stream.linear.scatter [tilespmem:s4], [sflag:$0x9], $0xC80, $0x38;
	[tilespmem:$0x1F980] =	vst v63  }
0x88: {  	_ = 	snop  }
0x89: {  	[spmem:s25] =	stream.linear.scatter [tilespmem:s4], [sflag:$0x9], $0xC80, $0x38;
	[tilespmem:$0x1F980] =	vst v63  }
0x8a: {  	_ = 	snop  }
0x8b: {  	[spmem:s26] =	stream.linear.scatter [tilespmem:s4], [sflag:$0x9], $0xC80, $0x38;
	[tilespmem:$0x1F980] =	vst v63  }
0x8c: {  	_ = 	snop  }
0x8d: {  	[spmem:s28] =	stream.linear.scatter [tilespmem:s4], [sflag:$0x9], $0xC80, $0x38;
	[tilespmem:$0x1F980] =	vst v63  }
0x8e: {  	_ = 	snop  }
0x8f: {  	[spmem:s29] =	stream.linear.scatter [tilespmem:s4], [sflag:$0x9], $0xC80, $0x38;
	[tilespmem:$0x1F980] =	vst v63  }
0x90: {  	_ = 	snop  }
0x91: {  	[spmem:s30] =	stream.linear.scatter [tilespmem:s4], [sflag:$0x9], $0xC80, $0x38;
	[tilespmem:$0x1F980] =	vst v63  }
0x92: {  	s20 =	sld [smem:$0x7ED]  }
0x93: {  	[spmem:s8] =	stream.linear.scatter [tilespmem:s4], [sflag:$0x9], $0xC80, $0x38;
	[tilespmem:$0x1F980] =	vst v63  }
0x94: {  	s21 =	sld [smem:$0x7EE]  }
0x95: {  	[spmem:s20] =	stream.linear.scatter [tilespmem:s4], [sflag:$0x9], $0xC80, $0x38;
	[tilespmem:$0x1F980] =	vst v63  }
0x96: {  	s20 =	sld [smem:$0x7EF]  }
0x97: {  	[spmem:s21] =	stream.linear.scatter [tilespmem:s4], [sflag:$0x9], $0xC80, $0x38;
	[tilespmem:$0x1F980] =	vst v63  }
0x98: {  	s21 =	sld [smem:$0x7F0]  }
0x99: {  	[spmem:s20] =	stream.linear.scatter [tilespmem:s4], [sflag:$0x9], $0xC80, $0x38;
	[tilespmem:$0x1F980] =	vst v63  }
0x9a: {  	s20 =	sld [smem:$0x7F1]  }
0x9b: {  	[spmem:s21] =	stream.linear.scatter [tilespmem:s4], [sflag:$0x9], $0xC80, $0x38;
	[tilespmem:$0x1F980] =	vst v63  }
0x9c: {  	s21 =	sld [smem:$0x7F2]  }
0x9d: {  	[spmem:s20] =	stream.linear.scatter [tilespmem:s4], [sflag:$0x9], $0xC80, $0x38;
	[tilespmem:$0x1F980] =	vst v63  }
0x9e: {  	s20 =	sld [smem:$0x7F3]  }
0x9f: {  	[spmem:s21] =	stream.linear.scatter [tilespmem:s4], [sflag:$0x9], $0xC80, $0x38;
	[tilespmem:$0x1F980] =	vst v63  }
0xa0: {  	s21 =	sld [smem:$0x7F4]  }
0xa1: {  	[spmem:s20] =	stream.linear.scatter [tilespmem:s4], [sflag:$0x9], $0xC80, $0x38;
	[tilespmem:$0x1F980] =	vst v63  }
0xa2: {  	s20 =	sld [smem:$0x7F5]  }
0xa3: {  	[spmem:s21] =	stream.linear.scatter [tilespmem:s4], [sflag:$0x9], $0xC80, $0x38;
	[tilespmem:$0x1F980] =	vst v63  }
0xa4: {  	s21 =	sld [smem:$0x7F6]  }
0xa5: {  	[spmem:s20] =	stream.linear.scatter [tilespmem:s4], [sflag:$0x9], $0xC80, $0x38;
	[tilespmem:$0x1F980] =	vst v63  }
0xa6: {  	s20 =	sld [smem:$0x7F7]  }
0xa7: {  	[spmem:s21] =	stream.linear.scatter [tilespmem:s4], [sflag:$0x9], $0xC80, $0x38;
	[tilespmem:$0x1F980] =	vst v63  }
0xa8: {  	s21 =	sld [smem:$0x7F8]  }
0xa9: {  	[spmem:s20] =	stream.linear.scatter [tilespmem:s4], [sflag:$0x9], $0xC80, $0x38;
	[tilespmem:$0x1F980] =	vst v63  }
0xaa: {  	s20 =	sld [smem:$0x7F9]  }
0xab: {  	[spmem:s21] =	stream.linear.scatter [tilespmem:s4], [sflag:$0x9], $0xC80, $0x38;
	[tilespmem:$0x1F980] =	vst v63  }
0xac: {  	s21 =	sld [smem:$0x7FA]  }
0xad: {  	[spmem:s20] =	stream.linear.scatter [tilespmem:s4], [sflag:$0x9], $0xC80, $0x38;
	[tilespmem:$0x1F980] =	vst v63  }
0xae: {  	s20 =	sld [smem:$0x7FB]  }
0xaf: {  	[spmem:s21] =	stream.linear.scatter [tilespmem:s4], [sflag:$0x9], $0xC80, $0x38;
	[tilespmem:$0x1F980] =	vst v63  }
0xb0: {  	s21 =	sld [smem:$0x7FD]  }
0xb1: {  	[spmem:s20] =	stream.linear.scatter [tilespmem:s4], [sflag:$0x9], $0xC80, $0x38;
	[tilespmem:$0x1F980] =	vst v63  }
0xb2: {  	_ = 	snop  }
0xb3: {  	[spmem:s21] =	stream.linear.scatter [tilespmem:s4], [sflag:$0x9], $0xC80, $0x38;
	[tilespmem:$0x1F980] =	vst v63  }
0xb4: {  	_ =	swait.ge [sflag:s5], $0xC80  }
0xb5: {  	[sflag:s5] =	ssyncset.done $0x0  }
0xb6: {  	[sflag:s5] =	ssyncadd.s32 $0xFFFFF380  }
0xb7: {  	_ =	swait.ge [sflag:s5], $0xC80  }
0xb8: {  	[sflag:s5] =	ssyncset.done $0x0  }
0xb9: {  	[sflag:s5] =	ssyncadd.s32 $0xFFFFF380  }
0xba: {  	_ =	swait.ge [sflag:s5], $0xC80  }
0xbb: {  	[sflag:s5] =	ssyncset.done $0x0  }
0xbc: {  	[sflag:s5] =	ssyncadd.s32 $0xFFFFF380  }
0xbd: {  	_ =	swait.ge [sflag:s5], $0xC80  }
0xbe: {  	[sflag:s5] =	ssyncset.done $0x0  }
0xbf: {  	[sflag:s5] =	ssyncadd.s32 $0xFFFFF380  }
0xc0: {  	_ =	swait.ge [sflag:s5], $0xC80  }
0xc1: {  	[sflag:s5] =	ssyncset.done $0x0  }
0xc2: {  	[sflag:s5] =	ssyncadd.s32 $0xFFFFF380  }
0xc3: {  	_ =	swait.ge [sflag:s5], $0xC80  }
0xc4: {  	[sflag:s5] =	ssyncset.done $0x0  }
0xc5: {  	[sflag:s5] =	ssyncadd.s32 $0xFFFFF380  }
0xc6: {  	_ =	swait.ge [sflag:s5], $0xC80  }
0xc7: {  	[sflag:s5] =	ssyncset.done $0x0  }
0xc8: {  	[sflag:s5] =	ssyncadd.s32 $0xFFFFF380  }
0xc9: {  	_ =	swait.ge [sflag:s5], $0xC80  }
0xca: {  	[sflag:s5] =	ssyncset.done $0x0  }
0xcb: {  	[sflag:s5] =	ssyncadd.s32 $0xFFFFF380  }
0xcc: {  	_ =	swait.ge [sflag:s5], $0xC80  }
0xcd: {  	[sflag:s5] =	ssyncset.done $0x0  }
0xce: {  	[sflag:s5] =	ssyncadd.s32 $0xFFFFF380  }
0xcf: {  	_ =	swait.ge [sflag:s5], $0xC80  }
0xd0: {  	[sflag:s5] =	ssyncset.done $0x0  }
0xd1: {  	[sflag:s5] =	ssyncadd.s32 $0xFFFFF380  }
0xd2: {  	_ =	swait.ge [sflag:s5], $0xC80  }
0xd3: {  	[sflag:s5] =	ssyncset.done $0x0  }
0xd4: {  	[sflag:s5] =	ssyncadd.s32 $0xFFFFF380  }
0xd5: {  	_ =	swait.ge [sflag:s5], $0xC80  }
0xd6: {  	[sflag:s5] =	ssyncset.done $0x0  }
0xd7: {  	[sflag:s5] =	ssyncadd.s32 $0xFFFFF380  }
0xd8: {  	_ =	swait.ge [sflag:s5], $0xC80  }
0xd9: {  	[sflag:s5] =	ssyncset.done $0x0  }
0xda: {  	[sflag:s5] =	ssyncadd.s32 $0xFFFFF380  }
0xdb: {  	_ =	swait.ge [sflag:s5], $0xC80  }
0xdc: {  	[sflag:s5] =	ssyncset.done $0x0  }
0xdd: {  	[sflag:s5] =	ssyncadd.s32 $0xFFFFF380  }
0xde: {  	_ =	swait.ge [sflag:s5], $0xC80  }
0xdf: {  	[sflag:s5] =	ssyncset.done $0x0  }
0xe0: {  	[sflag:s5] =	ssyncadd.s32 $0xFFFFF380  }
0xe1: {  	_ =	swait.ge [sflag:s5], $0xC80  }
0xe2: {  	[sflag:s5] =	ssyncset.done $0x0  }
0xe3: {  	[sflag:s5] =	ssyncadd.s32 $0xFFFFF380  }
0xe4: {  	_ =	swait.ge [sflag:s5], $0xC80  }
0xe5: {  	[sflag:s5] =	ssyncset.done $0x0  }
0xe6: {  	[sflag:s5] =	ssyncadd.s32 $0xFFFFF380  }
0xe7: {  	_ =	swait.ge [sflag:s5], $0xC80  }
0xe8: {  	[sflag:s5] =	ssyncset.done $0x0  }
0xe9: {  	[sflag:s5] =	ssyncadd.s32 $0xFFFFF380  }
0xea: {  	_ =	swait.ge [sflag:s5], $0xC80  }
0xeb: {  	[sflag:s5] =	ssyncset.done $0x0  }
0xec: {  	[sflag:s5] =	ssyncadd.s32 $0xFFFFF380  }
0xed: {  	_ =	swait.ge [sflag:s5], $0xC80  }
0xee: {  	[sflag:s5] =	ssyncset.done $0x0  }
0xef: {  	[sflag:s5] =	ssyncadd.s32 $0xFFFFF380  }
0xf0: {  	_ =	swait.ge [sflag:s5], $0xC80  }
0xf1: {  	[sflag:s5] =	ssyncset.done $0x0  }
0xf2: {  	[sflag:s5] =	ssyncadd.s32 $0xFFFFF380  }
0xf3: {  	_ =	swait.ge [sflag:s5], $0xC80  }
0xf4: {  	[sflag:s5] =	ssyncset.done $0x0  }
0xf5: {  	[sflag:s5] =	ssyncadd.s32 $0xFFFFF380  }
0xf6: {  	_ =	swait.ge [sflag:s5], $0xC80  }
0xf7: {  	[sflag:s5] =	ssyncset.done $0x0  }
0xf8: {  	[sflag:s5] =	ssyncadd.s32 $0xFFFFF380  }
0xf9: {  	_ =	swait.ge [sflag:s5], $0xC80  }
0xfa: {  	[sflag:s5] =	ssyncset.done $0x0  }
0xfb: {  	[sflag:s5] =	ssyncadd.s32 $0xFFFFF380  }
0xfc: {  	_ =	swait.ge [sflag:s5], $0xC80  }
0xfd: {  	[sflag:s5] =	ssyncset.done $0x0  }
0xfe: {  	[sflag:s5] =	ssyncadd.s32 $0xFFFFF380  }
0xff: {  	[bflag:$0x0] =	sbarrier.arrive $0xFFFF  }
0x100: {  	_ =	swait.ge [sflag:s6], $0x1C00  }
0x101: {  	[sflag:s6] =	ssyncset.done $0x0  }
0x102: {  	s22 =	smov.u32 s23;
	[sflag:s6] =	ssyncadd.s32 $0xFFFFE400  }
0x103: {  	s23 =	smov.u32 s24;
	s24 =	smov.u32 s25;
	_ =	swait.ge [sflag:s6], $0x1C00  }
0x104: {  	s25 =	smov.u32 s26;
	s26 =	smov.u32 s28;
	[sflag:s6] =	ssyncset.done $0x0  }
0x105: {  	s28 =	smov.u32 s29;
	s29 =	smov.u32 s30;
	[sflag:s6] =	ssyncadd.s32 $0xFFFFE400  }
0x106: {  	[spmem:s3] =	stream.indirect.scatter.add.f32 [tilespmem:s0], [sflag:$0x4], $0x1, s31, s7, $0xb8;
	[tilespmem:$0x1F980] =	vst v63  }
0x107: {  	s30 =	smov.u32 s8;
	s21 =	simm.s32 $0x0;
	s8 =	rddreg [dreg:$0x6]  }
0x108: {  	[tilespmem:s9], [sflag:$0x3] =	stream.linear.gather [hbm4b:s8+s21], $0x1C00, $0x38;
	[tilespmem:$0x1F980] =	vst v63  }
0x109: {  	s8 =	rddreg [dreg:$0x7]  }
0x10a: {  	[tilespmem:s10], [sflag:$0x3] =	stream.linear.gather [hbm4b:s8+s21], $0x1C00, $0x38;
	[tilespmem:$0x1F980] =	vst v63  }
0x10b: {  	_ =	swait.ge [sflag:s11], $0x1800  }
0x10c: {  	[sflag:s11] =	ssyncset.done $0x0  }
0x10d: {  	[sflag:s11] =	ssyncadd.s32 $0xFFFFE800  }
0x10e: {  	_ =	swait.ge [sflag:s11], $0x1800  }
0x10f: {  	[sflag:s11] =	ssyncset.done $0x0  }
0x110: {  	s20 =	simm.s32 $0x10;
	s21 =	sand.u32 $0x3F0, s21;
	[sflag:s11] =	ssyncadd.s32 $0xFFFFE800  }
.LBB2_10:
0x111: {  	p0 =	sne.s32 s20, $0x3F0;
	[tilespmem:s21+$0x1C080] =	vst v1;
	s21 =	smov.u32 s20;
	s20 =	sadd.s32 $0x10, s20  }
.Ltmp4:
0x112: {  	(pc) =	sbr.rel @p0 .LBB2_10-.Ltmp4, $2  }
0x113: {  	_ =	sdelay $0x2  }
0x114: {  	s21 =	sand.u32 $0x3F0, s21  }
0x115: {  	[tilespmem:s21+$0x1C080] =	vst v1  }
0x116: {  	[spmem:s3] =	stream.indirect.scatter.add.f32 [tilespmem:s2], [sflag:$0x5], $0x1, s1, s7, $0xb8;
	[tilespmem:$0x1F980] =	vst v63  }
0x117: {  	_ =	swait.ge [sflag:s12], $0x1C00  }
0x118: {  	[sflag:s12] =	ssyncset.done $0x0  }
0x119: {  	s21 =	simm.s32 $0x0;
	s20 =	rddreg [dreg:$0x8];
	[sflag:s12] =	ssyncadd.s32 $0xFFFFE400  }
0x11a: {  	[tilespmem:s31], [sflag:$0x1] =	stream.linear.gather [hbm4b:s20+s21], $0x1800, $0x38;
	[tilespmem:$0x1F980] =	vst v63  }
0x11b: {  	s8 =	rddreg [dreg:$0x9]  }
0x11c: {  	[tilespmem:s0], [sflag:$0x1] =	stream.linear.gather [hbm4b:s8+s21], $0x1800, $0x38;
	[tilespmem:$0x1F980] =	vst v63  }
0x11d: {  	_ =	swait.ge [sflag:s13], $0x1C00  }
0x11e: {  	[sflag:s13] =	ssyncset.done $0x0  }
0x11f: {  	[sflag:s13] =	ssyncadd.s32 $0xFFFFE400  }
0x120: {  	_ =	swait.ge [sflag:s13], $0x1C00  }
0x121: {  	[sflag:s13] =	ssyncset.done $0x0  }
0x122: {  	[sflag:s13] =	ssyncadd.s32 $0xFFFFE400  }
0x123: {  	[spmem:s3] =	stream.indirect.scatter.add.f32 [tilespmem:s10], [sflag:$0x6], $0x1, s9, s7, $0xb8;
	[tilespmem:$0x1F980] =	vst v63  }
0x124: {  	_ =	swait.ge [sflag:s14], $0x1C00  }
0x125: {  	[sflag:s14] =	ssyncset.done $0x0  }
0x126: {  	s8 =	rddreg [dreg:$0xa];
	[sflag:s14] =	ssyncadd.s32 $0xFFFFE400  }
0x127: {  	[tilespmem:s1], [sflag:$0x2] =	stream.linear.gather [hbm4b:s8+s21], $0x1C00, $0x38;
	[tilespmem:$0x1F980] =	vst v63  }
0x128: {  	s8 =	rddreg [dreg:$0xb]  }
0x129: {  	[tilespmem:s2], [sflag:$0x2] =	stream.linear.gather [hbm4b:s8+s21], $0x1C00, $0x38;
	[tilespmem:$0x1F980] =	vst v63  }
0x12a: {  	_ =	swait.ge [sflag:s6], $0x1800  }
0x12b: {  	[sflag:s6] =	ssyncset.done $0x0  }
0x12c: {  	[sflag:s6] =	ssyncadd.s32 $0xFFFFE800  }
0x12d: {  	_ =	swait.ge [sflag:s6], $0x1800  }
0x12e: {  	[sflag:s6] =	ssyncset.done $0x0  }
0x12f: {  	s20 =	simm.s32 $0x10;
	s21 =	sand.u32 $0x3F0, s21;
	[sflag:s6] =	ssyncadd.s32 $0xFFFFE800  }
.LBB2_12:
0x130: {  	p0 =	sne.s32 s20, $0x3F0;
	[tilespmem:s21+$0x1A480] =	vst v1;
	s21 =	smov.u32 s20;
	s20 =	sadd.s32 $0x10, s20  }
.Ltmp5:
0x131: {  	(pc) =	sbr.rel @p0 .LBB2_12-.Ltmp5, $2  }
0x132: {  	_ =	sdelay $0x2  }
0x133: {  	s21 =	sand.u32 $0x3F0, s21  }
0x134: {  	[tilespmem:s21+$0x1A480] =	vst v1  }
0x135: {  	[spmem:s3] =	stream.indirect.scatter.add.f32 [tilespmem:s0], [sflag:$0x4], $0x1, s31, s7, $0xb8;
	[tilespmem:$0x1F980] =	vst v63  }
0x136: {  	_ =	swait.ge [sflag:s15], $0x1C00  }
0x137: {  	[sflag:s15] =	ssyncset.done $0x0  }
0x138: {  	s21 =	simm.s32 $0x0;
	s20 =	rddreg [dreg:$0xc];
	[sflag:s15] =	ssyncadd.s32 $0xFFFFE400  }
0x139: {  	[tilespmem:s9], [sflag:$0x3] =	stream.linear.gather [hbm4b:s20+s21], $0x1800, $0x38;
	[tilespmem:$0x1F980] =	vst v63  }
0x13a: {  	s8 =	rddreg [dreg:$0xd]  }
0x13b: {  	[tilespmem:s10], [sflag:$0x3] =	stream.linear.gather [hbm4b:s8+s21], $0x1800, $0x38;
	[tilespmem:$0x1F980] =	vst v63  }
0x13c: {  	_ =	swait.ge [sflag:s11], $0x1C00  }
0x13d: {  	[sflag:s11] =	ssyncset.done $0x0  }
0x13e: {  	[sflag:s11] =	ssyncadd.s32 $0xFFFFE400  }
0x13f: {  	_ =	swait.ge [sflag:s11], $0x1C00  }
0x140: {  	[sflag:s11] =	ssyncset.done $0x0  }
0x141: {  	[sflag:s11] =	ssyncadd.s32 $0xFFFFE400  }
0x142: {  	[spmem:s3] =	stream.indirect.scatter.add.f32 [tilespmem:s2], [sflag:$0x5], $0x1, s1, s7, $0xb8;
	[tilespmem:$0x1F980] =	vst v63  }
0x143: {  	_ =	swait.ge [sflag:s12], $0x1C00  }
0x144: {  	[sflag:s12] =	ssyncset.done $0x0  }
0x145: {  	s8 =	rddreg [dreg:$0xe];
	[sflag:s12] =	ssyncadd.s32 $0xFFFFE400  }
0x146: {  	[tilespmem:s31], [sflag:$0x1] =	stream.linear.gather [hbm4b:s8+s21], $0x1C00, $0x38;
	[tilespmem:$0x1F980] =	vst v63  }
0x147: {  	s8 =	rddreg [dreg:$0xf]  }
0x148: {  	[tilespmem:s0], [sflag:$0x1] =	stream.linear.gather [hbm4b:s8+s21], $0x1C00, $0x38;
	[tilespmem:$0x1F980] =	vst v63  }
0x149: {  	_ =	swait.ge [sflag:s13], $0x1800  }
0x14a: {  	[sflag:s13] =	ssyncset.done $0x0  }
0x14b: {  	[sflag:s13] =	ssyncadd.s32 $0xFFFFE800  }
0x14c: {  	_ =	swait.ge [sflag:s13], $0x1800  }
0x14d: {  	[sflag:s13] =	ssyncset.done $0x0  }
0x14e: {  	s20 =	simm.s32 $0x10;
	s21 =	sand.u32 $0x3F0, s21;
	[sflag:s13] =	ssyncadd.s32 $0xFFFFE800  }
.LBB2_14:
0x14f: {  	p0 =	sne.s32 s20, $0x3F0;
	[tilespmem:s21+$0x1DC80] =	vst v1;
	s21 =	smov.u32 s20;
	s20 =	sadd.s32 $0x10, s20  }
.Ltmp6:
0x150: {  	(pc) =	sbr.rel @p0 .LBB2_14-.Ltmp6, $2  }
0x151: {  	_ =	sdelay $0x2  }
0x152: {  	s21 =	sand.u32 $0x3F0, s21  }
0x153: {  	[tilespmem:s21+$0x1DC80] =	vst v1  }
0x154: {  	[spmem:s3] =	stream.indirect.scatter.add.f32 [tilespmem:s10], [sflag:$0x6], $0x1, s9, s7, $0xb8;
	[tilespmem:$0x1F980] =	vst v63  }
0x155: {  	_ =	swait.ge [sflag:s14], $0x1C00  }
0x156: {  	[sflag:s14] =	ssyncset.done $0x0  }
0x157: {  	s21 =	simm.s32 $0x0;
	s20 =	rddreg [dreg:$0x10];
	[sflag:s14] =	ssyncadd.s32 $0xFFFFE400  }
0x158: {  	[tilespmem:s1], [sflag:$0x2] =	stream.linear.gather [hbm4b:s20+s21], $0x1800, $0x38;
	[tilespmem:$0x1F980] =	vst v63  }
0x159: {  	s8 =	rddreg [dreg:$0x11]  }
0x15a: {  	[tilespmem:s2], [sflag:$0x2] =	stream.linear.gather [hbm4b:s8+s21], $0x1800, $0x38;
	[tilespmem:$0x1F980] =	vst v63  }
0x15b: {  	_ =	swait.ge [sflag:s6], $0x1C00  }
0x15c: {  	[sflag:s6] =	ssyncset.done $0x0  }
0x15d: {  	[sflag:s6] =	ssyncadd.s32 $0xFFFFE400  }
0x15e: {  	_ =	swait.ge [sflag:s6], $0x1C00  }
0x15f: {  	[sflag:s6] =	ssyncset.done $0x0  }
0x160: {  	[sflag:s6] =	ssyncadd.s32 $0xFFFFE400  }
0x161: {  	[spmem:s3] =	stream.indirect.scatter.add.f32 [tilespmem:s0], [sflag:$0x4], $0x1, s31, s7, $0xb8;
	[tilespmem:$0x1F980] =	vst v63  }
0x162: {  	_ =	swait.ge [sflag:s15], $0x1C00  }
0x163: {  	[sflag:s15] =	ssyncset.done $0x0  }
0x164: {  	s8 =	rddreg [dreg:$0x12];
	[sflag:s15] =	ssyncadd.s32 $0xFFFFE400  }
0x165: {  	[tilespmem:s9], [sflag:$0x3] =	stream.linear.gather [hbm4b:s8+s21], $0x1C00, $0x38;
	[tilespmem:$0x1F980] =	vst v63  }
0x166: {  	s8 =	rddreg [dreg:$0x13]  }
0x167: {  	[tilespmem:s10], [sflag:$0x3] =	stream.linear.gather [hbm4b:s8+s21], $0x1C00, $0x38;
	[tilespmem:$0x1F980] =	vst v63  }
0x168: {  	_ =	swait.ge [sflag:s11], $0x1800  }
0x169: {  	[sflag:s11] =	ssyncset.done $0x0  }
0x16a: {  	[sflag:s11] =	ssyncadd.s32 $0xFFFFE800  }
0x16b: {  	_ =	swait.ge [sflag:s11], $0x1800  }
0x16c: {  	[sflag:s11] =	ssyncset.done $0x0  }
0x16d: {  	s20 =	simm.s32 $0x10;
	s21 =	sand.u32 $0x3F0, s21;
	[sflag:s11] =	ssyncadd.s32 $0xFFFFE800  }
.LBB2_16:
0x16e: {  	p0 =	sne.s32 s20, $0x3F0;
	[tilespmem:s21+$0x1C080] =	vst v1;
	s21 =	smov.u32 s20;
	s20 =	sadd.s32 $0x10, s20  }
.Ltmp7:
0x16f: {  	(pc) =	sbr.rel @p0 .LBB2_16-.Ltmp7, $2  }
0x170: {  	_ =	sdelay $0x2  }
0x171: {  	s21 =	sand.u32 $0x3F0, s21  }
0x172: {  	[tilespmem:s21+$0x1C080] =	vst v1  }
0x173: {  	[spmem:s3] =	stream.indirect.scatter.add.f32 [tilespmem:s2], [sflag:$0x5], $0x1, s1, s7, $0xb8;
	[tilespmem:$0x1F980] =	vst v63  }
0x174: {  	_ =	swait.ge [sflag:s12], $0x1C00  }
0x175: {  	[sflag:s12] =	ssyncset.done $0x0  }
0x176: {  	s21 =	simm.s32 $0x0;
	s20 =	rddreg [dreg:$0x14];
	[sflag:s12] =	ssyncadd.s32 $0xFFFFE400  }
0x177: {  	[tilespmem:s31], [sflag:$0x1] =	stream.linear.gather [hbm4b:s20+s21], $0x1800, $0x38;
	[tilespmem:$0x1F980] =	vst v63  }
0x178: {  	s8 =	rddreg [dreg:$0x15]  }
0x179: {  	[tilespmem:s0], [sflag:$0x1] =	stream.linear.gather [hbm4b:s8+s21], $0x1800, $0x38;
	[tilespmem:$0x1F980] =	vst v63  }
0x17a: {  	_ =	swait.ge [sflag:s13], $0x1C00  }
0x17b: {  	[sflag:s13] =	ssyncset.done $0x0  }
0x17c: {  	[sflag:s13] =	ssyncadd.s32 $0xFFFFE400  }
0x17d: {  	_ =	swait.ge [sflag:s13], $0x1C00  }
0x17e: {  	[sflag:s13] =	ssyncset.done $0x0  }
0x17f: {  	[sflag:s13] =	ssyncadd.s32 $0xFFFFE400  }
0x180: {  	[spmem:s3] =	stream.indirect.scatter.add.f32 [tilespmem:s10], [sflag:$0x6], $0x1, s9, s7, $0xb8;
	[tilespmem:$0x1F980] =	vst v63  }
0x181: {  	_ =	swait.ge [sflag:s14], $0x1C00  }
0x182: {  	[sflag:s14] =	ssyncset.done $0x0  }
0x183: {  	s8 =	rddreg [dreg:$0x16];
	[sflag:s14] =	ssyncadd.s32 $0xFFFFE400  }
0x184: {  	[tilespmem:s1], [sflag:$0x2] =	stream.linear.gather [hbm4b:s8+s21], $0x1C00, $0x38;
	[tilespmem:$0x1F980] =	vst v63  }
0x185: {  	s8 =	rddreg [dreg:$0x17]  }
0x186: {  	[tilespmem:s2], [sflag:$0x2] =	stream.linear.gather [hbm4b:s8+s21], $0x1C00, $0x38;
	[tilespmem:$0x1F980] =	vst v63  }
0x187: {  	_ =	swait.ge [sflag:s6], $0x1800  }
0x188: {  	[sflag:s6] =	ssyncset.done $0x0  }
0x189: {  	[sflag:s6] =	ssyncadd.s32 $0xFFFFE800  }
0x18a: {  	_ =	swait.ge [sflag:s6], $0x1800  }
0x18b: {  	[sflag:s6] =	ssyncset.done $0x0  }
0x18c: {  	s20 =	simm.s32 $0x10;
	s21 =	sand.u32 $0x3F0, s21;
	[sflag:s6] =	ssyncadd.s32 $0xFFFFE800  }
.LBB2_18:
0x18d: {  	p0 =	sne.s32 s20, $0x3F0;
	[tilespmem:s21+$0x1A480] =	vst v1;
	s21 =	smov.u32 s20;
	s20 =	sadd.s32 $0x10, s20  }
.Ltmp8:
0x18e: {  	(pc) =	sbr.rel @p0 .LBB2_18-.Ltmp8, $2  }
0x18f: {  	_ =	sdelay $0x2  }
0x190: {  	s21 =	sand.u32 $0x3F0, s21  }
0x191: {  	[tilespmem:s21+$0x1A480] =	vst v1  }
0x192: {  	[spmem:s3] =	stream.indirect.scatter.add.f32 [tilespmem:s0], [sflag:$0x4], $0x1, s31, s7, $0xb8;
	[tilespmem:$0x1F980] =	vst v63  }
0x193: {  	_ =	swait.ge [sflag:s15], $0x1C00  }
0x194: {  	[sflag:s15] =	ssyncset.done $0x0  }
0x195: {  	s21 =	simm.s32 $0x0;
	s20 =	rddreg [dreg:$0x18];
	[sflag:s15] =	ssyncadd.s32 $0xFFFFE400  }
0x196: {  	[tilespmem:s9], [sflag:$0x3] =	stream.linear.gather [hbm4b:s20+s21], $0x1800, $0x38;
	[tilespmem:$0x1F980] =	vst v63  }
0x197: {  	s8 =	rddreg [dreg:$0x19]  }
0x198: {  	[tilespmem:s10], [sflag:$0x3] =	stream.linear.gather [hbm4b:s8+s21], $0x1800, $0x38;
	[tilespmem:$0x1F980] =	vst v63  }
0x199: {  	_ =	swait.ge [sflag:s11], $0x1C00  }
0x19a: {  	[sflag:s11] =	ssyncset.done $0x0  }
0x19b: {  	[sflag:s11] =	ssyncadd.s32 $0xFFFFE400  }
0x19c: {  	_ =	swait.ge [sflag:s11], $0x1C00  }
0x19d: {  	[sflag:s11] =	ssyncset.done $0x0  }
0x19e: {  	[sflag:s11] =	ssyncadd.s32 $0xFFFFE400  }
0x19f: {  	[spmem:s3] =	stream.indirect.scatter.add.f32 [tilespmem:s2], [sflag:$0x5], $0x1, s1, s7, $0xb8;
	[tilespmem:$0x1F980] =	vst v63  }
0x1a0: {  	_ =	swait.ge [sflag:s12], $0x1C00  }
0x1a1: {  	[sflag:s12] =	ssyncset.done $0x0  }
0x1a2: {  	s8 =	rddreg [dreg:$0x1a];
	[sflag:s12] =	ssyncadd.s32 $0xFFFFE400  }
0x1a3: {  	[tilespmem:s31], [sflag:$0x1] =	stream.linear.gather [hbm4b:s8+s21], $0x1C00, $0x38;
	[tilespmem:$0x1F980] =	vst v63  }
0x1a4: {  	s8 =	rddreg [dreg:$0x1b]  }
0x1a5: {  	[tilespmem:s0], [sflag:$0x1] =	stream.linear.gather [hbm4b:s8+s21], $0x1C00, $0x38;
	[tilespmem:$0x1F980] =	vst v63  }
0x1a6: {  	_ =	swait.ge [sflag:s13], $0x1800  }
0x1a7: {  	[sflag:s13] =	ssyncset.done $0x0  }
0x1a8: {  	[sflag:s13] =	ssyncadd.s32 $0xFFFFE800  }
0x1a9: {  	_ =	swait.ge [sflag:s13], $0x1800  }
0x1aa: {  	[sflag:s13] =	ssyncset.done $0x0  }
0x1ab: {  	s20 =	simm.s32 $0x10;
	s21 =	sand.u32 $0x3F0, s21;
	[sflag:s13] =	ssyncadd.s32 $0xFFFFE800  }
.LBB2_20:
0x1ac: {  	p0 =	sne.s32 s20, $0x3F0;
	[tilespmem:s21+$0x1DC80] =	vst v1;
	s21 =	smov.u32 s20;
	s20 =	sadd.s32 $0x10, s20  }
.Ltmp9:
0x1ad: {  	(pc) =	sbr.rel @p0 .LBB2_20-.Ltmp9, $2  }
0x1ae: {  	_ =	sdelay $0x2  }
0x1af: {  	s21 =	sand.u32 $0x3F0, s21  }
0x1b0: {  	[tilespmem:s21+$0x1DC80] =	vst v1  }
0x1b1: {  	[spmem:s3] =	stream.indirect.scatter.add.f32 [tilespmem:s10], [sflag:$0x6], $0x1, s9, s7, $0xb8;
	[tilespmem:$0x1F980] =	vst v63  }
0x1b2: {  	_ =	swait.ge [sflag:s14], $0x1C00  }
0x1b3: {  	[sflag:s14] =	ssyncset.done $0x0  }
0x1b4: {  	s21 =	simm.s32 $0x0;
	s20 =	rddreg [dreg:$0x1c];
	[sflag:s14] =	ssyncadd.s32 $0xFFFFE400  }
0x1b5: {  	[tilespmem:s1], [sflag:$0x2] =	stream.linear.gather [hbm4b:s20+s21], $0x1800, $0x38;
	[tilespmem:$0x1F980] =	vst v63  }
0x1b6: {  	s8 =	rddreg [dreg:$0x1d]  }
0x1b7: {  	[tilespmem:s2], [sflag:$0x2] =	stream.linear.gather [hbm4b:s8+s21], $0x1800, $0x38;
	[tilespmem:$0x1F980] =	vst v63  }
0x1b8: {  	_ =	swait.ge [sflag:s6], $0x1C00  }
0x1b9: {  	[sflag:s6] =	ssyncset.done $0x0  }
0x1ba: {  	[sflag:s6] =	ssyncadd.s32 $0xFFFFE400  }
0x1bb: {  	_ =	swait.ge [sflag:s6], $0x1C00  }
0x1bc: {  	[sflag:s6] =	ssyncset.done $0x0  }
0x1bd: {  	[sflag:s6] =	ssyncadd.s32 $0xFFFFE400  }
0x1be: {  	[spmem:s3] =	stream.indirect.scatter.add.f32 [tilespmem:s0], [sflag:$0x4], $0x1, s31, s7, $0xb8;
	[tilespmem:$0x1F980] =	vst v63  }
0x1bf: {  	_ =	swait.ge [sflag:s15], $0x1C00  }
0x1c0: {  	[sflag:s15] =	ssyncset.done $0x0  }
0x1c1: {  	s8 =	rddreg [dreg:$0x1e];
	[sflag:s15] =	ssyncadd.s32 $0xFFFFE400  }
0x1c2: {  	[tilespmem:s9], [sflag:$0x3] =	stream.linear.gather [hbm4b:s8+s21], $0x1C00, $0x38;
	[tilespmem:$0x1F980] =	vst v63  }
0x1c3: {  	s8 =	rddreg [dreg:$0x1f]  }
0x1c4: {  	[tilespmem:s10], [sflag:$0x3] =	stream.linear.gather [hbm4b:s8+s21], $0x1C00, $0x38;
	[tilespmem:$0x1F980] =	vst v63  }
0x1c5: {  	_ =	swait.ge [sflag:s11], $0x1800  }
0x1c6: {  	[sflag:s11] =	ssyncset.done $0x0  }
0x1c7: {  	[sflag:s11] =	ssyncadd.s32 $0xFFFFE800  }
0x1c8: {  	_ =	swait.ge [sflag:s11], $0x1800  }
0x1c9: {  	[sflag:s11] =	ssyncset.done $0x0  }
0x1ca: {  	s20 =	simm.s32 $0x10;
	s21 =	sand.u32 $0x3F0, s21;
	[sflag:s11] =	ssyncadd.s32 $0xFFFFE800  }
.LBB2_22:
0x1cb: {  	p0 =	sne.s32 s20, $0x3F0;
	[tilespmem:s21+$0x1C080] =	vst v1;
	s21 =	smov.u32 s20;
	s20 =	sadd.s32 $0x10, s20  }
.Ltmp10:
0x1cc: {  	(pc) =	sbr.rel @p0 .LBB2_22-.Ltmp10, $2  }
0x1cd: {  	_ =	sdelay $0x2  }
0x1ce: {  	s21 =	sand.u32 $0x3F0, s21  }
0x1cf: {  	[tilespmem:s21+$0x1C080] =	vst v1  }
0x1d0: {  	[spmem:s3] =	stream.indirect.scatter.add.f32 [tilespmem:s2], [sflag:$0x5], $0x1, s1, s7, $0xb8;
	[tilespmem:$0x1F980] =	vst v63  }
0x1d1: {  	_ =	swait.ge [sflag:s12], $0x1C00  }
0x1d2: {  	s20 =	sld [smem:$0x7CB]  }
0x1d3: {  	[sflag:s12] =	ssyncset.done $0x0  }
0x1d4: {  	s21 =	simm.s32 $0x0;
	s8 =	sld [smem:$0x7CC];
	[sflag:s12] =	ssyncadd.s32 $0xFFFFE400  }
0x1d5: {  	[tilespmem:s31], [sflag:$0x1] =	stream.linear.gather [hbm4b:s20+s21], $0x1800, $0x38;
	[tilespmem:$0x1F980] =	vst v63  }
0x1d6: {  	_ = 	snop  }
0x1d7: {  	[tilespmem:s0], [sflag:$0x1] =	stream.linear.gather [hbm4b:s8+s21], $0x1800, $0x38;
	[tilespmem:$0x1F980] =	vst v63  }
0x1d8: {  	_ =	swait.ge [sflag:s13], $0x1C00  }
0x1d9: {  	[sflag:s13] =	ssyncset.done $0x0  }
0x1da: {  	[sflag:s13] =	ssyncadd.s32 $0xFFFFE400  }
0x1db: {  	_ =	swait.ge [sflag:s13], $0x1C00  }
0x1dc: {  	[sflag:s13] =	ssyncset.done $0x0  }
0x1dd: {  	[sflag:s13] =	ssyncadd.s32 $0xFFFFE400  }
0x1de: {  	[spmem:s3] =	stream.indirect.scatter.add.f32 [tilespmem:s10], [sflag:$0x6], $0x1, s9, s7, $0xb8;
	[tilespmem:$0x1F980] =	vst v63  }
0x1df: {  	_ =	swait.ge [sflag:s14], $0x1C00  }
0x1e0: {  	s8 =	sld [smem:$0x7CF]  }
0x1e1: {  	[sflag:s14] =	ssyncset.done $0x0  }
0x1e2: {  	[sflag:s14] =	ssyncadd.s32 $0xFFFFE400  }
0x1e3: {  	[tilespmem:s1], [sflag:$0x2] =	stream.linear.gather [hbm4b:s8+s21], $0x1C00, $0x38;
	[tilespmem:$0x1F980] =	vst v63  }
0x1e4: {  	s8 =	sld [smem:$0x7D0];
	_ =	sdelay $0x2  }
0x1e5: {  	[tilespmem:s2], [sflag:$0x2] =	stream.linear.gather [hbm4b:s8+s21], $0x1C00, $0x38;
	[tilespmem:$0x1F980] =	vst v63  }
0x1e6: {  	_ =	swait.ge [sflag:s6], $0x1800  }
0x1e7: {  	[sflag:s6] =	ssyncset.done $0x0  }
0x1e8: {  	[sflag:s6] =	ssyncadd.s32 $0xFFFFE800  }
0x1e9: {  	_ =	swait.ge [sflag:s6], $0x1800  }
0x1ea: {  	[sflag:s6] =	ssyncset.done $0x0  }
0x1eb: {  	s20 =	simm.s32 $0x10;
	s21 =	sand.u32 $0x3F0, s21;
	[sflag:s6] =	ssyncadd.s32 $0xFFFFE800  }
.LBB2_24:
0x1ec: {  	p0 =	sne.s32 s20, $0x3F0;
	[tilespmem:s21+$0x1A480] =	vst v1;
	s21 =	smov.u32 s20;
	s20 =	sadd.s32 $0x10, s20  }
.Ltmp11:
0x1ed: {  	(pc) =	sbr.rel @p0 .LBB2_24-.Ltmp11, $2  }
0x1ee: {  	_ =	sdelay $0x2  }
0x1ef: {  	s21 =	sand.u32 $0x3F0, s21  }
0x1f0: {  	[tilespmem:s21+$0x1A480] =	vst v1  }
0x1f1: {  	[spmem:s3] =	stream.indirect.scatter.add.f32 [tilespmem:s0], [sflag:$0x4], $0x1, s31, s7, $0xb8;
	[tilespmem:$0x1F980] =	vst v63  }
0x1f2: {  	_ =	swait.ge [sflag:s15], $0x1C00  }
0x1f3: {  	s20 =	sld [smem:$0x7D1]  }
0x1f4: {  	[sflag:s15] =	ssyncset.done $0x0  }
0x1f5: {  	s21 =	simm.s32 $0x0;
	s8 =	sld [smem:$0x7D2];
	[sflag:s15] =	ssyncadd.s32 $0xFFFFE400  }
0x1f6: {  	[tilespmem:s9], [sflag:$0x3] =	stream.linear.gather [hbm4b:s20+s21], $0x1800, $0x38;
	[tilespmem:$0x1F980] =	vst v63  }
0x1f7: {  	_ = 	snop  }
0x1f8: {  	[tilespmem:s10], [sflag:$0x3] =	stream.linear.gather [hbm4b:s8+s21], $0x1800, $0x38;
	[tilespmem:$0x1F980] =	vst v63  }
0x1f9: {  	_ =	swait.ge [sflag:s11], $0x1C00  }
0x1fa: {  	[sflag:s11] =	ssyncset.done $0x0  }
0x1fb: {  	[sflag:s11] =	ssyncadd.s32 $0xFFFFE400  }
0x1fc: {  	_ =	swait.ge [sflag:s11], $0x1C00  }
0x1fd: {  	[sflag:s11] =	ssyncset.done $0x0  }
0x1fe: {  	[sflag:s11] =	ssyncadd.s32 $0xFFFFE400  }
0x1ff: {  	[spmem:s3] =	stream.indirect.scatter.add.f32 [tilespmem:s2], [sflag:$0x5], $0x1, s1, s7, $0xb8;
	[tilespmem:$0x1F980] =	vst v63  }
0x200: {  	_ =	swait.ge [sflag:s12], $0x1C00  }
0x201: {  	[sflag:s12] =	ssyncset.done $0x0  }
0x202: {  	[sflag:s12] =	ssyncadd.s32 $0xFFFFE400  }
0x203: {  	_ =	swait.ge [sflag:s13], $0x1800  }
0x204: {  	[sflag:s13] =	ssyncset.done $0x0  }
0x205: {  	[sflag:s13] =	ssyncadd.s32 $0xFFFFE800  }
0x206: {  	_ =	swait.ge [sflag:s13], $0x1800  }
0x207: {  	[sflag:s13] =	ssyncset.done $0x0  }
0x208: {  	s20 =	simm.s32 $0x10;
	s21 =	sand.u32 $0x3F0, s21;
	[sflag:s13] =	ssyncadd.s32 $0xFFFFE800  }
.LBB2_26:
0x209: {  	p0 =	sne.s32 s20, $0x3F0;
	[tilespmem:s21+$0x1DC80] =	vst v1;
	s21 =	smov.u32 s20;
	s20 =	sadd.s32 $0x10, s20  }
.Ltmp12:
0x20a: {  	(pc) =	sbr.rel @p0 .LBB2_26-.Ltmp12, $2  }
0x20b: {  	_ =	sdelay $0x2  }
0x20c: {  	s21 =	sand.u32 $0x3F0, s21  }
0x20d: {  	[tilespmem:s21+$0x1DC80] =	vst v1  }
0x20e: {  	[spmem:s3] =	stream.indirect.scatter.add.f32 [tilespmem:s10], [sflag:$0x6], $0x1, s9, s7, $0xb8;
	[tilespmem:$0x1F980] =	vst v63  }
0x20f: {  	_ =	swait.ge [sflag:s14], $0x1C00  }
0x210: {  	[sflag:s14] =	ssyncset.done $0x0  }
0x211: {  	[sflag:s14] =	ssyncadd.s32 $0xFFFFE400  }
0x212: {  	_ =	swait.ge [sflag:s15], $0x1C00  }
0x213: {  	[sflag:s15] =	ssyncset.done $0x0  }
0x214: {  	[sflag:s15] =	ssyncadd.s32 $0xFFFFE400  }
0x215: {  	[bflag:$0x0] =	sbarrier.arrive $0xFFFF  }
0x216: {  	s8 =	sld [smem:$0x7FC];
	_ =	sdelay $0x2  }
0x217: {  	[tilespmem:s4], [sflag:$0x7] =	stream.linear.gather [spmem:s8], $0xC80, $0x38;
	[tilespmem:$0x1F980] =	vst v63  }
0x218: {  	_ =	swait.ge [sflag:s16], $0xC80  }
0x219: {  	[sflag:s16] =	ssyncset.done $0x0  }
0x21a: {  	s20 =	simm.s32 $0x0;
	s21 =	simm.s32 $0x40;
	[sflag:s16] =	ssyncadd.s32 $0xFFFFF380  }
0x21b: {  	[tilespmem:s17], [sflag:$0x8] =	stream.linear.gather [spmem:s22], $0xC80, $0x38;
	[tilespmem:$0x1F980] =	vst v63  }
.LBB2_28:
0x21c: {  	p0 =	sne.s32 s21, $0x31C0;
	v2 =	vld [tilespmem:s20+$0x1E080];
	_ =	sdelay $0x4  }
0x21d: {  	v2 =	vmul.f32 $1.442695020e+00, v2;
	_ =	sdelay $0x1  }
0x21e: {  	(erf) = vpow2.f32 v2;
	_ =	sdelay $0x7  }
.Ltmp13:
0x21f: {  	(pc) =	sbr.rel @p0 .LBB2_28-.Ltmp13, $3  }
0x220: {  	v2 =	vpop (erf)  }
0x221: {  	v2 =	vsub.f32 $1.000000000e+00, v2;
	_ =	sdelay $0x1  }
0x222: {  	[tilespmem:s20+$0x1E080] =	vst v2;
	s20 =	sshra.s32 s21, $0x2;
	s21 =	sadd.s32 $0x40, s21  }
0x223: {  	v2 =	vld [tilespmem:s20+$0x1E080];
	_ =	sdelay $0x4  }
0x224: {  	v2 =	vmul.f32 $1.442695020e+00, v2;
	_ =	sdelay $0x1  }
0x225: {  	(erf) = vpow2.f32 v2;
	_ =	sdelay $0x8  }
0x226: {  	v2 =	vpop (erf)  }
0x227: {  	s21 =	sld [smem:$0x7D3];
	v2 =	vsub.f32 $1.000000000e+00, v2;
	_ =	sdelay $0x1  }
0x228: {  	s8 =	simm.s32 $0x0;
	[tilespmem:s20+$0x1E080] =	vst v2  }
0x229: {  	[hbm4b:s21+s8] =	stream.linear.scatter [tilespmem:s4], [sflag:$0x7], $0xC80, $0x38;
	[tilespmem:$0x1F980] =	vst v63  }
0x22a: {  	_ =	swait.ge [sflag:s18], $0xC80  }
0x22b: {  	[sflag:s18] =	ssyncset.done $0x0  }
0x22c: {  	[sflag:s18] =	ssyncadd.s32 $0xFFFFF380  }
0x22d: {  	_ =	swait.ge [sflag:s16], $0xC80  }
0x22e: {  	[sflag:s16] =	ssyncset.done $0x0  }
0x22f: {  	s20 =	simm.s32 $0x0;
	s21 =	simm.s32 $0x40;
	[sflag:s16] =	ssyncadd.s32 $0xFFFFF380  }
0x230: {  	[tilespmem:s4], [sflag:$0x7] =	stream.linear.gather [spmem:s23], $0xC80, $0x38;
	[tilespmem:$0x1F980] =	vst v63  }
.LBB2_30:
0x231: {  	p0 =	sne.s32 s21, $0x31C0;
	v2 =	vld [tilespmem:s20+$0x1ED00];
	_ =	sdelay $0x4  }
0x232: {  	v2 =	vmul.f32 $1.442695020e+00, v2;
	_ =	sdelay $0x1  }
0x233: {  	(erf) = vpow2.f32 v2;
	_ =	sdelay $0x7  }
.Ltmp14:
0x234: {  	(pc) =	sbr.rel @p0 .LBB2_30-.Ltmp14, $3  }
0x235: {  	v2 =	vpop (erf)  }
0x236: {  	v2 =	vsub.f32 $1.000000000e+00, v2;
	_ =	sdelay $0x1  }
0x237: {  	[tilespmem:s20+$0x1ED00] =	vst v2;
	s20 =	sshra.s32 s21, $0x2;
	s21 =	sadd.s32 $0x40, s21  }
0x238: {  	v2 =	vld [tilespmem:s20+$0x1ED00];
	_ =	sdelay $0x4  }
0x239: {  	v2 =	vmul.f32 $1.442695020e+00, v2;
	_ =	sdelay $0x1  }
0x23a: {  	(erf) = vpow2.f32 v2;
	_ =	sdelay $0x8  }
0x23b: {  	v2 =	vpop (erf)  }
0x23c: {  	s21 =	sld [smem:$0x7D4];
	v2 =	vsub.f32 $1.000000000e+00, v2;
	_ =	sdelay $0x1  }
0x23d: {  	s8 =	simm.s32 $0x0;
	[tilespmem:s20+$0x1ED00] =	vst v2  }
0x23e: {  	[hbm4b:s21+s8] =	stream.linear.scatter [tilespmem:s17], [sflag:$0x8], $0xC80, $0x38;
	[tilespmem:$0x1F980] =	vst v63  }
0x23f: {  	_ =	swait.ge [sflag:s16], $0xC80  }
0x240: {  	[sflag:s16] =	ssyncset.done $0x0  }
0x241: {  	[sflag:s16] =	ssyncadd.s32 $0xFFFFF380  }
0x242: {  	_ =	swait.ge [sflag:s18], $0xC80  }
0x243: {  	[sflag:s18] =	ssyncset.done $0x0  }
0x244: {  	s20 =	simm.s32 $0x0;
	s21 =	simm.s32 $0x40;
	[sflag:s18] =	ssyncadd.s32 $0xFFFFF380  }
0x245: {  	[tilespmem:s17], [sflag:$0x8] =	stream.linear.gather [spmem:s24], $0xC80, $0x38;
	[tilespmem:$0x1F980] =	vst v63  }
.LBB2_32:
0x246: {  	p0 =	sne.s32 s21, $0x31C0;
	v2 =	vld [tilespmem:s20+$0x1E080];
	_ =	sdelay $0x4  }
0x247: {  	v2 =	vmul.f32 $1.442695020e+00, v2;
	_ =	sdelay $0x1  }
0x248: {  	(erf) = vpow2.f32 v2;
	_ =	sdelay $0x7  }
.Ltmp15:
0x249: {  	(pc) =	sbr.rel @p0 .LBB2_32-.Ltmp15, $3  }
0x24a: {  	v2 =	vpop (erf)  }
0x24b: {  	v2 =	vsub.f32 $1.000000000e+00, v2;
	_ =	sdelay $0x1  }
0x24c: {  	[tilespmem:s20+$0x1E080] =	vst v2;
	s20 =	sshra.s32 s21, $0x2;
	s21 =	sadd.s32 $0x40, s21  }
0x24d: {  	v2 =	vld [tilespmem:s20+$0x1E080];
	_ =	sdelay $0x4  }
0x24e: {  	v2 =	vmul.f32 $1.442695020e+00, v2;
	_ =	sdelay $0x1  }
0x24f: {  	(erf) = vpow2.f32 v2;
	_ =	sdelay $0x8  }
0x250: {  	v2 =	vpop (erf)  }
0x251: {  	s21 =	sld [smem:$0x7D5];
	v2 =	vsub.f32 $1.000000000e+00, v2;
	_ =	sdelay $0x1  }
0x252: {  	s8 =	simm.s32 $0x0;
	[tilespmem:s20+$0x1E080] =	vst v2  }
0x253: {  	[hbm4b:s21+s8] =	stream.linear.scatter [tilespmem:s4], [sflag:$0x7], $0xC80, $0x38;
	[tilespmem:$0x1F980] =	vst v63  }
0x254: {  	_ =	swait.ge [sflag:s18], $0xC80  }
0x255: {  	[sflag:s18] =	ssyncset.done $0x0  }
0x256: {  	[sflag:s18] =	ssyncadd.s32 $0xFFFFF380  }
0x257: {  	_ =	swait.ge [sflag:s16], $0xC80  }
0x258: {  	[sflag:s16] =	ssyncset.done $0x0  }
0x259: {  	s20 =	simm.s32 $0x0;
	s21 =	simm.s32 $0x40;
	[sflag:s16] =	ssyncadd.s32 $0xFFFFF380  }
0x25a: {  	[tilespmem:s4], [sflag:$0x7] =	stream.linear.gather [spmem:s25], $0xC80, $0x38;
	[tilespmem:$0x1F980] =	vst v63  }
.LBB2_34:
0x25b: {  	p0 =	sne.s32 s21, $0x31C0;
	v2 =	vld [tilespmem:s20+$0x1ED00];
	_ =	sdelay $0x4  }
0x25c: {  	v2 =	vmul.f32 $1.442695020e+00, v2;
	_ =	sdelay $0x1  }
0x25d: {  	(erf) = vpow2.f32 v2;
	_ =	sdelay $0x7  }
.Ltmp16:
0x25e: {  	(pc) =	sbr.rel @p0 .LBB2_34-.Ltmp16, $3  }
0x25f: {  	v2 =	vpop (erf)  }
0x260: {  	v2 =	vsub.f32 $1.000000000e+00, v2;
	_ =	sdelay $0x1  }
0x261: {  	[tilespmem:s20+$0x1ED00] =	vst v2;
	s20 =	sshra.s32 s21, $0x2;
	s21 =	sadd.s32 $0x40, s21  }
0x262: {  	v2 =	vld [tilespmem:s20+$0x1ED00];
	_ =	sdelay $0x4  }
0x263: {  	v2 =	vmul.f32 $1.442695020e+00, v2;
	_ =	sdelay $0x1  }
0x264: {  	(erf) = vpow2.f32 v2;
	_ =	sdelay $0x8  }
0x265: {  	v2 =	vpop (erf)  }
0x266: {  	s21 =	sld [smem:$0x7D6];
	v2 =	vsub.f32 $1.000000000e+00, v2;
	_ =	sdelay $0x1  }
0x267: {  	s8 =	simm.s32 $0x0;
	[tilespmem:s20+$0x1ED00] =	vst v2  }
0x268: {  	[hbm4b:s21+s8] =	stream.linear.scatter [tilespmem:s17], [sflag:$0x8], $0xC80, $0x38;
	[tilespmem:$0x1F980] =	vst v63  }
0x269: {  	_ =	swait.ge [sflag:s16], $0xC80  }
0x26a: {  	[sflag:s16] =	ssyncset.done $0x0  }
0x26b: {  	[sflag:s16] =	ssyncadd.s32 $0xFFFFF380  }
0x26c: {  	_ =	swait.ge [sflag:s18], $0xC80  }
0x26d: {  	[sflag:s18] =	ssyncset.done $0x0  }
0x26e: {  	s20 =	simm.s32 $0x0;
	s21 =	simm.s32 $0x40;
	[sflag:s18] =	ssyncadd.s32 $0xFFFFF380  }
0x26f: {  	[tilespmem:s17], [sflag:$0x8] =	stream.linear.gather [spmem:s26], $0xC80, $0x38;
	[tilespmem:$0x1F980] =	vst v63  }
.LBB2_36:
0x270: {  	p0 =	sne.s32 s21, $0x31C0;
	v2 =	vld [tilespmem:s20+$0x1E080];
	_ =	sdelay $0x4  }
0x271: {  	v2 =	vmul.f32 $1.442695020e+00, v2;
	_ =	sdelay $0x1  }
0x272: {  	(erf) = vpow2.f32 v2;
	_ =	sdelay $0x7  }
.Ltmp17:
0x273: {  	(pc) =	sbr.rel @p0 .LBB2_36-.Ltmp17, $3  }
0x274: {  	v2 =	vpop (erf)  }
0x275: {  	v2 =	vsub.f32 $1.000000000e+00, v2;
	_ =	sdelay $0x1  }
0x276: {  	[tilespmem:s20+$0x1E080] =	vst v2;
	s20 =	sshra.s32 s21, $0x2;
	s21 =	sadd.s32 $0x40, s21  }
0x277: {  	v2 =	vld [tilespmem:s20+$0x1E080];
	_ =	sdelay $0x4  }
0x278: {  	v2 =	vmul.f32 $1.442695020e+00, v2;
	_ =	sdelay $0x1  }
0x279: {  	(erf) = vpow2.f32 v2;
	_ =	sdelay $0x8  }
0x27a: {  	v2 =	vpop (erf)  }
0x27b: {  	s21 =	sld [smem:$0x7D7];
	v2 =	vsub.f32 $1.000000000e+00, v2;
	_ =	sdelay $0x1  }
0x27c: {  	s8 =	simm.s32 $0x0;
	[tilespmem:s20+$0x1E080] =	vst v2  }
0x27d: {  	[hbm4b:s21+s8] =	stream.linear.scatter [tilespmem:s4], [sflag:$0x7], $0xC80, $0x38;
	[tilespmem:$0x1F980] =	vst v63  }
0x27e: {  	_ =	swait.ge [sflag:s18], $0xC80  }
0x27f: {  	[sflag:s18] =	ssyncset.done $0x0  }
0x280: {  	[sflag:s18] =	ssyncadd.s32 $0xFFFFF380  }
0x281: {  	_ =	swait.ge [sflag:s16], $0xC80  }
0x282: {  	[sflag:s16] =	ssyncset.done $0x0  }
0x283: {  	s20 =	simm.s32 $0x0;
	s21 =	simm.s32 $0x40;
	[sflag:s16] =	ssyncadd.s32 $0xFFFFF380  }
0x284: {  	[tilespmem:s4], [sflag:$0x7] =	stream.linear.gather [spmem:s28], $0xC80, $0x38;
	[tilespmem:$0x1F980] =	vst v63  }
.LBB2_38:
0x285: {  	p0 =	sne.s32 s21, $0x31C0;
	v2 =	vld [tilespmem:s20+$0x1ED00];
	_ =	sdelay $0x4  }
0x286: {  	v2 =	vmul.f32 $1.442695020e+00, v2;
	_ =	sdelay $0x1  }
0x287: {  	(erf) = vpow2.f32 v2;
	_ =	sdelay $0x7  }
.Ltmp18:
0x288: {  	(pc) =	sbr.rel @p0 .LBB2_38-.Ltmp18, $3  }
0x289: {  	v2 =	vpop (erf)  }
0x28a: {  	v2 =	vsub.f32 $1.000000000e+00, v2;
	_ =	sdelay $0x1  }
0x28b: {  	[tilespmem:s20+$0x1ED00] =	vst v2;
	s20 =	sshra.s32 s21, $0x2;
	s21 =	sadd.s32 $0x40, s21  }
0x28c: {  	v2 =	vld [tilespmem:s20+$0x1ED00];
	_ =	sdelay $0x4  }
0x28d: {  	v2 =	vmul.f32 $1.442695020e+00, v2;
	_ =	sdelay $0x1  }
0x28e: {  	(erf) = vpow2.f32 v2;
	_ =	sdelay $0x8  }
0x28f: {  	v2 =	vpop (erf)  }
0x290: {  	s21 =	sld [smem:$0x7D8];
	v2 =	vsub.f32 $1.000000000e+00, v2;
	_ =	sdelay $0x1  }
0x291: {  	s8 =	simm.s32 $0x0;
	[tilespmem:s20+$0x1ED00] =	vst v2  }
0x292: {  	[hbm4b:s21+s8] =	stream.linear.scatter [tilespmem:s17], [sflag:$0x8], $0xC80, $0x38;
	[tilespmem:$0x1F980] =	vst v63  }
0x293: {  	_ =	swait.ge [sflag:s16], $0xC80  }
0x294: {  	[sflag:s16] =	ssyncset.done $0x0  }
0x295: {  	[sflag:s16] =	ssyncadd.s32 $0xFFFFF380  }
0x296: {  	_ =	swait.ge [sflag:s18], $0xC80  }
0x297: {  	[sflag:s18] =	ssyncset.done $0x0  }
0x298: {  	s20 =	simm.s32 $0x0;
	s21 =	simm.s32 $0x40;
	[sflag:s18] =	ssyncadd.s32 $0xFFFFF380  }
0x299: {  	[tilespmem:s17], [sflag:$0x8] =	stream.linear.gather [spmem:s29], $0xC80, $0x38;
	[tilespmem:$0x1F980] =	vst v63  }
.LBB2_40:
0x29a: {  	p0 =	sne.s32 s21, $0x31C0;
	v2 =	vld [tilespmem:s20+$0x1E080];
	_ =	sdelay $0x4  }
0x29b: {  	v2 =	vmul.f32 $1.442695020e+00, v2;
	_ =	sdelay $0x1  }
0x29c: {  	(erf) = vpow2.f32 v2;
	_ =	sdelay $0x7  }
.Ltmp19:
0x29d: {  	(pc) =	sbr.rel @p0 .LBB2_40-.Ltmp19, $3  }
0x29e: {  	v2 =	vpop (erf)  }
0x29f: {  	v2 =	vsub.f32 $1.000000000e+00, v2;
	_ =	sdelay $0x1  }
0x2a0: {  	[tilespmem:s20+$0x1E080] =	vst v2;
	s20 =	sshra.s32 s21, $0x2;
	s21 =	sadd.s32 $0x40, s21  }
0x2a1: {  	v2 =	vld [tilespmem:s20+$0x1E080];
	_ =	sdelay $0x4  }
0x2a2: {  	v2 =	vmul.f32 $1.442695020e+00, v2;
	_ =	sdelay $0x1  }
0x2a3: {  	(erf) = vpow2.f32 v2;
	_ =	sdelay $0x8  }
0x2a4: {  	v2 =	vpop (erf)  }
0x2a5: {  	s21 =	sld [smem:$0x7D9];
	v2 =	vsub.f32 $1.000000000e+00, v2;
	_ =	sdelay $0x1  }
0x2a6: {  	s8 =	simm.s32 $0x0;
	[tilespmem:s20+$0x1E080] =	vst v2  }
0x2a7: {  	[hbm4b:s21+s8] =	stream.linear.scatter [tilespmem:s4], [sflag:$0x7], $0xC80, $0x38;
	[tilespmem:$0x1F980] =	vst v63  }
0x2a8: {  	_ =	swait.ge [sflag:s18], $0xC80  }
0x2a9: {  	[sflag:s18] =	ssyncset.done $0x0  }
0x2aa: {  	[sflag:s18] =	ssyncadd.s32 $0xFFFFF380  }
0x2ab: {  	_ =	swait.ge [sflag:s16], $0xC80  }
0x2ac: {  	[sflag:s16] =	ssyncset.done $0x0  }
0x2ad: {  	s20 =	simm.s32 $0x0;
	s21 =	simm.s32 $0x40;
	[sflag:s16] =	ssyncadd.s32 $0xFFFFF380  }
0x2ae: {  	[tilespmem:s4], [sflag:$0x7] =	stream.linear.gather [spmem:s30], $0xC80, $0x38;
	[tilespmem:$0x1F980] =	vst v63  }
.LBB2_42:
0x2af: {  	p0 =	sne.s32 s21, $0x31C0;
	v2 =	vld [tilespmem:s20+$0x1ED00];
	_ =	sdelay $0x4  }
0x2b0: {  	v2 =	vmul.f32 $1.442695020e+00, v2;
	_ =	sdelay $0x1  }
0x2b1: {  	(erf) = vpow2.f32 v2;
	_ =	sdelay $0x7  }
.Ltmp20:
0x2b2: {  	(pc) =	sbr.rel @p0 .LBB2_42-.Ltmp20, $3  }
0x2b3: {  	v2 =	vpop (erf)  }
0x2b4: {  	v2 =	vsub.f32 $1.000000000e+00, v2;
	_ =	sdelay $0x1  }
0x2b5: {  	[tilespmem:s20+$0x1ED00] =	vst v2;
	s20 =	sshra.s32 s21, $0x2;
	s21 =	sadd.s32 $0x40, s21  }
0x2b6: {  	v2 =	vld [tilespmem:s20+$0x1ED00];
	_ =	sdelay $0x4  }
0x2b7: {  	v2 =	vmul.f32 $1.442695020e+00, v2;
	_ =	sdelay $0x1  }
0x2b8: {  	(erf) = vpow2.f32 v2;
	_ =	sdelay $0x8  }
0x2b9: {  	v2 =	vpop (erf)  }
0x2ba: {  	s21 =	sld [smem:$0x7DA];
	v2 =	vsub.f32 $1.000000000e+00, v2;
	_ =	sdelay $0x1  }
0x2bb: {  	s8 =	simm.s32 $0x0;
	[tilespmem:s20+$0x1ED00] =	vst v2  }
0x2bc: {  	[hbm4b:s21+s8] =	stream.linear.scatter [tilespmem:s17], [sflag:$0x8], $0xC80, $0x38;
	[tilespmem:$0x1F980] =	vst v63  }
0x2bd: {  	_ =	swait.ge [sflag:s16], $0xC80  }
0x2be: {  	[sflag:s16] =	ssyncset.done $0x0  }
0x2bf: {  	[sflag:s16] =	ssyncadd.s32 $0xFFFFF380  }
0x2c0: {  	_ =	swait.ge [sflag:s18], $0xC80  }
0x2c1: {  	s8 =	sld [smem:$0x7ED]  }
0x2c2: {  	[sflag:s18] =	ssyncset.done $0x0  }
0x2c3: {  	s20 =	simm.s32 $0x0;
	s21 =	simm.s32 $0x40;
	[sflag:s18] =	ssyncadd.s32 $0xFFFFF380  }
0x2c4: {  	[tilespmem:s17], [sflag:$0x8] =	stream.linear.gather [spmem:s8], $0xC80, $0x38;
	[tilespmem:$0x1F980] =	vst v63  }
.LBB2_44:
0x2c5: {  	p0 =	sne.s32 s21, $0x31C0;
	v2 =	vld [tilespmem:s20+$0x1E080];
	_ =	sdelay $0x4  }
0x2c6: {  	v2 =	vmul.f32 $1.442695020e+00, v2;
	_ =	sdelay $0x1  }
0x2c7: {  	(erf) = vpow2.f32 v2;
	_ =	sdelay $0x7  }
.Ltmp21:
0x2c8: {  	(pc) =	sbr.rel @p0 .LBB2_44-.Ltmp21, $3  }
0x2c9: {  	v2 =	vpop (erf)  }
0x2ca: {  	v2 =	vsub.f32 $1.000000000e+00, v2;
	_ =	sdelay $0x1  }
0x2cb: {  	[tilespmem:s20+$0x1E080] =	vst v2;
	s20 =	sshra.s32 s21, $0x2;
	s21 =	sadd.s32 $0x40, s21  }
0x2cc: {  	v2 =	vld [tilespmem:s20+$0x1E080];
	_ =	sdelay $0x4  }
0x2cd: {  	v2 =	vmul.f32 $1.442695020e+00, v2;
	_ =	sdelay $0x1  }
0x2ce: {  	(erf) = vpow2.f32 v2;
	_ =	sdelay $0x8  }
0x2cf: {  	v2 =	vpop (erf)  }
0x2d0: {  	s21 =	sld [smem:$0x7DB];
	v2 =	vsub.f32 $1.000000000e+00, v2;
	_ =	sdelay $0x1  }
0x2d1: {  	s8 =	simm.s32 $0x0;
	[tilespmem:s20+$0x1E080] =	vst v2  }
0x2d2: {  	[hbm4b:s21+s8] =	stream.linear.scatter [tilespmem:s4], [sflag:$0x7], $0xC80, $0x38;
	[tilespmem:$0x1F980] =	vst v63  }
0x2d3: {  	_ =	swait.ge [sflag:s18], $0xC80  }
0x2d4: {  	[sflag:s18] =	ssyncset.done $0x0  }
0x2d5: {  	[sflag:s18] =	ssyncadd.s32 $0xFFFFF380  }
0x2d6: {  	_ =	swait.ge [sflag:s16], $0xC80  }
0x2d7: {  	s8 =	sld [smem:$0x7EE]  }
0x2d8: {  	[sflag:s16] =	ssyncset.done $0x0  }
0x2d9: {  	s20 =	simm.s32 $0x0;
	s21 =	simm.s32 $0x40;
	[sflag:s16] =	ssyncadd.s32 $0xFFFFF380  }
0x2da: {  	[tilespmem:s4], [sflag:$0x7] =	stream.linear.gather [spmem:s8], $0xC80, $0x38;
	[tilespmem:$0x1F980] =	vst v63  }
.LBB2_46:
0x2db: {  	p0 =	sne.s32 s21, $0x31C0;
	v2 =	vld [tilespmem:s20+$0x1ED00];
	_ =	sdelay $0x4  }
0x2dc: {  	v2 =	vmul.f32 $1.442695020e+00, v2;
	_ =	sdelay $0x1  }
0x2dd: {  	(erf) = vpow2.f32 v2;
	_ =	sdelay $0x7  }
.Ltmp22:
0x2de: {  	(pc) =	sbr.rel @p0 .LBB2_46-.Ltmp22, $3  }
0x2df: {  	v2 =	vpop (erf)  }
0x2e0: {  	v2 =	vsub.f32 $1.000000000e+00, v2;
	_ =	sdelay $0x1  }
0x2e1: {  	[tilespmem:s20+$0x1ED00] =	vst v2;
	s20 =	sshra.s32 s21, $0x2;
	s21 =	sadd.s32 $0x40, s21  }
0x2e2: {  	v2 =	vld [tilespmem:s20+$0x1ED00];
	_ =	sdelay $0x4  }
0x2e3: {  	v2 =	vmul.f32 $1.442695020e+00, v2;
	_ =	sdelay $0x1  }
0x2e4: {  	(erf) = vpow2.f32 v2;
	_ =	sdelay $0x8  }
0x2e5: {  	v2 =	vpop (erf)  }
0x2e6: {  	s21 =	sld [smem:$0x7DC];
	v2 =	vsub.f32 $1.000000000e+00, v2;
	_ =	sdelay $0x1  }
0x2e7: {  	s8 =	simm.s32 $0x0;
	[tilespmem:s20+$0x1ED00] =	vst v2  }
0x2e8: {  	[hbm4b:s21+s8] =	stream.linear.scatter [tilespmem:s17], [sflag:$0x8], $0xC80, $0x38;
	[tilespmem:$0x1F980] =	vst v63  }
0x2e9: {  	_ =	swait.ge [sflag:s16], $0xC80  }
0x2ea: {  	[sflag:s16] =	ssyncset.done $0x0  }
0x2eb: {  	[sflag:s16] =	ssyncadd.s32 $0xFFFFF380  }
0x2ec: {  	_ =	swait.ge [sflag:s18], $0xC80  }
0x2ed: {  	s8 =	sld [smem:$0x7EF]  }
0x2ee: {  	[sflag:s18] =	ssyncset.done $0x0  }
0x2ef: {  	s20 =	simm.s32 $0x0;
	s21 =	simm.s32 $0x40;
	[sflag:s18] =	ssyncadd.s32 $0xFFFFF380  }
0x2f0: {  	[tilespmem:s17], [sflag:$0x8] =	stream.linear.gather [spmem:s8], $0xC80, $0x38;
	[tilespmem:$0x1F980] =	vst v63  }
.LBB2_48:
0x2f1: {  	p0 =	sne.s32 s21, $0x31C0;
	v2 =	vld [tilespmem:s20+$0x1E080];
	_ =	sdelay $0x4  }
0x2f2: {  	v2 =	vmul.f32 $1.442695020e+00, v2;
	_ =	sdelay $0x1  }
0x2f3: {  	(erf) = vpow2.f32 v2;
	_ =	sdelay $0x7  }
.Ltmp23:
0x2f4: {  	(pc) =	sbr.rel @p0 .LBB2_48-.Ltmp23, $3  }
0x2f5: {  	v2 =	vpop (erf)  }
0x2f6: {  	v2 =	vsub.f32 $1.000000000e+00, v2;
	_ =	sdelay $0x1  }
0x2f7: {  	[tilespmem:s20+$0x1E080] =	vst v2;
	s20 =	sshra.s32 s21, $0x2;
	s21 =	sadd.s32 $0x40, s21  }
0x2f8: {  	v2 =	vld [tilespmem:s20+$0x1E080];
	_ =	sdelay $0x4  }
0x2f9: {  	v2 =	vmul.f32 $1.442695020e+00, v2;
	_ =	sdelay $0x1  }
0x2fa: {  	(erf) = vpow2.f32 v2;
	_ =	sdelay $0x8  }
0x2fb: {  	v2 =	vpop (erf)  }
0x2fc: {  	s21 =	sld [smem:$0x7DD];
	v2 =	vsub.f32 $1.000000000e+00, v2;
	_ =	sdelay $0x1  }
0x2fd: {  	s8 =	simm.s32 $0x0;
	[tilespmem:s20+$0x1E080] =	vst v2  }
0x2fe: {  	[hbm4b:s21+s8] =	stream.linear.scatter [tilespmem:s4], [sflag:$0x7], $0xC80, $0x38;
	[tilespmem:$0x1F980] =	vst v63  }
0x2ff: {  	_ =	swait.ge [sflag:s18], $0xC80  }
0x300: {  	[sflag:s18] =	ssyncset.done $0x0  }
0x301: {  	[sflag:s18] =	ssyncadd.s32 $0xFFFFF380  }
0x302: {  	_ =	swait.ge [sflag:s16], $0xC80  }
0x303: {  	s8 =	sld [smem:$0x7F0]  }
0x304: {  	[sflag:s16] =	ssyncset.done $0x0  }
0x305: {  	s20 =	simm.s32 $0x0;
	s21 =	simm.s32 $0x40;
	[sflag:s16] =	ssyncadd.s32 $0xFFFFF380  }
0x306: {  	[tilespmem:s4], [sflag:$0x7] =	stream.linear.gather [spmem:s8], $0xC80, $0x38;
	[tilespmem:$0x1F980] =	vst v63  }
.LBB2_50:
0x307: {  	p0 =	sne.s32 s21, $0x31C0;
	v2 =	vld [tilespmem:s20+$0x1ED00];
	_ =	sdelay $0x4  }
0x308: {  	v2 =	vmul.f32 $1.442695020e+00, v2;
	_ =	sdelay $0x1  }
0x309: {  	(erf) = vpow2.f32 v2;
	_ =	sdelay $0x7  }
.Ltmp24:
0x30a: {  	(pc) =	sbr.rel @p0 .LBB2_50-.Ltmp24, $3  }
0x30b: {  	v2 =	vpop (erf)  }
0x30c: {  	v2 =	vsub.f32 $1.000000000e+00, v2;
	_ =	sdelay $0x1  }
0x30d: {  	[tilespmem:s20+$0x1ED00] =	vst v2;
	s20 =	sshra.s32 s21, $0x2;
	s21 =	sadd.s32 $0x40, s21  }
0x30e: {  	v2 =	vld [tilespmem:s20+$0x1ED00];
	_ =	sdelay $0x4  }
0x30f: {  	v2 =	vmul.f32 $1.442695020e+00, v2;
	_ =	sdelay $0x1  }
0x310: {  	(erf) = vpow2.f32 v2;
	_ =	sdelay $0x8  }
0x311: {  	v2 =	vpop (erf)  }
0x312: {  	s21 =	sld [smem:$0x7DE];
	v2 =	vsub.f32 $1.000000000e+00, v2;
	_ =	sdelay $0x1  }
0x313: {  	s8 =	simm.s32 $0x0;
	[tilespmem:s20+$0x1ED00] =	vst v2  }
0x314: {  	[hbm4b:s21+s8] =	stream.linear.scatter [tilespmem:s17], [sflag:$0x8], $0xC80, $0x38;
	[tilespmem:$0x1F980] =	vst v63  }
0x315: {  	_ =	swait.ge [sflag:s16], $0xC80  }
0x316: {  	[sflag:s16] =	ssyncset.done $0x0  }
0x317: {  	[sflag:s16] =	ssyncadd.s32 $0xFFFFF380  }
0x318: {  	_ =	swait.ge [sflag:s18], $0xC80  }
0x319: {  	s8 =	sld [smem:$0x7F1]  }
0x31a: {  	[sflag:s18] =	ssyncset.done $0x0  }
0x31b: {  	s20 =	simm.s32 $0x0;
	s21 =	simm.s32 $0x40;
	[sflag:s18] =	ssyncadd.s32 $0xFFFFF380  }
0x31c: {  	[tilespmem:s17], [sflag:$0x8] =	stream.linear.gather [spmem:s8], $0xC80, $0x38;
	[tilespmem:$0x1F980] =	vst v63  }
.LBB2_52:
0x31d: {  	p0 =	sne.s32 s21, $0x31C0;
	v2 =	vld [tilespmem:s20+$0x1E080];
	_ =	sdelay $0x4  }
0x31e: {  	v2 =	vmul.f32 $1.442695020e+00, v2;
	_ =	sdelay $0x1  }
0x31f: {  	(erf) = vpow2.f32 v2;
	_ =	sdelay $0x7  }
.Ltmp25:
0x320: {  	(pc) =	sbr.rel @p0 .LBB2_52-.Ltmp25, $3  }
0x321: {  	v2 =	vpop (erf)  }
0x322: {  	v2 =	vsub.f32 $1.000000000e+00, v2;
	_ =	sdelay $0x1  }
0x323: {  	[tilespmem:s20+$0x1E080] =	vst v2;
	s20 =	sshra.s32 s21, $0x2;
	s21 =	sadd.s32 $0x40, s21  }
0x324: {  	v2 =	vld [tilespmem:s20+$0x1E080];
	_ =	sdelay $0x4  }
0x325: {  	v2 =	vmul.f32 $1.442695020e+00, v2;
	_ =	sdelay $0x1  }
0x326: {  	(erf) = vpow2.f32 v2;
	_ =	sdelay $0x8  }
0x327: {  	v2 =	vpop (erf)  }
0x328: {  	s21 =	sld [smem:$0x7DF];
	v2 =	vsub.f32 $1.000000000e+00, v2;
	_ =	sdelay $0x1  }
0x329: {  	s8 =	simm.s32 $0x0;
	[tilespmem:s20+$0x1E080] =	vst v2  }
0x32a: {  	[hbm4b:s21+s8] =	stream.linear.scatter [tilespmem:s4], [sflag:$0x7], $0xC80, $0x38;
	[tilespmem:$0x1F980] =	vst v63  }
0x32b: {  	_ =	swait.ge [sflag:s18], $0xC80  }
0x32c: {  	[sflag:s18] =	ssyncset.done $0x0  }
0x32d: {  	[sflag:s18] =	ssyncadd.s32 $0xFFFFF380  }
0x32e: {  	_ =	swait.ge [sflag:s16], $0xC80  }
0x32f: {  	s8 =	sld [smem:$0x7F2]  }
0x330: {  	[sflag:s16] =	ssyncset.done $0x0  }
0x331: {  	s20 =	simm.s32 $0x0;
	s21 =	simm.s32 $0x40;
	[sflag:s16] =	ssyncadd.s32 $0xFFFFF380  }
0x332: {  	[tilespmem:s4], [sflag:$0x7] =	stream.linear.gather [spmem:s8], $0xC80, $0x38;
	[tilespmem:$0x1F980] =	vst v63  }
.LBB2_54:
0x333: {  	p0 =	sne.s32 s21, $0x31C0;
	v2 =	vld [tilespmem:s20+$0x1ED00];
	_ =	sdelay $0x4  }
0x334: {  	v2 =	vmul.f32 $1.442695020e+00, v2;
	_ =	sdelay $0x1  }
0x335: {  	(erf) = vpow2.f32 v2;
	_ =	sdelay $0x7  }
.Ltmp26:
0x336: {  	(pc) =	sbr.rel @p0 .LBB2_54-.Ltmp26, $3  }
0x337: {  	v2 =	vpop (erf)  }
0x338: {  	v2 =	vsub.f32 $1.000000000e+00, v2;
	_ =	sdelay $0x1  }
0x339: {  	[tilespmem:s20+$0x1ED00] =	vst v2;
	s20 =	sshra.s32 s21, $0x2;
	s21 =	sadd.s32 $0x40, s21  }
0x33a: {  	v2 =	vld [tilespmem:s20+$0x1ED00];
	_ =	sdelay $0x4  }
0x33b: {  	v2 =	vmul.f32 $1.442695020e+00, v2;
	_ =	sdelay $0x1  }
0x33c: {  	(erf) = vpow2.f32 v2;
	_ =	sdelay $0x8  }
0x33d: {  	v2 =	vpop (erf)  }
0x33e: {  	s21 =	sld [smem:$0x7E0];
	v2 =	vsub.f32 $1.000000000e+00, v2;
	_ =	sdelay $0x1  }
0x33f: {  	s8 =	simm.s32 $0x0;
	[tilespmem:s20+$0x1ED00] =	vst v2  }
0x340: {  	[hbm4b:s21+s8] =	stream.linear.scatter [tilespmem:s17], [sflag:$0x8], $0xC80, $0x38;
	[tilespmem:$0x1F980] =	vst v63  }
0x341: {  	_ =	swait.ge [sflag:s16], $0xC80  }
0x342: {  	[sflag:s16] =	ssyncset.done $0x0  }
0x343: {  	[sflag:s16] =	ssyncadd.s32 $0xFFFFF380  }
0x344: {  	_ =	swait.ge [sflag:s18], $0xC80  }
0x345: {  	s8 =	sld [smem:$0x7F3]  }
0x346: {  	[sflag:s18] =	ssyncset.done $0x0  }
0x347: {  	s20 =	simm.s32 $0x0;
	s21 =	simm.s32 $0x40;
	[sflag:s18] =	ssyncadd.s32 $0xFFFFF380  }
0x348: {  	[tilespmem:s17], [sflag:$0x8] =	stream.linear.gather [spmem:s8], $0xC80, $0x38;
	[tilespmem:$0x1F980] =	vst v63  }
.LBB2_56:
0x349: {  	p0 =	sne.s32 s21, $0x31C0;
	v2 =	vld [tilespmem:s20+$0x1E080];
	_ =	sdelay $0x4  }
0x34a: {  	v2 =	vmul.f32 $1.442695020e+00, v2;
	_ =	sdelay $0x1  }
0x34b: {  	(erf) = vpow2.f32 v2;
	_ =	sdelay $0x7  }
.Ltmp27:
0x34c: {  	(pc) =	sbr.rel @p0 .LBB2_56-.Ltmp27, $3  }
0x34d: {  	v2 =	vpop (erf)  }
0x34e: {  	v2 =	vsub.f32 $1.000000000e+00, v2;
	_ =	sdelay $0x1  }
0x34f: {  	[tilespmem:s20+$0x1E080] =	vst v2;
	s20 =	sshra.s32 s21, $0x2;
	s21 =	sadd.s32 $0x40, s21  }
0x350: {  	v2 =	vld [tilespmem:s20+$0x1E080];
	_ =	sdelay $0x4  }
0x351: {  	v2 =	vmul.f32 $1.442695020e+00, v2;
	_ =	sdelay $0x1  }
0x352: {  	(erf) = vpow2.f32 v2;
	_ =	sdelay $0x8  }
0x353: {  	v2 =	vpop (erf)  }
0x354: {  	s21 =	sld [smem:$0x7E1];
	v2 =	vsub.f32 $1.000000000e+00, v2;
	_ =	sdelay $0x1  }
0x355: {  	s8 =	simm.s32 $0x0;
	[tilespmem:s20+$0x1E080] =	vst v2  }
0x356: {  	[hbm4b:s21+s8] =	stream.linear.scatter [tilespmem:s4], [sflag:$0x7], $0xC80, $0x38;
	[tilespmem:$0x1F980] =	vst v63  }
0x357: {  	_ =	swait.ge [sflag:s18], $0xC80  }
0x358: {  	[sflag:s18] =	ssyncset.done $0x0  }
0x359: {  	[sflag:s18] =	ssyncadd.s32 $0xFFFFF380  }
0x35a: {  	_ =	swait.ge [sflag:s16], $0xC80  }
0x35b: {  	s8 =	sld [smem:$0x7F4]  }
0x35c: {  	[sflag:s16] =	ssyncset.done $0x0  }
0x35d: {  	s20 =	simm.s32 $0x0;
	s21 =	simm.s32 $0x40;
	[sflag:s16] =	ssyncadd.s32 $0xFFFFF380  }
0x35e: {  	[tilespmem:s4], [sflag:$0x7] =	stream.linear.gather [spmem:s8], $0xC80, $0x38;
	[tilespmem:$0x1F980] =	vst v63  }
.LBB2_58:
0x35f: {  	p0 =	sne.s32 s21, $0x31C0;
	v2 =	vld [tilespmem:s20+$0x1ED00];
	_ =	sdelay $0x4  }
0x360: {  	v2 =	vmul.f32 $1.442695020e+00, v2;
	_ =	sdelay $0x1  }
0x361: {  	(erf) = vpow2.f32 v2;
	_ =	sdelay $0x7  }
.Ltmp28:
0x362: {  	(pc) =	sbr.rel @p0 .LBB2_58-.Ltmp28, $3  }
0x363: {  	v2 =	vpop (erf)  }
0x364: {  	v2 =	vsub.f32 $1.000000000e+00, v2;
	_ =	sdelay $0x1  }
0x365: {  	[tilespmem:s20+$0x1ED00] =	vst v2;
	s20 =	sshra.s32 s21, $0x2;
	s21 =	sadd.s32 $0x40, s21  }
0x366: {  	v2 =	vld [tilespmem:s20+$0x1ED00];
	_ =	sdelay $0x4  }
0x367: {  	v2 =	vmul.f32 $1.442695020e+00, v2;
	_ =	sdelay $0x1  }
0x368: {  	(erf) = vpow2.f32 v2;
	_ =	sdelay $0x8  }
0x369: {  	v2 =	vpop (erf)  }
0x36a: {  	s21 =	sld [smem:$0x7E2];
	v2 =	vsub.f32 $1.000000000e+00, v2;
	_ =	sdelay $0x1  }
0x36b: {  	s8 =	simm.s32 $0x0;
	[tilespmem:s20+$0x1ED00] =	vst v2  }
0x36c: {  	[hbm4b:s21+s8] =	stream.linear.scatter [tilespmem:s17], [sflag:$0x8], $0xC80, $0x38;
	[tilespmem:$0x1F980] =	vst v63  }
0x36d: {  	_ =	swait.ge [sflag:s16], $0xC80  }
0x36e: {  	[sflag:s16] =	ssyncset.done $0x0  }
0x36f: {  	[sflag:s16] =	ssyncadd.s32 $0xFFFFF380  }
0x370: {  	_ =	swait.ge [sflag:s18], $0xC80  }
0x371: {  	s8 =	sld [smem:$0x7F5]  }
0x372: {  	[sflag:s18] =	ssyncset.done $0x0  }
0x373: {  	s20 =	simm.s32 $0x0;
	s21 =	simm.s32 $0x40;
	[sflag:s18] =	ssyncadd.s32 $0xFFFFF380  }
0x374: {  	[tilespmem:s17], [sflag:$0x8] =	stream.linear.gather [spmem:s8], $0xC80, $0x38;
	[tilespmem:$0x1F980] =	vst v63  }
.LBB2_60:
0x375: {  	p0 =	sne.s32 s21, $0x31C0;
	v2 =	vld [tilespmem:s20+$0x1E080];
	_ =	sdelay $0x4  }
0x376: {  	v2 =	vmul.f32 $1.442695020e+00, v2;
	_ =	sdelay $0x1  }
0x377: {  	(erf) = vpow2.f32 v2;
	_ =	sdelay $0x7  }
.Ltmp29:
0x378: {  	(pc) =	sbr.rel @p0 .LBB2_60-.Ltmp29, $3  }
0x379: {  	v2 =	vpop (erf)  }
0x37a: {  	v2 =	vsub.f32 $1.000000000e+00, v2;
	_ =	sdelay $0x1  }
0x37b: {  	[tilespmem:s20+$0x1E080] =	vst v2;
	s20 =	sshra.s32 s21, $0x2;
	s21 =	sadd.s32 $0x40, s21  }
0x37c: {  	v2 =	vld [tilespmem:s20+$0x1E080];
	_ =	sdelay $0x4  }
0x37d: {  	v2 =	vmul.f32 $1.442695020e+00, v2;
	_ =	sdelay $0x1  }
0x37e: {  	(erf) = vpow2.f32 v2;
	_ =	sdelay $0x8  }
0x37f: {  	v2 =	vpop (erf)  }
0x380: {  	s21 =	sld [smem:$0x7E3];
	v2 =	vsub.f32 $1.000000000e+00, v2;
	_ =	sdelay $0x1  }
0x381: {  	s8 =	simm.s32 $0x0;
	[tilespmem:s20+$0x1E080] =	vst v2  }
0x382: {  	[hbm4b:s21+s8] =	stream.linear.scatter [tilespmem:s4], [sflag:$0x7], $0xC80, $0x38;
	[tilespmem:$0x1F980] =	vst v63  }
0x383: {  	_ =	swait.ge [sflag:s18], $0xC80  }
0x384: {  	[sflag:s18] =	ssyncset.done $0x0  }
0x385: {  	[sflag:s18] =	ssyncadd.s32 $0xFFFFF380  }
0x386: {  	_ =	swait.ge [sflag:s16], $0xC80  }
0x387: {  	s8 =	sld [smem:$0x7F6]  }
0x388: {  	[sflag:s16] =	ssyncset.done $0x0  }
0x389: {  	s20 =	simm.s32 $0x0;
	s21 =	simm.s32 $0x40;
	[sflag:s16] =	ssyncadd.s32 $0xFFFFF380  }
0x38a: {  	[tilespmem:s4], [sflag:$0x7] =	stream.linear.gather [spmem:s8], $0xC80, $0x38;
	[tilespmem:$0x1F980] =	vst v63  }
.LBB2_62:
0x38b: {  	p0 =	sne.s32 s21, $0x31C0;
	v2 =	vld [tilespmem:s20+$0x1ED00];
	_ =	sdelay $0x4  }
0x38c: {  	v2 =	vmul.f32 $1.442695020e+00, v2;
	_ =	sdelay $0x1  }
0x38d: {  	(erf) = vpow2.f32 v2;
	_ =	sdelay $0x7  }
.Ltmp30:
0x38e: {  	(pc) =	sbr.rel @p0 .LBB2_62-.Ltmp30, $3  }
0x38f: {  	v2 =	vpop (erf)  }
0x390: {  	v2 =	vsub.f32 $1.000000000e+00, v2;
	_ =	sdelay $0x1  }
0x391: {  	[tilespmem:s20+$0x1ED00] =	vst v2;
	s20 =	sshra.s32 s21, $0x2;
	s21 =	sadd.s32 $0x40, s21  }
0x392: {  	v2 =	vld [tilespmem:s20+$0x1ED00];
	_ =	sdelay $0x4  }
0x393: {  	v2 =	vmul.f32 $1.442695020e+00, v2;
	_ =	sdelay $0x1  }
0x394: {  	(erf) = vpow2.f32 v2;
	_ =	sdelay $0x8  }
0x395: {  	v2 =	vpop (erf)  }
0x396: {  	s21 =	sld [smem:$0x7E4];
	v2 =	vsub.f32 $1.000000000e+00, v2;
	_ =	sdelay $0x1  }
0x397: {  	s8 =	simm.s32 $0x0;
	[tilespmem:s20+$0x1ED00] =	vst v2  }
0x398: {  	[hbm4b:s21+s8] =	stream.linear.scatter [tilespmem:s17], [sflag:$0x8], $0xC80, $0x38;
	[tilespmem:$0x1F980] =	vst v63  }
0x399: {  	_ =	swait.ge [sflag:s16], $0xC80  }
0x39a: {  	[sflag:s16] =	ssyncset.done $0x0  }
0x39b: {  	[sflag:s16] =	ssyncadd.s32 $0xFFFFF380  }
0x39c: {  	_ =	swait.ge [sflag:s18], $0xC80  }
0x39d: {  	s8 =	sld [smem:$0x7F7]  }
0x39e: {  	[sflag:s18] =	ssyncset.done $0x0  }
0x39f: {  	s20 =	simm.s32 $0x0;
	s21 =	simm.s32 $0x40;
	[sflag:s18] =	ssyncadd.s32 $0xFFFFF380  }
0x3a0: {  	[tilespmem:s17], [sflag:$0x8] =	stream.linear.gather [spmem:s8], $0xC80, $0x38;
	[tilespmem:$0x1F980] =	vst v63  }
.LBB2_64:
0x3a1: {  	p0 =	sne.s32 s21, $0x31C0;
	v2 =	vld [tilespmem:s20+$0x1E080];
	_ =	sdelay $0x4  }
0x3a2: {  	v2 =	vmul.f32 $1.442695020e+00, v2;
	_ =	sdelay $0x1  }
0x3a3: {  	(erf) = vpow2.f32 v2;
	_ =	sdelay $0x7  }
.Ltmp31:
0x3a4: {  	(pc) =	sbr.rel @p0 .LBB2_64-.Ltmp31, $3  }
0x3a5: {  	v2 =	vpop (erf)  }
0x3a6: {  	v2 =	vsub.f32 $1.000000000e+00, v2;
	_ =	sdelay $0x1  }
0x3a7: {  	[tilespmem:s20+$0x1E080] =	vst v2;
	s20 =	sshra.s32 s21, $0x2;
	s21 =	sadd.s32 $0x40, s21  }
0x3a8: {  	v2 =	vld [tilespmem:s20+$0x1E080];
	_ =	sdelay $0x4  }
0x3a9: {  	v2 =	vmul.f32 $1.442695020e+00, v2;
	_ =	sdelay $0x1  }
0x3aa: {  	(erf) = vpow2.f32 v2;
	_ =	sdelay $0x8  }
0x3ab: {  	v2 =	vpop (erf)  }
0x3ac: {  	s21 =	sld [smem:$0x7E5];
	v2 =	vsub.f32 $1.000000000e+00, v2;
	_ =	sdelay $0x1  }
0x3ad: {  	s8 =	simm.s32 $0x0;
	[tilespmem:s20+$0x1E080] =	vst v2  }
0x3ae: {  	[hbm4b:s21+s8] =	stream.linear.scatter [tilespmem:s4], [sflag:$0x7], $0xC80, $0x38;
	[tilespmem:$0x1F980] =	vst v63  }
0x3af: {  	_ =	swait.ge [sflag:s18], $0xC80  }
0x3b0: {  	[sflag:s18] =	ssyncset.done $0x0  }
0x3b1: {  	[sflag:s18] =	ssyncadd.s32 $0xFFFFF380  }
0x3b2: {  	_ =	swait.ge [sflag:s16], $0xC80  }
0x3b3: {  	s8 =	sld [smem:$0x7F8]  }
0x3b4: {  	[sflag:s16] =	ssyncset.done $0x0  }
0x3b5: {  	s20 =	simm.s32 $0x0;
	s21 =	simm.s32 $0x40;
	[sflag:s16] =	ssyncadd.s32 $0xFFFFF380  }
0x3b6: {  	[tilespmem:s4], [sflag:$0x7] =	stream.linear.gather [spmem:s8], $0xC80, $0x38;
	[tilespmem:$0x1F980] =	vst v63  }
.LBB2_66:
0x3b7: {  	p0 =	sne.s32 s21, $0x31C0;
	v2 =	vld [tilespmem:s20+$0x1ED00];
	_ =	sdelay $0x4  }
0x3b8: {  	v2 =	vmul.f32 $1.442695020e+00, v2;
	_ =	sdelay $0x1  }
0x3b9: {  	(erf) = vpow2.f32 v2;
	_ =	sdelay $0x7  }
.Ltmp32:
0x3ba: {  	(pc) =	sbr.rel @p0 .LBB2_66-.Ltmp32, $3  }
0x3bb: {  	v2 =	vpop (erf)  }
0x3bc: {  	v2 =	vsub.f32 $1.000000000e+00, v2;
	_ =	sdelay $0x1  }
0x3bd: {  	[tilespmem:s20+$0x1ED00] =	vst v2;
	s20 =	sshra.s32 s21, $0x2;
	s21 =	sadd.s32 $0x40, s21  }
0x3be: {  	v2 =	vld [tilespmem:s20+$0x1ED00];
	_ =	sdelay $0x4  }
0x3bf: {  	v2 =	vmul.f32 $1.442695020e+00, v2;
	_ =	sdelay $0x1  }
0x3c0: {  	(erf) = vpow2.f32 v2;
	_ =	sdelay $0x8  }
0x3c1: {  	v2 =	vpop (erf)  }
0x3c2: {  	s21 =	sld [smem:$0x7E6];
	v2 =	vsub.f32 $1.000000000e+00, v2;
	_ =	sdelay $0x1  }
0x3c3: {  	s8 =	simm.s32 $0x0;
	[tilespmem:s20+$0x1ED00] =	vst v2  }
0x3c4: {  	[hbm4b:s21+s8] =	stream.linear.scatter [tilespmem:s17], [sflag:$0x8], $0xC80, $0x38;
	[tilespmem:$0x1F980] =	vst v63  }
0x3c5: {  	_ =	swait.ge [sflag:s16], $0xC80  }
0x3c6: {  	[sflag:s16] =	ssyncset.done $0x0  }
0x3c7: {  	[sflag:s16] =	ssyncadd.s32 $0xFFFFF380  }
0x3c8: {  	_ =	swait.ge [sflag:s18], $0xC80  }
0x3c9: {  	s8 =	sld [smem:$0x7F9]  }
0x3ca: {  	[sflag:s18] =	ssyncset.done $0x0  }
0x3cb: {  	s20 =	simm.s32 $0x0;
	s21 =	simm.s32 $0x40;
	[sflag:s18] =	ssyncadd.s32 $0xFFFFF380  }
0x3cc: {  	[tilespmem:s17], [sflag:$0x8] =	stream.linear.gather [spmem:s8], $0xC80, $0x38;
	[tilespmem:$0x1F980] =	vst v63  }
.LBB2_68:
0x3cd: {  	p0 =	sne.s32 s21, $0x31C0;
	v2 =	vld [tilespmem:s20+$0x1E080];
	_ =	sdelay $0x4  }
0x3ce: {  	v2 =	vmul.f32 $1.442695020e+00, v2;
	_ =	sdelay $0x1  }
0x3cf: {  	(erf) = vpow2.f32 v2;
	_ =	sdelay $0x7  }
.Ltmp33:
0x3d0: {  	(pc) =	sbr.rel @p0 .LBB2_68-.Ltmp33, $3  }
0x3d1: {  	v2 =	vpop (erf)  }
0x3d2: {  	v2 =	vsub.f32 $1.000000000e+00, v2;
	_ =	sdelay $0x1  }
0x3d3: {  	[tilespmem:s20+$0x1E080] =	vst v2;
	s20 =	sshra.s32 s21, $0x2;
	s21 =	sadd.s32 $0x40, s21  }
0x3d4: {  	v2 =	vld [tilespmem:s20+$0x1E080];
	_ =	sdelay $0x4  }
0x3d5: {  	v2 =	vmul.f32 $1.442695020e+00, v2;
	_ =	sdelay $0x1  }
0x3d6: {  	(erf) = vpow2.f32 v2;
	_ =	sdelay $0x8  }
0x3d7: {  	v2 =	vpop (erf)  }
0x3d8: {  	s21 =	sld [smem:$0x7E7];
	v2 =	vsub.f32 $1.000000000e+00, v2;
	_ =	sdelay $0x1  }
0x3d9: {  	s8 =	simm.s32 $0x0;
	[tilespmem:s20+$0x1E080] =	vst v2  }
0x3da: {  	[hbm4b:s21+s8] =	stream.linear.scatter [tilespmem:s4], [sflag:$0x7], $0xC80, $0x38;
	[tilespmem:$0x1F980] =	vst v63  }
0x3db: {  	_ =	swait.ge [sflag:s18], $0xC80  }
0x3dc: {  	[sflag:s18] =	ssyncset.done $0x0  }
0x3dd: {  	[sflag:s18] =	ssyncadd.s32 $0xFFFFF380  }
0x3de: {  	_ =	swait.ge [sflag:s16], $0xC80  }
0x3df: {  	s8 =	sld [smem:$0x7FA]  }
0x3e0: {  	[sflag:s16] =	ssyncset.done $0x0  }
0x3e1: {  	s20 =	simm.s32 $0x0;
	s21 =	simm.s32 $0x40;
	[sflag:s16] =	ssyncadd.s32 $0xFFFFF380  }
0x3e2: {  	[tilespmem:s4], [sflag:$0x7] =	stream.linear.gather [spmem:s8], $0xC80, $0x38;
	[tilespmem:$0x1F980] =	vst v63  }
.LBB2_70:
0x3e3: {  	p0 =	sne.s32 s21, $0x31C0;
	v2 =	vld [tilespmem:s20+$0x1ED00];
	_ =	sdelay $0x4  }
0x3e4: {  	v2 =	vmul.f32 $1.442695020e+00, v2;
	_ =	sdelay $0x1  }
0x3e5: {  	(erf) = vpow2.f32 v2;
	_ =	sdelay $0x7  }
.Ltmp34:
0x3e6: {  	(pc) =	sbr.rel @p0 .LBB2_70-.Ltmp34, $3  }
0x3e7: {  	v2 =	vpop (erf)  }
0x3e8: {  	v2 =	vsub.f32 $1.000000000e+00, v2;
	_ =	sdelay $0x1  }
0x3e9: {  	[tilespmem:s20+$0x1ED00] =	vst v2;
	s20 =	sshra.s32 s21, $0x2;
	s21 =	sadd.s32 $0x40, s21  }
0x3ea: {  	v2 =	vld [tilespmem:s20+$0x1ED00];
	_ =	sdelay $0x4  }
0x3eb: {  	v2 =	vmul.f32 $1.442695020e+00, v2;
	_ =	sdelay $0x1  }
0x3ec: {  	(erf) = vpow2.f32 v2;
	_ =	sdelay $0x8  }
0x3ed: {  	v2 =	vpop (erf)  }
0x3ee: {  	s21 =	sld [smem:$0x7E8];
	v2 =	vsub.f32 $1.000000000e+00, v2;
	_ =	sdelay $0x1  }
0x3ef: {  	s8 =	simm.s32 $0x0;
	[tilespmem:s20+$0x1ED00] =	vst v2  }
0x3f0: {  	[hbm4b:s21+s8] =	stream.linear.scatter [tilespmem:s17], [sflag:$0x8], $0xC80, $0x38;
	[tilespmem:$0x1F980] =	vst v63  }
0x3f1: {  	_ =	swait.ge [sflag:s16], $0xC80  }
0x3f2: {  	[sflag:s16] =	ssyncset.done $0x0  }
0x3f3: {  	[sflag:s16] =	ssyncadd.s32 $0xFFFFF380  }
0x3f4: {  	_ =	swait.ge [sflag:s18], $0xC80  }
0x3f5: {  	s8 =	sld [smem:$0x7FB]  }
0x3f6: {  	[sflag:s18] =	ssyncset.done $0x0  }
0x3f7: {  	s20 =	simm.s32 $0x0;
	s21 =	simm.s32 $0x40;
	[sflag:s18] =	ssyncadd.s32 $0xFFFFF380  }
0x3f8: {  	[tilespmem:s17], [sflag:$0x8] =	stream.linear.gather [spmem:s8], $0xC80, $0x38;
	[tilespmem:$0x1F980] =	vst v63  }
.LBB2_72:
0x3f9: {  	p0 =	sne.s32 s21, $0x31C0;
	v2 =	vld [tilespmem:s20+$0x1E080];
	_ =	sdelay $0x4  }
0x3fa: {  	v2 =	vmul.f32 $1.442695020e+00, v2;
	_ =	sdelay $0x1  }
0x3fb: {  	(erf) = vpow2.f32 v2;
	_ =	sdelay $0x7  }
.Ltmp35:
0x3fc: {  	(pc) =	sbr.rel @p0 .LBB2_72-.Ltmp35, $3  }
0x3fd: {  	v2 =	vpop (erf)  }
0x3fe: {  	v2 =	vsub.f32 $1.000000000e+00, v2;
	_ =	sdelay $0x1  }
0x3ff: {  	[tilespmem:s20+$0x1E080] =	vst v2;
	s20 =	sshra.s32 s21, $0x2;
	s21 =	sadd.s32 $0x40, s21  }
0x400: {  	v2 =	vld [tilespmem:s20+$0x1E080];
	_ =	sdelay $0x4  }
0x401: {  	v2 =	vmul.f32 $1.442695020e+00, v2;
	_ =	sdelay $0x1  }
0x402: {  	(erf) = vpow2.f32 v2;
	_ =	sdelay $0x8  }
0x403: {  	v2 =	vpop (erf)  }
0x404: {  	s21 =	sld [smem:$0x7E9];
	v2 =	vsub.f32 $1.000000000e+00, v2;
	_ =	sdelay $0x1  }
0x405: {  	s8 =	simm.s32 $0x0;
	[tilespmem:s20+$0x1E080] =	vst v2  }
0x406: {  	[hbm4b:s21+s8] =	stream.linear.scatter [tilespmem:s4], [sflag:$0x7], $0xC80, $0x38;
	[tilespmem:$0x1F980] =	vst v63  }
0x407: {  	_ =	swait.ge [sflag:s18], $0xC80  }
0x408: {  	[sflag:s18] =	ssyncset.done $0x0  }
0x409: {  	[sflag:s18] =	ssyncadd.s32 $0xFFFFF380  }
0x40a: {  	_ =	swait.ge [sflag:s16], $0xC80  }
0x40b: {  	s8 =	sld [smem:$0x7FD]  }
0x40c: {  	[sflag:s16] =	ssyncset.done $0x0  }
0x40d: {  	s20 =	simm.s32 $0x0;
	s21 =	simm.s32 $0x40;
	[sflag:s16] =	ssyncadd.s32 $0xFFFFF380  }
0x40e: {  	[tilespmem:s4], [sflag:$0x7] =	stream.linear.gather [spmem:s8], $0xC80, $0x38;
	[tilespmem:$0x1F980] =	vst v63  }
.LBB2_74:
0x40f: {  	p0 =	sne.s32 s21, $0x31C0;
	v2 =	vld [tilespmem:s20+$0x1ED00];
	_ =	sdelay $0x4  }
0x410: {  	v2 =	vmul.f32 $1.442695020e+00, v2;
	_ =	sdelay $0x1  }
0x411: {  	(erf) = vpow2.f32 v2;
	_ =	sdelay $0x7  }
.Ltmp36:
0x412: {  	(pc) =	sbr.rel @p0 .LBB2_74-.Ltmp36, $3  }
0x413: {  	v2 =	vpop (erf)  }
0x414: {  	v2 =	vsub.f32 $1.000000000e+00, v2;
	_ =	sdelay $0x1  }
0x415: {  	[tilespmem:s20+$0x1ED00] =	vst v2;
	s20 =	sshra.s32 s21, $0x2;
	s21 =	sadd.s32 $0x40, s21  }
0x416: {  	v2 =	vld [tilespmem:s20+$0x1ED00];
	_ =	sdelay $0x4  }
0x417: {  	v2 =	vmul.f32 $1.442695020e+00, v2;
	_ =	sdelay $0x1  }
0x418: {  	(erf) = vpow2.f32 v2;
	_ =	sdelay $0x8  }
0x419: {  	v2 =	vpop (erf)  }
0x41a: {  	s21 =	sld [smem:$0x7EA];
	v2 =	vsub.f32 $1.000000000e+00, v2;
	_ =	sdelay $0x1  }
0x41b: {  	s8 =	simm.s32 $0x0;
	[tilespmem:s20+$0x1ED00] =	vst v2  }
0x41c: {  	[hbm4b:s21+s8] =	stream.linear.scatter [tilespmem:s17], [sflag:$0x8], $0xC80, $0x38;
	[tilespmem:$0x1F980] =	vst v63  }
0x41d: {  	_ =	swait.ge [sflag:s16], $0xC80  }
0x41e: {  	[sflag:s16] =	ssyncset.done $0x0  }
0x41f: {  	s20 =	simm.s32 $0x0;
	s21 =	simm.s32 $0x40;
	[sflag:s16] =	ssyncadd.s32 $0xFFFFF380  }
.LBB2_76:
0x420: {  	p0 =	sne.s32 s21, $0x31C0;
	v2 =	vld [tilespmem:s20+$0x1E080];
	_ =	sdelay $0x4  }
0x421: {  	v2 =	vmul.f32 $1.442695020e+00, v2;
	_ =	sdelay $0x1  }
0x422: {  	(erf) = vpow2.f32 v2;
	_ =	sdelay $0x7  }
.Ltmp37:
0x423: {  	(pc) =	sbr.rel @p0 .LBB2_76-.Ltmp37, $3  }
0x424: {  	v2 =	vpop (erf)  }
0x425: {  	v2 =	vsub.f32 $1.000000000e+00, v2;
	_ =	sdelay $0x1  }
0x426: {  	[tilespmem:s20+$0x1E080] =	vst v2;
	s20 =	sshra.s32 s21, $0x2;
	s21 =	sadd.s32 $0x40, s21  }
0x427: {  	v2 =	vld [tilespmem:s20+$0x1E080];
	_ =	sdelay $0x4  }
0x428: {  	v2 =	vmul.f32 $1.442695020e+00, v2;
	_ =	sdelay $0x1  }
0x429: {  	(erf) = vpow2.f32 v2;
	_ =	sdelay $0x8  }
0x42a: {  	v2 =	vpop (erf)  }
0x42b: {  	s21 =	sld [smem:$0x7EB];
	v2 =	vsub.f32 $1.000000000e+00, v2;
	_ =	sdelay $0x1  }
0x42c: {  	s8 =	simm.s32 $0x0;
	[tilespmem:s20+$0x1E080] =	vst v2  }
0x42d: {  	[hbm4b:s21+s8] =	stream.linear.scatter [tilespmem:s4], [sflag:$0x7], $0xC80, $0x38;
	[tilespmem:$0x1F980] =	vst v63  }
0x42e: {  	_ =	swait.ge [sflag:s18], $0xC80  }
0x42f: {  	[sflag:s18] =	ssyncset.done $0x0  }
0x430: {  	[sflag:s18] =	ssyncadd.s32 $0xFFFFF380  }
0x431: {  	_ =	swait.ge [sflag:s16], $0xC80  }
0x432: {  	s21 =	sld [smem:$0x7EC];
	_ =	sdelay $0x1  }
0x433: {  	s19 =	sadd.s32 $0x1, s19  }
0x434: {  	p0 =	sne.s32 s19, s21  }
.Ltmp38:
0x435: {  	_ = 	snop;
	(pc) =	sbr.rel @p0 .LBB2_1-.Ltmp38, $3  }
0x436: {  	_ =	sdelay $0x1  }
0x437: {  	[sflag:s16] =	ssyncset.done $0x0  }
0x438: {  	[sflag:s16] =	ssyncadd.s32 $0xFFFFF380  }
0x439: {  	_ =	sfence.sel $0x180000  }
0x43a: {  	[bflag:$0x0] =	sbarrier.arrive $0xFFFF  }
0x43b: {  	_ =	strace $0x90000047  }
0x43c: {  	s0 =	stileid.u32;
	[bflag:$0x2] =	sbarrier.arrive $0xFFFF  }
0x43d: {  	p0 =	sne.s32 s0, $0x0;
	s0 =	rddreg [dreg:$0x3]  }
0x43e: {  	s0 =	sadd.s32 @!p0 $0x100000, s0  }
0x43f: {  	[sflag:s0] =	ssyncadd.tile.s32 @!p0 $0x1;
	_ =	shalt  }
.Lfunc_end2:
_tile_overlayer_lowered:
.L_overlay_start_2:
0x440: {  	(tag) =	ssettag $0x2  }
0x441: {  	s0 =	rddreg [dreg:$0x0];
	s2 =	stileid.u32  }
0x442: {  	s1 =	rddreg [dreg:$0x1];
	p0 =	sne.s32 s2, $0x0  }
0x443: {  	s3 =	rddreg [dreg:$0x2];
	[bflag:$0x3] =	sbarrier.arrive $0xFFFF;
	s2 =	simm.s32 @!p0 $0x1C0A  }
0x444: {  	[timem:s3], [sflag:s2] =	dma.local @!p0 [hbm:s0], s1  }
0x445: {  	s0 =	simm.s32 @!p0 $0xA  }
0x446: {  	_ =	swait.ge @!p0 [sflag:s0], s1  }
0x447: {  	s1 =	ssub.s32 @!p0 $0x0, s1;
	[sflag:s0] =	ssyncset.done @!p0 $0x0  }
0x448: {  	[sflag:s0] =	ssyncadd.s32 @!p0 s1  }
0x449: {  	[bflag:$0x3] =	sbarrier.arrive $0xFFFF  }
0x44a: {  	_ =	shalt  }

</sc_bundles>
